<compile_context>
chip_gen: v7x
topology: tpu7x:2x2x1
jax: 0.10.2.dev20260603
libtpu: 0.0.44.dev20260713+nightly
codegen_flags: <defaults>
</compile_context>

<pallas_src>
import functools
import math

import jax
import jax.numpy as jnp
from jax import lax
from jax.experimental import pallas as pl
from jax.experimental.pallas import tpu as pltpu
from jax.experimental.pallas import tpu_sc as plsc

_NC = 2
_NS = 16
_C = 128
_G = 64
_BN = 2000
_PAD_ROWS = 16


def _sc_aggregate(h, src2d, dst2d):
    N, D = h.shape
    nchunks = src2d.shape[0]
    NW = _NC * _NS
    cw = nchunks // NW
    rows_per_tile = (N // _NS) // 8 * 8
    rem_rows = N - rows_per_tile * _NS
    n_acc = N + _PAD_ROWS
    mesh = plsc.VectorSubcoreMesh(core_axis_name="c", subcore_axis_name="s",
                                  num_cores=_NC, num_subcores=_NS)

    @functools.partial(
        pl.kernel,
        out_type=jax.ShapeDtypeStruct((_NC, N, D), jnp.float32),
        mesh=mesh,
        scratch_types=[
            [pltpu.VMEM((_C,), jnp.int32) for _ in range(3)],
            [pltpu.VMEM((_C,), jnp.int32) for _ in range(3)],
            [pltpu.VMEM((_C,), jnp.int32) for _ in range(3)],
            [pltpu.VMEM((_C, D), jnp.float32) for _ in range(3)],
            pltpu.VMEM_SHARED((n_acc, D), jnp.float32),
            [pltpu.SemaphoreType.DMA for _ in range(3)],
            [pltpu.SemaphoreType.DMA for _ in range(3)],
            [pltpu.SemaphoreType.DMA for _ in range(3)],
        ],
    )
    def agg_kernel(h_hbm, src_hbm, dst_hbm, out_hbm, src_b, dst_b, dstv,
                   rows, agg_sh, isems, gsems, ssems):
        cid = lax.axis_index("c")
        sid = lax.axis_index("s")
        w = sid * _NC + cid
        c0 = w * cw

        for b in range(2):
            pltpu.sync_copy(src_hbm.at[c0 + b], src_b[b])
            pltpu.sync_copy(dst_hbm.at[c0 + b], dst_b[b])
            pltpu.async_copy(h_hbm.at[src_b[b]], rows[b], gsems[b])
        pltpu.async_copy(src_hbm.at[c0 + 2], src_b[2], isems[2])
        pltpu.async_copy(dst_hbm.at[c0 + 2], dst_b[2], isems[2])

        def zero_row(r, carry):
            for j in range(D // 16):
                rows[2][r, pl.ds(j * 16, 16)] = jnp.zeros((16,), jnp.float32)
            return carry
        lax.fori_loop(0, _C, zero_row, 0)
        base = sid * rows_per_tile
        nfull = rows_per_tile // _C
        for i in range(nfull):
            pltpu.sync_copy(rows[2], agg_sh.at[pl.ds(base + i * _C, _C)])
        rem = rows_per_tile - nfull * _C
        if rem:
            pltpu.sync_copy(rows[2].at[pl.ds(0, rem)],
                            agg_sh.at[pl.ds(base + nfull * _C, rem)])
        tail = rem_rows + _PAD_ROWS

        @pl.when(sid == _NS - 1)
        def _zero_tail():
            pltpu.sync_copy(rows[2].at[pl.ds(0, tail)],
                            agg_sh.at[pl.ds(rows_per_tile * _NS, tail)])
        plsc.subcore_barrier()

        def _when(cond, fn):
            if isinstance(cond, bool):
                if cond:
                    fn()
            else:
                pl.when(cond)(fn)

        def step(g, s):
            s2 = (s + 2) % 3

            def _advance():
                pltpu.make_async_copy(src_hbm.at[c0 + g + 2], src_b[s2],
                                      isems[s2]).wait()
                pltpu.make_async_copy(dst_hbm.at[c0 + g + 2], dst_b[s2],
                                      isems[s2]).wait()

                def _drain_scatter():
                    pltpu.make_async_copy(rows[s2], agg_sh.at[dstv[s2]],
                                          ssems[s2]).wait()
                _when(g >= 1, _drain_scatter)

                pltpu.async_copy(h_hbm.at[src_b[s2]], rows[s2], gsems[s2])
            _when(g + 2 < cw, _advance)

            pltpu.make_async_copy(h_hbm.at[src_b[s]], rows[s],
                                  gsems[s]).wait()
            for j in range(_C // 16):
                dstv[s][pl.ds(j * 16, 16)] = dst_b[s][pl.ds(j * 16, 16)]

            def _prefetch_idx():
                pltpu.async_copy(src_hbm.at[c0 + g + 3], src_b[s], isems[s])
                pltpu.async_copy(dst_hbm.at[c0 + g + 3], dst_b[s], isems[s])
            _when(g + 3 < cw, _prefetch_idx)

            pltpu.async_copy(rows[s], agg_sh.at[dstv[s]], ssems[s], add=True)

        def outer(go, carry):
            step(go * 3, 0)
            step(go * 3 + 1, 1)
            step(go * 3 + 2, 2)
            return carry
        lax.fori_loop(0, cw // 3, outer, 0)
        for k in range(cw - (cw // 3) * 3):
            step((cw // 3) * 3 + k, ((cw // 3) * 3 + k) % 3)
        for s in ((cw - 3) % 3, (cw - 2) % 3, (cw - 1) % 3):
            pltpu.make_async_copy(rows[s], agg_sh.at[dstv[s]],
                                  ssems[s]).wait()
        plsc.subcore_barrier()

        pltpu.sync_copy(agg_sh.at[pl.ds(base, rows_per_tile)],
                        out_hbm.at[cid, pl.ds(base, rows_per_tile)])
        if rem_rows:
            @pl.when(sid == _NS - 1)
            def _write_tail():
                pltpu.sync_copy(
                    agg_sh.at[pl.ds(rows_per_tile * _NS, rem_rows)],
                    out_hbm.at[cid, pl.ds(rows_per_tile * _NS, rem_rows)])

    return agg_kernel(h, src2d, dst2d)


def _pad_edges(edge_index, N):
    E = edge_index.shape[1]
    step = _C * _NC * _NS
    e_pad = -E % step
    src = edge_index[0]
    dst = edge_index[1]
    if e_pad:
        pad_ar = jnp.arange(e_pad, dtype=jnp.int32)
        src = jnp.concatenate([src, pad_ar % N])
        dst = jnp.concatenate([dst, N + (pad_ar % _PAD_ROWS)])
    nchunks = (E + e_pad) // _C
    return src.reshape(nchunks, _C), dst.reshape(nchunks, _C)


def _mlp_layer(h, p0, p1, w1, b1, w2, b2, g, bt):
    N, D = h.shape
    inv = 1.0 / math.sqrt(1.0 + 1e-5)

    def body(h_ref, p0_ref, p1_ref, w1_ref, b1_ref, w2_ref, b2_ref, g_ref,
             bt_ref, o_ref):
        hb = h_ref[...]
        z = hb + p0_ref[...] + p1_ref[...]
        z1 = jnp.dot(z, w1_ref[...], preferred_element_type=jnp.float32)
        z1 = jnp.maximum(z1 + b1_ref[...], 0.0)
        z2 = jnp.dot(z1, w2_ref[...], preferred_element_type=jnp.float32)
        z2 = z2 + b2_ref[...]
        z3 = g_ref[...] * (z2 * inv) + bt_ref[...]
        o_ref[...] = jnp.maximum(z3, 0.0) + hb

    full = pl.BlockSpec((1, D), lambda i: (0, 0))
    return pl.pallas_call(
        body,
        grid=(N // _BN,),
        in_specs=[
            pl.BlockSpec((_BN, D), lambda i: (i, 0)),
            pl.BlockSpec((_BN, D), lambda i: (i, 0)),
            pl.BlockSpec((_BN, D), lambda i: (i, 0)),
            pl.BlockSpec((D, D), lambda i: (0, 0)),
            full,
            pl.BlockSpec((D, D), lambda i: (0, 0)),
            full, full, full,
        ],
        out_specs=pl.BlockSpec((_BN, D), lambda i: (i, 0)),
        out_shape=jax.ShapeDtypeStruct((N, D), jnp.float32),
    )(h, p0, p1, w1, b1, w2, b2, g, bt)


def _mlp_pool_layer(h, p0, p1, w1, b1, w2, b2, g, bt, bv2d):
    N, D = h.shape
    inv = 1.0 / math.sqrt(1.0 + 1e-5)

    def body(h_ref, p0_ref, p1_ref, w1_ref, b1_ref, w2_ref, b2_ref, g_ref,
             bt_ref, bv_ref, o_ref, emb_ref, sums, cnts):
        i = pl.program_id(0)

        @pl.when(i == 0)
        def _init():
            sums[...] = jnp.zeros_like(sums)
            cnts[...] = jnp.zeros_like(cnts)

        hb = h_ref[...]
        z = hb + p0_ref[...] + p1_ref[...]
        z1 = jnp.dot(z, w1_ref[...], preferred_element_type=jnp.float32)
        z1 = jnp.maximum(z1 + b1_ref[...], 0.0)
        z2 = jnp.dot(z1, w2_ref[...], preferred_element_type=jnp.float32)
        z2 = z2 + b2_ref[...]
        z3 = g_ref[...] * (z2 * inv) + bt_ref[...]
        ho = jnp.maximum(z3, 0.0) + hb
        o_ref[...] = ho

        oh = (bv_ref[...] == lax.broadcasted_iota(jnp.int32, (1, _G), 1))
        oh = oh.astype(jnp.float32)
        dn = (((0,), (0,)), ((), ()))
        sums[...] += lax.dot_general(oh, ho, dn,
                                     preferred_element_type=jnp.float32)
        cnts[...] += lax.dot_general(oh, jnp.ones((_BN, D), jnp.float32), dn,
                                     preferred_element_type=jnp.float32)

        @pl.when(i == pl.num_programs(0) - 1)
        def _fin():
            emb_ref[...] = sums[...] / jnp.maximum(cnts[...], 1.0)

    full = pl.BlockSpec((1, D), lambda i: (0, 0))
    return pl.pallas_call(
        body,
        grid=(N // _BN,),
        in_specs=[
            pl.BlockSpec((_BN, D), lambda i: (i, 0)),
            pl.BlockSpec((_BN, D), lambda i: (i, 0)),
            pl.BlockSpec((_BN, D), lambda i: (i, 0)),
            pl.BlockSpec((D, D), lambda i: (0, 0)),
            full,
            pl.BlockSpec((D, D), lambda i: (0, 0)),
            full, full, full,
            pl.BlockSpec((_BN, 1), lambda i: (i, 0)),
        ],
        out_specs=[
            pl.BlockSpec((_BN, D), lambda i: (i, 0)),
            pl.BlockSpec((_G, D), lambda i: (0, 0)),
        ],
        out_shape=[
            jax.ShapeDtypeStruct((N, D), jnp.float32),
            jax.ShapeDtypeStruct((_G, D), jnp.float32),
        ],
        scratch_shapes=[
            pltpu.VMEM((_G, D), jnp.float32),
            pltpu.VMEM((_G, D), jnp.float32),
        ],
    )(h, p0, p1, w1, b1, w2, b2, g, bt, bv2d)


def kernel(x, W1, b1, W2, b2, gamma, beta, edge_index, batch_vec):
    N, D = x.shape
    L = W1.shape[0]
    E = edge_index.shape[1]
    src2d, dst2d = _pad_edges(edge_index, N)
    bv2d = batch_vec.reshape(N, 1)
    h = x
    for l in range(L - 1):
        parts = _sc_aggregate(h, src2d, dst2d)
        h = _mlp_layer(h, parts[0], parts[1], W1[l],
                       b1[l].reshape(1, D), W2[l], b2[l].reshape(1, D),
                       gamma[l].reshape(1, D), beta[l].reshape(1, D))
    l = L - 1
    parts = _sc_aggregate(h, src2d, dst2d)
    h, graph_emb = _mlp_pool_layer(
        h, parts[0], parts[1], W1[l], b1[l].reshape(1, D), W2[l],
        b2[l].reshape(1, D), gamma[l].reshape(1, D), beta[l].reshape(1, D),
        bv2d)
    return (h, graph_emb)

# --- scband reference (transcript-rebuilt; emitter-appended) ---
"""Pipeline reference for scband-gnn-81724637708501 (READ-ONLY COPY).

The authoritative reference and input builder live on the scoring server;
editing this copy changes nothing except your own understanding.
"""

import jax, jax.numpy as jnp
import numpy as np

N, E, D, L, G = 10000, 320000, 128, 4, 64

def setup_inputs(seed: int = 0) -> dict:
    key = jax.random.key(seed)
    ks = jax.random.split(key, 10)
    x = jax.random.normal(ks[0], (N, D), dtype=jnp.float32)
    edge_index = jax.random.randint(ks[1], (2, E), 0, N, dtype=jnp.int32)
    batch_vec = jnp.sort(jax.random.randint(ks[2], (N,), 0, G, dtype=jnp.int32))
    s = 1.0 / np.sqrt(D)
    W1 = jax.random.normal(ks[3], (L, D, D), dtype=jnp.float32) * s
    b1 = jnp.zeros((L, D), dtype=jnp.float32)
    W2 = jax.random.normal(ks[4], (L, D, D), dtype=jnp.float32) * s
    b2 = jnp.zeros((L, D), dtype=jnp.float32)
    gamma = jnp.ones((L, D), dtype=jnp.float32)
    beta = jnp.zeros((L, D), dtype=jnp.float32)
    return {"x": x, "W1": W1, "b1": b1, "W2": W2, "b2": b2, "gamma": gamma, "beta": beta, "edge_index": edge_index, "batch_vec": batch_vec}

def reference(x, W1, b1, W2, b2, gamma, beta, edge_index, batch_vec):
    # GIN: h' = MLP((1+eps)*h + sum_{j in N(i)} h_j), eps=0 (train_eps=False)
    # BatchNorm in eval mode with fresh running stats (mean=0, var=1)
    # Dropout is a no-op in eval mode.
    src = edge_index[0]
    dst = edge_index[1]
    bn_denom = jnp.sqrt(1.0 + 1e-5)
    h = x
    for l in range(L):
        h_in = h
        msgs = jnp.take(h, src, axis=0)              # gather (SparseCore)
        agg = jax.ops.segment_sum(msgs, dst, num_segments=N)  # scatter-add
        z = h + agg                                  # (1+eps)*x + aggr, eps=0
        z = jnp.maximum(z @ W1[l] + b1[l], 0.0)
        z = z @ W2[l] + b2[l]
        z = gamma[l] * (z / bn_denom) + beta[l]      # eval-mode BN
        h = jnp.maximum(z, 0.0)                      # ReLU (dropout no-op)
        if h_in.shape == h.shape:
            h = h + h_in
    node_encs = h
    counts = jax.ops.segment_sum(jnp.ones((N,), dtype=jnp.float32), batch_vec, num_segments=G)
    sums = jax.ops.segment_sum(node_encs, batch_vec, num_segments=G)
    graph_emb = sums / jnp.maximum(counts, 1.0)[:, None]
    return (node_encs, graph_emb)

if __name__ == "__main__":
    import jax
    _d = setup_inputs()
    print(jax.jit(kernel)(*tuple(_d.values())))

</pallas_src>

<mosaic_0001>
#map = affine_map<(d0, d1) -> (0, 0)>
#map1 = affine_map<(d0, d1) -> (0, 0, 0)>
module attributes {stable_mosaic.version = 14 : i64} {
  func.func @agg_kernel(%arg0: i32, %arg1: i32, %arg2: memref<10000x128xf32, #tpu.memory_space<hbm>>, %arg3: memref<2528x128xi32, #tpu.memory_space<hbm>>, %arg4: memref<2528x128xi32, #tpu.memory_space<hbm>>, %arg5: memref<2x10000x128xf32, #tpu.memory_space<hbm>>, %arg6: memref<128xi32, #tpu.memory_space<vmem>>, %arg7: memref<128xi32, #tpu.memory_space<vmem>>, %arg8: memref<128xi32, #tpu.memory_space<vmem>>, %arg9: memref<128xi32, #tpu.memory_space<vmem>>, %arg10: memref<128xi32, #tpu.memory_space<vmem>>, %arg11: memref<128xi32, #tpu.memory_space<vmem>>, %arg12: memref<128xi32, #tpu.memory_space<vmem>>, %arg13: memref<128xi32, #tpu.memory_space<vmem>>, %arg14: memref<128xi32, #tpu.memory_space<vmem>>, %arg15: memref<128x128xf32, #tpu.memory_space<vmem>>, %arg16: memref<128x128xf32, #tpu.memory_space<vmem>>, %arg17: memref<128x128xf32, #tpu.memory_space<vmem>>, %arg18: memref<10016x128xf32, #tpu.memory_space<vmem_shared>>, %arg19: memref<!tpu.dma_semaphore, #tpu.memory_space<semaphore_mem>>, %arg20: memref<!tpu.dma_semaphore, #tpu.memory_space<semaphore_mem>>, %arg21: memref<!tpu.dma_semaphore, #tpu.memory_space<semaphore_mem>>, %arg22: memref<!tpu.dma_semaphore, #tpu.memory_space<semaphore_mem>>, %arg23: memref<!tpu.dma_semaphore, #tpu.memory_space<semaphore_mem>>, %arg24: memref<!tpu.dma_semaphore, #tpu.memory_space<semaphore_mem>>, %arg25: memref<!tpu.dma_semaphore, #tpu.memory_space<semaphore_mem>>, %arg26: memref<!tpu.dma_semaphore, #tpu.memory_space<semaphore_mem>>, %arg27: memref<!tpu.dma_semaphore, #tpu.memory_space<semaphore_mem>>) attributes {dimension_semantics = [#tpu.dimension_semantics<core_parallel>, #tpu.dimension_semantics<subcore_parallel>], iteration_bounds = array<i64: 2, 16>, scalar_prefetch = 0 : i64, scratch_operands = 22 : i64, tpu.core_type = #tpu.core_type<sc_vector_subcore>, window_params = [{transform_indices = #map}, {transform_indices = #map}, {transform_indices = #map}, {transform_indices = #map1}]} {
    %mul3A = arith.constant 2 : i32
    %mul3A_0 = arith.muli %arg1, %mul3A : i32
    %add3A = arith.addi %mul3A_0, %arg0 : i32
    %mul3A_1 = arith.constant 79 : i32
    %mul3A_2 = arith.muli %add3A, %mul3A_1 : i32
    %add3A_3 = arith.constant 0 : i32
    %add3A_4 = arith.addi %mul3A_2, %add3A_3 : i32
    "tpu.region"() ({
      %run_scoped3A = tpu.sem_alloc : memref<!tpu.dma_semaphore, #tpu.memory_space<semaphore_mem>>
      %dma_start3A_131 = arith.constant 0 : i32
      %dma_start3A_132 = tpu.memref_slice %arg3[%add3A_4, %dma_start3A_131] : memref<2528x128xi32, #tpu.memory_space<hbm>> -> memref<1x128xi32, #tpu.memory_space<hbm>>
      %dma_start3A_133 = tpu.memref_squeeze %dma_start3A_132 : memref<1x128xi32, #tpu.memory_space<hbm>> -> memref<128xi32, #tpu.memory_space<hbm>>
      %dma_start3A_134 = arith.constant 0 : i32
      %dma_start3A_135 = tpu.memref_slice %arg3[%add3A_4, %dma_start3A_134] : memref<2528x128xi32, #tpu.memory_space<hbm>> -> memref<1x128xi32, #tpu.memory_space<hbm>>
      %dma_start3A_136 = tpu.memref_squeeze %dma_start3A_135 : memref<1x128xi32, #tpu.memory_space<hbm>> -> memref<128xi32, #tpu.memory_space<hbm>>
      tpu.enqueue_dma source(%dma_start3A_136 : memref<128xi32, #tpu.memory_space<hbm>>) target(%arg6 : memref<128xi32, #tpu.memory_space<vmem>>) target_semaphore(%run_scoped3A : memref<!tpu.dma_semaphore, #tpu.memory_space<semaphore_mem>>)
      %dma_wait3A_137 = arith.constant 0 : i32
      %dma_wait3A_138 = tpu.memref_slice %arg3[%add3A_4, %dma_wait3A_137] : memref<2528x128xi32, #tpu.memory_space<hbm>> -> memref<1x128xi32, #tpu.memory_space<hbm>>
      %dma_wait3A_139 = tpu.memref_squeeze %dma_wait3A_138 : memref<1x128xi32, #tpu.memory_space<hbm>> -> memref<128xi32, #tpu.memory_space<hbm>>
      %dma_wait3A_140 = arith.constant 0 : i32
      %dma_wait3A_141 = tpu.memref_slice %arg3[%add3A_4, %dma_wait3A_140] : memref<2528x128xi32, #tpu.memory_space<hbm>> -> memref<1x128xi32, #tpu.memory_space<hbm>>
      %dma_wait3A_142 = tpu.memref_squeeze %dma_wait3A_141 : memref<1x128xi32, #tpu.memory_space<hbm>> -> memref<128xi32, #tpu.memory_space<hbm>>
      tpu.wait_dma2 semaphore(%run_scoped3A : memref<!tpu.dma_semaphore, #tpu.memory_space<semaphore_mem>>) src(%dma_wait3A_142 : memref<128xi32, #tpu.memory_space<hbm>>) dst(%arg6 : memref<128xi32, #tpu.memory_space<vmem>>)
      tpu.yield
    }) : () -> ()
    %add3A_5 = arith.constant 0 : i32
    %add3A_6 = arith.addi %mul3A_2, %add3A_5 : i32
    "tpu.region"() ({
      %run_scoped3A = tpu.sem_alloc : memref<!tpu.dma_semaphore, #tpu.memory_space<semaphore_mem>>
      %dma_start3A_131 = arith.constant 0 : i32
      %dma_start3A_132 = tpu.memref_slice %arg4[%add3A_6, %dma_start3A_131] : memref<2528x128xi32, #tpu.memory_space<hbm>> -> memref<1x128xi32, #tpu.memory_space<hbm>>
      %dma_start3A_133 = tpu.memref_squeeze %dma_start3A_132 : memref<1x128xi32, #tpu.memory_space<hbm>> -> memref<128xi32, #tpu.memory_space<hbm>>
      %dma_start3A_134 = arith.constant 0 : i32
      %dma_start3A_135 = tpu.memref_slice %arg4[%add3A_6, %dma_start3A_134] : memref<2528x128xi32, #tpu.memory_space<hbm>> -> memref<1x128xi32, #tpu.memory_space<hbm>>
      %dma_start3A_136 = tpu.memref_squeeze %dma_start3A_135 : memref<1x128xi32, #tpu.memory_space<hbm>> -> memref<128xi32, #tpu.memory_space<hbm>>
      tpu.enqueue_dma source(%dma_start3A_136 : memref<128xi32, #tpu.memory_space<hbm>>) target(%arg9 : memref<128xi32, #tpu.memory_space<vmem>>) target_semaphore(%run_scoped3A : memref<!tpu.dma_semaphore, #tpu.memory_space<semaphore_mem>>)
      %dma_wait3A_137 = arith.constant 0 : i32
      %dma_wait3A_138 = tpu.memref_slice %arg4[%add3A_6, %dma_wait3A_137] : memref<2528x128xi32, #tpu.memory_space<hbm>> -> memref<1x128xi32, #tpu.memory_space<hbm>>
      %dma_wait3A_139 = tpu.memref_squeeze %dma_wait3A_138 : memref<1x128xi32, #tpu.memory_space<hbm>> -> memref<128xi32, #tpu.memory_space<hbm>>
      %dma_wait3A_140 = arith.constant 0 : i32
      %dma_wait3A_141 = tpu.memref_slice %arg4[%add3A_6, %dma_wait3A_140] : memref<2528x128xi32, #tpu.memory_space<hbm>> -> memref<1x128xi32, #tpu.memory_space<hbm>>
      %dma_wait3A_142 = tpu.memref_squeeze %dma_wait3A_141 : memref<1x128xi32, #tpu.memory_space<hbm>> -> memref<128xi32, #tpu.memory_space<hbm>>
      tpu.wait_dma2 semaphore(%run_scoped3A : memref<!tpu.dma_semaphore, #tpu.memory_space<semaphore_mem>>) src(%dma_wait3A_142 : memref<128xi32, #tpu.memory_space<hbm>>) dst(%arg9 : memref<128xi32, #tpu.memory_space<vmem>>)
      tpu.yield
    }) : () -> ()
    %dma_start3A = arith.constant 0 : i32
    %dma_start3A_7 = arith.constant 0 : i32
    %dma_start3A_8 = tpu.memref_slice %arg2[%dma_start3A, %dma_start3A_7] : memref<10000x128xf32, #tpu.memory_space<hbm>> -> memref<10000x128xf32, #tpu.memory_space<hbm>>
    tpu.enqueue_indirect_dma source(%dma_start3A_8 : memref<10000x128xf32, #tpu.memory_space<hbm>>) target(%arg15 : memref<128x128xf32, #tpu.memory_space<vmem>>) offsets(%arg6 : memref<128xi32, #tpu.memory_space<vmem>>) semaphore(%arg22 : memref<!tpu.dma_semaphore, #tpu.memory_space<semaphore_mem>>)
    %add3A_9 = arith.constant 1 : i32
    %add3A_10 = arith.addi %mul3A_2, %add3A_9 : i32
    "tpu.region"() ({
      %run_scoped3A = tpu.sem_alloc : memref<!tpu.dma_semaphore, #tpu.memory_space<semaphore_mem>>
      %dma_start3A_131 = arith.constant 0 : i32
      %dma_start3A_132 = tpu.memref_slice %arg3[%add3A_10, %dma_start3A_131] : memref<2528x128xi32, #tpu.memory_space<hbm>> -> memref<1x128xi32, #tpu.memory_space<hbm>>
      %dma_start3A_133 = tpu.memref_squeeze %dma_start3A_132 : memref<1x128xi32, #tpu.memory_space<hbm>> -> memref<128xi32, #tpu.memory_space<hbm>>
      %dma_start3A_134 = arith.constant 0 : i32
      %dma_start3A_135 = tpu.memref_slice %arg3[%add3A_10, %dma_start3A_134] : memref<2528x128xi32, #tpu.memory_space<hbm>> -> memref<1x128xi32, #tpu.memory_space<hbm>>
      %dma_start3A_136 = tpu.memref_squeeze %dma_start3A_135 : memref<1x128xi32, #tpu.memory_space<hbm>> -> memref<128xi32, #tpu.memory_space<hbm>>
      tpu.enqueue_dma source(%dma_start3A_136 : memref<128xi32, #tpu.memory_space<hbm>>) target(%arg7 : memref<128xi32, #tpu.memory_space<vmem>>) target_semaphore(%run_scoped3A : memref<!tpu.dma_semaphore, #tpu.memory_space<semaphore_mem>>)
      %dma_wait3A_137 = arith.constant 0 : i32
      %dma_wait3A_138 = tpu.memref_slice %arg3[%add3A_10, %dma_wait3A_137] : memref<2528x128xi32, #tpu.memory_space<hbm>> -> memref<1x128xi32, #tpu.memory_space<hbm>>
      %dma_wait3A_139 = tpu.memref_squeeze %dma_wait3A_138 : memref<1x128xi32, #tpu.memory_space<hbm>> -> memref<128xi32, #tpu.memory_space<hbm>>
      %dma_wait3A_140 = arith.constant 0 : i32
      %dma_wait3A_141 = tpu.memref_slice %arg3[%add3A_10, %dma_wait3A_140] : memref<2528x128xi32, #tpu.memory_space<hbm>> -> memref<1x128xi32, #tpu.memory_space<hbm>>
      %dma_wait3A_142 = tpu.memref_squeeze %dma_wait3A_141 : memref<1x128xi32, #tpu.memory_space<hbm>> -> memref<128xi32, #tpu.memory_space<hbm>>
      tpu.wait_dma2 semaphore(%run_scoped3A : memref<!tpu.dma_semaphore, #tpu.memory_space<semaphore_mem>>) src(%dma_wait3A_142 : memref<128xi32, #tpu.memory_space<hbm>>) dst(%arg7 : memref<128xi32, #tpu.memory_space<vmem>>)
      tpu.yield
    }) : () -> ()
    %add3A_11 = arith.constant 1 : i32
    %add3A_12 = arith.addi %mul3A_2, %add3A_11 : i32
    "tpu.region"() ({
      %run_scoped3A = tpu.sem_alloc : memref<!tpu.dma_semaphore, #tpu.memory_space<semaphore_mem>>
      %dma_start3A_131 = arith.constant 0 : i32
      %dma_start3A_132 = tpu.memref_slice %arg4[%add3A_12, %dma_start3A_131] : memref<2528x128xi32, #tpu.memory_space<hbm>> -> memref<1x128xi32, #tpu.memory_space<hbm>>
      %dma_start3A_133 = tpu.memref_squeeze %dma_start3A_132 : memref<1x128xi32, #tpu.memory_space<hbm>> -> memref<128xi32, #tpu.memory_space<hbm>>
      %dma_start3A_134 = arith.constant 0 : i32
      %dma_start3A_135 = tpu.memref_slice %arg4[%add3A_12, %dma_start3A_134] : memref<2528x128xi32, #tpu.memory_space<hbm>> -> memref<1x128xi32, #tpu.memory_space<hbm>>
      %dma_start3A_136 = tpu.memref_squeeze %dma_start3A_135 : memref<1x128xi32, #tpu.memory_space<hbm>> -> memref<128xi32, #tpu.memory_space<hbm>>
      tpu.enqueue_dma source(%dma_start3A_136 : memref<128xi32, #tpu.memory_space<hbm>>) target(%arg10 : memref<128xi32, #tpu.memory_space<vmem>>) target_semaphore(%run_scoped3A : memref<!tpu.dma_semaphore, #tpu.memory_space<semaphore_mem>>)
      %dma_wait3A_137 = arith.constant 0 : i32
      %dma_wait3A_138 = tpu.memref_slice %arg4[%add3A_12, %dma_wait3A_137] : memref<2528x128xi32, #tpu.memory_space<hbm>> -> memref<1x128xi32, #tpu.memory_space<hbm>>
      %dma_wait3A_139 = tpu.memref_squeeze %dma_wait3A_138 : memref<1x128xi32, #tpu.memory_space<hbm>> -> memref<128xi32, #tpu.memory_space<hbm>>
      %dma_wait3A_140 = arith.constant 0 : i32
      %dma_wait3A_141 = tpu.memref_slice %arg4[%add3A_12, %dma_wait3A_140] : memref<2528x128xi32, #tpu.memory_space<hbm>> -> memref<1x128xi32, #tpu.memory_space<hbm>>
      %dma_wait3A_142 = tpu.memref_squeeze %dma_wait3A_141 : memref<1x128xi32, #tpu.memory_space<hbm>> -> memref<128xi32, #tpu.memory_space<hbm>>
      tpu.wait_dma2 semaphore(%run_scoped3A : memref<!tpu.dma_semaphore, #tpu.memory_space<semaphore_mem>>) src(%dma_wait3A_142 : memref<128xi32, #tpu.memory_space<hbm>>) dst(%arg10 : memref<128xi32, #tpu.memory_space<vmem>>)
      tpu.yield
    }) : () -> ()
    %dma_start3A_13 = arith.constant 0 : i32
    %dma_start3A_14 = arith.constant 0 : i32
    %dma_start3A_15 = tpu.memref_slice %arg2[%dma_start3A_13, %dma_start3A_14] : memref<10000x128xf32, #tpu.memory_space<hbm>> -> memref<10000x128xf32, #tpu.memory_space<hbm>>
    tpu.enqueue_indirect_dma source(%dma_start3A_15 : memref<10000x128xf32, #tpu.memory_space<hbm>>) target(%arg16 : memref<128x128xf32, #tpu.memory_space<vmem>>) offsets(%arg7 : memref<128xi32, #tpu.memory_space<vmem>>) semaphore(%arg23 : memref<!tpu.dma_semaphore, #tpu.memory_space<semaphore_mem>>)
    %add3A_16 = arith.constant 2 : i32
    %add3A_17 = arith.addi %mul3A_2, %add3A_16 : i32
    %dma_start3A_18 = arith.constant 0 : i32
    %dma_start3A_19 = tpu.memref_slice %arg3[%add3A_17, %dma_start3A_18] : memref<2528x128xi32, #tpu.memory_space<hbm>> -> memref<1x128xi32, #tpu.memory_space<hbm>>
    %dma_start3A_20 = tpu.memref_squeeze %dma_start3A_19 : memref<1x128xi32, #tpu.memory_space<hbm>> -> memref<128xi32, #tpu.memory_space<hbm>>
    %dma_start3A_21 = arith.constant 0 : i32
    %dma_start3A_22 = tpu.memref_slice %arg3[%add3A_17, %dma_start3A_21] : memref<2528x128xi32, #tpu.memory_space<hbm>> -> memref<1x128xi32, #tpu.memory_space<hbm>>
    %dma_start3A_23 = tpu.memref_squeeze %dma_start3A_22 : memref<1x128xi32, #tpu.memory_space<hbm>> -> memref<128xi32, #tpu.memory_space<hbm>>
    tpu.enqueue_dma source(%dma_start3A_23 : memref<128xi32, #tpu.memory_space<hbm>>) target(%arg8 : memref<128xi32, #tpu.memory_space<vmem>>) target_semaphore(%arg21 : memref<!tpu.dma_semaphore, #tpu.memory_space<semaphore_mem>>)
    %add3A_24 = arith.constant 2 : i32
    %add3A_25 = arith.addi %mul3A_2, %add3A_24 : i32
    %dma_start3A_26 = arith.constant 0 : i32
    %dma_start3A_27 = tpu.memref_slice %arg4[%add3A_25, %dma_start3A_26] : memref<2528x128xi32, #tpu.memory_space<hbm>> -> memref<1x128xi32, #tpu.memory_space<hbm>>
    %dma_start3A_28 = tpu.memref_squeeze %dma_start3A_27 : memref<1x128xi32, #tpu.memory_space<hbm>> -> memref<128xi32, #tpu.memory_space<hbm>>
    %dma_start3A_29 = arith.constant 0 : i32
    %dma_start3A_30 = tpu.memref_slice %arg4[%add3A_25, %dma_start3A_29] : memref<2528x128xi32, #tpu.memory_space<hbm>> -> memref<1x128xi32, #tpu.memory_space<hbm>>
    %dma_start3A_31 = tpu.memref_squeeze %dma_start3A_30 : memref<1x128xi32, #tpu.memory_space<hbm>> -> memref<128xi32, #tpu.memory_space<hbm>>
    tpu.enqueue_dma source(%dma_start3A_31 : memref<128xi32, #tpu.memory_space<hbm>>) target(%arg11 : memref<128xi32, #tpu.memory_space<vmem>>) target_semaphore(%arg21 : memref<!tpu.dma_semaphore, #tpu.memory_space<semaphore_mem>>)
    %scan3A = arith.constant 0 : i32
    %scan3A_32 = arith.constant 0 : i32
    %scan3A_33 = arith.constant 128 : i32
    %scan3A_34 = arith.addi %scan3A_32, %scan3A_33 : i32
    %scan3A_35 = arith.constant 1 : i32
    scf.for %scan3A_131 = %scan3A_32 to %scan3A_34 step %scan3A_35  : i32 {
      %broadcast_in_dim3A = arith.constant 0.000000e+00 : f32
      %broadcast_in_dim3A_132 = vector.broadcast %broadcast_in_dim3A : f32 to vector<16xf32>
      %swap3A_133 = arith.index_cast %scan3A_131 : i32 to index
      %swap3A_134 = arith.constant 0 : index
      %swap3A_135 = tpu.vector_load %arg17[%swap3A_133, %swap3A_134] {strides = array<i32>} : memref<128x128xf32, #tpu.memory_space<vmem>>, vector<1x16xf32>,
      %swap3A_136 = vector.shape_cast %swap3A_135 : vector<1x16xf32> to vector<16xf32>
      %swap3A_137 = vector.shape_cast %broadcast_in_dim3A_132 : vector<16xf32> to vector<1x16xf32>
      tpu.vector_store %arg17[%swap3A_133, %swap3A_134], %swap3A_137 {strides = array<i32>} : memref<128x128xf32, #tpu.memory_space<vmem>>, vector<1x16xf32>,
      %broadcast_in_dim3A_138 = arith.constant 0.000000e+00 : f32
      %broadcast_in_dim3A_139 = vector.broadcast %broadcast_in_dim3A_138 : f32 to vector<16xf32>
      %swap3A_140 = arith.index_cast %scan3A_131 : i32 to index
      %swap3A_141 = arith.constant 16 : index
      %swap3A_142 = tpu.vector_load %arg17[%swap3A_140, %swap3A_141] {strides = array<i32>} : memref<128x128xf32, #tpu.memory_space<vmem>>, vector<1x16xf32>,
      %swap3A_143 = vector.shape_cast %swap3A_142 : vector<1x16xf32> to vector<16xf32>
      %swap3A_144 = vector.shape_cast %broadcast_in_dim3A_139 : vector<16xf32> to vector<1x16xf32>
      tpu.vector_store %arg17[%swap3A_140, %swap3A_141], %swap3A_144 {strides = array<i32>} : memref<128x128xf32, #tpu.memory_space<vmem>>, vector<1x16xf32>,
      %broadcast_in_dim3A_145 = arith.constant 0.000000e+00 : f32
      %broadcast_in_dim3A_146 = vector.broadcast %broadcast_in_dim3A_145 : f32 to vector<16xf32>
      %swap3A_147 = arith.index_cast %scan3A_131 : i32 to index
      %swap3A_148 = arith.constant 32 : index
      %swap3A_149 = tpu.vector_load %arg17[%swap3A_147, %swap3A_148] {strides = array<i32>} : memref<128x128xf32, #tpu.memory_space<vmem>>, vector<1x16xf32>,
      %swap3A_150 = vector.shape_cast %swap3A_149 : vector<1x16xf32> to vector<16xf32>
      %swap3A_151 = vector.shape_cast %broadcast_in_dim3A_146 : vector<16xf32> to vector<1x16xf32>
      tpu.vector_store %arg17[%swap3A_147, %swap3A_148], %swap3A_151 {strides = array<i32>} : memref<128x128xf32, #tpu.memory_space<vmem>>, vector<1x16xf32>,
      %broadcast_in_dim3A_152 = arith.constant 0.000000e+00 : f32
      %broadcast_in_dim3A_153 = vector.broadcast %broadcast_in_dim3A_152 : f32 to vector<16xf32>
      %swap3A_154 = arith.index_cast %scan3A_131 : i32 to index
      %swap3A_155 = arith.constant 48 : index
      %swap3A_156 = tpu.vector_load %arg17[%swap3A_154, %swap3A_155] {strides = array<i32>} : memref<128x128xf32, #tpu.memory_space<vmem>>, vector<1x16xf32>,
      %swap3A_157 = vector.shape_cast %swap3A_156 : vector<1x16xf32> to vector<16xf32>
      %swap3A_158 = vector.shape_cast %broadcast_in_dim3A_153 : vector<16xf32> to vector<1x16xf32>
      tpu.vector_store %arg17[%swap3A_154, %swap3A_155], %swap3A_158 {strides = array<i32>} : memref<128x128xf32, #tpu.memory_space<vmem>>, vector<1x16xf32>,
      %broadcast_in_dim3A_159 = arith.constant 0.000000e+00 : f32
      %broadcast_in_dim3A_160 = vector.broadcast %broadcast_in_dim3A_159 : f32 to vector<16xf32>
      %swap3A_161 = arith.index_cast %scan3A_131 : i32 to index
      %swap3A_162 = arith.constant 64 : index
      %swap3A_163 = tpu.vector_load %arg17[%swap3A_161, %swap3A_162] {strides = array<i32>} : memref<128x128xf32, #tpu.memory_space<vmem>>, vector<1x16xf32>,
      %swap3A_164 = vector.shape_cast %swap3A_163 : vector<1x16xf32> to vector<16xf32>
      %swap3A_165 = vector.shape_cast %broadcast_in_dim3A_160 : vector<16xf32> to vector<1x16xf32>
      tpu.vector_store %arg17[%swap3A_161, %swap3A_162], %swap3A_165 {strides = array<i32>} : memref<128x128xf32, #tpu.memory_space<vmem>>, vector<1x16xf32>,
      %broadcast_in_dim3A_166 = arith.constant 0.000000e+00 : f32
      %broadcast_in_dim3A_167 = vector.broadcast %broadcast_in_dim3A_166 : f32 to vector<16xf32>
      %swap3A_168 = arith.index_cast %scan3A_131 : i32 to index
      %swap3A_169 = arith.constant 80 : index
      %swap3A_170 = tpu.vector_load %arg17[%swap3A_168, %swap3A_169] {strides = array<i32>} : memref<128x128xf32, #tpu.memory_space<vmem>>, vector<1x16xf32>,
      %swap3A_171 = vector.shape_cast %swap3A_170 : vector<1x16xf32> to vector<16xf32>
      %swap3A_172 = vector.shape_cast %broadcast_in_dim3A_167 : vector<16xf32> to vector<1x16xf32>
      tpu.vector_store %arg17[%swap3A_168, %swap3A_169], %swap3A_172 {strides = array<i32>} : memref<128x128xf32, #tpu.memory_space<vmem>>, vector<1x16xf32>,
      %broadcast_in_dim3A_173 = arith.constant 0.000000e+00 : f32
      %broadcast_in_dim3A_174 = vector.broadcast %broadcast_in_dim3A_173 : f32 to vector<16xf32>
      %swap3A_175 = arith.index_cast %scan3A_131 : i32 to index
      %swap3A_176 = arith.constant 96 : index
      %swap3A_177 = tpu.vector_load %arg17[%swap3A_175, %swap3A_176] {strides = array<i32>} : memref<128x128xf32, #tpu.memory_space<vmem>>, vector<1x16xf32>,
      %swap3A_178 = vector.shape_cast %swap3A_177 : vector<1x16xf32> to vector<16xf32>
      %swap3A_179 = vector.shape_cast %broadcast_in_dim3A_174 : vector<16xf32> to vector<1x16xf32>
      tpu.vector_store %arg17[%swap3A_175, %swap3A_176], %swap3A_179 {strides = array<i32>} : memref<128x128xf32, #tpu.memory_space<vmem>>, vector<1x16xf32>,
      %broadcast_in_dim3A_180 = arith.constant 0.000000e+00 : f32
      %broadcast_in_dim3A_181 = vector.broadcast %broadcast_in_dim3A_180 : f32 to vector<16xf32>
      %swap3A_182 = arith.index_cast %scan3A_131 : i32 to index
      %swap3A_183 = arith.constant 112 : index
      %swap3A_184 = tpu.vector_load %arg17[%swap3A_182, %swap3A_183] {strides = array<i32>} : memref<128x128xf32, #tpu.memory_space<vmem>>, vector<1x16xf32>,
      %swap3A_185 = vector.shape_cast %swap3A_184 : vector<1x16xf32> to vector<16xf32>
      %swap3A_186 = vector.shape_cast %broadcast_in_dim3A_181 : vector<16xf32> to vector<1x16xf32>
      tpu.vector_store %arg17[%swap3A_182, %swap3A_183], %swap3A_186 {strides = array<i32>} : memref<128x128xf32, #tpu.memory_space<vmem>>, vector<1x16xf32>,
    }
    %scan3A_36 = arith.constant 128 : i32
    %mul3A_37 = arith.constant 624 : i32
    %mul3A_38 = arith.muli %arg1, %mul3A_37 : i32
    %add3A_39 = arith.constant 0 : i32
    %add3A_40 = arith.addi %mul3A_38, %add3A_39 : i32
    "tpu.region"() ({
      %run_scoped3A = tpu.sem_alloc : memref<!tpu.dma_semaphore, #tpu.memory_space<semaphore_mem>>
      %dma_start3A_131 = arith.constant 0 : i32
      %dma_start3A_132 = tpu.memref_slice %arg18[%add3A_40, %dma_start3A_131] : memref<10016x128xf32, #tpu.memory_space<vmem_shared>> -> memref<128x128xf32, #tpu.memory_space<vmem_shared>>
      %dma_start3A_133 = arith.constant 0 : i32
      %dma_start3A_134 = tpu.memref_slice %arg18[%add3A_40, %dma_start3A_133] : memref<10016x128xf32, #tpu.memory_space<vmem_shared>> -> memref<128x128xf32, #tpu.memory_space<vmem_shared>>
      tpu.enqueue_dma source(%arg17 : memref<128x128xf32, #tpu.memory_space<vmem>>) target(%dma_start3A_134 : memref<128x128xf32, #tpu.memory_space<vmem_shared>>) target_semaphore(%run_scoped3A : memref<!tpu.dma_semaphore, #tpu.memory_space<semaphore_mem>>)
      %dma_wait3A_135 = arith.constant 0 : i32
      %dma_wait3A_136 = tpu.memref_slice %arg18[%add3A_40, %dma_wait3A_135] : memref<10016x128xf32, #tpu.memory_space<vmem_shared>> -> memref<128x128xf32, #tpu.memory_space<vmem_shared>>
      %dma_wait3A_137 = arith.constant 0 : i32
      %dma_wait3A_138 = tpu.memref_slice %arg18[%add3A_40, %dma_wait3A_137] : memref<10016x128xf32, #tpu.memory_space<vmem_shared>> -> memref<128x128xf32, #tpu.memory_space<vmem_shared>>
      tpu.wait_dma2 semaphore(%run_scoped3A : memref<!tpu.dma_semaphore, #tpu.memory_space<semaphore_mem>>) src(%arg17 : memref<128x128xf32, #tpu.memory_space<vmem>>) dst(%dma_wait3A_138 : memref<128x128xf32, #tpu.memory_space<vmem_shared>>)
      tpu.yield
    }) : () -> ()
    %add3A_41 = arith.constant 128 : i32
    %add3A_42 = arith.addi %mul3A_38, %add3A_41 : i32
    "tpu.region"() ({
      %run_scoped3A = tpu.sem_alloc : memref<!tpu.dma_semaphore, #tpu.memory_space<semaphore_mem>>
      %dma_start3A_131 = arith.constant 0 : i32
      %dma_start3A_132 = tpu.memref_slice %arg18[%add3A_42, %dma_start3A_131] : memref<10016x128xf32, #tpu.memory_space<vmem_shared>> -> memref<128x128xf32, #tpu.memory_space<vmem_shared>>
      %dma_start3A_133 = arith.constant 0 : i32
      %dma_start3A_134 = tpu.memref_slice %arg18[%add3A_42, %dma_start3A_133] : memref<10016x128xf32, #tpu.memory_space<vmem_shared>> -> memref<128x128xf32, #tpu.memory_space<vmem_shared>>
      tpu.enqueue_dma source(%arg17 : memref<128x128xf32, #tpu.memory_space<vmem>>) target(%dma_start3A_134 : memref<128x128xf32, #tpu.memory_space<vmem_shared>>) target_semaphore(%run_scoped3A : memref<!tpu.dma_semaphore, #tpu.memory_space<semaphore_mem>>)
      %dma_wait3A_135 = arith.constant 0 : i32
      %dma_wait3A_136 = tpu.memref_slice %arg18[%add3A_42, %dma_wait3A_135] : memref<10016x128xf32, #tpu.memory_space<vmem_shared>> -> memref<128x128xf32, #tpu.memory_space<vmem_shared>>
      %dma_wait3A_137 = arith.constant 0 : i32
      %dma_wait3A_138 = tpu.memref_slice %arg18[%add3A_42, %dma_wait3A_137] : memref<10016x128xf32, #tpu.memory_space<vmem_shared>> -> memref<128x128xf32, #tpu.memory_space<vmem_shared>>
      tpu.wait_dma2 semaphore(%run_scoped3A : memref<!tpu.dma_semaphore, #tpu.memory_space<semaphore_mem>>) src(%arg17 : memref<128x128xf32, #tpu.memory_space<vmem>>) dst(%dma_wait3A_138 : memref<128x128xf32, #tpu.memory_space<vmem_shared>>)
      tpu.yield
    }) : () -> ()
    %add3A_43 = arith.constant 256 : i32
    %add3A_44 = arith.addi %mul3A_38, %add3A_43 : i32
    "tpu.region"() ({
      %run_scoped3A = tpu.sem_alloc : memref<!tpu.dma_semaphore, #tpu.memory_space<semaphore_mem>>
      %dma_start3A_131 = arith.constant 0 : i32
      %dma_start3A_132 = tpu.memref_slice %arg18[%add3A_44, %dma_start3A_131] : memref<10016x128xf32, #tpu.memory_space<vmem_shared>> -> memref<128x128xf32, #tpu.memory_space<vmem_shared>>
      %dma_start3A_133 = arith.constant 0 : i32
      %dma_start3A_134 = tpu.memref_slice %arg18[%add3A_44, %dma_start3A_133] : memref<10016x128xf32, #tpu.memory_space<vmem_shared>> -> memref<128x128xf32, #tpu.memory_space<vmem_shared>>
      tpu.enqueue_dma source(%arg17 : memref<128x128xf32, #tpu.memory_space<vmem>>) target(%dma_start3A_134 : memref<128x128xf32, #tpu.memory_space<vmem_shared>>) target_semaphore(%run_scoped3A : memref<!tpu.dma_semaphore, #tpu.memory_space<semaphore_mem>>)
      %dma_wait3A_135 = arith.constant 0 : i32
      %dma_wait3A_136 = tpu.memref_slice %arg18[%add3A_44, %dma_wait3A_135] : memref<10016x128xf32, #tpu.memory_space<vmem_shared>> -> memref<128x128xf32, #tpu.memory_space<vmem_shared>>
      %dma_wait3A_137 = arith.constant 0 : i32
      %dma_wait3A_138 = tpu.memref_slice %arg18[%add3A_44, %dma_wait3A_137] : memref<10016x128xf32, #tpu.memory_space<vmem_shared>> -> memref<128x128xf32, #tpu.memory_space<vmem_shared>>
      tpu.wait_dma2 semaphore(%run_scoped3A : memref<!tpu.dma_semaphore, #tpu.memory_space<semaphore_mem>>) src(%arg17 : memref<128x128xf32, #tpu.memory_space<vmem>>) dst(%dma_wait3A_138 : memref<128x128xf32, #tpu.memory_space<vmem_shared>>)
      tpu.yield
    }) : () -> ()
    %add3A_45 = arith.constant 384 : i32
    %add3A_46 = arith.addi %mul3A_38, %add3A_45 : i32
    "tpu.region"() ({
      %run_scoped3A = tpu.sem_alloc : memref<!tpu.dma_semaphore, #tpu.memory_space<semaphore_mem>>
      %dma_start3A_131 = arith.constant 0 : i32
      %dma_start3A_132 = tpu.memref_slice %arg18[%add3A_46, %dma_start3A_131] : memref<10016x128xf32, #tpu.memory_space<vmem_shared>> -> memref<128x128xf32, #tpu.memory_space<vmem_shared>>
      %dma_start3A_133 = arith.constant 0 : i32
      %dma_start3A_134 = tpu.memref_slice %arg18[%add3A_46, %dma_start3A_133] : memref<10016x128xf32, #tpu.memory_space<vmem_shared>> -> memref<128x128xf32, #tpu.memory_space<vmem_shared>>
      tpu.enqueue_dma source(%arg17 : memref<128x128xf32, #tpu.memory_space<vmem>>) target(%dma_start3A_134 : memref<128x128xf32, #tpu.memory_space<vmem_shared>>) target_semaphore(%run_scoped3A : memref<!tpu.dma_semaphore, #tpu.memory_space<semaphore_mem>>)
      %dma_wait3A_135 = arith.constant 0 : i32
      %dma_wait3A_136 = tpu.memref_slice %arg18[%add3A_46, %dma_wait3A_135] : memref<10016x128xf32, #tpu.memory_space<vmem_shared>> -> memref<128x128xf32, #tpu.memory_space<vmem_shared>>
      %dma_wait3A_137 = arith.constant 0 : i32
      %dma_wait3A_138 = tpu.memref_slice %arg18[%add3A_46, %dma_wait3A_137] : memref<10016x128xf32, #tpu.memory_space<vmem_shared>> -> memref<128x128xf32, #tpu.memory_space<vmem_shared>>
      tpu.wait_dma2 semaphore(%run_scoped3A : memref<!tpu.dma_semaphore, #tpu.memory_space<semaphore_mem>>) src(%arg17 : memref<128x128xf32, #tpu.memory_space<vmem>>) dst(%dma_wait3A_138 : memref<128x128xf32, #tpu.memory_space<vmem_shared>>)
      tpu.yield
    }) : () -> ()
    %add3A_47 = arith.constant 512 : i32
    %add3A_48 = arith.addi %mul3A_38, %add3A_47 : i32
    "tpu.region"() ({
      %run_scoped3A = tpu.sem_alloc : memref<!tpu.dma_semaphore, #tpu.memory_space<semaphore_mem>>
      %dma_start3A_131 = arith.constant 0 : i32
      %dma_start3A_132 = arith.constant 0 : i32
      %dma_start3A_133 = tpu.memref_slice %arg17[%dma_start3A_131, %dma_start3A_132] : memref<128x128xf32, #tpu.memory_space<vmem>> -> memref<112x128xf32, #tpu.memory_space<vmem>>
      %dma_start3A_134 = arith.constant 0 : i32
      %dma_start3A_135 = tpu.memref_slice %arg18[%add3A_48, %dma_start3A_134] : memref<10016x128xf32, #tpu.memory_space<vmem_shared>> -> memref<112x128xf32, #tpu.memory_space<vmem_shared>>
      %dma_start3A_136 = arith.constant 0 : i32
      %dma_start3A_137 = tpu.memref_slice %arg18[%add3A_48, %dma_start3A_136] : memref<10016x128xf32, #tpu.memory_space<vmem_shared>> -> memref<112x128xf32, #tpu.memory_space<vmem_shared>>
      %dma_start3A_138 = arith.constant 0 : i32
      %dma_start3A_139 = arith.constant 0 : i32
      %dma_start3A_140 = tpu.memref_slice %arg17[%dma_start3A_138, %dma_start3A_139] : memref<128x128xf32, #tpu.memory_space<vmem>> -> memref<112x128xf32, #tpu.memory_space<vmem>>
      tpu.enqueue_dma source(%dma_start3A_140 : memref<112x128xf32, #tpu.memory_space<vmem>>) target(%dma_start3A_137 : memref<112x128xf32, #tpu.memory_space<vmem_shared>>) target_semaphore(%run_scoped3A : memref<!tpu.dma_semaphore, #tpu.memory_space<semaphore_mem>>)
      %dma_wait3A_141 = arith.constant 0 : i32
      %dma_wait3A_142 = arith.constant 0 : i32
      %dma_wait3A_143 = tpu.memref_slice %arg17[%dma_wait3A_141, %dma_wait3A_142] : memref<128x128xf32, #tpu.memory_space<vmem>> -> memref<112x128xf32, #tpu.memory_space<vmem>>
      %dma_wait3A_144 = arith.constant 0 : i32
      %dma_wait3A_145 = tpu.memref_slice %arg18[%add3A_48, %dma_wait3A_144] : memref<10016x128xf32, #tpu.memory_space<vmem_shared>> -> memref<112x128xf32, #tpu.memory_space<vmem_shared>>
      %dma_wait3A_146 = arith.constant 0 : i32
      %dma_wait3A_147 = tpu.memref_slice %arg18[%add3A_48, %dma_wait3A_146] : memref<10016x128xf32, #tpu.memory_space<vmem_shared>> -> memref<112x128xf32, #tpu.memory_space<vmem_shared>>
      %dma_wait3A_148 = arith.constant 0 : i32
      %dma_wait3A_149 = arith.constant 0 : i32
      %dma_wait3A_150 = tpu.memref_slice %arg17[%dma_wait3A_148, %dma_wait3A_149] : memref<128x128xf32, #tpu.memory_space<vmem>> -> memref<112x128xf32, #tpu.memory_space<vmem>>
      tpu.wait_dma2 semaphore(%run_scoped3A : memref<!tpu.dma_semaphore, #tpu.memory_space<semaphore_mem>>) src(%dma_wait3A_150 : memref<112x128xf32, #tpu.memory_space<vmem>>) dst(%dma_wait3A_147 : memref<112x128xf32, #tpu.memory_space<vmem_shared>>)
      tpu.yield
    }) : () -> ()
    %eq3A = arith.constant 15 : i32
    %eq3A_49 = arith.cmpi eq, %arg1, %eq3A : i32
    %convert_element_type3A = arith.extui %eq3A_49 : i1 to i32
    %cond3A = arith.constant 0 : i32
    %cond3A_50 = arith.cmpi ne, %convert_element_type3A, %cond3A : i32
    scf.if %cond3A_50 {
      "tpu.region"() ({
        %run_scoped3A = tpu.sem_alloc : memref<!tpu.dma_semaphore, #tpu.memory_space<semaphore_mem>>
        %dma_start3A_131 = arith.constant 0 : i32
        %dma_start3A_132 = arith.constant 0 : i32
        %dma_start3A_133 = tpu.memref_slice %arg17[%dma_start3A_131, %dma_start3A_132] : memref<128x128xf32, #tpu.memory_space<vmem>> -> memref<32x128xf32, #tpu.memory_space<vmem>>
        %dma_start3A_134 = arith.constant 9984 : i32
        %dma_start3A_135 = arith.constant 0 : i32
        %dma_start3A_136 = tpu.memref_slice %arg18[%dma_start3A_134, %dma_start3A_135] : memref<10016x128xf32, #tpu.memory_space<vmem_shared>> -> memref<32x128xf32, #tpu.memory_space<vmem_shared>>
        %dma_start3A_137 = arith.constant 9984 : i32
        %dma_start3A_138 = arith.constant 0 : i32
        %dma_start3A_139 = tpu.memref_slice %arg18[%dma_start3A_137, %dma_start3A_138] : memref<10016x128xf32, #tpu.memory_space<vmem_shared>> -> memref<32x128xf32, #tpu.memory_space<vmem_shared>>
        %dma_start3A_140 = arith.constant 0 : i32
        %dma_start3A_141 = arith.constant 0 : i32
        %dma_start3A_142 = tpu.memref_slice %arg17[%dma_start3A_140, %dma_start3A_141] : memref<128x128xf32, #tpu.memory_space<vmem>> -> memref<32x128xf32, #tpu.memory_space<vmem>>
        tpu.enqueue_dma source(%dma_start3A_142 : memref<32x128xf32, #tpu.memory_space<vmem>>) target(%dma_start3A_139 : memref<32x128xf32, #tpu.memory_space<vmem_shared>>) target_semaphore(%run_scoped3A : memref<!tpu.dma_semaphore, #tpu.memory_space<semaphore_mem>>)
        %dma_wait3A_143 = arith.constant 0 : i32
        %dma_wait3A_144 = arith.constant 0 : i32
        %dma_wait3A_145 = tpu.memref_slice %arg17[%dma_wait3A_143, %dma_wait3A_144] : memref<128x128xf32, #tpu.memory_space<vmem>> -> memref<32x128xf32, #tpu.memory_space<vmem>>
        %dma_wait3A_146 = arith.constant 9984 : i32
        %dma_wait3A_147 = arith.constant 0 : i32
        %dma_wait3A_148 = tpu.memref_slice %arg18[%dma_wait3A_146, %dma_wait3A_147] : memref<10016x128xf32, #tpu.memory_space<vmem_shared>> -> memref<32x128xf32, #tpu.memory_space<vmem_shared>>
        %dma_wait3A_149 = arith.constant 9984 : i32
        %dma_wait3A_150 = arith.constant 0 : i32
        %dma_wait3A_151 = tpu.memref_slice %arg18[%dma_wait3A_149, %dma_wait3A_150] : memref<10016x128xf32, #tpu.memory_space<vmem_shared>> -> memref<32x128xf32, #tpu.memory_space<vmem_shared>>
        %dma_wait3A_152 = arith.constant 0 : i32
        %dma_wait3A_153 = arith.constant 0 : i32
        %dma_wait3A_154 = tpu.memref_slice %arg17[%dma_wait3A_152, %dma_wait3A_153] : memref<128x128xf32, #tpu.memory_space<vmem>> -> memref<32x128xf32, #tpu.memory_space<vmem>>
        tpu.wait_dma2 semaphore(%run_scoped3A : memref<!tpu.dma_semaphore, #tpu.memory_space<semaphore_mem>>) src(%dma_wait3A_154 : memref<32x128xf32, #tpu.memory_space<vmem>>) dst(%dma_wait3A_151 : memref<32x128xf32, #tpu.memory_space<vmem_shared>>)
        tpu.yield
      }) : () -> ()
    } else {
    }
    %barrier3A = arith.constant 0 : index
    tpu.barrier barrier_id(%barrier3A)
    %scan3A_51 = arith.constant 0 : i32
    %scan3A_52 = arith.constant 0 : i32
    %scan3A_53 = arith.constant 26 : i32
    %scan3A_54 = arith.addi %scan3A_52, %scan3A_53 : i32
    %scan3A_55 = arith.constant 1 : i32
    scf.for %scan3A_131 = %scan3A_52 to %scan3A_54 step %scan3A_55  : i32 {
      %mul3A_132 = arith.constant 3 : i32
      %mul3A_133 = arith.muli %scan3A_131, %mul3A_132 : i32
      %add3A_134 = arith.constant 2 : i32
      %add3A_135 = arith.addi %mul3A_133, %add3A_134 : i32
      %lt3A = arith.constant 79 : i32
      %lt3A_136 = arith.cmpi slt, %add3A_135, %lt3A : i32
      %convert_element_type3A_137 = arith.extui %lt3A_136 : i1 to i32
      %cond3A_138 = arith.constant 0 : i32
      %cond3A_139 = arith.cmpi ne, %convert_element_type3A_137, %cond3A_138 : i32
      scf.if %cond3A_139 {
        %add3A_369 = arith.addi %mul3A_2, %mul3A_133 : i32
        %add3A_370 = arith.constant 2 : i32
        %add3A_371 = arith.addi %add3A_369, %add3A_370 : i32
        %dma_wait3A_372 = arith.constant 0 : i32
        %dma_wait3A_373 = tpu.memref_slice %arg3[%add3A_371, %dma_wait3A_372] : memref<2528x128xi32, #tpu.memory_space<hbm>> -> memref<1x128xi32, #tpu.memory_space<hbm>>
        %dma_wait3A_374 = tpu.memref_squeeze %dma_wait3A_373 : memref<1x128xi32, #tpu.memory_space<hbm>> -> memref<128xi32, #tpu.memory_space<hbm>>
        %dma_wait3A_375 = arith.constant 0 : i32
        %dma_wait3A_376 = tpu.memref_slice %arg3[%add3A_371, %dma_wait3A_375] : memref<2528x128xi32, #tpu.memory_space<hbm>> -> memref<1x128xi32, #tpu.memory_space<hbm>>
        %dma_wait3A_377 = tpu.memref_squeeze %dma_wait3A_376 : memref<1x128xi32, #tpu.memory_space<hbm>> -> memref<128xi32, #tpu.memory_space<hbm>>
        tpu.wait_dma2 semaphore(%arg21 : memref<!tpu.dma_semaphore, #tpu.memory_space<semaphore_mem>>) src(%dma_wait3A_377 : memref<128xi32, #tpu.memory_space<hbm>>) dst(%arg8 : memref<128xi32, #tpu.memory_space<vmem>>)
        %add3A_378 = arith.addi %mul3A_2, %mul3A_133 : i32
        %add3A_379 = arith.constant 2 : i32
        %add3A_380 = arith.addi %add3A_378, %add3A_379 : i32
        %dma_wait3A_381 = arith.constant 0 : i32
        %dma_wait3A_382 = tpu.memref_slice %arg4[%add3A_380, %dma_wait3A_381] : memref<2528x128xi32, #tpu.memory_space<hbm>> -> memref<1x128xi32, #tpu.memory_space<hbm>>
        %dma_wait3A_383 = tpu.memref_squeeze %dma_wait3A_382 : memref<1x128xi32, #tpu.memory_space<hbm>> -> memref<128xi32, #tpu.memory_space<hbm>>
        %dma_wait3A_384 = arith.constant 0 : i32
        %dma_wait3A_385 = tpu.memref_slice %arg4[%add3A_380, %dma_wait3A_384] : memref<2528x128xi32, #tpu.memory_space<hbm>> -> memref<1x128xi32, #tpu.memory_space<hbm>>
        %dma_wait3A_386 = tpu.memref_squeeze %dma_wait3A_385 : memref<1x128xi32, #tpu.memory_space<hbm>> -> memref<128xi32, #tpu.memory_space<hbm>>
        tpu.wait_dma2 semaphore(%arg21 : memref<!tpu.dma_semaphore, #tpu.memory_space<semaphore_mem>>) src(%dma_wait3A_386 : memref<128xi32, #tpu.memory_space<hbm>>) dst(%arg11 : memref<128xi32, #tpu.memory_space<vmem>>)
        %ge3A = arith.constant 1 : i32
        %ge3A_387 = arith.cmpi sge, %mul3A_133, %ge3A : i32
        %convert_element_type3A_388 = arith.extui %ge3A_387 : i1 to i32
        %cond3A_389 = arith.constant 0 : i32
        %cond3A_390 = arith.cmpi ne, %convert_element_type3A_388, %cond3A_389 : i32
        scf.if %cond3A_390 {
          %dma_wait3A_394 = arith.constant 0 : i32
          %dma_wait3A_395 = arith.constant 0 : i32
          %dma_wait3A_396 = tpu.memref_slice %arg18[%dma_wait3A_394, %dma_wait3A_395] : memref<10016x128xf32, #tpu.memory_space<vmem_shared>> -> memref<10016x128xf32, #tpu.memory_space<vmem_shared>>
          tpu.wait_indirect_dma semaphore(%arg27 : memref<!tpu.dma_semaphore, #tpu.memory_space<semaphore_mem>>) src(%arg17 : memref<128x128xf32, #tpu.memory_space<vmem>>) dst(%dma_wait3A_396 : memref<10016x128xf32, #tpu.memory_space<vmem_shared>>)
        } else {
        }
        %dma_start3A_391 = arith.constant 0 : i32
        %dma_start3A_392 = arith.constant 0 : i32
        %dma_start3A_393 = tpu.memref_slice %arg2[%dma_start3A_391, %dma_start3A_392] : memref<10000x128xf32, #tpu.memory_space<hbm>> -> memref<10000x128xf32, #tpu.memory_space<hbm>>
        tpu.enqueue_indirect_dma source(%dma_start3A_393 : memref<10000x128xf32, #tpu.memory_space<hbm>>) target(%arg17 : memref<128x128xf32, #tpu.memory_space<vmem>>) offsets(%arg8 : memref<128xi32, #tpu.memory_space<vmem>>) semaphore(%arg24 : memref<!tpu.dma_semaphore, #tpu.memory_space<semaphore_mem>>)
      } else {
      }
      %dma_wait3A_140 = arith.constant 0 : i32
      %dma_wait3A_141 = arith.constant 0 : i32
      %dma_wait3A_142 = tpu.memref_slice %arg2[%dma_wait3A_140, %dma_wait3A_141] : memref<10000x128xf32, #tpu.memory_space<hbm>> -> memref<10000x128xf32, #tpu.memory_space<hbm>>
      tpu.wait_indirect_dma semaphore(%arg22 : memref<!tpu.dma_semaphore, #tpu.memory_space<semaphore_mem>>) src(%dma_wait3A_142 : memref<10000x128xf32, #tpu.memory_space<hbm>>) dst(%arg15 : memref<128x128xf32, #tpu.memory_space<vmem>>)
      %get3A_143 = arith.constant 0 : index
      %get3A_144 = tpu.vector_load %arg9[%get3A_143] {strides = array<i32>} : memref<128xi32, #tpu.memory_space<vmem>>, vector<16xi32>,
      %get3A_145 = vector.shape_cast %get3A_144 : vector<16xi32> to vector<16xi32>
      %swap3A_146 = arith.constant 0 : index
      %swap3A_147 = tpu.vector_load %arg12[%swap3A_146] {strides = array<i32>} : memref<128xi32, #tpu.memory_space<vmem>>, vector<16xi32>,
      %swap3A_148 = vector.shape_cast %swap3A_147 : vector<16xi32> to vector<16xi32>
      %swap3A_149 = vector.shape_cast %get3A_145 : vector<16xi32> to vector<16xi32>
      tpu.vector_store %arg12[%swap3A_146], %swap3A_149 {strides = array<i32>} : memref<128xi32, #tpu.memory_space<vmem>>, vector<16xi32>,
      %get3A_150 = arith.constant 16 : index
      %get3A_151 = tpu.vector_load %arg9[%get3A_150] {strides = array<i32>} : memref<128xi32, #tpu.memory_space<vmem>>, vector<16xi32>,
      %get3A_152 = vector.shape_cast %get3A_151 : vector<16xi32> to vector<16xi32>
      %swap3A_153 = arith.constant 16 : index
      %swap3A_154 = tpu.vector_load %arg12[%swap3A_153] {strides = array<i32>} : memref<128xi32, #tpu.memory_space<vmem>>, vector<16xi32>,
      %swap3A_155 = vector.shape_cast %swap3A_154 : vector<16xi32> to vector<16xi32>
      %swap3A_156 = vector.shape_cast %get3A_152 : vector<16xi32> to vector<16xi32>
      tpu.vector_store %arg12[%swap3A_153], %swap3A_156 {strides = array<i32>} : memref<128xi32, #tpu.memory_space<vmem>>, vector<16xi32>,
      %get3A_157 = arith.constant 32 : index
      %get3A_158 = tpu.vector_load %arg9[%get3A_157] {strides = array<i32>} : memref<128xi32, #tpu.memory_space<vmem>>, vector<16xi32>,
      %get3A_159 = vector.shape_cast %get3A_158 : vector<16xi32> to vector<16xi32>
      %swap3A_160 = arith.constant 32 : index
      %swap3A_161 = tpu.vector_load %arg12[%swap3A_160] {strides = array<i32>} : memref<128xi32, #tpu.memory_space<vmem>>, vector<16xi32>,
      %swap3A_162 = vector.shape_cast %swap3A_161 : vector<16xi32> to vector<16xi32>
      %swap3A_163 = vector.shape_cast %get3A_159 : vector<16xi32> to vector<16xi32>
      tpu.vector_store %arg12[%swap3A_160], %swap3A_163 {strides = array<i32>} : memref<128xi32, #tpu.memory_space<vmem>>, vector<16xi32>,
      %get3A_164 = arith.constant 48 : index
      %get3A_165 = tpu.vector_load %arg9[%get3A_164] {strides = array<i32>} : memref<128xi32, #tpu.memory_space<vmem>>, vector<16xi32>,
      %get3A_166 = vector.shape_cast %get3A_165 : vector<16xi32> to vector<16xi32>
      %swap3A_167 = arith.constant 48 : index
      %swap3A_168 = tpu.vector_load %arg12[%swap3A_167] {strides = array<i32>} : memref<128xi32, #tpu.memory_space<vmem>>, vector<16xi32>,
      %swap3A_169 = vector.shape_cast %swap3A_168 : vector<16xi32> to vector<16xi32>
      %swap3A_170 = vector.shape_cast %get3A_166 : vector<16xi32> to vector<16xi32>
      tpu.vector_store %arg12[%swap3A_167], %swap3A_170 {strides = array<i32>} : memref<128xi32, #tpu.memory_space<vmem>>, vector<16xi32>,
      %get3A_171 = arith.constant 64 : index
      %get3A_172 = tpu.vector_load %arg9[%get3A_171] {strides = array<i32>} : memref<128xi32, #tpu.memory_space<vmem>>, vector<16xi32>,
      %get3A_173 = vector.shape_cast %get3A_172 : vector<16xi32> to vector<16xi32>
      %swap3A_174 = arith.constant 64 : index
      %swap3A_175 = tpu.vector_load %arg12[%swap3A_174] {strides = array<i32>} : memref<128xi32, #tpu.memory_space<vmem>>, vector<16xi32>,
      %swap3A_176 = vector.shape_cast %swap3A_175 : vector<16xi32> to vector<16xi32>
      %swap3A_177 = vector.shape_cast %get3A_173 : vector<16xi32> to vector<16xi32>
      tpu.vector_store %arg12[%swap3A_174], %swap3A_177 {strides = array<i32>} : memref<128xi32, #tpu.memory_space<vmem>>, vector<16xi32>,
      %get3A_178 = arith.constant 80 : index
      %get3A_179 = tpu.vector_load %arg9[%get3A_178] {strides = array<i32>} : memref<128xi32, #tpu.memory_space<vmem>>, vector<16xi32>,
      %get3A_180 = vector.shape_cast %get3A_179 : vector<16xi32> to vector<16xi32>
      %swap3A_181 = arith.constant 80 : index
      %swap3A_182 = tpu.vector_load %arg12[%swap3A_181] {strides = array<i32>} : memref<128xi32, #tpu.memory_space<vmem>>, vector<16xi32>,
      %swap3A_183 = vector.shape_cast %swap3A_182 : vector<16xi32> to vector<16xi32>
      %swap3A_184 = vector.shape_cast %get3A_180 : vector<16xi32> to vector<16xi32>
      tpu.vector_store %arg12[%swap3A_181], %swap3A_184 {strides = array<i32>} : memref<128xi32, #tpu.memory_space<vmem>>, vector<16xi32>,
      %get3A_185 = arith.constant 96 : index
      %get3A_186 = tpu.vector_load %arg9[%get3A_185] {strides = array<i32>} : memref<128xi32, #tpu.memory_space<vmem>>, vector<16xi32>,
      %get3A_187 = vector.shape_cast %get3A_186 : vector<16xi32> to vector<16xi32>
      %swap3A_188 = arith.constant 96 : index
      %swap3A_189 = tpu.vector_load %arg12[%swap3A_188] {strides = array<i32>} : memref<128xi32, #tpu.memory_space<vmem>>, vector<16xi32>,
      %swap3A_190 = vector.shape_cast %swap3A_189 : vector<16xi32> to vector<16xi32>
      %swap3A_191 = vector.shape_cast %get3A_187 : vector<16xi32> to vector<16xi32>
      tpu.vector_store %arg12[%swap3A_188], %swap3A_191 {strides = array<i32>} : memref<128xi32, #tpu.memory_space<vmem>>, vector<16xi32>,
      %get3A_192 = arith.constant 112 : index
      %get3A_193 = tpu.vector_load %arg9[%get3A_192] {strides = array<i32>} : memref<128xi32, #tpu.memory_space<vmem>>, vector<16xi32>,
      %get3A_194 = vector.shape_cast %get3A_193 : vector<16xi32> to vector<16xi32>
      %swap3A_195 = arith.constant 112 : index
      %swap3A_196 = tpu.vector_load %arg12[%swap3A_195] {strides = array<i32>} : memref<128xi32, #tpu.memory_space<vmem>>, vector<16xi32>,
      %swap3A_197 = vector.shape_cast %swap3A_196 : vector<16xi32> to vector<16xi32>
      %swap3A_198 = vector.shape_cast %get3A_194 : vector<16xi32> to vector<16xi32>
      tpu.vector_store %arg12[%swap3A_195], %swap3A_198 {strides = array<i32>} : memref<128xi32, #tpu.memory_space<vmem>>, vector<16xi32>,
      %add3A_199 = arith.constant 3 : i32
      %add3A_200 = arith.addi %mul3A_133, %add3A_199 : i32
      %lt3A_201 = arith.constant 79 : i32
      %lt3A_202 = arith.cmpi slt, %add3A_200, %lt3A_201 : i32
      %convert_element_type3A_203 = arith.extui %lt3A_202 : i1 to i32
      %cond3A_204 = arith.constant 0 : i32
      %cond3A_205 = arith.cmpi ne, %convert_element_type3A_203, %cond3A_204 : i32
      scf.if %cond3A_205 {
        %add3A_369 = arith.addi %mul3A_2, %mul3A_133 : i32
        %add3A_370 = arith.constant 3 : i32
        %add3A_371 = arith.addi %add3A_369, %add3A_370 : i32
        %dma_start3A_372 = arith.constant 0 : i32
        %dma_start3A_373 = tpu.memref_slice %arg3[%add3A_371, %dma_start3A_372] : memref<2528x128xi32, #tpu.memory_space<hbm>> -> memref<1x128xi32, #tpu.memory_space<hbm>>
        %dma_start3A_374 = tpu.memref_squeeze %dma_start3A_373 : memref<1x128xi32, #tpu.memory_space<hbm>> -> memref<128xi32, #tpu.memory_space<hbm>>
        %dma_start3A_375 = arith.constant 0 : i32
        %dma_start3A_376 = tpu.memref_slice %arg3[%add3A_371, %dma_start3A_375] : memref<2528x128xi32, #tpu.memory_space<hbm>> -> memref<1x128xi32, #tpu.memory_space<hbm>>
        %dma_start3A_377 = tpu.memref_squeeze %dma_start3A_376 : memref<1x128xi32, #tpu.memory_space<hbm>> -> memref<128xi32, #tpu.memory_space<hbm>>
        tpu.enqueue_dma source(%dma_start3A_377 : memref<128xi32, #tpu.memory_space<hbm>>) target(%arg6 : memref<128xi32, #tpu.memory_space<vmem>>) target_semaphore(%arg19 : memref<!tpu.dma_semaphore, #tpu.memory_space<semaphore_mem>>)
        %add3A_378 = arith.addi %mul3A_2, %mul3A_133 : i32
        %add3A_379 = arith.constant 3 : i32
        %add3A_380 = arith.addi %add3A_378, %add3A_379 : i32
        %dma_start3A_381 = arith.constant 0 : i32
        %dma_start3A_382 = tpu.memref_slice %arg4[%add3A_380, %dma_start3A_381] : memref<2528x128xi32, #tpu.memory_space<hbm>> -> memref<1x128xi32, #tpu.memory_space<hbm>>
        %dma_start3A_383 = tpu.memref_squeeze %dma_start3A_382 : memref<1x128xi32, #tpu.memory_space<hbm>> -> memref<128xi32, #tpu.memory_space<hbm>>
        %dma_start3A_384 = arith.constant 0 : i32
        %dma_start3A_385 = tpu.memref_slice %arg4[%add3A_380, %dma_start3A_384] : memref<2528x128xi32, #tpu.memory_space<hbm>> -> memref<1x128xi32, #tpu.memory_space<hbm>>
        %dma_start3A_386 = tpu.memref_squeeze %dma_start3A_385 : memref<1x128xi32, #tpu.memory_space<hbm>> -> memref<128xi32, #tpu.memory_space<hbm>>
        tpu.enqueue_dma source(%dma_start3A_386 : memref<128xi32, #tpu.memory_space<hbm>>) target(%arg9 : memref<128xi32, #tpu.memory_space<vmem>>) target_semaphore(%arg19 : memref<!tpu.dma_semaphore, #tpu.memory_space<semaphore_mem>>)
      } else {
      }
      %dma_start3A_206 = arith.constant 0 : i32
      %dma_start3A_207 = arith.constant 0 : i32
      %dma_start3A_208 = tpu.memref_slice %arg18[%dma_start3A_206, %dma_start3A_207] : memref<10016x128xf32, #tpu.memory_space<vmem_shared>> -> memref<10016x128xf32, #tpu.memory_space<vmem_shared>>
      tpu.enqueue_indirect_dma source(%arg15 : memref<128x128xf32, #tpu.memory_space<vmem>>) target(%dma_start3A_208 : memref<10016x128xf32, #tpu.memory_space<vmem_shared>>) offsets(%arg12 : memref<128xi32, #tpu.memory_space<vmem>>) semaphore(%arg25 : memref<!tpu.dma_semaphore, #tpu.memory_space<semaphore_mem>>) {add = true}
      %mul3A_209 = arith.constant 3 : i32
      %mul3A_210 = arith.muli %scan3A_131, %mul3A_209 : i32
      %add3A_211 = arith.constant 1 : i32
      %add3A_212 = arith.addi %mul3A_210, %add3A_211 : i32
      %add3A_213 = arith.constant 2 : i32
      %add3A_214 = arith.addi %add3A_212, %add3A_213 : i32
      %lt3A_215 = arith.constant 79 : i32
      %lt3A_216 = arith.cmpi slt, %add3A_214, %lt3A_215 : i32
      %convert_element_type3A_217 = arith.extui %lt3A_216 : i1 to i32
      %cond3A_218 = arith.constant 0 : i32
      %cond3A_219 = arith.cmpi ne, %convert_element_type3A_217, %cond3A_218 : i32
      scf.if %cond3A_219 {
        %add3A_369 = arith.addi %mul3A_2, %add3A_212 : i32
        %add3A_370 = arith.constant 2 : i32
        %add3A_371 = arith.addi %add3A_369, %add3A_370 : i32
        %dma_wait3A_372 = arith.constant 0 : i32
        %dma_wait3A_373 = tpu.memref_slice %arg3[%add3A_371, %dma_wait3A_372] : memref<2528x128xi32, #tpu.memory_space<hbm>> -> memref<1x128xi32, #tpu.memory_space<hbm>>
        %dma_wait3A_374 = tpu.memref_squeeze %dma_wait3A_373 : memref<1x128xi32, #tpu.memory_space<hbm>> -> memref<128xi32, #tpu.memory_space<hbm>>
        %dma_wait3A_375 = arith.constant 0 : i32
        %dma_wait3A_376 = tpu.memref_slice %arg3[%add3A_371, %dma_wait3A_375] : memref<2528x128xi32, #tpu.memory_space<hbm>> -> memref<1x128xi32, #tpu.memory_space<hbm>>
        %dma_wait3A_377 = tpu.memref_squeeze %dma_wait3A_376 : memref<1x128xi32, #tpu.memory_space<hbm>> -> memref<128xi32, #tpu.memory_space<hbm>>
        tpu.wait_dma2 semaphore(%arg19 : memref<!tpu.dma_semaphore, #tpu.memory_space<semaphore_mem>>) src(%dma_wait3A_377 : memref<128xi32, #tpu.memory_space<hbm>>) dst(%arg6 : memref<128xi32, #tpu.memory_space<vmem>>)
        %add3A_378 = arith.addi %mul3A_2, %add3A_212 : i32
        %add3A_379 = arith.constant 2 : i32
        %add3A_380 = arith.addi %add3A_378, %add3A_379 : i32
        %dma_wait3A_381 = arith.constant 0 : i32
        %dma_wait3A_382 = tpu.memref_slice %arg4[%add3A_380, %dma_wait3A_381] : memref<2528x128xi32, #tpu.memory_space<hbm>> -> memref<1x128xi32, #tpu.memory_space<hbm>>
        %dma_wait3A_383 = tpu.memref_squeeze %dma_wait3A_382 : memref<1x128xi32, #tpu.memory_space<hbm>> -> memref<128xi32, #tpu.memory_space<hbm>>
        %dma_wait3A_384 = arith.constant 0 : i32
        %dma_wait3A_385 = tpu.memref_slice %arg4[%add3A_380, %dma_wait3A_384] : memref<2528x128xi32, #tpu.memory_space<hbm>> -> memref<1x128xi32, #tpu.memory_space<hbm>>
        %dma_wait3A_386 = tpu.memref_squeeze %dma_wait3A_385 : memref<1x128xi32, #tpu.memory_space<hbm>> -> memref<128xi32, #tpu.memory_space<hbm>>
        tpu.wait_dma2 semaphore(%arg19 : memref<!tpu.dma_semaphore, #tpu.memory_space<semaphore_mem>>) src(%dma_wait3A_386 : memref<128xi32, #tpu.memory_space<hbm>>) dst(%arg9 : memref<128xi32, #tpu.memory_space<vmem>>)
        %ge3A = arith.constant 1 : i32
        %ge3A_387 = arith.cmpi sge, %add3A_212, %ge3A : i32
        %convert_element_type3A_388 = arith.extui %ge3A_387 : i1 to i32
        %cond3A_389 = arith.constant 0 : i32
        %cond3A_390 = arith.cmpi ne, %convert_element_type3A_388, %cond3A_389 : i32
        scf.if %cond3A_390 {
          %dma_wait3A_394 = arith.constant 0 : i32
          %dma_wait3A_395 = arith.constant 0 : i32
          %dma_wait3A_396 = tpu.memref_slice %arg18[%dma_wait3A_394, %dma_wait3A_395] : memref<10016x128xf32, #tpu.memory_space<vmem_shared>> -> memref<10016x128xf32, #tpu.memory_space<vmem_shared>>
          tpu.wait_indirect_dma semaphore(%arg25 : memref<!tpu.dma_semaphore, #tpu.memory_space<semaphore_mem>>) src(%arg15 : memref<128x128xf32, #tpu.memory_space<vmem>>) dst(%dma_wait3A_396 : memref<10016x128xf32, #tpu.memory_space<vmem_shared>>)
        } else {
        }
        %dma_start3A_391 = arith.constant 0 : i32
        %dma_start3A_392 = arith.constant 0 : i32
        %dma_start3A_393 = tpu.memref_slice %arg2[%dma_start3A_391, %dma_start3A_392] : memref<10000x128xf32, #tpu.memory_space<hbm>> -> memref<10000x128xf32, #tpu.memory_space<hbm>>
        tpu.enqueue_indirect_dma source(%dma_start3A_393 : memref<10000x128xf32, #tpu.memory_space<hbm>>) target(%arg15 : memref<128x128xf32, #tpu.memory_space<vmem>>) offsets(%arg6 : memref<128xi32, #tpu.memory_space<vmem>>) semaphore(%arg22 : memref<!tpu.dma_semaphore, #tpu.memory_space<semaphore_mem>>)
      } else {
      }
      %dma_wait3A_220 = arith.constant 0 : i32
      %dma_wait3A_221 = arith.constant 0 : i32
      %dma_wait3A_222 = tpu.memref_slice %arg2[%dma_wait3A_220, %dma_wait3A_221] : memref<10000x128xf32, #tpu.memory_space<hbm>> -> memref<10000x128xf32, #tpu.memory_space<hbm>>
      tpu.wait_indirect_dma semaphore(%arg23 : memref<!tpu.dma_semaphore, #tpu.memory_space<semaphore_mem>>) src(%dma_wait3A_222 : memref<10000x128xf32, #tpu.memory_space<hbm>>) dst(%arg16 : memref<128x128xf32, #tpu.memory_space<vmem>>)
      %get3A_223 = arith.constant 0 : index
      %get3A_224 = tpu.vector_load %arg10[%get3A_223] {strides = array<i32>} : memref<128xi32, #tpu.memory_space<vmem>>, vector<16xi32>,
      %get3A_225 = vector.shape_cast %get3A_224 : vector<16xi32> to vector<16xi32>
      %swap3A_226 = arith.constant 0 : index
      %swap3A_227 = tpu.vector_load %arg13[%swap3A_226] {strides = array<i32>} : memref<128xi32, #tpu.memory_space<vmem>>, vector<16xi32>,
      %swap3A_228 = vector.shape_cast %swap3A_227 : vector<16xi32> to vector<16xi32>
      %swap3A_229 = vector.shape_cast %get3A_225 : vector<16xi32> to vector<16xi32>
      tpu.vector_store %arg13[%swap3A_226], %swap3A_229 {strides = array<i32>} : memref<128xi32, #tpu.memory_space<vmem>>, vector<16xi32>,
      %get3A_230 = arith.constant 16 : index
      %get3A_231 = tpu.vector_load %arg10[%get3A_230] {strides = array<i32>} : memref<128xi32, #tpu.memory_space<vmem>>, vector<16xi32>,
      %get3A_232 = vector.shape_cast %get3A_231 : vector<16xi32> to vector<16xi32>
      %swap3A_233 = arith.constant 16 : index
      %swap3A_234 = tpu.vector_load %arg13[%swap3A_233] {strides = array<i32>} : memref<128xi32, #tpu.memory_space<vmem>>, vector<16xi32>,
      %swap3A_235 = vector.shape_cast %swap3A_234 : vector<16xi32> to vector<16xi32>
      %swap3A_236 = vector.shape_cast %get3A_232 : vector<16xi32> to vector<16xi32>
      tpu.vector_store %arg13[%swap3A_233], %swap3A_236 {strides = array<i32>} : memref<128xi32, #tpu.memory_space<vmem>>, vector<16xi32>,
      %get3A_237 = arith.constant 32 : index
      %get3A_238 = tpu.vector_load %arg10[%get3A_237] {strides = array<i32>} : memref<128xi32, #tpu.memory_space<vmem>>, vector<16xi32>,
      %get3A_239 = vector.shape_cast %get3A_238 : vector<16xi32> to vector<16xi32>
      %swap3A_240 = arith.constant 32 : index
      %swap3A_241 = tpu.vector_load %arg13[%swap3A_240] {strides = array<i32>} : memref<128xi32, #tpu.memory_space<vmem>>, vector<16xi32>,
      %swap3A_242 = vector.shape_cast %swap3A_241 : vector<16xi32> to vector<16xi32>
      %swap3A_243 = vector.shape_cast %get3A_239 : vector<16xi32> to vector<16xi32>
      tpu.vector_store %arg13[%swap3A_240], %swap3A_243 {strides = array<i32>} : memref<128xi32, #tpu.memory_space<vmem>>, vector<16xi32>,
      %get3A_244 = arith.constant 48 : index
      %get3A_245 = tpu.vector_load %arg10[%get3A_244] {strides = array<i32>} : memref<128xi32, #tpu.memory_space<vmem>>, vector<16xi32>,
      %get3A_246 = vector.shape_cast %get3A_245 : vector<16xi32> to vector<16xi32>
      %swap3A_247 = arith.constant 48 : index
      %swap3A_248 = tpu.vector_load %arg13[%swap3A_247] {strides = array<i32>} : memref<128xi32, #tpu.memory_space<vmem>>, vector<16xi32>,
      %swap3A_249 = vector.shape_cast %swap3A_248 : vector<16xi32> to vector<16xi32>
      %swap3A_250 = vector.shape_cast %get3A_246 : vector<16xi32> to vector<16xi32>
      tpu.vector_store %arg13[%swap3A_247], %swap3A_250 {strides = array<i32>} : memref<128xi32, #tpu.memory_space<vmem>>, vector<16xi32>,
      %get3A_251 = arith.constant 64 : index
      %get3A_252 = tpu.vector_load %arg10[%get3A_251] {strides = array<i32>} : memref<128xi32, #tpu.memory_space<vmem>>, vector<16xi32>,
      %get3A_253 = vector.shape_cast %get3A_252 : vector<16xi32> to vector<16xi32>
      %swap3A_254 = arith.constant 64 : index
      %swap3A_255 = tpu.vector_load %arg13[%swap3A_254] {strides = array<i32>} : memref<128xi32, #tpu.memory_space<vmem>>, vector<16xi32>,
      %swap3A_256 = vector.shape_cast %swap3A_255 : vector<16xi32> to vector<16xi32>
      %swap3A_257 = vector.shape_cast %get3A_253 : vector<16xi32> to vector<16xi32>
      tpu.vector_store %arg13[%swap3A_254], %swap3A_257 {strides = array<i32>} : memref<128xi32, #tpu.memory_space<vmem>>, vector<16xi32>,
      %get3A_258 = arith.constant 80 : index
      %get3A_259 = tpu.vector_load %arg10[%get3A_258] {strides = array<i32>} : memref<128xi32, #tpu.memory_space<vmem>>, vector<16xi32>,
      %get3A_260 = vector.shape_cast %get3A_259 : vector<16xi32> to vector<16xi32>
      %swap3A_261 = arith.constant 80 : index
      %swap3A_262 = tpu.vector_load %arg13[%swap3A_261] {strides = array<i32>} : memref<128xi32, #tpu.memory_space<vmem>>, vector<16xi32>,
      %swap3A_263 = vector.shape_cast %swap3A_262 : vector<16xi32> to vector<16xi32>
      %swap3A_264 = vector.shape_cast %get3A_260 : vector<16xi32> to vector<16xi32>
      tpu.vector_store %arg13[%swap3A_261], %swap3A_264 {strides = array<i32>} : memref<128xi32, #tpu.memory_space<vmem>>, vector<16xi32>,
      %get3A_265 = arith.constant 96 : index
      %get3A_266 = tpu.vector_load %arg10[%get3A_265] {strides = array<i32>} : memref<128xi32, #tpu.memory_space<vmem>>, vector<16xi32>,
      %get3A_267 = vector.shape_cast %get3A_266 : vector<16xi32> to vector<16xi32>
      %swap3A_268 = arith.constant 96 : index
      %swap3A_269 = tpu.vector_load %arg13[%swap3A_268] {strides = array<i32>} : memref<128xi32, #tpu.memory_space<vmem>>, vector<16xi32>,
      %swap3A_270 = vector.shape_cast %swap3A_269 : vector<16xi32> to vector<16xi32>
      %swap3A_271 = vector.shape_cast %get3A_267 : vector<16xi32> to vector<16xi32>
      tpu.vector_store %arg13[%swap3A_268], %swap3A_271 {strides = array<i32>} : memref<128xi32, #tpu.memory_space<vmem>>, vector<16xi32>,
      %get3A_272 = arith.constant 112 : index
      %get3A_273 = tpu.vector_load %arg10[%get3A_272] {strides = array<i32>} : memref<128xi32, #tpu.memory_space<vmem>>, vector<16xi32>,
      %get3A_274 = vector.shape_cast %get3A_273 : vector<16xi32> to vector<16xi32>
      %swap3A_275 = arith.constant 112 : index
      %swap3A_276 = tpu.vector_load %arg13[%swap3A_275] {strides = array<i32>} : memref<128xi32, #tpu.memory_space<vmem>>, vector<16xi32>,
      %swap3A_277 = vector.shape_cast %swap3A_276 : vector<16xi32> to vector<16xi32>
      %swap3A_278 = vector.shape_cast %get3A_274 : vector<16xi32> to vector<16xi32>
      tpu.vector_store %arg13[%swap3A_275], %swap3A_278 {strides = array<i32>} : memref<128xi32, #tpu.memory_space<vmem>>, vector<16xi32>,
      %add3A_279 = arith.constant 3 : i32
      %add3A_280 = arith.addi %add3A_212, %add3A_279 : i32
      %lt3A_281 = arith.constant 79 : i32
      %lt3A_282 = arith.cmpi slt, %add3A_280, %lt3A_281 : i32
      %convert_element_type3A_283 = arith.extui %lt3A_282 : i1 to i32
      %cond3A_284 = arith.constant 0 : i32
      %cond3A_285 = arith.cmpi ne, %convert_element_type3A_283, %cond3A_284 : i32
      scf.if %cond3A_285 {
        %add3A_369 = arith.addi %mul3A_2, %add3A_212 : i32
        %add3A_370 = arith.constant 3 : i32
        %add3A_371 = arith.addi %add3A_369, %add3A_370 : i32
        %dma_start3A_372 = arith.constant 0 : i32
        %dma_start3A_373 = tpu.memref_slice %arg3[%add3A_371, %dma_start3A_372] : memref<2528x128xi32, #tpu.memory_space<hbm>> -> memref<1x128xi32, #tpu.memory_space<hbm>>
        %dma_start3A_374 = tpu.memref_squeeze %dma_start3A_373 : memref<1x128xi32, #tpu.memory_space<hbm>> -> memref<128xi32, #tpu.memory_space<hbm>>
        %dma_start3A_375 = arith.constant 0 : i32
        %dma_start3A_376 = tpu.memref_slice %arg3[%add3A_371, %dma_start3A_375] : memref<2528x128xi32, #tpu.memory_space<hbm>> -> memref<1x128xi32, #tpu.memory_space<hbm>>
        %dma_start3A_377 = tpu.memref_squeeze %dma_start3A_376 : memref<1x128xi32, #tpu.memory_space<hbm>> -> memref<128xi32, #tpu.memory_space<hbm>>
        tpu.enqueue_dma source(%dma_start3A_377 : memref<128xi32, #tpu.memory_space<hbm>>) target(%arg7 : memref<128xi32, #tpu.memory_space<vmem>>) target_semaphore(%arg20 : memref<!tpu.dma_semaphore, #tpu.memory_space<semaphore_mem>>)
        %add3A_378 = arith.addi %mul3A_2, %add3A_212 : i32
        %add3A_379 = arith.constant 3 : i32
        %add3A_380 = arith.addi %add3A_378, %add3A_379 : i32
        %dma_start3A_381 = arith.constant 0 : i32
        %dma_start3A_382 = tpu.memref_slice %arg4[%add3A_380, %dma_start3A_381] : memref<2528x128xi32, #tpu.memory_space<hbm>> -> memref<1x128xi32, #tpu.memory_space<hbm>>
        %dma_start3A_383 = tpu.memref_squeeze %dma_start3A_382 : memref<1x128xi32, #tpu.memory_space<hbm>> -> memref<128xi32, #tpu.memory_space<hbm>>
        %dma_start3A_384 = arith.constant 0 : i32
        %dma_start3A_385 = tpu.memref_slice %arg4[%add3A_380, %dma_start3A_384] : memref<2528x128xi32, #tpu.memory_space<hbm>> -> memref<1x128xi32, #tpu.memory_space<hbm>>
        %dma_start3A_386 = tpu.memref_squeeze %dma_start3A_385 : memref<1x128xi32, #tpu.memory_space<hbm>> -> memref<128xi32, #tpu.memory_space<hbm>>
        tpu.enqueue_dma source(%dma_start3A_386 : memref<128xi32, #tpu.memory_space<hbm>>) target(%arg10 : memref<128xi32, #tpu.memory_space<vmem>>) target_semaphore(%arg20 : memref<!tpu.dma_semaphore, #tpu.memory_space<semaphore_mem>>)
      } else {
      }
      %dma_start3A_286 = arith.constant 0 : i32
      %dma_start3A_287 = arith.constant 0 : i32
      %dma_start3A_288 = tpu.memref_slice %arg18[%dma_start3A_286, %dma_start3A_287] : memref<10016x128xf32, #tpu.memory_space<vmem_shared>> -> memref<10016x128xf32, #tpu.memory_space<vmem_shared>>
      tpu.enqueue_indirect_dma source(%arg16 : memref<128x128xf32, #tpu.memory_space<vmem>>) target(%dma_start3A_288 : memref<10016x128xf32, #tpu.memory_space<vmem_shared>>) offsets(%arg13 : memref<128xi32, #tpu.memory_space<vmem>>) semaphore(%arg26 : memref<!tpu.dma_semaphore, #tpu.memory_space<semaphore_mem>>) {add = true}
      %mul3A_289 = arith.constant 3 : i32
      %mul3A_290 = arith.muli %scan3A_131, %mul3A_289 : i32
      %add3A_291 = arith.constant 2 : i32
      %add3A_292 = arith.addi %mul3A_290, %add3A_291 : i32
      %add3A_293 = arith.constant 2 : i32
      %add3A_294 = arith.addi %add3A_292, %add3A_293 : i32
      %lt3A_295 = arith.constant 79 : i32
      %lt3A_296 = arith.cmpi slt, %add3A_294, %lt3A_295 : i32
      %convert_element_type3A_297 = arith.extui %lt3A_296 : i1 to i32
      %cond3A_298 = arith.constant 0 : i32
      %cond3A_299 = arith.cmpi ne, %convert_element_type3A_297, %cond3A_298 : i32
      scf.if %cond3A_299 {
        %add3A_369 = arith.addi %mul3A_2, %add3A_292 : i32
        %add3A_370 = arith.constant 2 : i32
        %add3A_371 = arith.addi %add3A_369, %add3A_370 : i32
        %dma_wait3A_372 = arith.constant 0 : i32
        %dma_wait3A_373 = tpu.memref_slice %arg3[%add3A_371, %dma_wait3A_372] : memref<2528x128xi32, #tpu.memory_space<hbm>> -> memref<1x128xi32, #tpu.memory_space<hbm>>
        %dma_wait3A_374 = tpu.memref_squeeze %dma_wait3A_373 : memref<1x128xi32, #tpu.memory_space<hbm>> -> memref<128xi32, #tpu.memory_space<hbm>>
        %dma_wait3A_375 = arith.constant 0 : i32
        %dma_wait3A_376 = tpu.memref_slice %arg3[%add3A_371, %dma_wait3A_375] : memref<2528x128xi32, #tpu.memory_space<hbm>> -> memref<1x128xi32, #tpu.memory_space<hbm>>
        %dma_wait3A_377 = tpu.memref_squeeze %dma_wait3A_376 : memref<1x128xi32, #tpu.memory_space<hbm>> -> memref<128xi32, #tpu.memory_space<hbm>>
        tpu.wait_dma2 semaphore(%arg20 : memref<!tpu.dma_semaphore, #tpu.memory_space<semaphore_mem>>) src(%dma_wait3A_377 : memref<128xi32, #tpu.memory_space<hbm>>) dst(%arg7 : memref<128xi32, #tpu.memory_space<vmem>>)
        %add3A_378 = arith.addi %mul3A_2, %add3A_292 : i32
        %add3A_379 = arith.constant 2 : i32
        %add3A_380 = arith.addi %add3A_378, %add3A_379 : i32
        %dma_wait3A_381 = arith.constant 0 : i32
        %dma_wait3A_382 = tpu.memref_slice %arg4[%add3A_380, %dma_wait3A_381] : memref<2528x128xi32, #tpu.memory_space<hbm>> -> memref<1x128xi32, #tpu.memory_space<hbm>>
        %dma_wait3A_383 = tpu.memref_squeeze %dma_wait3A_382 : memref<1x128xi32, #tpu.memory_space<hbm>> -> memref<128xi32, #tpu.memory_space<hbm>>
        %dma_wait3A_384 = arith.constant 0 : i32
        %dma_wait3A_385 = tpu.memref_slice %arg4[%add3A_380, %dma_wait3A_384] : memref<2528x128xi32, #tpu.memory_space<hbm>> -> memref<1x128xi32, #tpu.memory_space<hbm>>
        %dma_wait3A_386 = tpu.memref_squeeze %dma_wait3A_385 : memref<1x128xi32, #tpu.memory_space<hbm>> -> memref<128xi32, #tpu.memory_space<hbm>>
        tpu.wait_dma2 semaphore(%arg20 : memref<!tpu.dma_semaphore, #tpu.memory_space<semaphore_mem>>) src(%dma_wait3A_386 : memref<128xi32, #tpu.memory_space<hbm>>) dst(%arg10 : memref<128xi32, #tpu.memory_space<vmem>>)
        %ge3A = arith.constant 1 : i32
        %ge3A_387 = arith.cmpi sge, %add3A_292, %ge3A : i32
        %convert_element_type3A_388 = arith.extui %ge3A_387 : i1 to i32
        %cond3A_389 = arith.constant 0 : i32
        %cond3A_390 = arith.cmpi ne, %convert_element_type3A_388, %cond3A_389 : i32
        scf.if %cond3A_390 {
          %dma_wait3A_394 = arith.constant 0 : i32
          %dma_wait3A_395 = arith.constant 0 : i32
          %dma_wait3A_396 = tpu.memref_slice %arg18[%dma_wait3A_394, %dma_wait3A_395] : memref<10016x128xf32, #tpu.memory_space<vmem_shared>> -> memref<10016x128xf32, #tpu.memory_space<vmem_shared>>
          tpu.wait_indirect_dma semaphore(%arg26 : memref<!tpu.dma_semaphore, #tpu.memory_space<semaphore_mem>>) src(%arg16 : memref<128x128xf32, #tpu.memory_space<vmem>>) dst(%dma_wait3A_396 : memref<10016x128xf32, #tpu.memory_space<vmem_shared>>)
        } else {
        }
        %dma_start3A_391 = arith.constant 0 : i32
        %dma_start3A_392 = arith.constant 0 : i32
        %dma_start3A_393 = tpu.memref_slice %arg2[%dma_start3A_391, %dma_start3A_392] : memref<10000x128xf32, #tpu.memory_space<hbm>> -> memref<10000x128xf32, #tpu.memory_space<hbm>>
        tpu.enqueue_indirect_dma source(%dma_start3A_393 : memref<10000x128xf32, #tpu.memory_space<hbm>>) target(%arg16 : memref<128x128xf32, #tpu.memory_space<vmem>>) offsets(%arg7 : memref<128xi32, #tpu.memory_space<vmem>>) semaphore(%arg23 : memref<!tpu.dma_semaphore, #tpu.memory_space<semaphore_mem>>)
      } else {
      }
      %dma_wait3A_300 = arith.constant 0 : i32
      %dma_wait3A_301 = arith.constant 0 : i32
      %dma_wait3A_302 = tpu.memref_slice %arg2[%dma_wait3A_300, %dma_wait3A_301] : memref<10000x128xf32, #tpu.memory_space<hbm>> -> memref<10000x128xf32, #tpu.memory_space<hbm>>
      tpu.wait_indirect_dma semaphore(%arg24 : memref<!tpu.dma_semaphore, #tpu.memory_space<semaphore_mem>>) src(%dma_wait3A_302 : memref<10000x128xf32, #tpu.memory_space<hbm>>) dst(%arg17 : memref<128x128xf32, #tpu.memory_space<vmem>>)
      %get3A_303 = arith.constant 0 : index
      %get3A_304 = tpu.vector_load %arg11[%get3A_303] {strides = array<i32>} : memref<128xi32, #tpu.memory_space<vmem>>, vector<16xi32>,
      %get3A_305 = vector.shape_cast %get3A_304 : vector<16xi32> to vector<16xi32>
      %swap3A_306 = arith.constant 0 : index
      %swap3A_307 = tpu.vector_load %arg14[%swap3A_306] {strides = array<i32>} : memref<128xi32, #tpu.memory_space<vmem>>, vector<16xi32>,
      %swap3A_308 = vector.shape_cast %swap3A_307 : vector<16xi32> to vector<16xi32>
      %swap3A_309 = vector.shape_cast %get3A_305 : vector<16xi32> to vector<16xi32>
      tpu.vector_store %arg14[%swap3A_306], %swap3A_309 {strides = array<i32>} : memref<128xi32, #tpu.memory_space<vmem>>, vector<16xi32>,
      %get3A_310 = arith.constant 16 : index
      %get3A_311 = tpu.vector_load %arg11[%get3A_310] {strides = array<i32>} : memref<128xi32, #tpu.memory_space<vmem>>, vector<16xi32>,
      %get3A_312 = vector.shape_cast %get3A_311 : vector<16xi32> to vector<16xi32>
      %swap3A_313 = arith.constant 16 : index
      %swap3A_314 = tpu.vector_load %arg14[%swap3A_313] {strides = array<i32>} : memref<128xi32, #tpu.memory_space<vmem>>, vector<16xi32>,
      %swap3A_315 = vector.shape_cast %swap3A_314 : vector<16xi32> to vector<16xi32>
      %swap3A_316 = vector.shape_cast %get3A_312 : vector<16xi32> to vector<16xi32>
      tpu.vector_store %arg14[%swap3A_313], %swap3A_316 {strides = array<i32>} : memref<128xi32, #tpu.memory_space<vmem>>, vector<16xi32>,
      %get3A_317 = arith.constant 32 : index
      %get3A_318 = tpu.vector_load %arg11[%get3A_317] {strides = array<i32>} : memref<128xi32, #tpu.memory_space<vmem>>, vector<16xi32>,
      %get3A_319 = vector.shape_cast %get3A_318 : vector<16xi32> to vector<16xi32>
      %swap3A_320 = arith.constant 32 : index
      %swap3A_321 = tpu.vector_load %arg14[%swap3A_320] {strides = array<i32>} : memref<128xi32, #tpu.memory_space<vmem>>, vector<16xi32>,
      %swap3A_322 = vector.shape_cast %swap3A_321 : vector<16xi32> to vector<16xi32>
      %swap3A_323 = vector.shape_cast %get3A_319 : vector<16xi32> to vector<16xi32>
      tpu.vector_store %arg14[%swap3A_320], %swap3A_323 {strides = array<i32>} : memref<128xi32, #tpu.memory_space<vmem>>, vector<16xi32>,
      %get3A_324 = arith.constant 48 : index
      %get3A_325 = tpu.vector_load %arg11[%get3A_324] {strides = array<i32>} : memref<128xi32, #tpu.memory_space<vmem>>, vector<16xi32>,
      %get3A_326 = vector.shape_cast %get3A_325 : vector<16xi32> to vector<16xi32>
      %swap3A_327 = arith.constant 48 : index
      %swap3A_328 = tpu.vector_load %arg14[%swap3A_327] {strides = array<i32>} : memref<128xi32, #tpu.memory_space<vmem>>, vector<16xi32>,
      %swap3A_329 = vector.shape_cast %swap3A_328 : vector<16xi32> to vector<16xi32>
      %swap3A_330 = vector.shape_cast %get3A_326 : vector<16xi32> to vector<16xi32>
      tpu.vector_store %arg14[%swap3A_327], %swap3A_330 {strides = array<i32>} : memref<128xi32, #tpu.memory_space<vmem>>, vector<16xi32>,
      %get3A_331 = arith.constant 64 : index
      %get3A_332 = tpu.vector_load %arg11[%get3A_331] {strides = array<i32>} : memref<128xi32, #tpu.memory_space<vmem>>, vector<16xi32>,
      %get3A_333 = vector.shape_cast %get3A_332 : vector<16xi32> to vector<16xi32>
      %swap3A_334 = arith.constant 64 : index
      %swap3A_335 = tpu.vector_load %arg14[%swap3A_334] {strides = array<i32>} : memref<128xi32, #tpu.memory_space<vmem>>, vector<16xi32>,
      %swap3A_336 = vector.shape_cast %swap3A_335 : vector<16xi32> to vector<16xi32>
      %swap3A_337 = vector.shape_cast %get3A_333 : vector<16xi32> to vector<16xi32>
      tpu.vector_store %arg14[%swap3A_334], %swap3A_337 {strides = array<i32>} : memref<128xi32, #tpu.memory_space<vmem>>, vector<16xi32>,
      %get3A_338 = arith.constant 80 : index
      %get3A_339 = tpu.vector_load %arg11[%get3A_338] {strides = array<i32>} : memref<128xi32, #tpu.memory_space<vmem>>, vector<16xi32>,
      %get3A_340 = vector.shape_cast %get3A_339 : vector<16xi32> to vector<16xi32>
      %swap3A_341 = arith.constant 80 : index
      %swap3A_342 = tpu.vector_load %arg14[%swap3A_341] {strides = array<i32>} : memref<128xi32, #tpu.memory_space<vmem>>, vector<16xi32>,
      %swap3A_343 = vector.shape_cast %swap3A_342 : vector<16xi32> to vector<16xi32>
      %swap3A_344 = vector.shape_cast %get3A_340 : vector<16xi32> to vector<16xi32>
      tpu.vector_store %arg14[%swap3A_341], %swap3A_344 {strides = array<i32>} : memref<128xi32, #tpu.memory_space<vmem>>, vector<16xi32>,
      %get3A_345 = arith.constant 96 : index
      %get3A_346 = tpu.vector_load %arg11[%get3A_345] {strides = array<i32>} : memref<128xi32, #tpu.memory_space<vmem>>, vector<16xi32>,
      %get3A_347 = vector.shape_cast %get3A_346 : vector<16xi32> to vector<16xi32>
      %swap3A_348 = arith.constant 96 : index
      %swap3A_349 = tpu.vector_load %arg14[%swap3A_348] {strides = array<i32>} : memref<128xi32, #tpu.memory_space<vmem>>, vector<16xi32>,
      %swap3A_350 = vector.shape_cast %swap3A_349 : vector<16xi32> to vector<16xi32>
      %swap3A_351 = vector.shape_cast %get3A_347 : vector<16xi32> to vector<16xi32>
      tpu.vector_store %arg14[%swap3A_348], %swap3A_351 {strides = array<i32>} : memref<128xi32, #tpu.memory_space<vmem>>, vector<16xi32>,
      %get3A_352 = arith.constant 112 : index
      %get3A_353 = tpu.vector_load %arg11[%get3A_352] {strides = array<i32>} : memref<128xi32, #tpu.memory_space<vmem>>, vector<16xi32>,
      %get3A_354 = vector.shape_cast %get3A_353 : vector<16xi32> to vector<16xi32>
      %swap3A_355 = arith.constant 112 : index
      %swap3A_356 = tpu.vector_load %arg14[%swap3A_355] {strides = array<i32>} : memref<128xi32, #tpu.memory_space<vmem>>, vector<16xi32>,
      %swap3A_357 = vector.shape_cast %swap3A_356 : vector<16xi32> to vector<16xi32>
      %swap3A_358 = vector.shape_cast %get3A_354 : vector<16xi32> to vector<16xi32>
      tpu.vector_store %arg14[%swap3A_355], %swap3A_358 {strides = array<i32>} : memref<128xi32, #tpu.memory_space<vmem>>, vector<16xi32>,
      %add3A_359 = arith.constant 3 : i32
      %add3A_360 = arith.addi %add3A_292, %add3A_359 : i32
      %lt3A_361 = arith.constant 79 : i32
      %lt3A_362 = arith.cmpi slt, %add3A_360, %lt3A_361 : i32
      %convert_element_type3A_363 = arith.extui %lt3A_362 : i1 to i32
      %cond3A_364 = arith.constant 0 : i32
      %cond3A_365 = arith.cmpi ne, %convert_element_type3A_363, %cond3A_364 : i32
      scf.if %cond3A_365 {
        %add3A_369 = arith.addi %mul3A_2, %add3A_292 : i32
        %add3A_370 = arith.constant 3 : i32
        %add3A_371 = arith.addi %add3A_369, %add3A_370 : i32
        %dma_start3A_372 = arith.constant 0 : i32
        %dma_start3A_373 = tpu.memref_slice %arg3[%add3A_371, %dma_start3A_372] : memref<2528x128xi32, #tpu.memory_space<hbm>> -> memref<1x128xi32, #tpu.memory_space<hbm>>
        %dma_start3A_374 = tpu.memref_squeeze %dma_start3A_373 : memref<1x128xi32, #tpu.memory_space<hbm>> -> memref<128xi32, #tpu.memory_space<hbm>>
        %dma_start3A_375 = arith.constant 0 : i32
        %dma_start3A_376 = tpu.memref_slice %arg3[%add3A_371, %dma_start3A_375] : memref<2528x128xi32, #tpu.memory_space<hbm>> -> memref<1x128xi32, #tpu.memory_space<hbm>>
        %dma_start3A_377 = tpu.memref_squeeze %dma_start3A_376 : memref<1x128xi32, #tpu.memory_space<hbm>> -> memref<128xi32, #tpu.memory_space<hbm>>
        tpu.enqueue_dma source(%dma_start3A_377 : memref<128xi32, #tpu.memory_space<hbm>>) target(%arg8 : memref<128xi32, #tpu.memory_space<vmem>>) target_semaphore(%arg21 : memref<!tpu.dma_semaphore, #tpu.memory_space<semaphore_mem>>)
        %add3A_378 = arith.addi %mul3A_2, %add3A_292 : i32
        %add3A_379 = arith.constant 3 : i32
        %add3A_380 = arith.addi %add3A_378, %add3A_379 : i32
        %dma_start3A_381 = arith.constant 0 : i32
        %dma_start3A_382 = tpu.memref_slice %arg4[%add3A_380, %dma_start3A_381] : memref<2528x128xi32, #tpu.memory_space<hbm>> -> memref<1x128xi32, #tpu.memory_space<hbm>>
        %dma_start3A_383 = tpu.memref_squeeze %dma_start3A_382 : memref<1x128xi32, #tpu.memory_space<hbm>> -> memref<128xi32, #tpu.memory_space<hbm>>
        %dma_start3A_384 = arith.constant 0 : i32
        %dma_start3A_385 = tpu.memref_slice %arg4[%add3A_380, %dma_start3A_384] : memref<2528x128xi32, #tpu.memory_space<hbm>> -> memref<1x128xi32, #tpu.memory_space<hbm>>
        %dma_start3A_386 = tpu.memref_squeeze %dma_start3A_385 : memref<1x128xi32, #tpu.memory_space<hbm>> -> memref<128xi32, #tpu.memory_space<hbm>>
        tpu.enqueue_dma source(%dma_start3A_386 : memref<128xi32, #tpu.memory_space<hbm>>) target(%arg11 : memref<128xi32, #tpu.memory_space<vmem>>) target_semaphore(%arg21 : memref<!tpu.dma_semaphore, #tpu.memory_space<semaphore_mem>>)
      } else {
      }
      %dma_start3A_366 = arith.constant 0 : i32
      %dma_start3A_367 = arith.constant 0 : i32
      %dma_start3A_368 = tpu.memref_slice %arg18[%dma_start3A_366, %dma_start3A_367] : memref<10016x128xf32, #tpu.memory_space<vmem_shared>> -> memref<10016x128xf32, #tpu.memory_space<vmem_shared>>
      tpu.enqueue_indirect_dma source(%arg17 : memref<128x128xf32, #tpu.memory_space<vmem>>) target(%dma_start3A_368 : memref<10016x128xf32, #tpu.memory_space<vmem_shared>>) offsets(%arg14 : memref<128xi32, #tpu.memory_space<vmem>>) semaphore(%arg27 : memref<!tpu.dma_semaphore, #tpu.memory_space<semaphore_mem>>) {add = true}
    }
    %scan3A_56 = arith.constant 26 : i32
    %dma_wait3A = arith.constant 0 : i32
    %dma_wait3A_57 = arith.constant 0 : i32
    %dma_wait3A_58 = tpu.memref_slice %arg2[%dma_wait3A, %dma_wait3A_57] : memref<10000x128xf32, #tpu.memory_space<hbm>> -> memref<10000x128xf32, #tpu.memory_space<hbm>>
    tpu.wait_indirect_dma semaphore(%arg22 : memref<!tpu.dma_semaphore, #tpu.memory_space<semaphore_mem>>) src(%dma_wait3A_58 : memref<10000x128xf32, #tpu.memory_space<hbm>>) dst(%arg15 : memref<128x128xf32, #tpu.memory_space<vmem>>)
    %get3A = arith.constant 0 : index
    %get3A_59 = tpu.vector_load %arg9[%get3A] {strides = array<i32>} : memref<128xi32, #tpu.memory_space<vmem>>, vector<16xi32>,
    %get3A_60 = vector.shape_cast %get3A_59 : vector<16xi32> to vector<16xi32>
    %swap3A = arith.constant 0 : index
    %swap3A_61 = tpu.vector_load %arg12[%swap3A] {strides = array<i32>} : memref<128xi32, #tpu.memory_space<vmem>>, vector<16xi32>,
    %swap3A_62 = vector.shape_cast %swap3A_61 : vector<16xi32> to vector<16xi32>
    %swap3A_63 = vector.shape_cast %get3A_60 : vector<16xi32> to vector<16xi32>
    tpu.vector_store %arg12[%swap3A], %swap3A_63 {strides = array<i32>} : memref<128xi32, #tpu.memory_space<vmem>>, vector<16xi32>,
    %get3A_64 = arith.constant 16 : index
    %get3A_65 = tpu.vector_load %arg9[%get3A_64] {strides = array<i32>} : memref<128xi32, #tpu.memory_space<vmem>>, vector<16xi32>,
    %get3A_66 = vector.shape_cast %get3A_65 : vector<16xi32> to vector<16xi32>
    %swap3A_67 = arith.constant 16 : index
    %swap3A_68 = tpu.vector_load %arg12[%swap3A_67] {strides = array<i32>} : memref<128xi32, #tpu.memory_space<vmem>>, vector<16xi32>,
    %swap3A_69 = vector.shape_cast %swap3A_68 : vector<16xi32> to vector<16xi32>
    %swap3A_70 = vector.shape_cast %get3A_66 : vector<16xi32> to vector<16xi32>
    tpu.vector_store %arg12[%swap3A_67], %swap3A_70 {strides = array<i32>} : memref<128xi32, #tpu.memory_space<vmem>>, vector<16xi32>,
    %get3A_71 = arith.constant 32 : index
    %get3A_72 = tpu.vector_load %arg9[%get3A_71] {strides = array<i32>} : memref<128xi32, #tpu.memory_space<vmem>>, vector<16xi32>,
    %get3A_73 = vector.shape_cast %get3A_72 : vector<16xi32> to vector<16xi32>
    %swap3A_74 = arith.constant 32 : index
    %swap3A_75 = tpu.vector_load %arg12[%swap3A_74] {strides = array<i32>} : memref<128xi32, #tpu.memory_space<vmem>>, vector<16xi32>,
    %swap3A_76 = vector.shape_cast %swap3A_75 : vector<16xi32> to vector<16xi32>
    %swap3A_77 = vector.shape_cast %get3A_73 : vector<16xi32> to vector<16xi32>
    tpu.vector_store %arg12[%swap3A_74], %swap3A_77 {strides = array<i32>} : memref<128xi32, #tpu.memory_space<vmem>>, vector<16xi32>,
    %get3A_78 = arith.constant 48 : index
    %get3A_79 = tpu.vector_load %arg9[%get3A_78] {strides = array<i32>} : memref<128xi32, #tpu.memory_space<vmem>>, vector<16xi32>,
    %get3A_80 = vector.shape_cast %get3A_79 : vector<16xi32> to vector<16xi32>
    %swap3A_81 = arith.constant 48 : index
    %swap3A_82 = tpu.vector_load %arg12[%swap3A_81] {strides = array<i32>} : memref<128xi32, #tpu.memory_space<vmem>>, vector<16xi32>,
    %swap3A_83 = vector.shape_cast %swap3A_82 : vector<16xi32> to vector<16xi32>
    %swap3A_84 = vector.shape_cast %get3A_80 : vector<16xi32> to vector<16xi32>
    tpu.vector_store %arg12[%swap3A_81], %swap3A_84 {strides = array<i32>} : memref<128xi32, #tpu.memory_space<vmem>>, vector<16xi32>,
    %get3A_85 = arith.constant 64 : index
    %get3A_86 = tpu.vector_load %arg9[%get3A_85] {strides = array<i32>} : memref<128xi32, #tpu.memory_space<vmem>>, vector<16xi32>,
    %get3A_87 = vector.shape_cast %get3A_86 : vector<16xi32> to vector<16xi32>
    %swap3A_88 = arith.constant 64 : index
    %swap3A_89 = tpu.vector_load %arg12[%swap3A_88] {strides = array<i32>} : memref<128xi32, #tpu.memory_space<vmem>>, vector<16xi32>,
    %swap3A_90 = vector.shape_cast %swap3A_89 : vector<16xi32> to vector<16xi32>
    %swap3A_91 = vector.shape_cast %get3A_87 : vector<16xi32> to vector<16xi32>
    tpu.vector_store %arg12[%swap3A_88], %swap3A_91 {strides = array<i32>} : memref<128xi32, #tpu.memory_space<vmem>>, vector<16xi32>,
    %get3A_92 = arith.constant 80 : index
    %get3A_93 = tpu.vector_load %arg9[%get3A_92] {strides = array<i32>} : memref<128xi32, #tpu.memory_space<vmem>>, vector<16xi32>,
    %get3A_94 = vector.shape_cast %get3A_93 : vector<16xi32> to vector<16xi32>
    %swap3A_95 = arith.constant 80 : index
    %swap3A_96 = tpu.vector_load %arg12[%swap3A_95] {strides = array<i32>} : memref<128xi32, #tpu.memory_space<vmem>>, vector<16xi32>,
    %swap3A_97 = vector.shape_cast %swap3A_96 : vector<16xi32> to vector<16xi32>
    %swap3A_98 = vector.shape_cast %get3A_94 : vector<16xi32> to vector<16xi32>
    tpu.vector_store %arg12[%swap3A_95], %swap3A_98 {strides = array<i32>} : memref<128xi32, #tpu.memory_space<vmem>>, vector<16xi32>,
    %get3A_99 = arith.constant 96 : index
    %get3A_100 = tpu.vector_load %arg9[%get3A_99] {strides = array<i32>} : memref<128xi32, #tpu.memory_space<vmem>>, vector<16xi32>,
    %get3A_101 = vector.shape_cast %get3A_100 : vector<16xi32> to vector<16xi32>
    %swap3A_102 = arith.constant 96 : index
    %swap3A_103 = tpu.vector_load %arg12[%swap3A_102] {strides = array<i32>} : memref<128xi32, #tpu.memory_space<vmem>>, vector<16xi32>,
    %swap3A_104 = vector.shape_cast %swap3A_103 : vector<16xi32> to vector<16xi32>
    %swap3A_105 = vector.shape_cast %get3A_101 : vector<16xi32> to vector<16xi32>
    tpu.vector_store %arg12[%swap3A_102], %swap3A_105 {strides = array<i32>} : memref<128xi32, #tpu.memory_space<vmem>>, vector<16xi32>,
    %get3A_106 = arith.constant 112 : index
    %get3A_107 = tpu.vector_load %arg9[%get3A_106] {strides = array<i32>} : memref<128xi32, #tpu.memory_space<vmem>>, vector<16xi32>,
    %get3A_108 = vector.shape_cast %get3A_107 : vector<16xi32> to vector<16xi32>
    %swap3A_109 = arith.constant 112 : index
    %swap3A_110 = tpu.vector_load %arg12[%swap3A_109] {strides = array<i32>} : memref<128xi32, #tpu.memory_space<vmem>>, vector<16xi32>,
    %swap3A_111 = vector.shape_cast %swap3A_110 : vector<16xi32> to vector<16xi32>
    %swap3A_112 = vector.shape_cast %get3A_108 : vector<16xi32> to vector<16xi32>
    tpu.vector_store %arg12[%swap3A_109], %swap3A_112 {strides = array<i32>} : memref<128xi32, #tpu.memory_space<vmem>>, vector<16xi32>,
    %dma_start3A_113 = arith.constant 0 : i32
    %dma_start3A_114 = arith.constant 0 : i32
    %dma_start3A_115 = tpu.memref_slice %arg18[%dma_start3A_113, %dma_start3A_114] : memref<10016x128xf32, #tpu.memory_space<vmem_shared>> -> memref<10016x128xf32, #tpu.memory_space<vmem_shared>>
    tpu.enqueue_indirect_dma source(%arg15 : memref<128x128xf32, #tpu.memory_space<vmem>>) target(%dma_start3A_115 : memref<10016x128xf32, #tpu.memory_space<vmem_shared>>) offsets(%arg12 : memref<128xi32, #tpu.memory_space<vmem>>) semaphore(%arg25 : memref<!tpu.dma_semaphore, #tpu.memory_space<semaphore_mem>>) {add = true}
    %dma_wait3A_116 = arith.constant 0 : i32
    %dma_wait3A_117 = arith.constant 0 : i32
    %dma_wait3A_118 = tpu.memref_slice %arg18[%dma_wait3A_116, %dma_wait3A_117] : memref<10016x128xf32, #tpu.memory_space<vmem_shared>> -> memref<10016x128xf32, #tpu.memory_space<vmem_shared>>
    tpu.wait_indirect_dma semaphore(%arg26 : memref<!tpu.dma_semaphore, #tpu.memory_space<semaphore_mem>>) src(%arg16 : memref<128x128xf32, #tpu.memory_space<vmem>>) dst(%dma_wait3A_118 : memref<10016x128xf32, #tpu.memory_space<vmem_shared>>)
    %dma_wait3A_119 = arith.constant 0 : i32
    %dma_wait3A_120 = arith.constant 0 : i32
    %dma_wait3A_121 = tpu.memref_slice %arg18[%dma_wait3A_119, %dma_wait3A_120] : memref<10016x128xf32, #tpu.memory_space<vmem_shared>> -> memref<10016x128xf32, #tpu.memory_space<vmem_shared>>
    tpu.wait_indirect_dma semaphore(%arg27 : memref<!tpu.dma_semaphore, #tpu.memory_space<semaphore_mem>>) src(%arg17 : memref<128x128xf32, #tpu.memory_space<vmem>>) dst(%dma_wait3A_121 : memref<10016x128xf32, #tpu.memory_space<vmem_shared>>)
    %dma_wait3A_122 = arith.constant 0 : i32
    %dma_wait3A_123 = arith.constant 0 : i32
    %dma_wait3A_124 = tpu.memref_slice %arg18[%dma_wait3A_122, %dma_wait3A_123] : memref<10016x128xf32, #tpu.memory_space<vmem_shared>> -> memref<10016x128xf32, #tpu.memory_space<vmem_shared>>
    tpu.wait_indirect_dma semaphore(%arg25 : memref<!tpu.dma_semaphore, #tpu.memory_space<semaphore_mem>>) src(%arg15 : memref<128x128xf32, #tpu.memory_space<vmem>>) dst(%dma_wait3A_124 : memref<10016x128xf32, #tpu.memory_space<vmem_shared>>)
    %barrier3A_125 = arith.constant 0 : index
    tpu.barrier barrier_id(%barrier3A_125)
    "tpu.region"() ({
      %run_scoped3A = tpu.sem_alloc : memref<!tpu.dma_semaphore, #tpu.memory_space<semaphore_mem>>
      %dma_start3A_131 = arith.constant 0 : i32
      %dma_start3A_132 = tpu.memref_slice %arg5[%arg0, %mul3A_38, %dma_start3A_131] : memref<2x10000x128xf32, #tpu.memory_space<hbm>> -> memref<1x624x128xf32, #tpu.memory_space<hbm>>
      %dma_start3A_133 = tpu.memref_squeeze %dma_start3A_132 : memref<1x624x128xf32, #tpu.memory_space<hbm>> -> memref<624x128xf32, #tpu.memory_space<hbm>>
      %dma_start3A_134 = arith.constant 0 : i32
      %dma_start3A_135 = tpu.memref_slice %arg18[%mul3A_38, %dma_start3A_134] : memref<10016x128xf32, #tpu.memory_space<vmem_shared>> -> memref<624x128xf32, #tpu.memory_space<vmem_shared>>
      tpu.enqueue_dma source(%dma_start3A_135 : memref<624x128xf32, #tpu.memory_space<vmem_shared>>) target(%dma_start3A_133 : memref<624x128xf32, #tpu.memory_space<hbm>>) target_semaphore(%run_scoped3A : memref<!tpu.dma_semaphore, #tpu.memory_space<semaphore_mem>>)
      %dma_wait3A_136 = arith.constant 0 : i32
      %dma_wait3A_137 = tpu.memref_slice %arg5[%arg0, %mul3A_38, %dma_wait3A_136] : memref<2x10000x128xf32, #tpu.memory_space<hbm>> -> memref<1x624x128xf32, #tpu.memory_space<hbm>>
      %dma_wait3A_138 = tpu.memref_squeeze %dma_wait3A_137 : memref<1x624x128xf32, #tpu.memory_space<hbm>> -> memref<624x128xf32, #tpu.memory_space<hbm>>
      %dma_wait3A_139 = arith.constant 0 : i32
      %dma_wait3A_140 = tpu.memref_slice %arg18[%mul3A_38, %dma_wait3A_139] : memref<10016x128xf32, #tpu.memory_space<vmem_shared>> -> memref<624x128xf32, #tpu.memory_space<vmem_shared>>
      tpu.wait_dma2 semaphore(%run_scoped3A : memref<!tpu.dma_semaphore, #tpu.memory_space<semaphore_mem>>) src(%dma_wait3A_140 : memref<624x128xf32, #tpu.memory_space<vmem_shared>>) dst(%dma_wait3A_138 : memref<624x128xf32, #tpu.memory_space<hbm>>)
      tpu.yield
    }) : () -> ()
    %eq3A_126 = arith.constant 15 : i32
    %eq3A_127 = arith.cmpi eq, %arg1, %eq3A_126 : i32
    %convert_element_type3A_128 = arith.extui %eq3A_127 : i1 to i32
    %cond3A_129 = arith.constant 0 : i32
    %cond3A_130 = arith.cmpi ne, %convert_element_type3A_128, %cond3A_129 : i32
    scf.if %cond3A_130 {
      "tpu.region"() ({
        %run_scoped3A = tpu.sem_alloc : memref<!tpu.dma_semaphore, #tpu.memory_space<semaphore_mem>>
        %dma_start3A_131 = arith.constant 9984 : i32
        %dma_start3A_132 = arith.constant 0 : i32
        %dma_start3A_133 = tpu.memref_slice %arg5[%arg0, %dma_start3A_131, %dma_start3A_132] : memref<2x10000x128xf32, #tpu.memory_space<hbm>> -> memref<1x16x128xf32, #tpu.memory_space<hbm>>
        %dma_start3A_134 = tpu.memref_squeeze %dma_start3A_133 : memref<1x16x128xf32, #tpu.memory_space<hbm>> -> memref<16x128xf32, #tpu.memory_space<hbm>>
        %dma_start3A_135 = arith.constant 9984 : i32
        %dma_start3A_136 = arith.constant 0 : i32
        %dma_start3A_137 = tpu.memref_slice %arg18[%dma_start3A_135, %dma_start3A_136] : memref<10016x128xf32, #tpu.memory_space<vmem_shared>> -> memref<16x128xf32, #tpu.memory_space<vmem_shared>>
        tpu.enqueue_dma source(%dma_start3A_137 : memref<16x128xf32, #tpu.memory_space<vmem_shared>>) target(%dma_start3A_134 : memref<16x128xf32, #tpu.memory_space<hbm>>) target_semaphore(%run_scoped3A : memref<!tpu.dma_semaphore, #tpu.memory_space<semaphore_mem>>)
        %dma_wait3A_138 = arith.constant 9984 : i32
        %dma_wait3A_139 = arith.constant 0 : i32
        %dma_wait3A_140 = tpu.memref_slice %arg5[%arg0, %dma_wait3A_138, %dma_wait3A_139] : memref<2x10000x128xf32, #tpu.memory_space<hbm>> -> memref<1x16x128xf32, #tpu.memory_space<hbm>>
        %dma_wait3A_141 = tpu.memref_squeeze %dma_wait3A_140 : memref<1x16x128xf32, #tpu.memory_space<hbm>> -> memref<16x128xf32, #tpu.memory_space<hbm>>
        %dma_wait3A_142 = arith.constant 9984 : i32
        %dma_wait3A_143 = arith.constant 0 : i32
        %dma_wait3A_144 = tpu.memref_slice %arg18[%dma_wait3A_142, %dma_wait3A_143] : memref<10016x128xf32, #tpu.memory_space<vmem_shared>> -> memref<16x128xf32, #tpu.memory_space<vmem_shared>>
        tpu.wait_dma2 semaphore(%run_scoped3A : memref<!tpu.dma_semaphore, #tpu.memory_space<semaphore_mem>>) src(%dma_wait3A_144 : memref<16x128xf32, #tpu.memory_space<vmem_shared>>) dst(%dma_wait3A_141 : memref<16x128xf32, #tpu.memory_space<hbm>>)
        tpu.yield
      }) : () -> ()
    } else {
    }
    return
  }
}

#map = affine_map<(d0, d1) -> (0, 0)>
#map1 = affine_map<(d0, d1) -> (0, 0, 0)>
module attributes {stable_mosaic.version = 14 : i64} {
  func.func @agg_kernel(%arg0: i32, %arg1: i32, %arg2: memref<10000x128xf32, #tpu.memory_space<hbm>>, %arg3: memref<2528x128xi32, #tpu.memory_space<hbm>>, %arg4: memref<2528x128xi32, #tpu.memory_space<hbm>>, %arg5: memref<2x10000x128xf32, #tpu.memory_space<hbm>>, %arg6: memref<128xi32, #tpu.memory_space<vmem>>, %arg7: memref<128xi32, #tpu.memory_space<vmem>>, %arg8: memref<128xi32, #tpu.memory_space<vmem>>, %arg9: memref<128xi32, #tpu.memory_space<vmem>>, %arg10: memref<128xi32, #tpu.memory_space<vmem>>, %arg11: memref<128xi32, #tpu.memory_space<vmem>>, %arg12: memref<128xi32, #tpu.memory_space<vmem>>, %arg13: memref<128xi32, #tpu.memory_space<vmem>>, %arg14: memref<128xi32, #tpu.memory_space<vmem>>, %arg15: memref<128x128xf32, #tpu.memory_space<vmem>>, %arg16: memref<128x128xf32, #tpu.memory_space<vmem>>, %arg17: memref<128x128xf32, #tpu.memory_space<vmem>>, %arg18: memref<10016x128xf32, #tpu.memory_space<vmem_shared>>, %arg19: memref<!tpu.dma_semaphore, #tpu.memory_space<semaphore_mem>>, %arg20: memref<!tpu.dma_semaphore, #tpu.memory_space<semaphore_mem>>, %arg21: memref<!tpu.dma_semaphore, #tpu.memory_space<semaphore_mem>>, %arg22: memref<!tpu.dma_semaphore, #tpu.memory_space<semaphore_mem>>, %arg23: memref<!tpu.dma_semaphore, #tpu.memory_space<semaphore_mem>>, %arg24: memref<!tpu.dma_semaphore, #tpu.memory_space<semaphore_mem>>, %arg25: memref<!tpu.dma_semaphore, #tpu.memory_space<semaphore_mem>>, %arg26: memref<!tpu.dma_semaphore, #tpu.memory_space<semaphore_mem>>, %arg27: memref<!tpu.dma_semaphore, #tpu.memory_space<semaphore_mem>>) attributes {dimension_semantics = [#tpu.dimension_semantics<core_parallel>, #tpu.dimension_semantics<subcore_parallel>], iteration_bounds = array<i64: 2, 16>, scalar_prefetch = 0 : i64, scratch_operands = 22 : i64, tpu.core_type = #tpu.core_type<sc_vector_subcore>, window_params = [{transform_indices = #map}, {transform_indices = #map}, {transform_indices = #map}, {transform_indices = #map1}]} {
    %mul3A = arith.constant 2 : i32
    %mul3A_0 = arith.muli %arg1, %mul3A : i32
    %add3A = arith.addi %mul3A_0, %arg0 : i32
    %mul3A_1 = arith.constant 79 : i32
    %mul3A_2 = arith.muli %add3A, %mul3A_1 : i32
    %add3A_3 = arith.constant 0 : i32
    %add3A_4 = arith.addi %mul3A_2, %add3A_3 : i32
    "tpu.region"() ({
      %run_scoped3A = tpu.sem_alloc : memref<!tpu.dma_semaphore, #tpu.memory_space<semaphore_mem>>
      %dma_start3A_131 = arith.constant 0 : i32
      %dma_start3A_132 = tpu.memref_slice %arg3[%add3A_4, %dma_start3A_131] : memref<2528x128xi32, #tpu.memory_space<hbm>> -> memref<1x128xi32, #tpu.memory_space<hbm>>
      %dma_start3A_133 = tpu.memref_squeeze %dma_start3A_132 : memref<1x128xi32, #tpu.memory_space<hbm>> -> memref<128xi32, #tpu.memory_space<hbm>>
      %dma_start3A_134 = arith.constant 0 : i32
      %dma_start3A_135 = tpu.memref_slice %arg3[%add3A_4, %dma_start3A_134] : memref<2528x128xi32, #tpu.memory_space<hbm>> -> memref<1x128xi32, #tpu.memory_space<hbm>>
      %dma_start3A_136 = tpu.memref_squeeze %dma_start3A_135 : memref<1x128xi32, #tpu.memory_space<hbm>> -> memref<128xi32, #tpu.memory_space<hbm>>
      tpu.enqueue_dma source(%dma_start3A_136 : memref<128xi32, #tpu.memory_space<hbm>>) target(%arg6 : memref<128xi32, #tpu.memory_space<vmem>>) target_semaphore(%run_scoped3A : memref<!tpu.dma_semaphore, #tpu.memory_space<semaphore_mem>>)
      %dma_wait3A_137 = arith.constant 0 : i32
      %dma_wait3A_138 = tpu.memref_slice %arg3[%add3A_4, %dma_wait3A_137] : memref<2528x128xi32, #tpu.memory_space<hbm>> -> memref<1x128xi32, #tpu.memory_space<hbm>>
      %dma_wait3A_139 = tpu.memref_squeeze %dma_wait3A_138 : memref<1x128xi32, #tpu.memory_space<hbm>> -> memref<128xi32, #tpu.memory_space<hbm>>
      %dma_wait3A_140 = arith.constant 0 : i32
      %dma_wait3A_141 = tpu.memref_slice %arg3[%add3A_4, %dma_wait3A_140] : memref<2528x128xi32, #tpu.memory_space<hbm>> -> memref<1x128xi32, #tpu.memory_space<hbm>>
      %dma_wait3A_142 = tpu.memref_squeeze %dma_wait3A_141 : memref<1x128xi32, #tpu.memory_space<hbm>> -> memref<128xi32, #tpu.memory_space<hbm>>
      tpu.wait_dma2 semaphore(%run_scoped3A : memref<!tpu.dma_semaphore, #tpu.memory_space<semaphore_mem>>) src(%dma_wait3A_142 : memref<128xi32, #tpu.memory_space<hbm>>) dst(%arg6 : memref<128xi32, #tpu.memory_space<vmem>>)
      tpu.yield
    }) : () -> ()
    %add3A_5 = arith.constant 0 : i32
    %add3A_6 = arith.addi %mul3A_2, %add3A_5 : i32
    "tpu.region"() ({
      %run_scoped3A = tpu.sem_alloc : memref<!tpu.dma_semaphore, #tpu.memory_space<semaphore_mem>>
      %dma_start3A_131 = arith.constant 0 : i32
      %dma_start3A_132 = tpu.memref_slice %arg4[%add3A_6, %dma_start3A_131] : memref<2528x128xi32, #tpu.memory_space<hbm>> -> memref<1x128xi32, #tpu.memory_space<hbm>>
      %dma_start3A_133 = tpu.memref_squeeze %dma_start3A_132 : memref<1x128xi32, #tpu.memory_space<hbm>> -> memref<128xi32, #tpu.memory_space<hbm>>
      %dma_start3A_134 = arith.constant 0 : i32
      %dma_start3A_135 = tpu.memref_slice %arg4[%add3A_6, %dma_start3A_134] : memref<2528x128xi32, #tpu.memory_space<hbm>> -> memref<1x128xi32, #tpu.memory_space<hbm>>
      %dma_start3A_136 = tpu.memref_squeeze %dma_start3A_135 : memref<1x128xi32, #tpu.memory_space<hbm>> -> memref<128xi32, #tpu.memory_space<hbm>>
      tpu.enqueue_dma source(%dma_start3A_136 : memref<128xi32, #tpu.memory_space<hbm>>) target(%arg9 : memref<128xi32, #tpu.memory_space<vmem>>) target_semaphore(%run_scoped3A : memref<!tpu.dma_semaphore, #tpu.memory_space<semaphore_mem>>)
      %dma_wait3A_137 = arith.constant 0 : i32
      %dma_wait3A_138 = tpu.memref_slice %arg4[%add3A_6, %dma_wait3A_137] : memref<2528x128xi32, #tpu.memory_space<hbm>> -> memref<1x128xi32, #tpu.memory_space<hbm>>
      %dma_wait3A_139 = tpu.memref_squeeze %dma_wait3A_138 : memref<1x128xi32, #tpu.memory_space<hbm>> -> memref<128xi32, #tpu.memory_space<hbm>>
      %dma_wait3A_140 = arith.constant 0 : i32
      %dma_wait3A_141 = tpu.memref_slice %arg4[%add3A_6, %dma_wait3A_140] : memref<2528x128xi32, #tpu.memory_space<hbm>> -> memref<1x128xi32, #tpu.memory_space<hbm>>
      %dma_wait3A_142 = tpu.memref_squeeze %dma_wait3A_141 : memref<1x128xi32, #tpu.memory_space<hbm>> -> memref<128xi32, #tpu.memory_space<hbm>>
      tpu.wait_dma2 semaphore(%run_scoped3A : memref<!tpu.dma_semaphore, #tpu.memory_space<semaphore_mem>>) src(%dma_wait3A_142 : memref<128xi32, #tpu.memory_space<hbm>>) dst(%arg9 : memref<128xi32, #tpu.memory_space<vmem>>)
      tpu.yield
    }) : () -> ()
    %dma_start3A = arith.constant 0 : i32
    %dma_start3A_7 = arith.constant 0 : i32
    %dma_start3A_8 = tpu.memref_slice %arg2[%dma_start3A, %dma_start3A_7] : memref<10000x128xf32, #tpu.memory_space<hbm>> -> memref<10000x128xf32, #tpu.memory_space<hbm>>
    tpu.enqueue_indirect_dma source(%dma_start3A_8 : memref<10000x128xf32, #tpu.memory_space<hbm>>) target(%arg15 : memref<128x128xf32, #tpu.memory_space<vmem>>) offsets(%arg6 : memref<128xi32, #tpu.memory_space<vmem>>) semaphore(%arg22 : memref<!tpu.dma_semaphore, #tpu.memory_space<semaphore_mem>>)
    %add3A_9 = arith.constant 1 : i32
    %add3A_10 = arith.addi %mul3A_2, %add3A_9 : i32
    "tpu.region"() ({
      %run_scoped3A = tpu.sem_alloc : memref<!tpu.dma_semaphore, #tpu.memory_space<semaphore_mem>>
      %dma_start3A_131 = arith.constant 0 : i32
      %dma_start3A_132 = tpu.memref_slice %arg3[%add3A_10, %dma_start3A_131] : memref<2528x128xi32, #tpu.memory_space<hbm>> -> memref<1x128xi32, #tpu.memory_space<hbm>>
      %dma_start3A_133 = tpu.memref_squeeze %dma_start3A_132 : memref<1x128xi32, #tpu.memory_space<hbm>> -> memref<128xi32, #tpu.memory_space<hbm>>
      %dma_start3A_134 = arith.constant 0 : i32
      %dma_start3A_135 = tpu.memref_slice %arg3[%add3A_10, %dma_start3A_134] : memref<2528x128xi32, #tpu.memory_space<hbm>> -> memref<1x128xi32, #tpu.memory_space<hbm>>
      %dma_start3A_136 = tpu.memref_squeeze %dma_start3A_135 : memref<1x128xi32, #tpu.memory_space<hbm>> -> memref<128xi32, #tpu.memory_space<hbm>>
      tpu.enqueue_dma source(%dma_start3A_136 : memref<128xi32, #tpu.memory_space<hbm>>) target(%arg7 : memref<128xi32, #tpu.memory_space<vmem>>) target_semaphore(%run_scoped3A : memref<!tpu.dma_semaphore, #tpu.memory_space<semaphore_mem>>)
      %dma_wait3A_137 = arith.constant 0 : i32
      %dma_wait3A_138 = tpu.memref_slice %arg3[%add3A_10, %dma_wait3A_137] : memref<2528x128xi32, #tpu.memory_space<hbm>> -> memref<1x128xi32, #tpu.memory_space<hbm>>
      %dma_wait3A_139 = tpu.memref_squeeze %dma_wait3A_138 : memref<1x128xi32, #tpu.memory_space<hbm>> -> memref<128xi32, #tpu.memory_space<hbm>>
      %dma_wait3A_140 = arith.constant 0 : i32
      %dma_wait3A_141 = tpu.memref_slice %arg3[%add3A_10, %dma_wait3A_140] : memref<2528x128xi32, #tpu.memory_space<hbm>> -> memref<1x128xi32, #tpu.memory_space<hbm>>
      %dma_wait3A_142 = tpu.memref_squeeze %dma_wait3A_141 : memref<1x128xi32, #tpu.memory_space<hbm>> -> memref<128xi32, #tpu.memory_space<hbm>>
      tpu.wait_dma2 semaphore(%run_scoped3A : memref<!tpu.dma_semaphore, #tpu.memory_space<semaphore_mem>>) src(%dma_wait3A_142 : memref<128xi32, #tpu.memory_space<hbm>>) dst(%arg7 : memref<128xi32, #tpu.memory_space<vmem>>)
      tpu.yield
    }) : () -> ()
    %add3A_11 = arith.constant 1 : i32
    %add3A_12 = arith.addi %mul3A_2, %add3A_11 : i32
    "tpu.region"() ({
      %run_scoped3A = tpu.sem_alloc : memref<!tpu.dma_semaphore, #tpu.memory_space<semaphore_mem>>
      %dma_start3A_131 = arith.constant 0 : i32
      %dma_start3A_132 = tpu.memref_slice %arg4[%add3A_12, %dma_start3A_131] : memref<2528x128xi32, #tpu.memory_space<hbm>> -> memref<1x128xi32, #tpu.memory_space<hbm>>
      %dma_start3A_133 = tpu.memref_squeeze %dma_start3A_132 : memref<1x128xi32, #tpu.memory_space<hbm>> -> memref<128xi32, #tpu.memory_space<hbm>>
      %dma_start3A_134 = arith.constant 0 : i32
      %dma_start3A_135 = tpu.memref_slice %arg4[%add3A_12, %dma_start3A_134] : memref<2528x128xi32, #tpu.memory_space<hbm>> -> memref<1x128xi32, #tpu.memory_space<hbm>>
      %dma_start3A_136 = tpu.memref_squeeze %dma_start3A_135 : memref<1x128xi32, #tpu.memory_space<hbm>> -> memref<128xi32, #tpu.memory_space<hbm>>
      tpu.enqueue_dma source(%dma_start3A_136 : memref<128xi32, #tpu.memory_space<hbm>>) target(%arg10 : memref<128xi32, #tpu.memory_space<vmem>>) target_semaphore(%run_scoped3A : memref<!tpu.dma_semaphore, #tpu.memory_space<semaphore_mem>>)
      %dma_wait3A_137 = arith.constant 0 : i32
      %dma_wait3A_138 = tpu.memref_slice %arg4[%add3A_12, %dma_wait3A_137] : memref<2528x128xi32, #tpu.memory_space<hbm>> -> memref<1x128xi32, #tpu.memory_space<hbm>>
      %dma_wait3A_139 = tpu.memref_squeeze %dma_wait3A_138 : memref<1x128xi32, #tpu.memory_space<hbm>> -> memref<128xi32, #tpu.memory_space<hbm>>
      %dma_wait3A_140 = arith.constant 0 : i32
      %dma_wait3A_141 = tpu.memref_slice %arg4[%add3A_12, %dma_wait3A_140] : memref<2528x128xi32, #tpu.memory_space<hbm>> -> memref<1x128xi32, #tpu.memory_space<hbm>>
      %dma_wait3A_142 = tpu.memref_squeeze %dma_wait3A_141 : memref<1x128xi32, #tpu.memory_space<hbm>> -> memref<128xi32, #tpu.memory_space<hbm>>
      tpu.wait_dma2 semaphore(%run_scoped3A : memref<!tpu.dma_semaphore, #tpu.memory_space<semaphore_mem>>) src(%dma_wait3A_142 : memref<128xi32, #tpu.memory_space<hbm>>) dst(%arg10 : memref<128xi32, #tpu.memory_space<vmem>>)
      tpu.yield
    }) : () -> ()
    %dma_start3A_13 = arith.constant 0 : i32
    %dma_start3A_14 = arith.constant 0 : i32
    %dma_start3A_15 = tpu.memref_slice %arg2[%dma_start3A_13, %dma_start3A_14] : memref<10000x128xf32, #tpu.memory_space<hbm>> -> memref<10000x128xf32, #tpu.memory_space<hbm>>
    tpu.enqueue_indirect_dma source(%dma_start3A_15 : memref<10000x128xf32, #tpu.memory_space<hbm>>) target(%arg16 : memref<128x128xf32, #tpu.memory_space<vmem>>) offsets(%arg7 : memref<128xi32, #tpu.memory_space<vmem>>) semaphore(%arg23 : memref<!tpu.dma_semaphore, #tpu.memory_space<semaphore_mem>>)
    %add3A_16 = arith.constant 2 : i32
    %add3A_17 = arith.addi %mul3A_2, %add3A_16 : i32
    %dma_start3A_18 = arith.constant 0 : i32
    %dma_start3A_19 = tpu.memref_slice %arg3[%add3A_17, %dma_start3A_18] : memref<2528x128xi32, #tpu.memory_space<hbm>> -> memref<1x128xi32, #tpu.memory_space<hbm>>
    %dma_start3A_20 = tpu.memref_squeeze %dma_start3A_19 : memref<1x128xi32, #tpu.memory_space<hbm>> -> memref<128xi32, #tpu.memory_space<hbm>>
    %dma_start3A_21 = arith.constant 0 : i32
    %dma_start3A_22 = tpu.memref_slice %arg3[%add3A_17, %dma_start3A_21] : memref<2528x128xi32, #tpu.memory_space<hbm>> -> memref<1x128xi32, #tpu.memory_space<hbm>>
    %dma_start3A_23 = tpu.memref_squeeze %dma_start3A_22 : memref<1x128xi32, #tpu.memory_space<hbm>> -> memref<128xi32, #tpu.memory_space<hbm>>
    tpu.enqueue_dma source(%dma_start3A_23 : memref<128xi32, #tpu.memory_space<hbm>>) target(%arg8 : memref<128xi32, #tpu.memory_space<vmem>>) target_semaphore(%arg21 : memref<!tpu.dma_semaphore, #tpu.memory_space<semaphore_mem>>)
    %add3A_24 = arith.constant 2 : i32
    %add3A_25 = arith.addi %mul3A_2, %add3A_24 : i32
    %dma_start3A_26 = arith.constant 0 : i32
    %dma_start3A_27 = tpu.memref_slice %arg4[%add3A_25, %dma_start3A_26] : memref<2528x128xi32, #tpu.memory_space<hbm>> -> memref<1x128xi32, #tpu.memory_space<hbm>>
    %dma_start3A_28 = tpu.memref_squeeze %dma_start3A_27 : memref<1x128xi32, #tpu.memory_space<hbm>> -> memref<128xi32, #tpu.memory_space<hbm>>
    %dma_start3A_29 = arith.constant 0 : i32
    %dma_start3A_30 = tpu.memref_slice %arg4[%add3A_25, %dma_start3A_29] : memref<2528x128xi32, #tpu.memory_space<hbm>> -> memref<1x128xi32, #tpu.memory_space<hbm>>
    %dma_start3A_31 = tpu.memref_squeeze %dma_start3A_30 : memref<1x128xi32, #tpu.memory_space<hbm>> -> memref<128xi32, #tpu.memory_space<hbm>>
    tpu.enqueue_dma source(%dma_start3A_31 : memref<128xi32, #tpu.memory_space<hbm>>) target(%arg11 : memref<128xi32, #tpu.memory_space<vmem>>) target_semaphore(%arg21 : memref<!tpu.dma_semaphore, #tpu.memory_space<semaphore_mem>>)
    %scan3A = arith.constant 0 : i32
    %scan3A_32 = arith.constant 0 : i32
    %scan3A_33 = arith.constant 128 : i32
    %scan3A_34 = arith.addi %scan3A_32, %scan3A_33 : i32
    %scan3A_35 = arith.constant 1 : i32
    scf.for %scan3A_131 = %scan3A_32 to %scan3A_34 step %scan3A_35  : i32 {
      %broadcast_in_dim3A = arith.constant 0.000000e+00 : f32
      %broadcast_in_dim3A_132 = vector.broadcast %broadcast_in_dim3A : f32 to vector<16xf32>
      %swap3A_133 = arith.index_cast %scan3A_131 : i32 to index
      %swap3A_134 = arith.constant 0 : index
      %swap3A_135 = tpu.vector_load %arg17[%swap3A_133, %swap3A_134] {strides = array<i32>} : memref<128x128xf32, #tpu.memory_space<vmem>>, vector<1x16xf32>,
      %swap3A_136 = vector.shape_cast %swap3A_135 : vector<1x16xf32> to vector<16xf32>
      %swap3A_137 = vector.shape_cast %broadcast_in_dim3A_132 : vector<16xf32> to vector<1x16xf32>
      tpu.vector_store %arg17[%swap3A_133, %swap3A_134], %swap3A_137 {strides = array<i32>} : memref<128x128xf32, #tpu.memory_space<vmem>>, vector<1x16xf32>,
      %broadcast_in_dim3A_138 = arith.constant 0.000000e+00 : f32
      %broadcast_in_dim3A_139 = vector.broadcast %broadcast_in_dim3A_138 : f32 to vector<16xf32>
      %swap3A_140 = arith.index_cast %scan3A_131 : i32 to index
      %swap3A_141 = arith.constant 16 : index
      %swap3A_142 = tpu.vector_load %arg17[%swap3A_140, %swap3A_141] {strides = array<i32>} : memref<128x128xf32, #tpu.memory_space<vmem>>, vector<1x16xf32>,
      %swap3A_143 = vector.shape_cast %swap3A_142 : vector<1x16xf32> to vector<16xf32>
      %swap3A_144 = vector.shape_cast %broadcast_in_dim3A_139 : vector<16xf32> to vector<1x16xf32>
      tpu.vector_store %arg17[%swap3A_140, %swap3A_141], %swap3A_144 {strides = array<i32>} : memref<128x128xf32, #tpu.memory_space<vmem>>, vector<1x16xf32>,
      %broadcast_in_dim3A_145 = arith.constant 0.000000e+00 : f32
      %broadcast_in_dim3A_146 = vector.broadcast %broadcast_in_dim3A_145 : f32 to vector<16xf32>
      %swap3A_147 = arith.index_cast %scan3A_131 : i32 to index
      %swap3A_148 = arith.constant 32 : index
      %swap3A_149 = tpu.vector_load %arg17[%swap3A_147, %swap3A_148] {strides = array<i32>} : memref<128x128xf32, #tpu.memory_space<vmem>>, vector<1x16xf32>,
      %swap3A_150 = vector.shape_cast %swap3A_149 : vector<1x16xf32> to vector<16xf32>
      %swap3A_151 = vector.shape_cast %broadcast_in_dim3A_146 : vector<16xf32> to vector<1x16xf32>
      tpu.vector_store %arg17[%swap3A_147, %swap3A_148], %swap3A_151 {strides = array<i32>} : memref<128x128xf32, #tpu.memory_space<vmem>>, vector<1x16xf32>,
      %broadcast_in_dim3A_152 = arith.constant 0.000000e+00 : f32
      %broadcast_in_dim3A_153 = vector.broadcast %broadcast_in_dim3A_152 : f32 to vector<16xf32>
      %swap3A_154 = arith.index_cast %scan3A_131 : i32 to index
      %swap3A_155 = arith.constant 48 : index
      %swap3A_156 = tpu.vector_load %arg17[%swap3A_154, %swap3A_155] {strides = array<i32>} : memref<128x128xf32, #tpu.memory_space<vmem>>, vector<1x16xf32>,
      %swap3A_157 = vector.shape_cast %swap3A_156 : vector<1x16xf32> to vector<16xf32>
      %swap3A_158 = vector.shape_cast %broadcast_in_dim3A_153 : vector<16xf32> to vector<1x16xf32>
      tpu.vector_store %arg17[%swap3A_154, %swap3A_155], %swap3A_158 {strides = array<i32>} : memref<128x128xf32, #tpu.memory_space<vmem>>, vector<1x16xf32>,
      %broadcast_in_dim3A_159 = arith.constant 0.000000e+00 : f32
      %broadcast_in_dim3A_160 = vector.broadcast %broadcast_in_dim3A_159 : f32 to vector<16xf32>
      %swap3A_161 = arith.index_cast %scan3A_131 : i32 to index
      %swap3A_162 = arith.constant 64 : index
      %swap3A_163 = tpu.vector_load %arg17[%swap3A_161, %swap3A_162] {strides = array<i32>} : memref<128x128xf32, #tpu.memory_space<vmem>>, vector<1x16xf32>,
      %swap3A_164 = vector.shape_cast %swap3A_163 : vector<1x16xf32> to vector<16xf32>
      %swap3A_165 = vector.shape_cast %broadcast_in_dim3A_160 : vector<16xf32> to vector<1x16xf32>
      tpu.vector_store %arg17[%swap3A_161, %swap3A_162], %swap3A_165 {strides = array<i32>} : memref<128x128xf32, #tpu.memory_space<vmem>>, vector<1x16xf32>,
      %broadcast_in_dim3A_166 = arith.constant 0.000000e+00 : f32
      %broadcast_in_dim3A_167 = vector.broadcast %broadcast_in_dim3A_166 : f32 to vector<16xf32>
      %swap3A_168 = arith.index_cast %scan3A_131 : i32 to index
      %swap3A_169 = arith.constant 80 : index
      %swap3A_170 = tpu.vector_load %arg17[%swap3A_168, %swap3A_169] {strides = array<i32>} : memref<128x128xf32, #tpu.memory_space<vmem>>, vector<1x16xf32>,
      %swap3A_171 = vector.shape_cast %swap3A_170 : vector<1x16xf32> to vector<16xf32>
      %swap3A_172 = vector.shape_cast %broadcast_in_dim3A_167 : vector<16xf32> to vector<1x16xf32>
      tpu.vector_store %arg17[%swap3A_168, %swap3A_169], %swap3A_172 {strides = array<i32>} : memref<128x128xf32, #tpu.memory_space<vmem>>, vector<1x16xf32>,
      %broadcast_in_dim3A_173 = arith.constant 0.000000e+00 : f32
      %broadcast_in_dim3A_174 = vector.broadcast %broadcast_in_dim3A_173 : f32 to vector<16xf32>
      %swap3A_175 = arith.index_cast %scan3A_131 : i32 to index
      %swap3A_176 = arith.constant 96 : index
      %swap3A_177 = tpu.vector_load %arg17[%swap3A_175, %swap3A_176] {strides = array<i32>} : memref<128x128xf32, #tpu.memory_space<vmem>>, vector<1x16xf32>,
      %swap3A_178 = vector.shape_cast %swap3A_177 : vector<1x16xf32> to vector<16xf32>
      %swap3A_179 = vector.shape_cast %broadcast_in_dim3A_174 : vector<16xf32> to vector<1x16xf32>
      tpu.vector_store %arg17[%swap3A_175, %swap3A_176], %swap3A_179 {strides = array<i32>} : memref<128x128xf32, #tpu.memory_space<vmem>>, vector<1x16xf32>,
      %broadcast_in_dim3A_180 = arith.constant 0.000000e+00 : f32
      %broadcast_in_dim3A_181 = vector.broadcast %broadcast_in_dim3A_180 : f32 to vector<16xf32>
      %swap3A_182 = arith.index_cast %scan3A_131 : i32 to index
      %swap3A_183 = arith.constant 112 : index
      %swap3A_184 = tpu.vector_load %arg17[%swap3A_182, %swap3A_183] {strides = array<i32>} : memref<128x128xf32, #tpu.memory_space<vmem>>, vector<1x16xf32>,
      %swap3A_185 = vector.shape_cast %swap3A_184 : vector<1x16xf32> to vector<16xf32>
      %swap3A_186 = vector.shape_cast %broadcast_in_dim3A_181 : vector<16xf32> to vector<1x16xf32>
      tpu.vector_store %arg17[%swap3A_182, %swap3A_183], %swap3A_186 {strides = array<i32>} : memref<128x128xf32, #tpu.memory_space<vmem>>, vector<1x16xf32>,
    }
    %scan3A_36 = arith.constant 128 : i32
    %mul3A_37 = arith.constant 624 : i32
    %mul3A_38 = arith.muli %arg1, %mul3A_37 : i32
    %add3A_39 = arith.constant 0 : i32
    %add3A_40 = arith.addi %mul3A_38, %add3A_39 : i32
    "tpu.region"() ({
      %run_scoped3A = tpu.sem_alloc : memref<!tpu.dma_semaphore, #tpu.memory_space<semaphore_mem>>
      %dma_start3A_131 = arith.constant 0 : i32
      %dma_start3A_132 = tpu.memref_slice %arg18[%add3A_40, %dma_start3A_131] : memref<10016x128xf32, #tpu.memory_space<vmem_shared>> -> memref<128x128xf32, #tpu.memory_space<vmem_shared>>
      %dma_start3A_133 = arith.constant 0 : i32
      %dma_start3A_134 = tpu.memref_slice %arg18[%add3A_40, %dma_start3A_133] : memref<10016x128xf32, #tpu.memory_space<vmem_shared>> -> memref<128x128xf32, #tpu.memory_space<vmem_shared>>
      tpu.enqueue_dma source(%arg17 : memref<128x128xf32, #tpu.memory_space<vmem>>) target(%dma_start3A_134 : memref<128x128xf32, #tpu.memory_space<vmem_shared>>) target_semaphore(%run_scoped3A : memref<!tpu.dma_semaphore, #tpu.memory_space<semaphore_mem>>)
      %dma_wait3A_135 = arith.constant 0 : i32
      %dma_wait3A_136 = tpu.memref_slice %arg18[%add3A_40, %dma_wait3A_135] : memref<10016x128xf32, #tpu.memory_space<vmem_shared>> -> memref<128x128xf32, #tpu.memory_space<vmem_shared>>
      %dma_wait3A_137 = arith.constant 0 : i32
      %dma_wait3A_138 = tpu.memref_slice %arg18[%add3A_40, %dma_wait3A_137] : memref<10016x128xf32, #tpu.memory_space<vmem_shared>> -> memref<128x128xf32, #tpu.memory_space<vmem_shared>>
      tpu.wait_dma2 semaphore(%run_scoped3A : memref<!tpu.dma_semaphore, #tpu.memory_space<semaphore_mem>>) src(%arg17 : memref<128x128xf32, #tpu.memory_space<vmem>>) dst(%dma_wait3A_138 : memref<128x128xf32, #tpu.memory_space<vmem_shared>>)
      tpu.yield
    }) : () -> ()
    %add3A_41 = arith.constant 128 : i32
    %add3A_42 = arith.addi %mul3A_38, %add3A_41 : i32
    "tpu.region"() ({
      %run_scoped3A = tpu.sem_alloc : memref<!tpu.dma_semaphore, #tpu.memory_space<semaphore_mem>>
      %dma_start3A_131 = arith.constant 0 : i32
      %dma_start3A_132 = tpu.memref_slice %arg18[%add3A_42, %dma_start3A_131] : memref<10016x128xf32, #tpu.memory_space<vmem_shared>> -> memref<128x128xf32, #tpu.memory_space<vmem_shared>>
      %dma_start3A_133 = arith.constant 0 : i32
      %dma_start3A_134 = tpu.memref_slice %arg18[%add3A_42, %dma_start3A_133] : memref<10016x128xf32, #tpu.memory_space<vmem_shared>> -> memref<128x128xf32, #tpu.memory_space<vmem_shared>>
      tpu.enqueue_dma source(%arg17 : memref<128x128xf32, #tpu.memory_space<vmem>>) target(%dma_start3A_134 : memref<128x128xf32, #tpu.memory_space<vmem_shared>>) target_semaphore(%run_scoped3A : memref<!tpu.dma_semaphore, #tpu.memory_space<semaphore_mem>>)
      %dma_wait3A_135 = arith.constant 0 : i32
      %dma_wait3A_136 = tpu.memref_slice %arg18[%add3A_42, %dma_wait3A_135] : memref<10016x128xf32, #tpu.memory_space<vmem_shared>> -> memref<128x128xf32, #tpu.memory_space<vmem_shared>>
      %dma_wait3A_137 = arith.constant 0 : i32
      %dma_wait3A_138 = tpu.memref_slice %arg18[%add3A_42, %dma_wait3A_137] : memref<10016x128xf32, #tpu.memory_space<vmem_shared>> -> memref<128x128xf32, #tpu.memory_space<vmem_shared>>
      tpu.wait_dma2 semaphore(%run_scoped3A : memref<!tpu.dma_semaphore, #tpu.memory_space<semaphore_mem>>) src(%arg17 : memref<128x128xf32, #tpu.memory_space<vmem>>) dst(%dma_wait3A_138 : memref<128x128xf32, #tpu.memory_space<vmem_shared>>)
      tpu.yield
    }) : () -> ()
    %add3A_43 = arith.constant 256 : i32
    %add3A_44 = arith.addi %mul3A_38, %add3A_43 : i32
    "tpu.region"() ({
      %run_scoped3A = tpu.sem_alloc : memref<!tpu.dma_semaphore, #tpu.memory_space<semaphore_mem>>
      %dma_start3A_131 = arith.constant 0 : i32
      %dma_start3A_132 = tpu.memref_slice %arg18[%add3A_44, %dma_start3A_131] : memref<10016x128xf32, #tpu.memory_space<vmem_shared>> -> memref<128x128xf32, #tpu.memory_space<vmem_shared>>
      %dma_start3A_133 = arith.constant 0 : i32
      %dma_start3A_134 = tpu.memref_slice %arg18[%add3A_44, %dma_start3A_133] : memref<10016x128xf32, #tpu.memory_space<vmem_shared>> -> memref<128x128xf32, #tpu.memory_space<vmem_shared>>
      tpu.enqueue_dma source(%arg17 : memref<128x128xf32, #tpu.memory_space<vmem>>) target(%dma_start3A_134 : memref<128x128xf32, #tpu.memory_space<vmem_shared>>) target_semaphore(%run_scoped3A : memref<!tpu.dma_semaphore, #tpu.memory_space<semaphore_mem>>)
      %dma_wait3A_135 = arith.constant 0 : i32
      %dma_wait3A_136 = tpu.memref_slice %arg18[%add3A_44, %dma_wait3A_135] : memref<10016x128xf32, #tpu.memory_space<vmem_shared>> -> memref<128x128xf32, #tpu.memory_space<vmem_shared>>
      %dma_wait3A_137 = arith.constant 0 : i32
      %dma_wait3A_138 = tpu.memref_slice %arg18[%add3A_44, %dma_wait3A_137] : memref<10016x128xf32, #tpu.memory_space<vmem_shared>> -> memref<128x128xf32, #tpu.memory_space<vmem_shared>>
      tpu.wait_dma2 semaphore(%run_scoped3A : memref<!tpu.dma_semaphore, #tpu.memory_space<semaphore_mem>>) src(%arg17 : memref<128x128xf32, #tpu.memory_space<vmem>>) dst(%dma_wait3A_138 : memref<128x128xf32, #tpu.memory_space<vmem_shared>>)
      tpu.yield
    }) : () -> ()
    %add3A_45 = arith.constant 384 : i32
    %add3A_46 = arith.addi %mul3A_38, %add3A_45 : i32
    "tpu.region"() ({
      %run_scoped3A = tpu.sem_alloc : memref<!tpu.dma_semaphore, #tpu.memory_space<semaphore_mem>>
      %dma_start3A_131 = arith.constant 0 : i32
      %dma_start3A_132 = tpu.memref_slice %arg18[%add3A_46, %dma_start3A_131] : memref<10016x128xf32, #tpu.memory_space<vmem_shared>> -> memref<128x128xf32, #tpu.memory_space<vmem_shared>>
      %dma_start3A_133 = arith.constant 0 : i32
      %dma_start3A_134 = tpu.memref_slice %arg18[%add3A_46, %dma_start3A_133] : memref<10016x128xf32, #tpu.memory_space<vmem_shared>> -> memref<128x128xf32, #tpu.memory_space<vmem_shared>>
      tpu.enqueue_dma source(%arg17 : memref<128x128xf32, #tpu.memory_space<vmem>>) target(%dma_start3A_134 : memref<128x128xf32, #tpu.memory_space<vmem_shared>>) target_semaphore(%run_scoped3A : memref<!tpu.dma_semaphore, #tpu.memory_space<semaphore_mem>>)
      %dma_wait3A_135 = arith.constant 0 : i32
      %dma_wait3A_136 = tpu.memref_slice %arg18[%add3A_46, %dma_wait3A_135] : memref<10016x128xf32, #tpu.memory_space<vmem_shared>> -> memref<128x128xf32, #tpu.memory_space<vmem_shared>>
      %dma_wait3A_137 = arith.constant 0 : i32
      %dma_wait3A_138 = tpu.memref_slice %arg18[%add3A_46, %dma_wait3A_137] : memref<10016x128xf32, #tpu.memory_space<vmem_shared>> -> memref<128x128xf32, #tpu.memory_space<vmem_shared>>
      tpu.wait_dma2 semaphore(%run_scoped3A : memref<!tpu.dma_semaphore, #tpu.memory_space<semaphore_mem>>) src(%arg17 : memref<128x128xf32, #tpu.memory_space<vmem>>) dst(%dma_wait3A_138 : memref<128x128xf32, #tpu.memory_space<vmem_shared>>)
      tpu.yield
    }) : () -> ()
    %add3A_47 = arith.constant 512 : i32
    %add3A_48 = arith.addi %mul3A_38, %add3A_47 : i32
    "tpu.region"() ({
      %run_scoped3A = tpu.sem_alloc : memref<!tpu.dma_semaphore, #tpu.memory_space<semaphore_mem>>
      %dma_start3A_131 = arith.constant 0 : i32
      %dma_start3A_132 = arith.constant 0 : i32
      %dma_start3A_133 = tpu.memref_slice %arg17[%dma_start3A_131, %dma_start3A_132] : memref<128x128xf32, #tpu.memory_space<vmem>> -> memref<112x128xf32, #tpu.memory_space<vmem>>
      %dma_start3A_134 = arith.constant 0 : i32
      %dma_start3A_135 = tpu.memref_slice %arg18[%add3A_48, %dma_start3A_134] : memref<10016x128xf32, #tpu.memory_space<vmem_shared>> -> memref<112x128xf32, #tpu.memory_space<vmem_shared>>
      %dma_start3A_136 = arith.constant 0 : i32
      %dma_start3A_137 = tpu.memref_slice %arg18[%add3A_48, %dma_start3A_136] : memref<10016x128xf32, #tpu.memory_space<vmem_shared>> -> memref<112x128xf32, #tpu.memory_space<vmem_shared>>
      %dma_start3A_138 = arith.constant 0 : i32
      %dma_start3A_139 = arith.constant 0 : i32
      %dma_start3A_140 = tpu.memref_slice %arg17[%dma_start3A_138, %dma_start3A_139] : memref<128x128xf32, #tpu.memory_space<vmem>> -> memref<112x128xf32, #tpu.memory_space<vmem>>
      tpu.enqueue_dma source(%dma_start3A_140 : memref<112x128xf32, #tpu.memory_space<vmem>>) target(%dma_start3A_137 : memref<112x128xf32, #tpu.memory_space<vmem_shared>>) target_semaphore(%run_scoped3A : memref<!tpu.dma_semaphore, #tpu.memory_space<semaphore_mem>>)
      %dma_wait3A_141 = arith.constant 0 : i32
      %dma_wait3A_142 = arith.constant 0 : i32
      %dma_wait3A_143 = tpu.memref_slice %arg17[%dma_wait3A_141, %dma_wait3A_142] : memref<128x128xf32, #tpu.memory_space<vmem>> -> memref<112x128xf32, #tpu.memory_space<vmem>>
      %dma_wait3A_144 = arith.constant 0 : i32
      %dma_wait3A_145 = tpu.memref_slice %arg18[%add3A_48, %dma_wait3A_144] : memref<10016x128xf32, #tpu.memory_space<vmem_shared>> -> memref<112x128xf32, #tpu.memory_space<vmem_shared>>
      %dma_wait3A_146 = arith.constant 0 : i32
      %dma_wait3A_147 = tpu.memref_slice %arg18[%add3A_48, %dma_wait3A_146] : memref<10016x128xf32, #tpu.memory_space<vmem_shared>> -> memref<112x128xf32, #tpu.memory_space<vmem_shared>>
      %dma_wait3A_148 = arith.constant 0 : i32
      %dma_wait3A_149 = arith.constant 0 : i32
      %dma_wait3A_150 = tpu.memref_slice %arg17[%dma_wait3A_148, %dma_wait3A_149] : memref<128x128xf32, #tpu.memory_space<vmem>> -> memref<112x128xf32, #tpu.memory_space<vmem>>
      tpu.wait_dma2 semaphore(%run_scoped3A : memref<!tpu.dma_semaphore, #tpu.memory_space<semaphore_mem>>) src(%dma_wait3A_150 : memref<112x128xf32, #tpu.memory_space<vmem>>) dst(%dma_wait3A_147 : memref<112x128xf32, #tpu.memory_space<vmem_shared>>)
      tpu.yield
    }) : () -> ()
    %eq3A = arith.constant 15 : i32
    %eq3A_49 = arith.cmpi eq, %arg1, %eq3A : i32
    %convert_element_type3A = arith.extui %eq3A_49 : i1 to i32
    %cond3A = arith.constant 0 : i32
    %cond3A_50 = arith.cmpi ne, %convert_element_type3A, %cond3A : i32
    scf.if %cond3A_50 {
      "tpu.region"() ({
        %run_scoped3A = tpu.sem_alloc : memref<!tpu.dma_semaphore, #tpu.memory_space<semaphore_mem>>
        %dma_start3A_131 = arith.constant 0 : i32
        %dma_start3A_132 = arith.constant 0 : i32
        %dma_start3A_133 = tpu.memref_slice %arg17[%dma_start3A_131, %dma_start3A_132] : memref<128x128xf32, #tpu.memory_space<vmem>> -> memref<32x128xf32, #tpu.memory_space<vmem>>
        %dma_start3A_134 = arith.constant 9984 : i32
        %dma_start3A_135 = arith.constant 0 : i32
        %dma_start3A_136 = tpu.memref_slice %arg18[%dma_start3A_134, %dma_start3A_135] : memref<10016x128xf32, #tpu.memory_space<vmem_shared>> -> memref<32x128xf32, #tpu.memory_space<vmem_shared>>
        %dma_start3A_137 = arith.constant 9984 : i32
        %dma_start3A_138 = arith.constant 0 : i32
        %dma_start3A_139 = tpu.memref_slice %arg18[%dma_start3A_137, %dma_start3A_138] : memref<10016x128xf32, #tpu.memory_space<vmem_shared>> -> memref<32x128xf32, #tpu.memory_space<vmem_shared>>
        %dma_start3A_140 = arith.constant 0 : i32
        %dma_start3A_141 = arith.constant 0 : i32
        %dma_start3A_142 = tpu.memref_slice %arg17[%dma_start3A_140, %dma_start3A_141] : memref<128x128xf32, #tpu.memory_space<vmem>> -> memref<32x128xf32, #tpu.memory_space<vmem>>
        tpu.enqueue_dma source(%dma_start3A_142 : memref<32x128xf32, #tpu.memory_space<vmem>>) target(%dma_start3A_139 : memref<32x128xf32, #tpu.memory_space<vmem_shared>>) target_semaphore(%run_scoped3A : memref<!tpu.dma_semaphore, #tpu.memory_space<semaphore_mem>>)
        %dma_wait3A_143 = arith.constant 0 : i32
        %dma_wait3A_144 = arith.constant 0 : i32
        %dma_wait3A_145 = tpu.memref_slice %arg17[%dma_wait3A_143, %dma_wait3A_144] : memref<128x128xf32, #tpu.memory_space<vmem>> -> memref<32x128xf32, #tpu.memory_space<vmem>>
        %dma_wait3A_146 = arith.constant 9984 : i32
        %dma_wait3A_147 = arith.constant 0 : i32
        %dma_wait3A_148 = tpu.memref_slice %arg18[%dma_wait3A_146, %dma_wait3A_147] : memref<10016x128xf32, #tpu.memory_space<vmem_shared>> -> memref<32x128xf32, #tpu.memory_space<vmem_shared>>
        %dma_wait3A_149 = arith.constant 9984 : i32
        %dma_wait3A_150 = arith.constant 0 : i32
        %dma_wait3A_151 = tpu.memref_slice %arg18[%dma_wait3A_149, %dma_wait3A_150] : memref<10016x128xf32, #tpu.memory_space<vmem_shared>> -> memref<32x128xf32, #tpu.memory_space<vmem_shared>>
        %dma_wait3A_152 = arith.constant 0 : i32
        %dma_wait3A_153 = arith.constant 0 : i32
        %dma_wait3A_154 = tpu.memref_slice %arg17[%dma_wait3A_152, %dma_wait3A_153] : memref<128x128xf32, #tpu.memory_space<vmem>> -> memref<32x128xf32, #tpu.memory_space<vmem>>
        tpu.wait_dma2 semaphore(%run_scoped3A : memref<!tpu.dma_semaphore, #tpu.memory_space<semaphore_mem>>) src(%dma_wait3A_154 : memref<32x128xf32, #tpu.memory_space<vmem>>) dst(%dma_wait3A_151 : memref<32x128xf32, #tpu.memory_space<vmem_shared>>)
        tpu.yield
      }) : () -> ()
    } else {
    }
    %barrier3A = arith.constant 0 : index
    tpu.barrier barrier_id(%barrier3A)
    %scan3A_51 = arith.constant 0 : i32
    %scan3A_52 = arith.constant 0 : i32
    %scan3A_53 = arith.constant 26 : i32
    %scan3A_54 = arith.addi %scan3A_52, %scan3A_53 : i32
    %scan3A_55 = arith.constant 1 : i32
    scf.for %scan3A_131 = %scan3A_52 to %scan3A_54 step %scan3A_55  : i32 {
      %mul3A_132 = arith.constant 3 : i32
      %mul3A_133 = arith.muli %scan3A_131, %mul3A_132 : i32
      %add3A_134 = arith.constant 2 : i32
      %add3A_135 = arith.addi %mul3A_133, %add3A_134 : i32
      %lt3A = arith.constant 79 : i32
      %lt3A_136 = arith.cmpi slt, %add3A_135, %lt3A : i32
      %convert_element_type3A_137 = arith.extui %lt3A_136 : i1 to i32
      %cond3A_138 = arith.constant 0 : i32
      %cond3A_139 = arith.cmpi ne, %convert_element_type3A_137, %cond3A_138 : i32
      scf.if %cond3A_139 {
        %add3A_369 = arith.addi %mul3A_2, %mul3A_133 : i32
        %add3A_370 = arith.constant 2 : i32
        %add3A_371 = arith.addi %add3A_369, %add3A_370 : i32
        %dma_wait3A_372 = arith.constant 0 : i32
        %dma_wait3A_373 = tpu.memref_slice %arg3[%add3A_371, %dma_wait3A_372] : memref<2528x128xi32, #tpu.memory_space<hbm>> -> memref<1x128xi32, #tpu.memory_space<hbm>>
        %dma_wait3A_374 = tpu.memref_squeeze %dma_wait3A_373 : memref<1x128xi32, #tpu.memory_space<hbm>> -> memref<128xi32, #tpu.memory_space<hbm>>
        %dma_wait3A_375 = arith.constant 0 : i32
        %dma_wait3A_376 = tpu.memref_slice %arg3[%add3A_371, %dma_wait3A_375] : memref<2528x128xi32, #tpu.memory_space<hbm>> -> memref<1x128xi32, #tpu.memory_space<hbm>>
        %dma_wait3A_377 = tpu.memref_squeeze %dma_wait3A_376 : memref<1x128xi32, #tpu.memory_space<hbm>> -> memref<128xi32, #tpu.memory_space<hbm>>
        tpu.wait_dma2 semaphore(%arg21 : memref<!tpu.dma_semaphore, #tpu.memory_space<semaphore_mem>>) src(%dma_wait3A_377 : memref<128xi32, #tpu.memory_space<hbm>>) dst(%arg8 : memref<128xi32, #tpu.memory_space<vmem>>)
        %add3A_378 = arith.addi %mul3A_2, %mul3A_133 : i32
        %add3A_379 = arith.constant 2 : i32
        %add3A_380 = arith.addi %add3A_378, %add3A_379 : i32
        %dma_wait3A_381 = arith.constant 0 : i32
        %dma_wait3A_382 = tpu.memref_slice %arg4[%add3A_380, %dma_wait3A_381] : memref<2528x128xi32, #tpu.memory_space<hbm>> -> memref<1x128xi32, #tpu.memory_space<hbm>>
        %dma_wait3A_383 = tpu.memref_squeeze %dma_wait3A_382 : memref<1x128xi32, #tpu.memory_space<hbm>> -> memref<128xi32, #tpu.memory_space<hbm>>
        %dma_wait3A_384 = arith.constant 0 : i32
        %dma_wait3A_385 = tpu.memref_slice %arg4[%add3A_380, %dma_wait3A_384] : memref<2528x128xi32, #tpu.memory_space<hbm>> -> memref<1x128xi32, #tpu.memory_space<hbm>>
        %dma_wait3A_386 = tpu.memref_squeeze %dma_wait3A_385 : memref<1x128xi32, #tpu.memory_space<hbm>> -> memref<128xi32, #tpu.memory_space<hbm>>
        tpu.wait_dma2 semaphore(%arg21 : memref<!tpu.dma_semaphore, #tpu.memory_space<semaphore_mem>>) src(%dma_wait3A_386 : memref<128xi32, #tpu.memory_space<hbm>>) dst(%arg11 : memref<128xi32, #tpu.memory_space<vmem>>)
        %ge3A = arith.constant 1 : i32
        %ge3A_387 = arith.cmpi sge, %mul3A_133, %ge3A : i32
        %convert_element_type3A_388 = arith.extui %ge3A_387 : i1 to i32
        %cond3A_389 = arith.constant 0 : i32
        %cond3A_390 = arith.cmpi ne, %convert_element_type3A_388, %cond3A_389 : i32
        scf.if %cond3A_390 {
          %dma_wait3A_394 = arith.constant 0 : i32
          %dma_wait3A_395 = arith.constant 0 : i32
          %dma_wait3A_396 = tpu.memref_slice %arg18[%dma_wait3A_394, %dma_wait3A_395] : memref<10016x128xf32, #tpu.memory_space<vmem_shared>> -> memref<10016x128xf32, #tpu.memory_space<vmem_shared>>
          tpu.wait_indirect_dma semaphore(%arg27 : memref<!tpu.dma_semaphore, #tpu.memory_space<semaphore_mem>>) src(%arg17 : memref<128x128xf32, #tpu.memory_space<vmem>>) dst(%dma_wait3A_396 : memref<10016x128xf32, #tpu.memory_space<vmem_shared>>)
        } else {
        }
        %dma_start3A_391 = arith.constant 0 : i32
        %dma_start3A_392 = arith.constant 0 : i32
        %dma_start3A_393 = tpu.memref_slice %arg2[%dma_start3A_391, %dma_start3A_392] : memref<10000x128xf32, #tpu.memory_space<hbm>> -> memref<10000x128xf32, #tpu.memory_space<hbm>>
        tpu.enqueue_indirect_dma source(%dma_start3A_393 : memref<10000x128xf32, #tpu.memory_space<hbm>>) target(%arg17 : memref<128x128xf32, #tpu.memory_space<vmem>>) offsets(%arg8 : memref<128xi32, #tpu.memory_space<vmem>>) semaphore(%arg24 : memref<!tpu.dma_semaphore, #tpu.memory_space<semaphore_mem>>)
      } else {
      }
      %dma_wait3A_140 = arith.constant 0 : i32
      %dma_wait3A_141 = arith.constant 0 : i32
      %dma_wait3A_142 = tpu.memref_slice %arg2[%dma_wait3A_140, %dma_wait3A_141] : memref<10000x128xf32, #tpu.memory_space<hbm>> -> memref<10000x128xf32, #tpu.memory_space<hbm>>
      tpu.wait_indirect_dma semaphore(%arg22 : memref<!tpu.dma_semaphore, #tpu.memory_space<semaphore_mem>>) src(%dma_wait3A_142 : memref<10000x128xf32, #tpu.memory_space<hbm>>) dst(%arg15 : memref<128x128xf32, #tpu.memory_space<vmem>>)
      %get3A_143 = arith.constant 0 : index
      %get3A_144 = tpu.vector_load %arg9[%get3A_143] {strides = array<i32>} : memref<128xi32, #tpu.memory_space<vmem>>, vector<16xi32>,
      %get3A_145 = vector.shape_cast %get3A_144 : vector<16xi32> to vector<16xi32>
      %swap3A_146 = arith.constant 0 : index
      %swap3A_147 = tpu.vector_load %arg12[%swap3A_146] {strides = array<i32>} : memref<128xi32, #tpu.memory_space<vmem>>, vector<16xi32>,
      %swap3A_148 = vector.shape_cast %swap3A_147 : vector<16xi32> to vector<16xi32>
      %swap3A_149 = vector.shape_cast %get3A_145 : vector<16xi32> to vector<16xi32>
      tpu.vector_store %arg12[%swap3A_146], %swap3A_149 {strides = array<i32>} : memref<128xi32, #tpu.memory_space<vmem>>, vector<16xi32>,
      %get3A_150 = arith.constant 16 : index
      %get3A_151 = tpu.vector_load %arg9[%get3A_150] {strides = array<i32>} : memref<128xi32, #tpu.memory_space<vmem>>, vector<16xi32>,
      %get3A_152 = vector.shape_cast %get3A_151 : vector<16xi32> to vector<16xi32>
      %swap3A_153 = arith.constant 16 : index
      %swap3A_154 = tpu.vector_load %arg12[%swap3A_153] {strides = array<i32>} : memref<128xi32, #tpu.memory_space<vmem>>, vector<16xi32>,
      %swap3A_155 = vector.shape_cast %swap3A_154 : vector<16xi32> to vector<16xi32>
      %swap3A_156 = vector.shape_cast %get3A_152 : vector<16xi32> to vector<16xi32>
      tpu.vector_store %arg12[%swap3A_153], %swap3A_156 {strides = array<i32>} : memref<128xi32, #tpu.memory_space<vmem>>, vector<16xi32>,
      %get3A_157 = arith.constant 32 : index
      %get3A_158 = tpu.vector_load %arg9[%get3A_157] {strides = array<i32>} : memref<128xi32, #tpu.memory_space<vmem>>, vector<16xi32>,
      %get3A_159 = vector.shape_cast %get3A_158 : vector<16xi32> to vector<16xi32>
      %swap3A_160 = arith.constant 32 : index
      %swap3A_161 = tpu.vector_load %arg12[%swap3A_160] {strides = array<i32>} : memref<128xi32, #tpu.memory_space<vmem>>, vector<16xi32>,
      %swap3A_162 = vector.shape_cast %swap3A_161 : vector<16xi32> to vector<16xi32>
      %swap3A_163 = vector.shape_cast %get3A_159 : vector<16xi32> to vector<16xi32>
      tpu.vector_store %arg12[%swap3A_160], %swap3A_163 {strides = array<i32>} : memref<128xi32, #tpu.memory_space<vmem>>, vector<16xi32>,
      %get3A_164 = arith.constant 48 : index
      %get3A_165 = tpu.vector_load %arg9[%get3A_164] {strides = array<i32>} : memref<128xi32, #tpu.memory_space<vmem>>, vector<16xi32>,
      %get3A_166 = vector.shape_cast %get3A_165 : vector<16xi32> to vector<16xi32>
      %swap3A_167 = arith.constant 48 : index
      %swap3A_168 = tpu.vector_load %arg12[%swap3A_167] {strides = array<i32>} : memref<128xi32, #tpu.memory_space<vmem>>, vector<16xi32>,
      %swap3A_169 = vector.shape_cast %swap3A_168 : vector<16xi32> to vector<16xi32>
      %swap3A_170 = vector.shape_cast %get3A_166 : vector<16xi32> to vector<16xi32>
      tpu.vector_store %arg12[%swap3A_167], %swap3A_170 {strides = array<i32>} : memref<128xi32, #tpu.memory_space<vmem>>, vector<16xi32>,
      %get3A_171 = arith.constant 64 : index
      %get3A_172 = tpu.vector_load %arg9[%get3A_171] {strides = array<i32>} : memref<128xi32, #tpu.memory_space<vmem>>, vector<16xi32>,
      %get3A_173 = vector.shape_cast %get3A_172 : vector<16xi32> to vector<16xi32>
      %swap3A_174 = arith.constant 64 : index
      %swap3A_175 = tpu.vector_load %arg12[%swap3A_174] {strides = array<i32>} : memref<128xi32, #tpu.memory_space<vmem>>, vector<16xi32>,
      %swap3A_176 = vector.shape_cast %swap3A_175 : vector<16xi32> to vector<16xi32>
      %swap3A_177 = vector.shape_cast %get3A_173 : vector<16xi32> to vector<16xi32>
      tpu.vector_store %arg12[%swap3A_174], %swap3A_177 {strides = array<i32>} : memref<128xi32, #tpu.memory_space<vmem>>, vector<16xi32>,
      %get3A_178 = arith.constant 80 : index
      %get3A_179 = tpu.vector_load %arg9[%get3A_178] {strides = array<i32>} : memref<128xi32, #tpu.memory_space<vmem>>, vector<16xi32>,
      %get3A_180 = vector.shape_cast %get3A_179 : vector<16xi32> to vector<16xi32>
      %swap3A_181 = arith.constant 80 : index
      %swap3A_182 = tpu.vector_load %arg12[%swap3A_181] {strides = array<i32>} : memref<128xi32, #tpu.memory_space<vmem>>, vector<16xi32>,
      %swap3A_183 = vector.shape_cast %swap3A_182 : vector<16xi32> to vector<16xi32>
      %swap3A_184 = vector.shape_cast %get3A_180 : vector<16xi32> to vector<16xi32>
      tpu.vector_store %arg12[%swap3A_181], %swap3A_184 {strides = array<i32>} : memref<128xi32, #tpu.memory_space<vmem>>, vector<16xi32>,
      %get3A_185 = arith.constant 96 : index
      %get3A_186 = tpu.vector_load %arg9[%get3A_185] {strides = array<i32>} : memref<128xi32, #tpu.memory_space<vmem>>, vector<16xi32>,
      %get3A_187 = vector.shape_cast %get3A_186 : vector<16xi32> to vector<16xi32>
      %swap3A_188 = arith.constant 96 : index
      %swap3A_189 = tpu.vector_load %arg12[%swap3A_188] {strides = array<i32>} : memref<128xi32, #tpu.memory_space<vmem>>, vector<16xi32>,
      %swap3A_190 = vector.shape_cast %swap3A_189 : vector<16xi32> to vector<16xi32>
      %swap3A_191 = vector.shape_cast %get3A_187 : vector<16xi32> to vector<16xi32>
      tpu.vector_store %arg12[%swap3A_188], %swap3A_191 {strides = array<i32>} : memref<128xi32, #tpu.memory_space<vmem>>, vector<16xi32>,
      %get3A_192 = arith.constant 112 : index
      %get3A_193 = tpu.vector_load %arg9[%get3A_192] {strides = array<i32>} : memref<128xi32, #tpu.memory_space<vmem>>, vector<16xi32>,
      %get3A_194 = vector.shape_cast %get3A_193 : vector<16xi32> to vector<16xi32>
      %swap3A_195 = arith.constant 112 : index
      %swap3A_196 = tpu.vector_load %arg12[%swap3A_195] {strides = array<i32>} : memref<128xi32, #tpu.memory_space<vmem>>, vector<16xi32>,
      %swap3A_197 = vector.shape_cast %swap3A_196 : vector<16xi32> to vector<16xi32>
      %swap3A_198 = vector.shape_cast %get3A_194 : vector<16xi32> to vector<16xi32>
      tpu.vector_store %arg12[%swap3A_195], %swap3A_198 {strides = array<i32>} : memref<128xi32, #tpu.memory_space<vmem>>, vector<16xi32>,
      %add3A_199 = arith.constant 3 : i32
      %add3A_200 = arith.addi %mul3A_133, %add3A_199 : i32
      %lt3A_201 = arith.constant 79 : i32
      %lt3A_202 = arith.cmpi slt, %add3A_200, %lt3A_201 : i32
      %convert_element_type3A_203 = arith.extui %lt3A_202 : i1 to i32
      %cond3A_204 = arith.constant 0 : i32
      %cond3A_205 = arith.cmpi ne, %convert_element_type3A_203, %cond3A_204 : i32
      scf.if %cond3A_205 {
        %add3A_369 = arith.addi %mul3A_2, %mul3A_133 : i32
        %add3A_370 = arith.constant 3 : i32
        %add3A_371 = arith.addi %add3A_369, %add3A_370 : i32
        %dma_start3A_372 = arith.constant 0 : i32
        %dma_start3A_373 = tpu.memref_slice %arg3[%add3A_371, %dma_start3A_372] : memref<2528x128xi32, #tpu.memory_space<hbm>> -> memref<1x128xi32, #tpu.memory_space<hbm>>
        %dma_start3A_374 = tpu.memref_squeeze %dma_start3A_373 : memref<1x128xi32, #tpu.memory_space<hbm>> -> memref<128xi32, #tpu.memory_space<hbm>>
        %dma_start3A_375 = arith.constant 0 : i32
        %dma_start3A_376 = tpu.memref_slice %arg3[%add3A_371, %dma_start3A_375] : memref<2528x128xi32, #tpu.memory_space<hbm>> -> memref<1x128xi32, #tpu.memory_space<hbm>>
        %dma_start3A_377 = tpu.memref_squeeze %dma_start3A_376 : memref<1x128xi32, #tpu.memory_space<hbm>> -> memref<128xi32, #tpu.memory_space<hbm>>
        tpu.enqueue_dma source(%dma_start3A_377 : memref<128xi32, #tpu.memory_space<hbm>>) target(%arg6 : memref<128xi32, #tpu.memory_space<vmem>>) target_semaphore(%arg19 : memref<!tpu.dma_semaphore, #tpu.memory_space<semaphore_mem>>)
        %add3A_378 = arith.addi %mul3A_2, %mul3A_133 : i32
        %add3A_379 = arith.constant 3 : i32
        %add3A_380 = arith.addi %add3A_378, %add3A_379 : i32
        %dma_start3A_381 = arith.constant 0 : i32
        %dma_start3A_382 = tpu.memref_slice %arg4[%add3A_380, %dma_start3A_381] : memref<2528x128xi32, #tpu.memory_space<hbm>> -> memref<1x128xi32, #tpu.memory_space<hbm>>
        %dma_start3A_383 = tpu.memref_squeeze %dma_start3A_382 : memref<1x128xi32, #tpu.memory_space<hbm>> -> memref<128xi32, #tpu.memory_space<hbm>>
        %dma_start3A_384 = arith.constant 0 : i32
        %dma_start3A_385 = tpu.memref_slice %arg4[%add3A_380, %dma_start3A_384] : memref<2528x128xi32, #tpu.memory_space<hbm>> -> memref<1x128xi32, #tpu.memory_space<hbm>>
        %dma_start3A_386 = tpu.memref_squeeze %dma_start3A_385 : memref<1x128xi32, #tpu.memory_space<hbm>> -> memref<128xi32, #tpu.memory_space<hbm>>
        tpu.enqueue_dma source(%dma_start3A_386 : memref<128xi32, #tpu.memory_space<hbm>>) target(%arg9 : memref<128xi32, #tpu.memory_space<vmem>>) target_semaphore(%arg19 : memref<!tpu.dma_semaphore, #tpu.memory_space<semaphore_mem>>)
      } else {
      }
      %dma_start3A_206 = arith.constant 0 : i32
      %dma_start3A_207 = arith.constant 0 : i32
      %dma_start3A_208 = tpu.memref_slice %arg18[%dma_start3A_206, %dma_start3A_207] : memref<10016x128xf32, #tpu.memory_space<vmem_shared>> -> memref<10016x128xf32, #tpu.memory_space<vmem_shared>>
      tpu.enqueue_indirect_dma source(%arg15 : memref<128x128xf32, #tpu.memory_space<vmem>>) target(%dma_start3A_208 : memref<10016x128xf32, #tpu.memory_space<vmem_shared>>) offsets(%arg12 : memref<128xi32, #tpu.memory_space<vmem>>) semaphore(%arg25 : memref<!tpu.dma_semaphore, #tpu.memory_space<semaphore_mem>>) {add = true}
      %mul3A_209 = arith.constant 3 : i32
      %mul3A_210 = arith.muli %scan3A_131, %mul3A_209 : i32
      %add3A_211 = arith.constant 1 : i32
      %add3A_212 = arith.addi %mul3A_210, %add3A_211 : i32
      %add3A_213 = arith.constant 2 : i32
      %add3A_214 = arith.addi %add3A_212, %add3A_213 : i32
      %lt3A_215 = arith.constant 79 : i32
      %lt3A_216 = arith.cmpi slt, %add3A_214, %lt3A_215 : i32
      %convert_element_type3A_217 = arith.extui %lt3A_216 : i1 to i32
      %cond3A_218 = arith.constant 0 : i32
      %cond3A_219 = arith.cmpi ne, %convert_element_type3A_217, %cond3A_218 : i32
      scf.if %cond3A_219 {
        %add3A_369 = arith.addi %mul3A_2, %add3A_212 : i32
        %add3A_370 = arith.constant 2 : i32
        %add3A_371 = arith.addi %add3A_369, %add3A_370 : i32
        %dma_wait3A_372 = arith.constant 0 : i32
        %dma_wait3A_373 = tpu.memref_slice %arg3[%add3A_371, %dma_wait3A_372] : memref<2528x128xi32, #tpu.memory_space<hbm>> -> memref<1x128xi32, #tpu.memory_space<hbm>>
        %dma_wait3A_374 = tpu.memref_squeeze %dma_wait3A_373 : memref<1x128xi32, #tpu.memory_space<hbm>> -> memref<128xi32, #tpu.memory_space<hbm>>
        %dma_wait3A_375 = arith.constant 0 : i32
        %dma_wait3A_376 = tpu.memref_slice %arg3[%add3A_371, %dma_wait3A_375] : memref<2528x128xi32, #tpu.memory_space<hbm>> -> memref<1x128xi32, #tpu.memory_space<hbm>>
        %dma_wait3A_377 = tpu.memref_squeeze %dma_wait3A_376 : memref<1x128xi32, #tpu.memory_space<hbm>> -> memref<128xi32, #tpu.memory_space<hbm>>
        tpu.wait_dma2 semaphore(%arg19 : memref<!tpu.dma_semaphore, #tpu.memory_space<semaphore_mem>>) src(%dma_wait3A_377 : memref<128xi32, #tpu.memory_space<hbm>>) dst(%arg6 : memref<128xi32, #tpu.memory_space<vmem>>)
        %add3A_378 = arith.addi %mul3A_2, %add3A_212 : i32
        %add3A_379 = arith.constant 2 : i32
        %add3A_380 = arith.addi %add3A_378, %add3A_379 : i32
        %dma_wait3A_381 = arith.constant 0 : i32
        %dma_wait3A_382 = tpu.memref_slice %arg4[%add3A_380, %dma_wait3A_381] : memref<2528x128xi32, #tpu.memory_space<hbm>> -> memref<1x128xi32, #tpu.memory_space<hbm>>
        %dma_wait3A_383 = tpu.memref_squeeze %dma_wait3A_382 : memref<1x128xi32, #tpu.memory_space<hbm>> -> memref<128xi32, #tpu.memory_space<hbm>>
        %dma_wait3A_384 = arith.constant 0 : i32
        %dma_wait3A_385 = tpu.memref_slice %arg4[%add3A_380, %dma_wait3A_384] : memref<2528x128xi32, #tpu.memory_space<hbm>> -> memref<1x128xi32, #tpu.memory_space<hbm>>
        %dma_wait3A_386 = tpu.memref_squeeze %dma_wait3A_385 : memref<1x128xi32, #tpu.memory_space<hbm>> -> memref<128xi32, #tpu.memory_space<hbm>>
        tpu.wait_dma2 semaphore(%arg19 : memref<!tpu.dma_semaphore, #tpu.memory_space<semaphore_mem>>) src(%dma_wait3A_386 : memref<128xi32, #tpu.memory_space<hbm>>) dst(%arg9 : memref<128xi32, #tpu.memory_space<vmem>>)
        %ge3A = arith.constant 1 : i32
        %ge3A_387 = arith.cmpi sge, %add3A_212, %ge3A : i32
        %convert_element_type3A_388 = arith.extui %ge3A_387 : i1 to i32
        %cond3A_389 = arith.constant 0 : i32
        %cond3A_390 = arith.cmpi ne, %convert_element_type3A_388, %cond3A_389 : i32
        scf.if %cond3A_390 {
          %dma_wait3A_394 = arith.constant 0 : i32
          %dma_wait3A_395 = arith.constant 0 : i32
          %dma_wait3A_396 = tpu.memref_slice %arg18[%dma_wait3A_394, %dma_wait3A_395] : memref<10016x128xf32, #tpu.memory_space<vmem_shared>> -> memref<10016x128xf32, #tpu.memory_space<vmem_shared>>
          tpu.wait_indirect_dma semaphore(%arg25 : memref<!tpu.dma_semaphore, #tpu.memory_space<semaphore_mem>>) src(%arg15 : memref<128x128xf32, #tpu.memory_space<vmem>>) dst(%dma_wait3A_396 : memref<10016x128xf32, #tpu.memory_space<vmem_shared>>)
        } else {
        }
        %dma_start3A_391 = arith.constant 0 : i32
        %dma_start3A_392 = arith.constant 0 : i32
        %dma_start3A_393 = tpu.memref_slice %arg2[%dma_start3A_391, %dma_start3A_392] : memref<10000x128xf32, #tpu.memory_space<hbm>> -> memref<10000x128xf32, #tpu.memory_space<hbm>>
        tpu.enqueue_indirect_dma source(%dma_start3A_393 : memref<10000x128xf32, #tpu.memory_space<hbm>>) target(%arg15 : memref<128x128xf32, #tpu.memory_space<vmem>>) offsets(%arg6 : memref<128xi32, #tpu.memory_space<vmem>>) semaphore(%arg22 : memref<!tpu.dma_semaphore, #tpu.memory_space<semaphore_mem>>)
      } else {
      }
      %dma_wait3A_220 = arith.constant 0 : i32
      %dma_wait3A_221 = arith.constant 0 : i32
      %dma_wait3A_222 = tpu.memref_slice %arg2[%dma_wait3A_220, %dma_wait3A_221] : memref<10000x128xf32, #tpu.memory_space<hbm>> -> memref<10000x128xf32, #tpu.memory_space<hbm>>
      tpu.wait_indirect_dma semaphore(%arg23 : memref<!tpu.dma_semaphore, #tpu.memory_space<semaphore_mem>>) src(%dma_wait3A_222 : memref<10000x128xf32, #tpu.memory_space<hbm>>) dst(%arg16 : memref<128x128xf32, #tpu.memory_space<vmem>>)
      %get3A_223 = arith.constant 0 : index
      %get3A_224 = tpu.vector_load %arg10[%get3A_223] {strides = array<i32>} : memref<128xi32, #tpu.memory_space<vmem>>, vector<16xi32>,
      %get3A_225 = vector.shape_cast %get3A_224 : vector<16xi32> to vector<16xi32>
      %swap3A_226 = arith.constant 0 : index
      %swap3A_227 = tpu.vector_load %arg13[%swap3A_226] {strides = array<i32>} : memref<128xi32, #tpu.memory_space<vmem>>, vector<16xi32>,
      %swap3A_228 = vector.shape_cast %swap3A_227 : vector<16xi32> to vector<16xi32>
      %swap3A_229 = vector.shape_cast %get3A_225 : vector<16xi32> to vector<16xi32>
      tpu.vector_store %arg13[%swap3A_226], %swap3A_229 {strides = array<i32>} : memref<128xi32, #tpu.memory_space<vmem>>, vector<16xi32>,
      %get3A_230 = arith.constant 16 : index
      %get3A_231 = tpu.vector_load %arg10[%get3A_230] {strides = array<i32>} : memref<128xi32, #tpu.memory_space<vmem>>, vector<16xi32>,
      %get3A_232 = vector.shape_cast %get3A_231 : vector<16xi32> to vector<16xi32>
      %swap3A_233 = arith.constant 16 : index
      %swap3A_234 = tpu.vector_load %arg13[%swap3A_233] {strides = array<i32>} : memref<128xi32, #tpu.memory_space<vmem>>, vector<16xi32>,
      %swap3A_235 = vector.shape_cast %swap3A_234 : vector<16xi32> to vector<16xi32>
      %swap3A_236 = vector.shape_cast %get3A_232 : vector<16xi32> to vector<16xi32>
      tpu.vector_store %arg13[%swap3A_233], %swap3A_236 {strides = array<i32>} : memref<128xi32, #tpu.memory_space<vmem>>, vector<16xi32>,
      %get3A_237 = arith.constant 32 : index
      %get3A_238 = tpu.vector_load %arg10[%get3A_237] {strides = array<i32>} : memref<128xi32, #tpu.memory_space<vmem>>, vector<16xi32>,
      %get3A_239 = vector.shape_cast %get3A_238 : vector<16xi32> to vector<16xi32>
      %swap3A_240 = arith.constant 32 : index
      %swap3A_241 = tpu.vector_load %arg13[%swap3A_240] {strides = array<i32>} : memref<128xi32, #tpu.memory_space<vmem>>, vector<16xi32>,
      %swap3A_242 = vector.shape_cast %swap3A_241 : vector<16xi32> to vector<16xi32>
      %swap3A_243 = vector.shape_cast %get3A_239 : vector<16xi32> to vector<16xi32>
      tpu.vector_store %arg13[%swap3A_240], %swap3A_243 {strides = array<i32>} : memref<128xi32, #tpu.memory_space<vmem>>, vector<16xi32>,
      %get3A_244 = arith.constant 48 : index
      %get3A_245 = tpu.vector_load %arg10[%get3A_244] {strides = array<i32>} : memref<128xi32, #tpu.memory_space<vmem>>, vector<16xi32>,
      %get3A_246 = vector.shape_cast %get3A_245 : vector<16xi32> to vector<16xi32>
      %swap3A_247 = arith.constant 48 : index
      %swap3A_248 = tpu.vector_load %arg13[%swap3A_247] {strides = array<i32>} : memref<128xi32, #tpu.memory_space<vmem>>, vector<16xi32>,
      %swap3A_249 = vector.shape_cast %swap3A_248 : vector<16xi32> to vector<16xi32>
      %swap3A_250 = vector.shape_cast %get3A_246 : vector<16xi32> to vector<16xi32>
      tpu.vector_store %arg13[%swap3A_247], %swap3A_250 {strides = array<i32>} : memref<128xi32, #tpu.memory_space<vmem>>, vector<16xi32>,
      %get3A_251 = arith.constant 64 : index
      %get3A_252 = tpu.vector_load %arg10[%get3A_251] {strides = array<i32>} : memref<128xi32, #tpu.memory_space<vmem>>, vector<16xi32>,
      %get3A_253 = vector.shape_cast %get3A_252 : vector<16xi32> to vector<16xi32>
      %swap3A_254 = arith.constant 64 : index
      %swap3A_255 = tpu.vector_load %arg13[%swap3A_254] {strides = array<i32>} : memref<128xi32, #tpu.memory_space<vmem>>, vector<16xi32>,
      %swap3A_256 = vector.shape_cast %swap3A_255 : vector<16xi32> to vector<16xi32>
      %swap3A_257 = vector.shape_cast %get3A_253 : vector<16xi32> to vector<16xi32>
      tpu.vector_store %arg13[%swap3A_254], %swap3A_257 {strides = array<i32>} : memref<128xi32, #tpu.memory_space<vmem>>, vector<16xi32>,
      %get3A_258 = arith.constant 80 : index
      %get3A_259 = tpu.vector_load %arg10[%get3A_258] {strides = array<i32>} : memref<128xi32, #tpu.memory_space<vmem>>, vector<16xi32>,
      %get3A_260 = vector.shape_cast %get3A_259 : vector<16xi32> to vector<16xi32>
      %swap3A_261 = arith.constant 80 : index
      %swap3A_262 = tpu.vector_load %arg13[%swap3A_261] {strides = array<i32>} : memref<128xi32, #tpu.memory_space<vmem>>, vector<16xi32>,
      %swap3A_263 = vector.shape_cast %swap3A_262 : vector<16xi32> to vector<16xi32>
      %swap3A_264 = vector.shape_cast %get3A_260 : vector<16xi32> to vector<16xi32>
      tpu.vector_store %arg13[%swap3A_261], %swap3A_264 {strides = array<i32>} : memref<128xi32, #tpu.memory_space<vmem>>, vector<16xi32>,
      %get3A_265 = arith.constant 96 : index
      %get3A_266 = tpu.vector_load %arg10[%get3A_265] {strides = array<i32>} : memref<128xi32, #tpu.memory_space<vmem>>, vector<16xi32>,
      %get3A_267 = vector.shape_cast %get3A_266 : vector<16xi32> to vector<16xi32>
      %swap3A_268 = arith.constant 96 : index
      %swap3A_269 = tpu.vector_load %arg13[%swap3A_268] {strides = array<i32>} : memref<128xi32, #tpu.memory_space<vmem>>, vector<16xi32>,
      %swap3A_270 = vector.shape_cast %swap3A_269 : vector<16xi32> to vector<16xi32>
      %swap3A_271 = vector.shape_cast %get3A_267 : vector<16xi32> to vector<16xi32>
      tpu.vector_store %arg13[%swap3A_268], %swap3A_271 {strides = array<i32>} : memref<128xi32, #tpu.memory_space<vmem>>, vector<16xi32>,
      %get3A_272 = arith.constant 112 : index
      %get3A_273 = tpu.vector_load %arg10[%get3A_272] {strides = array<i32>} : memref<128xi32, #tpu.memory_space<vmem>>, vector<16xi32>,
      %get3A_274 = vector.shape_cast %get3A_273 : vector<16xi32> to vector<16xi32>
      %swap3A_275 = arith.constant 112 : index
      %swap3A_276 = tpu.vector_load %arg13[%swap3A_275] {strides = array<i32>} : memref<128xi32, #tpu.memory_space<vmem>>, vector<16xi32>,
      %swap3A_277 = vector.shape_cast %swap3A_276 : vector<16xi32> to vector<16xi32>
      %swap3A_278 = vector.shape_cast %get3A_274 : vector<16xi32> to vector<16xi32>
      tpu.vector_store %arg13[%swap3A_275], %swap3A_278 {strides = array<i32>} : memref<128xi32, #tpu.memory_space<vmem>>, vector<16xi32>,
      %add3A_279 = arith.constant 3 : i32
      %add3A_280 = arith.addi %add3A_212, %add3A_279 : i32
      %lt3A_281 = arith.constant 79 : i32
      %lt3A_282 = arith.cmpi slt, %add3A_280, %lt3A_281 : i32
      %convert_element_type3A_283 = arith.extui %lt3A_282 : i1 to i32
      %cond3A_284 = arith.constant 0 : i32
      %cond3A_285 = arith.cmpi ne, %convert_element_type3A_283, %cond3A_284 : i32
      scf.if %cond3A_285 {
        %add3A_369 = arith.addi %mul3A_2, %add3A_212 : i32
        %add3A_370 = arith.constant 3 : i32
        %add3A_371 = arith.addi %add3A_369, %add3A_370 : i32
        %dma_start3A_372 = arith.constant 0 : i32
        %dma_start3A_373 = tpu.memref_slice %arg3[%add3A_371, %dma_start3A_372] : memref<2528x128xi32, #tpu.memory_space<hbm>> -> memref<1x128xi32, #tpu.memory_space<hbm>>
        %dma_start3A_374 = tpu.memref_squeeze %dma_start3A_373 : memref<1x128xi32, #tpu.memory_space<hbm>> -> memref<128xi32, #tpu.memory_space<hbm>>
        %dma_start3A_375 = arith.constant 0 : i32
        %dma_start3A_376 = tpu.memref_slice %arg3[%add3A_371, %dma_start3A_375] : memref<2528x128xi32, #tpu.memory_space<hbm>> -> memref<1x128xi32, #tpu.memory_space<hbm>>
        %dma_start3A_377 = tpu.memref_squeeze %dma_start3A_376 : memref<1x128xi32, #tpu.memory_space<hbm>> -> memref<128xi32, #tpu.memory_space<hbm>>
        tpu.enqueue_dma source(%dma_start3A_377 : memref<128xi32, #tpu.memory_space<hbm>>) target(%arg7 : memref<128xi32, #tpu.memory_space<vmem>>) target_semaphore(%arg20 : memref<!tpu.dma_semaphore, #tpu.memory_space<semaphore_mem>>)
        %add3A_378 = arith.addi %mul3A_2, %add3A_212 : i32
        %add3A_379 = arith.constant 3 : i32
        %add3A_380 = arith.addi %add3A_378, %add3A_379 : i32
        %dma_start3A_381 = arith.constant 0 : i32
        %dma_start3A_382 = tpu.memref_slice %arg4[%add3A_380, %dma_start3A_381] : memref<2528x128xi32, #tpu.memory_space<hbm>> -> memref<1x128xi32, #tpu.memory_space<hbm>>
        %dma_start3A_383 = tpu.memref_squeeze %dma_start3A_382 : memref<1x128xi32, #tpu.memory_space<hbm>> -> memref<128xi32, #tpu.memory_space<hbm>>
        %dma_start3A_384 = arith.constant 0 : i32
        %dma_start3A_385 = tpu.memref_slice %arg4[%add3A_380, %dma_start3A_384] : memref<2528x128xi32, #tpu.memory_space<hbm>> -> memref<1x128xi32, #tpu.memory_space<hbm>>
        %dma_start3A_386 = tpu.memref_squeeze %dma_start3A_385 : memref<1x128xi32, #tpu.memory_space<hbm>> -> memref<128xi32, #tpu.memory_space<hbm>>
        tpu.enqueue_dma source(%dma_start3A_386 : memref<128xi32, #tpu.memory_space<hbm>>) target(%arg10 : memref<128xi32, #tpu.memory_space<vmem>>) target_semaphore(%arg20 : memref<!tpu.dma_semaphore, #tpu.memory_space<semaphore_mem>>)
      } else {
      }
      %dma_start3A_286 = arith.constant 0 : i32
      %dma_start3A_287 = arith.constant 0 : i32
      %dma_start3A_288 = tpu.memref_slice %arg18[%dma_start3A_286, %dma_start3A_287] : memref<10016x128xf32, #tpu.memory_space<vmem_shared>> -> memref<10016x128xf32, #tpu.memory_space<vmem_shared>>
      tpu.enqueue_indirect_dma source(%arg16 : memref<128x128xf32, #tpu.memory_space<vmem>>) target(%dma_start3A_288 : memref<10016x128xf32, #tpu.memory_space<vmem_shared>>) offsets(%arg13 : memref<128xi32, #tpu.memory_space<vmem>>) semaphore(%arg26 : memref<!tpu.dma_semaphore, #tpu.memory_space<semaphore_mem>>) {add = true}
      %mul3A_289 = arith.constant 3 : i32
      %mul3A_290 = arith.muli %scan3A_131, %mul3A_289 : i32
      %add3A_291 = arith.constant 2 : i32
      %add3A_292 = arith.addi %mul3A_290, %add3A_291 : i32
      %add3A_293 = arith.constant 2 : i32
      %add3A_294 = arith.addi %add3A_292, %add3A_293 : i32
      %lt3A_295 = arith.constant 79 : i32
      %lt3A_296 = arith.cmpi slt, %add3A_294, %lt3A_295 : i32
      %convert_element_type3A_297 = arith.extui %lt3A_296 : i1 to i32
      %cond3A_298 = arith.constant 0 : i32
      %cond3A_299 = arith.cmpi ne, %convert_element_type3A_297, %cond3A_298 : i32
      scf.if %cond3A_299 {
        %add3A_369 = arith.addi %mul3A_2, %add3A_292 : i32
        %add3A_370 = arith.constant 2 : i32
        %add3A_371 = arith.addi %add3A_369, %add3A_370 : i32
        %dma_wait3A_372 = arith.constant 0 : i32
        %dma_wait3A_373 = tpu.memref_slice %arg3[%add3A_371, %dma_wait3A_372] : memref<2528x128xi32, #tpu.memory_space<hbm>> -> memref<1x128xi32, #tpu.memory_space<hbm>>
        %dma_wait3A_374 = tpu.memref_squeeze %dma_wait3A_373 : memref<1x128xi32, #tpu.memory_space<hbm>> -> memref<128xi32, #tpu.memory_space<hbm>>
        %dma_wait3A_375 = arith.constant 0 : i32
        %dma_wait3A_376 = tpu.memref_slice %arg3[%add3A_371, %dma_wait3A_375] : memref<2528x128xi32, #tpu.memory_space<hbm>> -> memref<1x128xi32, #tpu.memory_space<hbm>>
        %dma_wait3A_377 = tpu.memref_squeeze %dma_wait3A_376 : memref<1x128xi32, #tpu.memory_space<hbm>> -> memref<128xi32, #tpu.memory_space<hbm>>
        tpu.wait_dma2 semaphore(%arg20 : memref<!tpu.dma_semaphore, #tpu.memory_space<semaphore_mem>>) src(%dma_wait3A_377 : memref<128xi32, #tpu.memory_space<hbm>>) dst(%arg7 : memref<128xi32, #tpu.memory_space<vmem>>)
        %add3A_378 = arith.addi %mul3A_2, %add3A_292 : i32
        %add3A_379 = arith.constant 2 : i32
        %add3A_380 = arith.addi %add3A_378, %add3A_379 : i32
        %dma_wait3A_381 = arith.constant 0 : i32
        %dma_wait3A_382 = tpu.memref_slice %arg4[%add3A_380, %dma_wait3A_381] : memref<2528x128xi32, #tpu.memory_space<hbm>> -> memref<1x128xi32, #tpu.memory_space<hbm>>
        %dma_wait3A_383 = tpu.memref_squeeze %dma_wait3A_382 : memref<1x128xi32, #tpu.memory_space<hbm>> -> memref<128xi32, #tpu.memory_space<hbm>>
        %dma_wait3A_384 = arith.constant 0 : i32
        %dma_wait3A_385 = tpu.memref_slice %arg4[%add3A_380, %dma_wait3A_384] : memref<2528x128xi32, #tpu.memory_space<hbm>> -> memref<1x128xi32, #tpu.memory_space<hbm>>
        %dma_wait3A_386 = tpu.memref_squeeze %dma_wait3A_385 : memref<1x128xi32, #tpu.memory_space<hbm>> -> memref<128xi32, #tpu.memory_space<hbm>>
        tpu.wait_dma2 semaphore(%arg20 : memref<!tpu.dma_semaphore, #tpu.memory_space<semaphore_mem>>) src(%dma_wait3A_386 : memref<128xi32, #tpu.memory_space<hbm>>) dst(%arg10 : memref<128xi32, #tpu.memory_space<vmem>>)
        %ge3A = arith.constant 1 : i32
        %ge3A_387 = arith.cmpi sge, %add3A_292, %ge3A : i32
        %convert_element_type3A_388 = arith.extui %ge3A_387 : i1 to i32
        %cond3A_389 = arith.constant 0 : i32
        %cond3A_390 = arith.cmpi ne, %convert_element_type3A_388, %cond3A_389 : i32
        scf.if %cond3A_390 {
          %dma_wait3A_394 = arith.constant 0 : i32
          %dma_wait3A_395 = arith.constant 0 : i32
          %dma_wait3A_396 = tpu.memref_slice %arg18[%dma_wait3A_394, %dma_wait3A_395] : memref<10016x128xf32, #tpu.memory_space<vmem_shared>> -> memref<10016x128xf32, #tpu.memory_space<vmem_shared>>
          tpu.wait_indirect_dma semaphore(%arg26 : memref<!tpu.dma_semaphore, #tpu.memory_space<semaphore_mem>>) src(%arg16 : memref<128x128xf32, #tpu.memory_space<vmem>>) dst(%dma_wait3A_396 : memref<10016x128xf32, #tpu.memory_space<vmem_shared>>)
        } else {
        }
        %dma_start3A_391 = arith.constant 0 : i32
        %dma_start3A_392 = arith.constant 0 : i32
        %dma_start3A_393 = tpu.memref_slice %arg2[%dma_start3A_391, %dma_start3A_392] : memref<10000x128xf32, #tpu.memory_space<hbm>> -> memref<10000x128xf32, #tpu.memory_space<hbm>>
        tpu.enqueue_indirect_dma source(%dma_start3A_393 : memref<10000x128xf32, #tpu.memory_space<hbm>>) target(%arg16 : memref<128x128xf32, #tpu.memory_space<vmem>>) offsets(%arg7 : memref<128xi32, #tpu.memory_space<vmem>>) semaphore(%arg23 : memref<!tpu.dma_semaphore, #tpu.memory_space<semaphore_mem>>)
      } else {
      }
      %dma_wait3A_300 = arith.constant 0 : i32
      %dma_wait3A_301 = arith.constant 0 : i32
      %dma_wait3A_302 = tpu.memref_slice %arg2[%dma_wait3A_300, %dma_wait3A_301] : memref<10000x128xf32, #tpu.memory_space<hbm>> -> memref<10000x128xf32, #tpu.memory_space<hbm>>
      tpu.wait_indirect_dma semaphore(%arg24 : memref<!tpu.dma_semaphore, #tpu.memory_space<semaphore_mem>>) src(%dma_wait3A_302 : memref<10000x128xf32, #tpu.memory_space<hbm>>) dst(%arg17 : memref<128x128xf32, #tpu.memory_space<vmem>>)
      %get3A_303 = arith.constant 0 : index
      %get3A_304 = tpu.vector_load %arg11[%get3A_303] {strides = array<i32>} : memref<128xi32, #tpu.memory_space<vmem>>, vector<16xi32>,
      %get3A_305 = vector.shape_cast %get3A_304 : vector<16xi32> to vector<16xi32>
      %swap3A_306 = arith.constant 0 : index
      %swap3A_307 = tpu.vector_load %arg14[%swap3A_306] {strides = array<i32>} : memref<128xi32, #tpu.memory_space<vmem>>, vector<16xi32>,
      %swap3A_308 = vector.shape_cast %swap3A_307 : vector<16xi32> to vector<16xi32>
      %swap3A_309 = vector.shape_cast %get3A_305 : vector<16xi32> to vector<16xi32>
      tpu.vector_store %arg14[%swap3A_306], %swap3A_309 {strides = array<i32>} : memref<128xi32, #tpu.memory_space<vmem>>, vector<16xi32>,
      %get3A_310 = arith.constant 16 : index
      %get3A_311 = tpu.vector_load %arg11[%get3A_310] {strides = array<i32>} : memref<128xi32, #tpu.memory_space<vmem>>, vector<16xi32>,
      %get3A_312 = vector.shape_cast %get3A_311 : vector<16xi32> to vector<16xi32>
      %swap3A_313 = arith.constant 16 : index
      %swap3A_314 = tpu.vector_load %arg14[%swap3A_313] {strides = array<i32>} : memref<128xi32, #tpu.memory_space<vmem>>, vector<16xi32>,
      %swap3A_315 = vector.shape_cast %swap3A_314 : vector<16xi32> to vector<16xi32>
      %swap3A_316 = vector.shape_cast %get3A_312 : vector<16xi32> to vector<16xi32>
      tpu.vector_store %arg14[%swap3A_313], %swap3A_316 {strides = array<i32>} : memref<128xi32, #tpu.memory_space<vmem>>, vector<16xi32>,
      %get3A_317 = arith.constant 32 : index
      %get3A_318 = tpu.vector_load %arg11[%get3A_317] {strides = array<i32>} : memref<128xi32, #tpu.memory_space<vmem>>, vector<16xi32>,
      %get3A_319 = vector.shape_cast %get3A_318 : vector<16xi32> to vector<16xi32>
      %swap3A_320 = arith.constant 32 : index
      %swap3A_321 = tpu.vector_load %arg14[%swap3A_320] {strides = array<i32>} : memref<128xi32, #tpu.memory_space<vmem>>, vector<16xi32>,
      %swap3A_322 = vector.shape_cast %swap3A_321 : vector<16xi32> to vector<16xi32>
      %swap3A_323 = vector.shape_cast %get3A_319 : vector<16xi32> to vector<16xi32>
      tpu.vector_store %arg14[%swap3A_320], %swap3A_323 {strides = array<i32>} : memref<128xi32, #tpu.memory_space<vmem>>, vector<16xi32>,
      %get3A_324 = arith.constant 48 : index
      %get3A_325 = tpu.vector_load %arg11[%get3A_324] {strides = array<i32>} : memref<128xi32, #tpu.memory_space<vmem>>, vector<16xi32>,
      %get3A_326 = vector.shape_cast %get3A_325 : vector<16xi32> to vector<16xi32>
      %swap3A_327 = arith.constant 48 : index
      %swap3A_328 = tpu.vector_load %arg14[%swap3A_327] {strides = array<i32>} : memref<128xi32, #tpu.memory_space<vmem>>, vector<16xi32>,
      %swap3A_329 = vector.shape_cast %swap3A_328 : vector<16xi32> to vector<16xi32>
      %swap3A_330 = vector.shape_cast %get3A_326 : vector<16xi32> to vector<16xi32>
      tpu.vector_store %arg14[%swap3A_327], %swap3A_330 {strides = array<i32>} : memref<128xi32, #tpu.memory_space<vmem>>, vector<16xi32>,
      %get3A_331 = arith.constant 64 : index
      %get3A_332 = tpu.vector_load %arg11[%get3A_331] {strides = array<i32>} : memref<128xi32, #tpu.memory_space<vmem>>, vector<16xi32>,
      %get3A_333 = vector.shape_cast %get3A_332 : vector<16xi32> to vector<16xi32>
      %swap3A_334 = arith.constant 64 : index
      %swap3A_335 = tpu.vector_load %arg14[%swap3A_334] {strides = array<i32>} : memref<128xi32, #tpu.memory_space<vmem>>, vector<16xi32>,
      %swap3A_336 = vector.shape_cast %swap3A_335 : vector<16xi32> to vector<16xi32>
      %swap3A_337 = vector.shape_cast %get3A_333 : vector<16xi32> to vector<16xi32>
      tpu.vector_store %arg14[%swap3A_334], %swap3A_337 {strides = array<i32>} : memref<128xi32, #tpu.memory_space<vmem>>, vector<16xi32>,
      %get3A_338 = arith.constant 80 : index
      %get3A_339 = tpu.vector_load %arg11[%get3A_338] {strides = array<i32>} : memref<128xi32, #tpu.memory_space<vmem>>, vector<16xi32>,
      %get3A_340 = vector.shape_cast %get3A_339 : vector<16xi32> to vector<16xi32>
      %swap3A_341 = arith.constant 80 : index
      %swap3A_342 = tpu.vector_load %arg14[%swap3A_341] {strides = array<i32>} : memref<128xi32, #tpu.memory_space<vmem>>, vector<16xi32>,
      %swap3A_343 = vector.shape_cast %swap3A_342 : vector<16xi32> to vector<16xi32>
      %swap3A_344 = vector.shape_cast %get3A_340 : vector<16xi32> to vector<16xi32>
      tpu.vector_store %arg14[%swap3A_341], %swap3A_344 {strides = array<i32>} : memref<128xi32, #tpu.memory_space<vmem>>, vector<16xi32>,
      %get3A_345 = arith.constant 96 : index
      %get3A_346 = tpu.vector_load %arg11[%get3A_345] {strides = array<i32>} : memref<128xi32, #tpu.memory_space<vmem>>, vector<16xi32>,
      %get3A_347 = vector.shape_cast %get3A_346 : vector<16xi32> to vector<16xi32>
      %swap3A_348 = arith.constant 96 : index
      %swap3A_349 = tpu.vector_load %arg14[%swap3A_348] {strides = array<i32>} : memref<128xi32, #tpu.memory_space<vmem>>, vector<16xi32>,
      %swap3A_350 = vector.shape_cast %swap3A_349 : vector<16xi32> to vector<16xi32>
      %swap3A_351 = vector.shape_cast %get3A_347 : vector<16xi32> to vector<16xi32>
      tpu.vector_store %arg14[%swap3A_348], %swap3A_351 {strides = array<i32>} : memref<128xi32, #tpu.memory_space<vmem>>, vector<16xi32>,
      %get3A_352 = arith.constant 112 : index
      %get3A_353 = tpu.vector_load %arg11[%get3A_352] {strides = array<i32>} : memref<128xi32, #tpu.memory_space<vmem>>, vector<16xi32>,
      %get3A_354 = vector.shape_cast %get3A_353 : vector<16xi32> to vector<16xi32>
      %swap3A_355 = arith.constant 112 : index
      %swap3A_356 = tpu.vector_load %arg14[%swap3A_355] {strides = array<i32>} : memref<128xi32, #tpu.memory_space<vmem>>, vector<16xi32>,
      %swap3A_357 = vector.shape_cast %swap3A_356 : vector<16xi32> to vector<16xi32>
      %swap3A_358 = vector.shape_cast %get3A_354 : vector<16xi32> to vector<16xi32>
      tpu.vector_store %arg14[%swap3A_355], %swap3A_358 {strides = array<i32>} : memref<128xi32, #tpu.memory_space<vmem>>, vector<16xi32>,
      %add3A_359 = arith.constant 3 : i32
      %add3A_360 = arith.addi %add3A_292, %add3A_359 : i32
      %lt3A_361 = arith.constant 79 : i32
      %lt3A_362 = arith.cmpi slt, %add3A_360, %lt3A_361 : i32
      %convert_element_type3A_363 = arith.extui %lt3A_362 : i1 to i32
      %cond3A_364 = arith.constant 0 : i32
      %cond3A_365 = arith.cmpi ne, %convert_element_type3A_363, %cond3A_364 : i32
      scf.if %cond3A_365 {
        %add3A_369 = arith.addi %mul3A_2, %add3A_292 : i32
        %add3A_370 = arith.constant 3 : i32
        %add3A_371 = arith.addi %add3A_369, %add3A_370 : i32
        %dma_start3A_372 = arith.constant 0 : i32
        %dma_start3A_373 = tpu.memref_slice %arg3[%add3A_371, %dma_start3A_372] : memref<2528x128xi32, #tpu.memory_space<hbm>> -> memref<1x128xi32, #tpu.memory_space<hbm>>
        %dma_start3A_374 = tpu.memref_squeeze %dma_start3A_373 : memref<1x128xi32, #tpu.memory_space<hbm>> -> memref<128xi32, #tpu.memory_space<hbm>>
        %dma_start3A_375 = arith.constant 0 : i32
        %dma_start3A_376 = tpu.memref_slice %arg3[%add3A_371, %dma_start3A_375] : memref<2528x128xi32, #tpu.memory_space<hbm>> -> memref<1x128xi32, #tpu.memory_space<hbm>>
        %dma_start3A_377 = tpu.memref_squeeze %dma_start3A_376 : memref<1x128xi32, #tpu.memory_space<hbm>> -> memref<128xi32, #tpu.memory_space<hbm>>
        tpu.enqueue_dma source(%dma_start3A_377 : memref<128xi32, #tpu.memory_space<hbm>>) target(%arg8 : memref<128xi32, #tpu.memory_space<vmem>>) target_semaphore(%arg21 : memref<!tpu.dma_semaphore, #tpu.memory_space<semaphore_mem>>)
        %add3A_378 = arith.addi %mul3A_2, %add3A_292 : i32
        %add3A_379 = arith.constant 3 : i32
        %add3A_380 = arith.addi %add3A_378, %add3A_379 : i32
        %dma_start3A_381 = arith.constant 0 : i32
        %dma_start3A_382 = tpu.memref_slice %arg4[%add3A_380, %dma_start3A_381] : memref<2528x128xi32, #tpu.memory_space<hbm>> -> memref<1x128xi32, #tpu.memory_space<hbm>>
        %dma_start3A_383 = tpu.memref_squeeze %dma_start3A_382 : memref<1x128xi32, #tpu.memory_space<hbm>> -> memref<128xi32, #tpu.memory_space<hbm>>
        %dma_start3A_384 = arith.constant 0 : i32
        %dma_start3A_385 = tpu.memref_slice %arg4[%add3A_380, %dma_start3A_384] : memref<2528x128xi32, #tpu.memory_space<hbm>> -> memref<1x128xi32, #tpu.memory_space<hbm>>
        %dma_start3A_386 = tpu.memref_squeeze %dma_start3A_385 : memref<1x128xi32, #tpu.memory_space<hbm>> -> memref<128xi32, #tpu.memory_space<hbm>>
        tpu.enqueue_dma source(%dma_start3A_386 : memref<128xi32, #tpu.memory_space<hbm>>) target(%arg11 : memref<128xi32, #tpu.memory_space<vmem>>) target_semaphore(%arg21 : memref<!tpu.dma_semaphore, #tpu.memory_space<semaphore_mem>>)
      } else {
      }
      %dma_start3A_366 = arith.constant 0 : i32
      %dma_start3A_367 = arith.constant 0 : i32
      %dma_start3A_368 = tpu.memref_slice %arg18[%dma_start3A_366, %dma_start3A_367] : memref<10016x128xf32, #tpu.memory_space<vmem_shared>> -> memref<10016x128xf32, #tpu.memory_space<vmem_shared>>
      tpu.enqueue_indirect_dma source(%arg17 : memref<128x128xf32, #tpu.memory_space<vmem>>) target(%dma_start3A_368 : memref<10016x128xf32, #tpu.memory_space<vmem_shared>>) offsets(%arg14 : memref<128xi32, #tpu.memory_space<vmem>>) semaphore(%arg27 : memref<!tpu.dma_semaphore, #tpu.memory_space<semaphore_mem>>) {add = true}
    }
    %scan3A_56 = arith.constant 26 : i32
    %dma_wait3A = arith.constant 0 : i32
    %dma_wait3A_57 = arith.constant 0 : i32
    %dma_wait3A_58 = tpu.memref_slice %arg2[%dma_wait3A, %dma_wait3A_57] : memref<10000x128xf32, #tpu.memory_space<hbm>> -> memref<10000x128xf32, #tpu.memory_space<hbm>>
    tpu.wait_indirect_dma semaphore(%arg22 : memref<!tpu.dma_semaphore, #tpu.memory_space<semaphore_mem>>) src(%dma_wait3A_58 : memref<10000x128xf32, #tpu.memory_space<hbm>>) dst(%arg15 : memref<128x128xf32, #tpu.memory_space<vmem>>)
    %get3A = arith.constant 0 : index
    %get3A_59 = tpu.vector_load %arg9[%get3A] {strides = array<i32>} : memref<128xi32, #tpu.memory_space<vmem>>, vector<16xi32>,
    %get3A_60 = vector.shape_cast %get3A_59 : vector<16xi32> to vector<16xi32>
    %swap3A = arith.constant 0 : index
    %swap3A_61 = tpu.vector_load %arg12[%swap3A] {strides = array<i32>} : memref<128xi32, #tpu.memory_space<vmem>>, vector<16xi32>,
    %swap3A_62 = vector.shape_cast %swap3A_61 : vector<16xi32> to vector<16xi32>
    %swap3A_63 = vector.shape_cast %get3A_60 : vector<16xi32> to vector<16xi32>
    tpu.vector_store %arg12[%swap3A], %swap3A_63 {strides = array<i32>} : memref<128xi32, #tpu.memory_space<vmem>>, vector<16xi32>,
    %get3A_64 = arith.constant 16 : index
    %get3A_65 = tpu.vector_load %arg9[%get3A_64] {strides = array<i32>} : memref<128xi32, #tpu.memory_space<vmem>>, vector<16xi32>,
    %get3A_66 = vector.shape_cast %get3A_65 : vector<16xi32> to vector<16xi32>
    %swap3A_67 = arith.constant 16 : index
    %swap3A_68 = tpu.vector_load %arg12[%swap3A_67] {strides = array<i32>} : memref<128xi32, #tpu.memory_space<vmem>>, vector<16xi32>,
    %swap3A_69 = vector.shape_cast %swap3A_68 : vector<16xi32> to vector<16xi32>
    %swap3A_70 = vector.shape_cast %get3A_66 : vector<16xi32> to vector<16xi32>
    tpu.vector_store %arg12[%swap3A_67], %swap3A_70 {strides = array<i32>} : memref<128xi32, #tpu.memory_space<vmem>>, vector<16xi32>,
    %get3A_71 = arith.constant 32 : index
    %get3A_72 = tpu.vector_load %arg9[%get3A_71] {strides = array<i32>} : memref<128xi32, #tpu.memory_space<vmem>>, vector<16xi32>,
    %get3A_73 = vector.shape_cast %get3A_72 : vector<16xi32> to vector<16xi32>
    %swap3A_74 = arith.constant 32 : index
    %swap3A_75 = tpu.vector_load %arg12[%swap3A_74] {strides = array<i32>} : memref<128xi32, #tpu.memory_space<vmem>>, vector<16xi32>,
    %swap3A_76 = vector.shape_cast %swap3A_75 : vector<16xi32> to vector<16xi32>
    %swap3A_77 = vector.shape_cast %get3A_73 : vector<16xi32> to vector<16xi32>
    tpu.vector_store %arg12[%swap3A_74], %swap3A_77 {strides = array<i32>} : memref<128xi32, #tpu.memory_space<vmem>>, vector<16xi32>,
    %get3A_78 = arith.constant 48 : index
    %get3A_79 = tpu.vector_load %arg9[%get3A_78] {strides = array<i32>} : memref<128xi32, #tpu.memory_space<vmem>>, vector<16xi32>,
    %get3A_80 = vector.shape_cast %get3A_79 : vector<16xi32> to vector<16xi32>
    %swap3A_81 = arith.constant 48 : index
    %swap3A_82 = tpu.vector_load %arg12[%swap3A_81] {strides = array<i32>} : memref<128xi32, #tpu.memory_space<vmem>>, vector<16xi32>,
    %swap3A_83 = vector.shape_cast %swap3A_82 : vector<16xi32> to vector<16xi32>
    %swap3A_84 = vector.shape_cast %get3A_80 : vector<16xi32> to vector<16xi32>
    tpu.vector_store %arg12[%swap3A_81], %swap3A_84 {strides = array<i32>} : memref<128xi32, #tpu.memory_space<vmem>>, vector<16xi32>,
    %get3A_85 = arith.constant 64 : index
    %get3A_86 = tpu.vector_load %arg9[%get3A_85] {strides = array<i32>} : memref<128xi32, #tpu.memory_space<vmem>>, vector<16xi32>,
    %get3A_87 = vector.shape_cast %get3A_86 : vector<16xi32> to vector<16xi32>
    %swap3A_88 = arith.constant 64 : index
    %swap3A_89 = tpu.vector_load %arg12[%swap3A_88] {strides = array<i32>} : memref<128xi32, #tpu.memory_space<vmem>>, vector<16xi32>,
    %swap3A_90 = vector.shape_cast %swap3A_89 : vector<16xi32> to vector<16xi32>
    %swap3A_91 = vector.shape_cast %get3A_87 : vector<16xi32> to vector<16xi32>
    tpu.vector_store %arg12[%swap3A_88], %swap3A_91 {strides = array<i32>} : memref<128xi32, #tpu.memory_space<vmem>>, vector<16xi32>,
    %get3A_92 = arith.constant 80 : index
    %get3A_93 = tpu.vector_load %arg9[%get3A_92] {strides = array<i32>} : memref<128xi32, #tpu.memory_space<vmem>>, vector<16xi32>,
    %get3A_94 = vector.shape_cast %get3A_93 : vector<16xi32> to vector<16xi32>
    %swap3A_95 = arith.constant 80 : index
    %swap3A_96 = tpu.vector_load %arg12[%swap3A_95] {strides = array<i32>} : memref<128xi32, #tpu.memory_space<vmem>>, vector<16xi32>,
    %swap3A_97 = vector.shape_cast %swap3A_96 : vector<16xi32> to vector<16xi32>
    %swap3A_98 = vector.shape_cast %get3A_94 : vector<16xi32> to vector<16xi32>
    tpu.vector_store %arg12[%swap3A_95], %swap3A_98 {strides = array<i32>} : memref<128xi32, #tpu.memory_space<vmem>>, vector<16xi32>,
    %get3A_99 = arith.constant 96 : index
    %get3A_100 = tpu.vector_load %arg9[%get3A_99] {strides = array<i32>} : memref<128xi32, #tpu.memory_space<vmem>>, vector<16xi32>,
    %get3A_101 = vector.shape_cast %get3A_100 : vector<16xi32> to vector<16xi32>
    %swap3A_102 = arith.constant 96 : index
    %swap3A_103 = tpu.vector_load %arg12[%swap3A_102] {strides = array<i32>} : memref<128xi32, #tpu.memory_space<vmem>>, vector<16xi32>,
    %swap3A_104 = vector.shape_cast %swap3A_103 : vector<16xi32> to vector<16xi32>
    %swap3A_105 = vector.shape_cast %get3A_101 : vector<16xi32> to vector<16xi32>
    tpu.vector_store %arg12[%swap3A_102], %swap3A_105 {strides = array<i32>} : memref<128xi32, #tpu.memory_space<vmem>>, vector<16xi32>,
    %get3A_106 = arith.constant 112 : index
    %get3A_107 = tpu.vector_load %arg9[%get3A_106] {strides = array<i32>} : memref<128xi32, #tpu.memory_space<vmem>>, vector<16xi32>,
    %get3A_108 = vector.shape_cast %get3A_107 : vector<16xi32> to vector<16xi32>
    %swap3A_109 = arith.constant 112 : index
    %swap3A_110 = tpu.vector_load %arg12[%swap3A_109] {strides = array<i32>} : memref<128xi32, #tpu.memory_space<vmem>>, vector<16xi32>,
    %swap3A_111 = vector.shape_cast %swap3A_110 : vector<16xi32> to vector<16xi32>
    %swap3A_112 = vector.shape_cast %get3A_108 : vector<16xi32> to vector<16xi32>
    tpu.vector_store %arg12[%swap3A_109], %swap3A_112 {strides = array<i32>} : memref<128xi32, #tpu.memory_space<vmem>>, vector<16xi32>,
    %dma_start3A_113 = arith.constant 0 : i32
    %dma_start3A_114 = arith.constant 0 : i32
    %dma_start3A_115 = tpu.memref_slice %arg18[%dma_start3A_113, %dma_start3A_114] : memref<10016x128xf32, #tpu.memory_space<vmem_shared>> -> memref<10016x128xf32, #tpu.memory_space<vmem_shared>>
    tpu.enqueue_indirect_dma source(%arg15 : memref<128x128xf32, #tpu.memory_space<vmem>>) target(%dma_start3A_115 : memref<10016x128xf32, #tpu.memory_space<vmem_shared>>) offsets(%arg12 : memref<128xi32, #tpu.memory_space<vmem>>) semaphore(%arg25 : memref<!tpu.dma_semaphore, #tpu.memory_space<semaphore_mem>>) {add = true}
    %dma_wait3A_116 = arith.constant 0 : i32
    %dma_wait3A_117 = arith.constant 0 : i32
    %dma_wait3A_118 = tpu.memref_slice %arg18[%dma_wait3A_116, %dma_wait3A_117] : memref<10016x128xf32, #tpu.memory_space<vmem_shared>> -> memref<10016x128xf32, #tpu.memory_space<vmem_shared>>
    tpu.wait_indirect_dma semaphore(%arg26 : memref<!tpu.dma_semaphore, #tpu.memory_space<semaphore_mem>>) src(%arg16 : memref<128x128xf32, #tpu.memory_space<vmem>>) dst(%dma_wait3A_118 : memref<10016x128xf32, #tpu.memory_space<vmem_shared>>)
    %dma_wait3A_119 = arith.constant 0 : i32
    %dma_wait3A_120 = arith.constant 0 : i32
    %dma_wait3A_121 = tpu.memref_slice %arg18[%dma_wait3A_119, %dma_wait3A_120] : memref<10016x128xf32, #tpu.memory_space<vmem_shared>> -> memref<10016x128xf32, #tpu.memory_space<vmem_shared>>
    tpu.wait_indirect_dma semaphore(%arg27 : memref<!tpu.dma_semaphore, #tpu.memory_space<semaphore_mem>>) src(%arg17 : memref<128x128xf32, #tpu.memory_space<vmem>>) dst(%dma_wait3A_121 : memref<10016x128xf32, #tpu.memory_space<vmem_shared>>)
    %dma_wait3A_122 = arith.constant 0 : i32
    %dma_wait3A_123 = arith.constant 0 : i32
    %dma_wait3A_124 = tpu.memref_slice %arg18[%dma_wait3A_122, %dma_wait3A_123] : memref<10016x128xf32, #tpu.memory_space<vmem_shared>> -> memref<10016x128xf32, #tpu.memory_space<vmem_shared>>
    tpu.wait_indirect_dma semaphore(%arg25 : memref<!tpu.dma_semaphore, #tpu.memory_space<semaphore_mem>>) src(%arg15 : memref<128x128xf32, #tpu.memory_space<vmem>>) dst(%dma_wait3A_124 : memref<10016x128xf32, #tpu.memory_space<vmem_shared>>)
    %barrier3A_125 = arith.constant 0 : index
    tpu.barrier barrier_id(%barrier3A_125)
    "tpu.region"() ({
      %run_scoped3A = tpu.sem_alloc : memref<!tpu.dma_semaphore, #tpu.memory_space<semaphore_mem>>
      %dma_start3A_131 = arith.constant 0 : i32
      %dma_start3A_132 = tpu.memref_slice %arg5[%arg0, %mul3A_38, %dma_start3A_131] : memref<2x10000x128xf32, #tpu.memory_space<hbm>> -> memref<1x624x128xf32, #tpu.memory_space<hbm>>
      %dma_start3A_133 = tpu.memref_squeeze %dma_start3A_132 : memref<1x624x128xf32, #tpu.memory_space<hbm>> -> memref<624x128xf32, #tpu.memory_space<hbm>>
      %dma_start3A_134 = arith.constant 0 : i32
      %dma_start3A_135 = tpu.memref_slice %arg18[%mul3A_38, %dma_start3A_134] : memref<10016x128xf32, #tpu.memory_space<vmem_shared>> -> memref<624x128xf32, #tpu.memory_space<vmem_shared>>
      tpu.enqueue_dma source(%dma_start3A_135 : memref<624x128xf32, #tpu.memory_space<vmem_shared>>) target(%dma_start3A_133 : memref<624x128xf32, #tpu.memory_space<hbm>>) target_semaphore(%run_scoped3A : memref<!tpu.dma_semaphore, #tpu.memory_space<semaphore_mem>>)
      %dma_wait3A_136 = arith.constant 0 : i32
      %dma_wait3A_137 = tpu.memref_slice %arg5[%arg0, %mul3A_38, %dma_wait3A_136] : memref<2x10000x128xf32, #tpu.memory_space<hbm>> -> memref<1x624x128xf32, #tpu.memory_space<hbm>>
      %dma_wait3A_138 = tpu.memref_squeeze %dma_wait3A_137 : memref<1x624x128xf32, #tpu.memory_space<hbm>> -> memref<624x128xf32, #tpu.memory_space<hbm>>
      %dma_wait3A_139 = arith.constant 0 : i32
      %dma_wait3A_140 = tpu.memref_slice %arg18[%mul3A_38, %dma_wait3A_139] : memref<10016x128xf32, #tpu.memory_space<vmem_shared>> -> memref<624x128xf32, #tpu.memory_space<vmem_shared>>
      tpu.wait_dma2 semaphore(%run_scoped3A : memref<!tpu.dma_semaphore, #tpu.memory_space<semaphore_mem>>) src(%dma_wait3A_140 : memref<624x128xf32, #tpu.memory_space<vmem_shared>>) dst(%dma_wait3A_138 : memref<624x128xf32, #tpu.memory_space<hbm>>)
      tpu.yield
    }) : () -> ()
    %eq3A_126 = arith.constant 15 : i32
    %eq3A_127 = arith.cmpi eq, %arg1, %eq3A_126 : i32
    %convert_element_type3A_128 = arith.extui %eq3A_127 : i1 to i32
    %cond3A_129 = arith.constant 0 : i32
    %cond3A_130 = arith.cmpi ne, %convert_element_type3A_128, %cond3A_129 : i32
    scf.if %cond3A_130 {
      "tpu.region"() ({
        %run_scoped3A = tpu.sem_alloc : memref<!tpu.dma_semaphore, #tpu.memory_space<semaphore_mem>>
        %dma_start3A_131 = arith.constant 9984 : i32
        %dma_start3A_132 = arith.constant 0 : i32
        %dma_start3A_133 = tpu.memref_slice %arg5[%arg0, %dma_start3A_131, %dma_start3A_132] : memref<2x10000x128xf32, #tpu.memory_space<hbm>> -> memref<1x16x128xf32, #tpu.memory_space<hbm>>
        %dma_start3A_134 = tpu.memref_squeeze %dma_start3A_133 : memref<1x16x128xf32, #tpu.memory_space<hbm>> -> memref<16x128xf32, #tpu.memory_space<hbm>>
        %dma_start3A_135 = arith.constant 9984 : i32
        %dma_start3A_136 = arith.constant 0 : i32
        %dma_start3A_137 = tpu.memref_slice %arg18[%dma_start3A_135, %dma_start3A_136] : memref<10016x128xf32, #tpu.memory_space<vmem_shared>> -> memref<16x128xf32, #tpu.memory_space<vmem_shared>>
        tpu.enqueue_dma source(%dma_start3A_137 : memref<16x128xf32, #tpu.memory_space<vmem_shared>>) target(%dma_start3A_134 : memref<16x128xf32, #tpu.memory_space<hbm>>) target_semaphore(%run_scoped3A : memref<!tpu.dma_semaphore, #tpu.memory_space<semaphore_mem>>)
        %dma_wait3A_138 = arith.constant 9984 : i32
        %dma_wait3A_139 = arith.constant 0 : i32
        %dma_wait3A_140 = tpu.memref_slice %arg5[%arg0, %dma_wait3A_138, %dma_wait3A_139] : memref<2x10000x128xf32, #tpu.memory_space<hbm>> -> memref<1x16x128xf32, #tpu.memory_space<hbm>>
        %dma_wait3A_141 = tpu.memref_squeeze %dma_wait3A_140 : memref<1x16x128xf32, #tpu.memory_space<hbm>> -> memref<16x128xf32, #tpu.memory_space<hbm>>
        %dma_wait3A_142 = arith.constant 9984 : i32
        %dma_wait3A_143 = arith.constant 0 : i32
        %dma_wait3A_144 = tpu.memref_slice %arg18[%dma_wait3A_142, %dma_wait3A_143] : memref<10016x128xf32, #tpu.memory_space<vmem_shared>> -> memref<16x128xf32, #tpu.memory_space<vmem_shared>>
        tpu.wait_dma2 semaphore(%run_scoped3A : memref<!tpu.dma_semaphore, #tpu.memory_space<semaphore_mem>>) src(%dma_wait3A_144 : memref<16x128xf32, #tpu.memory_space<vmem_shared>>) dst(%dma_wait3A_141 : memref<16x128xf32, #tpu.memory_space<hbm>>)
        tpu.yield
      }) : () -> ()
    } else {
    }
    return
  }
}

#map = affine_map<(d0, d1) -> (0, 0)>
#map1 = affine_map<(d0, d1) -> (0, 0, 0)>
module attributes {stable_mosaic.version = 14 : i64} {
  func.func @agg_kernel(%arg0: i32, %arg1: i32, %arg2: memref<10000x128xf32, #tpu.memory_space<hbm>>, %arg3: memref<2528x128xi32, #tpu.memory_space<hbm>>, %arg4: memref<2528x128xi32, #tpu.memory_space<hbm>>, %arg5: memref<2x10000x128xf32, #tpu.memory_space<hbm>>, %arg6: memref<128xi32, #tpu.memory_space<vmem>>, %arg7: memref<128xi32, #tpu.memory_space<vmem>>, %arg8: memref<128xi32, #tpu.memory_space<vmem>>, %arg9: memref<128xi32, #tpu.memory_space<vmem>>, %arg10: memref<128xi32, #tpu.memory_space<vmem>>, %arg11: memref<128xi32, #tpu.memory_space<vmem>>, %arg12: memref<128xi32, #tpu.memory_space<vmem>>, %arg13: memref<128xi32, #tpu.memory_space<vmem>>, %arg14: memref<128xi32, #tpu.memory_space<vmem>>, %arg15: memref<128x128xf32, #tpu.memory_space<vmem>>, %arg16: memref<128x128xf32, #tpu.memory_space<vmem>>, %arg17: memref<128x128xf32, #tpu.memory_space<vmem>>, %arg18: memref<10016x128xf32, #tpu.memory_space<vmem_shared>>, %arg19: memref<!tpu.dma_semaphore, #tpu.memory_space<semaphore_mem>>, %arg20: memref<!tpu.dma_semaphore, #tpu.memory_space<semaphore_mem>>, %arg21: memref<!tpu.dma_semaphore, #tpu.memory_space<semaphore_mem>>, %arg22: memref<!tpu.dma_semaphore, #tpu.memory_space<semaphore_mem>>, %arg23: memref<!tpu.dma_semaphore, #tpu.memory_space<semaphore_mem>>, %arg24: memref<!tpu.dma_semaphore, #tpu.memory_space<semaphore_mem>>, %arg25: memref<!tpu.dma_semaphore, #tpu.memory_space<semaphore_mem>>, %arg26: memref<!tpu.dma_semaphore, #tpu.memory_space<semaphore_mem>>, %arg27: memref<!tpu.dma_semaphore, #tpu.memory_space<semaphore_mem>>) attributes {dimension_semantics = [#tpu.dimension_semantics<core_parallel>, #tpu.dimension_semantics<subcore_parallel>], iteration_bounds = array<i64: 2, 16>, scalar_prefetch = 0 : i64, scratch_operands = 22 : i64, tpu.core_type = #tpu.core_type<sc_vector_subcore>, window_params = [{transform_indices = #map}, {transform_indices = #map}, {transform_indices = #map}, {transform_indices = #map1}]} {
    %mul3A = arith.constant 2 : i32
    %mul3A_0 = arith.muli %arg1, %mul3A : i32
    %add3A = arith.addi %mul3A_0, %arg0 : i32
    %mul3A_1 = arith.constant 79 : i32
    %mul3A_2 = arith.muli %add3A, %mul3A_1 : i32
    %add3A_3 = arith.constant 0 : i32
    %add3A_4 = arith.addi %mul3A_2, %add3A_3 : i32
    "tpu.region"() ({
      %run_scoped3A = tpu.sem_alloc : memref<!tpu.dma_semaphore, #tpu.memory_space<semaphore_mem>>
      %dma_start3A_131 = arith.constant 0 : i32
      %dma_start3A_132 = tpu.memref_slice %arg3[%add3A_4, %dma_start3A_131] : memref<2528x128xi32, #tpu.memory_space<hbm>> -> memref<1x128xi32, #tpu.memory_space<hbm>>
      %dma_start3A_133 = tpu.memref_squeeze %dma_start3A_132 : memref<1x128xi32, #tpu.memory_space<hbm>> -> memref<128xi32, #tpu.memory_space<hbm>>
      %dma_start3A_134 = arith.constant 0 : i32
      %dma_start3A_135 = tpu.memref_slice %arg3[%add3A_4, %dma_start3A_134] : memref<2528x128xi32, #tpu.memory_space<hbm>> -> memref<1x128xi32, #tpu.memory_space<hbm>>
      %dma_start3A_136 = tpu.memref_squeeze %dma_start3A_135 : memref<1x128xi32, #tpu.memory_space<hbm>> -> memref<128xi32, #tpu.memory_space<hbm>>
      tpu.enqueue_dma source(%dma_start3A_136 : memref<128xi32, #tpu.memory_space<hbm>>) target(%arg6 : memref<128xi32, #tpu.memory_space<vmem>>) target_semaphore(%run_scoped3A : memref<!tpu.dma_semaphore, #tpu.memory_space<semaphore_mem>>)
      %dma_wait3A_137 = arith.constant 0 : i32
      %dma_wait3A_138 = tpu.memref_slice %arg3[%add3A_4, %dma_wait3A_137] : memref<2528x128xi32, #tpu.memory_space<hbm>> -> memref<1x128xi32, #tpu.memory_space<hbm>>
      %dma_wait3A_139 = tpu.memref_squeeze %dma_wait3A_138 : memref<1x128xi32, #tpu.memory_space<hbm>> -> memref<128xi32, #tpu.memory_space<hbm>>
      %dma_wait3A_140 = arith.constant 0 : i32
      %dma_wait3A_141 = tpu.memref_slice %arg3[%add3A_4, %dma_wait3A_140] : memref<2528x128xi32, #tpu.memory_space<hbm>> -> memref<1x128xi32, #tpu.memory_space<hbm>>
      %dma_wait3A_142 = tpu.memref_squeeze %dma_wait3A_141 : memref<1x128xi32, #tpu.memory_space<hbm>> -> memref<128xi32, #tpu.memory_space<hbm>>
      tpu.wait_dma2 semaphore(%run_scoped3A : memref<!tpu.dma_semaphore, #tpu.memory_space<semaphore_mem>>) src(%dma_wait3A_142 : memref<128xi32, #tpu.memory_space<hbm>>) dst(%arg6 : memref<128xi32, #tpu.memory_space<vmem>>)
      tpu.yield
    }) : () -> ()
    %add3A_5 = arith.constant 0 : i32
    %add3A_6 = arith.addi %mul3A_2, %add3A_5 : i32
    "tpu.region"() ({
      %run_scoped3A = tpu.sem_alloc : memref<!tpu.dma_semaphore, #tpu.memory_space<semaphore_mem>>
      %dma_start3A_131 = arith.constant 0 : i32
      %dma_start3A_132 = tpu.memref_slice %arg4[%add3A_6, %dma_start3A_131] : memref<2528x128xi32, #tpu.memory_space<hbm>> -> memref<1x128xi32, #tpu.memory_space<hbm>>
      %dma_start3A_133 = tpu.memref_squeeze %dma_start3A_132 : memref<1x128xi32, #tpu.memory_space<hbm>> -> memref<128xi32, #tpu.memory_space<hbm>>
      %dma_start3A_134 = arith.constant 0 : i32
      %dma_start3A_135 = tpu.memref_slice %arg4[%add3A_6, %dma_start3A_134] : memref<2528x128xi32, #tpu.memory_space<hbm>> -> memref<1x128xi32, #tpu.memory_space<hbm>>
      %dma_start3A_136 = tpu.memref_squeeze %dma_start3A_135 : memref<1x128xi32, #tpu.memory_space<hbm>> -> memref<128xi32, #tpu.memory_space<hbm>>
      tpu.enqueue_dma source(%dma_start3A_136 : memref<128xi32, #tpu.memory_space<hbm>>) target(%arg9 : memref<128xi32, #tpu.memory_space<vmem>>) target_semaphore(%run_scoped3A : memref<!tpu.dma_semaphore, #tpu.memory_space<semaphore_mem>>)
      %dma_wait3A_137 = arith.constant 0 : i32
      %dma_wait3A_138 = tpu.memref_slice %arg4[%add3A_6, %dma_wait3A_137] : memref<2528x128xi32, #tpu.memory_space<hbm>> -> memref<1x128xi32, #tpu.memory_space<hbm>>
      %dma_wait3A_139 = tpu.memref_squeeze %dma_wait3A_138 : memref<1x128xi32, #tpu.memory_space<hbm>> -> memref<128xi32, #tpu.memory_space<hbm>>
      %dma_wait3A_140 = arith.constant 0 : i32
      %dma_wait3A_141 = tpu.memref_slice %arg4[%add3A_6, %dma_wait3A_140] : memref<2528x128xi32, #tpu.memory_space<hbm>> -> memref<1x128xi32, #tpu.memory_space<hbm>>
      %dma_wait3A_142 = tpu.memref_squeeze %dma_wait3A_141 : memref<1x128xi32, #tpu.memory_space<hbm>> -> memref<128xi32, #tpu.memory_space<hbm>>
      tpu.wait_dma2 semaphore(%run_scoped3A : memref<!tpu.dma_semaphore, #tpu.memory_space<semaphore_mem>>) src(%dma_wait3A_142 : memref<128xi32, #tpu.memory_space<hbm>>) dst(%arg9 : memref<128xi32, #tpu.memory_space<vmem>>)
      tpu.yield
    }) : () -> ()
    %dma_start3A = arith.constant 0 : i32
    %dma_start3A_7 = arith.constant 0 : i32
    %dma_start3A_8 = tpu.memref_slice %arg2[%dma_start3A, %dma_start3A_7] : memref<10000x128xf32, #tpu.memory_space<hbm>> -> memref<10000x128xf32, #tpu.memory_space<hbm>>
    tpu.enqueue_indirect_dma source(%dma_start3A_8 : memref<10000x128xf32, #tpu.memory_space<hbm>>) target(%arg15 : memref<128x128xf32, #tpu.memory_space<vmem>>) offsets(%arg6 : memref<128xi32, #tpu.memory_space<vmem>>) semaphore(%arg22 : memref<!tpu.dma_semaphore, #tpu.memory_space<semaphore_mem>>)
    %add3A_9 = arith.constant 1 : i32
    %add3A_10 = arith.addi %mul3A_2, %add3A_9 : i32
    "tpu.region"() ({
      %run_scoped3A = tpu.sem_alloc : memref<!tpu.dma_semaphore, #tpu.memory_space<semaphore_mem>>
      %dma_start3A_131 = arith.constant 0 : i32
      %dma_start3A_132 = tpu.memref_slice %arg3[%add3A_10, %dma_start3A_131] : memref<2528x128xi32, #tpu.memory_space<hbm>> -> memref<1x128xi32, #tpu.memory_space<hbm>>
      %dma_start3A_133 = tpu.memref_squeeze %dma_start3A_132 : memref<1x128xi32, #tpu.memory_space<hbm>> -> memref<128xi32, #tpu.memory_space<hbm>>
      %dma_start3A_134 = arith.constant 0 : i32
      %dma_start3A_135 = tpu.memref_slice %arg3[%add3A_10, %dma_start3A_134] : memref<2528x128xi32, #tpu.memory_space<hbm>> -> memref<1x128xi32, #tpu.memory_space<hbm>>
      %dma_start3A_136 = tpu.memref_squeeze %dma_start3A_135 : memref<1x128xi32, #tpu.memory_space<hbm>> -> memref<128xi32, #tpu.memory_space<hbm>>
      tpu.enqueue_dma source(%dma_start3A_136 : memref<128xi32, #tpu.memory_space<hbm>>) target(%arg7 : memref<128xi32, #tpu.memory_space<vmem>>) target_semaphore(%run_scoped3A : memref<!tpu.dma_semaphore, #tpu.memory_space<semaphore_mem>>)
      %dma_wait3A_137 = arith.constant 0 : i32
      %dma_wait3A_138 = tpu.memref_slice %arg3[%add3A_10, %dma_wait3A_137] : memref<2528x128xi32, #tpu.memory_space<hbm>> -> memref<1x128xi32, #tpu.memory_space<hbm>>
      %dma_wait3A_139 = tpu.memref_squeeze %dma_wait3A_138 : memref<1x128xi32, #tpu.memory_space<hbm>> -> memref<128xi32, #tpu.memory_space<hbm>>
      %dma_wait3A_140 = arith.constant 0 : i32
      %dma_wait3A_141 = tpu.memref_slice %arg3[%add3A_10, %dma_wait3A_140] : memref<2528x128xi32, #tpu.memory_space<hbm>> -> memref<1x128xi32, #tpu.memory_space<hbm>>
      %dma_wait3A_142 = tpu.memref_squeeze %dma_wait3A_141 : memref<1x128xi32, #tpu.memory_space<hbm>> -> memref<128xi32, #tpu.memory_space<hbm>>
      tpu.wait_dma2 semaphore(%run_scoped3A : memref<!tpu.dma_semaphore, #tpu.memory_space<semaphore_mem>>) src(%dma_wait3A_142 : memref<128xi32, #tpu.memory_space<hbm>>) dst(%arg7 : memref<128xi32, #tpu.memory_space<vmem>>)
      tpu.yield
    }) : () -> ()
    %add3A_11 = arith.constant 1 : i32
    %add3A_12 = arith.addi %mul3A_2, %add3A_11 : i32
    "tpu.region"() ({
      %run_scoped3A = tpu.sem_alloc : memref<!tpu.dma_semaphore, #tpu.memory_space<semaphore_mem>>
      %dma_start3A_131 = arith.constant 0 : i32
      %dma_start3A_132 = tpu.memref_slice %arg4[%add3A_12, %dma_start3A_131] : memref<2528x128xi32, #tpu.memory_space<hbm>> -> memref<1x128xi32, #tpu.memory_space<hbm>>
      %dma_start3A_133 = tpu.memref_squeeze %dma_start3A_132 : memref<1x128xi32, #tpu.memory_space<hbm>> -> memref<128xi32, #tpu.memory_space<hbm>>
      %dma_start3A_134 = arith.constant 0 : i32
      %dma_start3A_135 = tpu.memref_slice %arg4[%add3A_12, %dma_start3A_134] : memref<2528x128xi32, #tpu.memory_space<hbm>> -> memref<1x128xi32, #tpu.memory_space<hbm>>
      %dma_start3A_136 = tpu.memref_squeeze %dma_start3A_135 : memref<1x128xi32, #tpu.memory_space<hbm>> -> memref<128xi32, #tpu.memory_space<hbm>>
      tpu.enqueue_dma source(%dma_start3A_136 : memref<128xi32, #tpu.memory_space<hbm>>) target(%arg10 : memref<128xi32, #tpu.memory_space<vmem>>) target_semaphore(%run_scoped3A : memref<!tpu.dma_semaphore, #tpu.memory_space<semaphore_mem>>)
      %dma_wait3A_137 = arith.constant 0 : i32
      %dma_wait3A_138 = tpu.memref_slice %arg4[%add3A_12, %dma_wait3A_137] : memref<2528x128xi32, #tpu.memory_space<hbm>> -> memref<1x128xi32, #tpu.memory_space<hbm>>
      %dma_wait3A_139 = tpu.memref_squeeze %dma_wait3A_138 : memref<1x128xi32, #tpu.memory_space<hbm>> -> memref<128xi32, #tpu.memory_space<hbm>>
      %dma_wait3A_140 = arith.constant 0 : i32
      %dma_wait3A_141 = tpu.memref_slice %arg4[%add3A_12, %dma_wait3A_140] : memref<2528x128xi32, #tpu.memory_space<hbm>> -> memref<1x128xi32, #tpu.memory_space<hbm>>
      %dma_wait3A_142 = tpu.memref_squeeze %dma_wait3A_141 : memref<1x128xi32, #tpu.memory_space<hbm>> -> memref<128xi32, #tpu.memory_space<hbm>>
      tpu.wait_dma2 semaphore(%run_scoped3A : memref<!tpu.dma_semaphore, #tpu.memory_space<semaphore_mem>>) src(%dma_wait3A_142 : memref<128xi32, #tpu.memory_space<hbm>>) dst(%arg10 : memref<128xi32, #tpu.memory_space<vmem>>)
      tpu.yield
    }) : () -> ()
    %dma_start3A_13 = arith.constant 0 : i32
    %dma_start3A_14 = arith.constant 0 : i32
    %dma_start3A_15 = tpu.memref_slice %arg2[%dma_start3A_13, %dma_start3A_14] : memref<10000x128xf32, #tpu.memory_space<hbm>> -> memref<10000x128xf32, #tpu.memory_space<hbm>>
    tpu.enqueue_indirect_dma source(%dma_start3A_15 : memref<10000x128xf32, #tpu.memory_space<hbm>>) target(%arg16 : memref<128x128xf32, #tpu.memory_space<vmem>>) offsets(%arg7 : memref<128xi32, #tpu.memory_space<vmem>>) semaphore(%arg23 : memref<!tpu.dma_semaphore, #tpu.memory_space<semaphore_mem>>)
    %add3A_16 = arith.constant 2 : i32
    %add3A_17 = arith.addi %mul3A_2, %add3A_16 : i32
    %dma_start3A_18 = arith.constant 0 : i32
    %dma_start3A_19 = tpu.memref_slice %arg3[%add3A_17, %dma_start3A_18] : memref<2528x128xi32, #tpu.memory_space<hbm>> -> memref<1x128xi32, #tpu.memory_space<hbm>>
    %dma_start3A_20 = tpu.memref_squeeze %dma_start3A_19 : memref<1x128xi32, #tpu.memory_space<hbm>> -> memref<128xi32, #tpu.memory_space<hbm>>
    %dma_start3A_21 = arith.constant 0 : i32
    %dma_start3A_22 = tpu.memref_slice %arg3[%add3A_17, %dma_start3A_21] : memref<2528x128xi32, #tpu.memory_space<hbm>> -> memref<1x128xi32, #tpu.memory_space<hbm>>
    %dma_start3A_23 = tpu.memref_squeeze %dma_start3A_22 : memref<1x128xi32, #tpu.memory_space<hbm>> -> memref<128xi32, #tpu.memory_space<hbm>>
    tpu.enqueue_dma source(%dma_start3A_23 : memref<128xi32, #tpu.memory_space<hbm>>) target(%arg8 : memref<128xi32, #tpu.memory_space<vmem>>) target_semaphore(%arg21 : memref<!tpu.dma_semaphore, #tpu.memory_space<semaphore_mem>>)
    %add3A_24 = arith.constant 2 : i32
    %add3A_25 = arith.addi %mul3A_2, %add3A_24 : i32
    %dma_start3A_26 = arith.constant 0 : i32
    %dma_start3A_27 = tpu.memref_slice %arg4[%add3A_25, %dma_start3A_26] : memref<2528x128xi32, #tpu.memory_space<hbm>> -> memref<1x128xi32, #tpu.memory_space<hbm>>
    %dma_start3A_28 = tpu.memref_squeeze %dma_start3A_27 : memref<1x128xi32, #tpu.memory_space<hbm>> -> memref<128xi32, #tpu.memory_space<hbm>>
    %dma_start3A_29 = arith.constant 0 : i32
    %dma_start3A_30 = tpu.memref_slice %arg4[%add3A_25, %dma_start3A_29] : memref<2528x128xi32, #tpu.memory_space<hbm>> -> memref<1x128xi32, #tpu.memory_space<hbm>>
    %dma_start3A_31 = tpu.memref_squeeze %dma_start3A_30 : memref<1x128xi32, #tpu.memory_space<hbm>> -> memref<128xi32, #tpu.memory_space<hbm>>
    tpu.enqueue_dma source(%dma_start3A_31 : memref<128xi32, #tpu.memory_space<hbm>>) target(%arg11 : memref<128xi32, #tpu.memory_space<vmem>>) target_semaphore(%arg21 : memref<!tpu.dma_semaphore, #tpu.memory_space<semaphore_mem>>)
    %scan3A = arith.constant 0 : i32
    %scan3A_32 = arith.constant 0 : i32
    %scan3A_33 = arith.constant 128 : i32
    %scan3A_34 = arith.addi %scan3A_32, %scan3A_33 : i32
    %scan3A_35 = arith.constant 1 : i32
    scf.for %scan3A_131 = %scan3A_32 to %scan3A_34 step %scan3A_35  : i32 {
      %broadcast_in_dim3A = arith.constant 0.000000e+00 : f32
      %broadcast_in_dim3A_132 = vector.broadcast %broadcast_in_dim3A : f32 to vector<16xf32>
      %swap3A_133 = arith.index_cast %scan3A_131 : i32 to index
      %swap3A_134 = arith.constant 0 : index
      %swap3A_135 = tpu.vector_load %arg17[%swap3A_133, %swap3A_134] {strides = array<i32>} : memref<128x128xf32, #tpu.memory_space<vmem>>, vector<1x16xf32>,
      %swap3A_136 = vector.shape_cast %swap3A_135 : vector<1x16xf32> to vector<16xf32>
      %swap3A_137 = vector.shape_cast %broadcast_in_dim3A_132 : vector<16xf32> to vector<1x16xf32>
      tpu.vector_store %arg17[%swap3A_133, %swap3A_134], %swap3A_137 {strides = array<i32>} : memref<128x128xf32, #tpu.memory_space<vmem>>, vector<1x16xf32>,
      %broadcast_in_dim3A_138 = arith.constant 0.000000e+00 : f32
      %broadcast_in_dim3A_139 = vector.broadcast %broadcast_in_dim3A_138 : f32 to vector<16xf32>
      %swap3A_140 = arith.index_cast %scan3A_131 : i32 to index
      %swap3A_141 = arith.constant 16 : index
      %swap3A_142 = tpu.vector_load %arg17[%swap3A_140, %swap3A_141] {strides = array<i32>} : memref<128x128xf32, #tpu.memory_space<vmem>>, vector<1x16xf32>,
      %swap3A_143 = vector.shape_cast %swap3A_142 : vector<1x16xf32> to vector<16xf32>
      %swap3A_144 = vector.shape_cast %broadcast_in_dim3A_139 : vector<16xf32> to vector<1x16xf32>
      tpu.vector_store %arg17[%swap3A_140, %swap3A_141], %swap3A_144 {strides = array<i32>} : memref<128x128xf32, #tpu.memory_space<vmem>>, vector<1x16xf32>,
      %broadcast_in_dim3A_145 = arith.constant 0.000000e+00 : f32
      %broadcast_in_dim3A_146 = vector.broadcast %broadcast_in_dim3A_145 : f32 to vector<16xf32>
      %swap3A_147 = arith.index_cast %scan3A_131 : i32 to index
      %swap3A_148 = arith.constant 32 : index
      %swap3A_149 = tpu.vector_load %arg17[%swap3A_147, %swap3A_148] {strides = array<i32>} : memref<128x128xf32, #tpu.memory_space<vmem>>, vector<1x16xf32>,
      %swap3A_150 = vector.shape_cast %swap3A_149 : vector<1x16xf32> to vector<16xf32>
      %swap3A_151 = vector.shape_cast %broadcast_in_dim3A_146 : vector<16xf32> to vector<1x16xf32>
      tpu.vector_store %arg17[%swap3A_147, %swap3A_148], %swap3A_151 {strides = array<i32>} : memref<128x128xf32, #tpu.memory_space<vmem>>, vector<1x16xf32>,
      %broadcast_in_dim3A_152 = arith.constant 0.000000e+00 : f32
      %broadcast_in_dim3A_153 = vector.broadcast %broadcast_in_dim3A_152 : f32 to vector<16xf32>
      %swap3A_154 = arith.index_cast %scan3A_131 : i32 to index
      %swap3A_155 = arith.constant 48 : index
      %swap3A_156 = tpu.vector_load %arg17[%swap3A_154, %swap3A_155] {strides = array<i32>} : memref<128x128xf32, #tpu.memory_space<vmem>>, vector<1x16xf32>,
      %swap3A_157 = vector.shape_cast %swap3A_156 : vector<1x16xf32> to vector<16xf32>
      %swap3A_158 = vector.shape_cast %broadcast_in_dim3A_153 : vector<16xf32> to vector<1x16xf32>
      tpu.vector_store %arg17[%swap3A_154, %swap3A_155], %swap3A_158 {strides = array<i32>} : memref<128x128xf32, #tpu.memory_space<vmem>>, vector<1x16xf32>,
      %broadcast_in_dim3A_159 = arith.constant 0.000000e+00 : f32
      %broadcast_in_dim3A_160 = vector.broadcast %broadcast_in_dim3A_159 : f32 to vector<16xf32>
      %swap3A_161 = arith.index_cast %scan3A_131 : i32 to index
      %swap3A_162 = arith.constant 64 : index
      %swap3A_163 = tpu.vector_load %arg17[%swap3A_161, %swap3A_162] {strides = array<i32>} : memref<128x128xf32, #tpu.memory_space<vmem>>, vector<1x16xf32>,
      %swap3A_164 = vector.shape_cast %swap3A_163 : vector<1x16xf32> to vector<16xf32>
      %swap3A_165 = vector.shape_cast %broadcast_in_dim3A_160 : vector<16xf32> to vector<1x16xf32>
      tpu.vector_store %arg17[%swap3A_161, %swap3A_162], %swap3A_165 {strides = array<i32>} : memref<128x128xf32, #tpu.memory_space<vmem>>, vector<1x16xf32>,
      %broadcast_in_dim3A_166 = arith.constant 0.000000e+00 : f32
      %broadcast_in_dim3A_167 = vector.broadcast %broadcast_in_dim3A_166 : f32 to vector<16xf32>
      %swap3A_168 = arith.index_cast %scan3A_131 : i32 to index
      %swap3A_169 = arith.constant 80 : index
      %swap3A_170 = tpu.vector_load %arg17[%swap3A_168, %swap3A_169] {strides = array<i32>} : memref<128x128xf32, #tpu.memory_space<vmem>>, vector<1x16xf32>,
      %swap3A_171 = vector.shape_cast %swap3A_170 : vector<1x16xf32> to vector<16xf32>
      %swap3A_172 = vector.shape_cast %broadcast_in_dim3A_167 : vector<16xf32> to vector<1x16xf32>
      tpu.vector_store %arg17[%swap3A_168, %swap3A_169], %swap3A_172 {strides = array<i32>} : memref<128x128xf32, #tpu.memory_space<vmem>>, vector<1x16xf32>,
      %broadcast_in_dim3A_173 = arith.constant 0.000000e+00 : f32
      %broadcast_in_dim3A_174 = vector.broadcast %broadcast_in_dim3A_173 : f32 to vector<16xf32>
      %swap3A_175 = arith.index_cast %scan3A_131 : i32 to index
      %swap3A_176 = arith.constant 96 : index
      %swap3A_177 = tpu.vector_load %arg17[%swap3A_175, %swap3A_176] {strides = array<i32>} : memref<128x128xf32, #tpu.memory_space<vmem>>, vector<1x16xf32>,
      %swap3A_178 = vector.shape_cast %swap3A_177 : vector<1x16xf32> to vector<16xf32>
      %swap3A_179 = vector.shape_cast %broadcast_in_dim3A_174 : vector<16xf32> to vector<1x16xf32>
      tpu.vector_store %arg17[%swap3A_175, %swap3A_176], %swap3A_179 {strides = array<i32>} : memref<128x128xf32, #tpu.memory_space<vmem>>, vector<1x16xf32>,
      %broadcast_in_dim3A_180 = arith.constant 0.000000e+00 : f32
      %broadcast_in_dim3A_181 = vector.broadcast %broadcast_in_dim3A_180 : f32 to vector<16xf32>
      %swap3A_182 = arith.index_cast %scan3A_131 : i32 to index
      %swap3A_183 = arith.constant 112 : index
      %swap3A_184 = tpu.vector_load %arg17[%swap3A_182, %swap3A_183] {strides = array<i32>} : memref<128x128xf32, #tpu.memory_space<vmem>>, vector<1x16xf32>,
      %swap3A_185 = vector.shape_cast %swap3A_184 : vector<1x16xf32> to vector<16xf32>
      %swap3A_186 = vector.shape_cast %broadcast_in_dim3A_181 : vector<16xf32> to vector<1x16xf32>
      tpu.vector_store %arg17[%swap3A_182, %swap3A_183], %swap3A_186 {strides = array<i32>} : memref<128x128xf32, #tpu.memory_space<vmem>>, vector<1x16xf32>,
    }
    %scan3A_36 = arith.constant 128 : i32
    %mul3A_37 = arith.constant 624 : i32
    %mul3A_38 = arith.muli %arg1, %mul3A_37 : i32
    %add3A_39 = arith.constant 0 : i32
    %add3A_40 = arith.addi %mul3A_38, %add3A_39 : i32
    "tpu.region"() ({
      %run_scoped3A = tpu.sem_alloc : memref<!tpu.dma_semaphore, #tpu.memory_space<semaphore_mem>>
      %dma_start3A_131 = arith.constant 0 : i32
      %dma_start3A_132 = tpu.memref_slice %arg18[%add3A_40, %dma_start3A_131] : memref<10016x128xf32, #tpu.memory_space<vmem_shared>> -> memref<128x128xf32, #tpu.memory_space<vmem_shared>>
      %dma_start3A_133 = arith.constant 0 : i32
      %dma_start3A_134 = tpu.memref_slice %arg18[%add3A_40, %dma_start3A_133] : memref<10016x128xf32, #tpu.memory_space<vmem_shared>> -> memref<128x128xf32, #tpu.memory_space<vmem_shared>>
      tpu.enqueue_dma source(%arg17 : memref<128x128xf32, #tpu.memory_space<vmem>>) target(%dma_start3A_134 : memref<128x128xf32, #tpu.memory_space<vmem_shared>>) target_semaphore(%run_scoped3A : memref<!tpu.dma_semaphore, #tpu.memory_space<semaphore_mem>>)
      %dma_wait3A_135 = arith.constant 0 : i32
      %dma_wait3A_136 = tpu.memref_slice %arg18[%add3A_40, %dma_wait3A_135] : memref<10016x128xf32, #tpu.memory_space<vmem_shared>> -> memref<128x128xf32, #tpu.memory_space<vmem_shared>>
      %dma_wait3A_137 = arith.constant 0 : i32
      %dma_wait3A_138 = tpu.memref_slice %arg18[%add3A_40, %dma_wait3A_137] : memref<10016x128xf32, #tpu.memory_space<vmem_shared>> -> memref<128x128xf32, #tpu.memory_space<vmem_shared>>
      tpu.wait_dma2 semaphore(%run_scoped3A : memref<!tpu.dma_semaphore, #tpu.memory_space<semaphore_mem>>) src(%arg17 : memref<128x128xf32, #tpu.memory_space<vmem>>) dst(%dma_wait3A_138 : memref<128x128xf32, #tpu.memory_space<vmem_shared>>)
      tpu.yield
    }) : () -> ()
    %add3A_41 = arith.constant 128 : i32
    %add3A_42 = arith.addi %mul3A_38, %add3A_41 : i32
    "tpu.region"() ({
      %run_scoped3A = tpu.sem_alloc : memref<!tpu.dma_semaphore, #tpu.memory_space<semaphore_mem>>
      %dma_start3A_131 = arith.constant 0 : i32
      %dma_start3A_132 = tpu.memref_slice %arg18[%add3A_42, %dma_start3A_131] : memref<10016x128xf32, #tpu.memory_space<vmem_shared>> -> memref<128x128xf32, #tpu.memory_space<vmem_shared>>
      %dma_start3A_133 = arith.constant 0 : i32
      %dma_start3A_134 = tpu.memref_slice %arg18[%add3A_42, %dma_start3A_133] : memref<10016x128xf32, #tpu.memory_space<vmem_shared>> -> memref<128x128xf32, #tpu.memory_space<vmem_shared>>
      tpu.enqueue_dma source(%arg17 : memref<128x128xf32, #tpu.memory_space<vmem>>) target(%dma_start3A_134 : memref<128x128xf32, #tpu.memory_space<vmem_shared>>) target_semaphore(%run_scoped3A : memref<!tpu.dma_semaphore, #tpu.memory_space<semaphore_mem>>)
      %dma_wait3A_135 = arith.constant 0 : i32
      %dma_wait3A_136 = tpu.memref_slice %arg18[%add3A_42, %dma_wait3A_135] : memref<10016x128xf32, #tpu.memory_space<vmem_shared>> -> memref<128x128xf32, #tpu.memory_space<vmem_shared>>
      %dma_wait3A_137 = arith.constant 0 : i32
      %dma_wait3A_138 = tpu.memref_slice %arg18[%add3A_42, %dma_wait3A_137] : memref<10016x128xf32, #tpu.memory_space<vmem_shared>> -> memref<128x128xf32, #tpu.memory_space<vmem_shared>>
      tpu.wait_dma2 semaphore(%run_scoped3A : memref<!tpu.dma_semaphore, #tpu.memory_space<semaphore_mem>>) src(%arg17 : memref<128x128xf32, #tpu.memory_space<vmem>>) dst(%dma_wait3A_138 : memref<128x128xf32, #tpu.memory_space<vmem_shared>>)
      tpu.yield
    }) : () -> ()
    %add3A_43 = arith.constant 256 : i32
    %add3A_44 = arith.addi %mul3A_38, %add3A_43 : i32
    "tpu.region"() ({
      %run_scoped3A = tpu.sem_alloc : memref<!tpu.dma_semaphore, #tpu.memory_space<semaphore_mem>>
      %dma_start3A_131 = arith.constant 0 : i32
      %dma_start3A_132 = tpu.memref_slice %arg18[%add3A_44, %dma_start3A_131] : memref<10016x128xf32, #tpu.memory_space<vmem_shared>> -> memref<128x128xf32, #tpu.memory_space<vmem_shared>>
      %dma_start3A_133 = arith.constant 0 : i32
      %dma_start3A_134 = tpu.memref_slice %arg18[%add3A_44, %dma_start3A_133] : memref<10016x128xf32, #tpu.memory_space<vmem_shared>> -> memref<128x128xf32, #tpu.memory_space<vmem_shared>>
      tpu.enqueue_dma source(%arg17 : memref<128x128xf32, #tpu.memory_space<vmem>>) target(%dma_start3A_134 : memref<128x128xf32, #tpu.memory_space<vmem_shared>>) target_semaphore(%run_scoped3A : memref<!tpu.dma_semaphore, #tpu.memory_space<semaphore_mem>>)
      %dma_wait3A_135 = arith.constant 0 : i32
      %dma_wait3A_136 = tpu.memref_slice %arg18[%add3A_44, %dma_wait3A_135] : memref<10016x128xf32, #tpu.memory_space<vmem_shared>> -> memref<128x128xf32, #tpu.memory_space<vmem_shared>>
      %dma_wait3A_137 = arith.constant 0 : i32
      %dma_wait3A_138 = tpu.memref_slice %arg18[%add3A_44, %dma_wait3A_137] : memref<10016x128xf32, #tpu.memory_space<vmem_shared>> -> memref<128x128xf32, #tpu.memory_space<vmem_shared>>
      tpu.wait_dma2 semaphore(%run_scoped3A : memref<!tpu.dma_semaphore, #tpu.memory_space<semaphore_mem>>) src(%arg17 : memref<128x128xf32, #tpu.memory_space<vmem>>) dst(%dma_wait3A_138 : memref<128x128xf32, #tpu.memory_space<vmem_shared>>)
      tpu.yield
    }) : () -> ()
    %add3A_45 = arith.constant 384 : i32
    %add3A_46 = arith.addi %mul3A_38, %add3A_45 : i32
    "tpu.region"() ({
      %run_scoped3A = tpu.sem_alloc : memref<!tpu.dma_semaphore, #tpu.memory_space<semaphore_mem>>
      %dma_start3A_131 = arith.constant 0 : i32
      %dma_start3A_132 = tpu.memref_slice %arg18[%add3A_46, %dma_start3A_131] : memref<10016x128xf32, #tpu.memory_space<vmem_shared>> -> memref<128x128xf32, #tpu.memory_space<vmem_shared>>
      %dma_start3A_133 = arith.constant 0 : i32
      %dma_start3A_134 = tpu.memref_slice %arg18[%add3A_46, %dma_start3A_133] : memref<10016x128xf32, #tpu.memory_space<vmem_shared>> -> memref<128x128xf32, #tpu.memory_space<vmem_shared>>
      tpu.enqueue_dma source(%arg17 : memref<128x128xf32, #tpu.memory_space<vmem>>) target(%dma_start3A_134 : memref<128x128xf32, #tpu.memory_space<vmem_shared>>) target_semaphore(%run_scoped3A : memref<!tpu.dma_semaphore, #tpu.memory_space<semaphore_mem>>)
      %dma_wait3A_135 = arith.constant 0 : i32
      %dma_wait3A_136 = tpu.memref_slice %arg18[%add3A_46, %dma_wait3A_135] : memref<10016x128xf32, #tpu.memory_space<vmem_shared>> -> memref<128x128xf32, #tpu.memory_space<vmem_shared>>
      %dma_wait3A_137 = arith.constant 0 : i32
      %dma_wait3A_138 = tpu.memref_slice %arg18[%add3A_46, %dma_wait3A_137] : memref<10016x128xf32, #tpu.memory_space<vmem_shared>> -> memref<128x128xf32, #tpu.memory_space<vmem_shared>>
      tpu.wait_dma2 semaphore(%run_scoped3A : memref<!tpu.dma_semaphore, #tpu.memory_space<semaphore_mem>>) src(%arg17 : memref<128x128xf32, #tpu.memory_space<vmem>>) dst(%dma_wait3A_138 : memref<128x128xf32, #tpu.memory_space<vmem_shared>>)
      tpu.yield
    }) : () -> ()
    %add3A_47 = arith.constant 512 : i32
    %add3A_48 = arith.addi %mul3A_38, %add3A_47 : i32
    "tpu.region"() ({
      %run_scoped3A = tpu.sem_alloc : memref<!tpu.dma_semaphore, #tpu.memory_space<semaphore_mem>>
      %dma_start3A_131 = arith.constant 0 : i32
      %dma_start3A_132 = arith.constant 0 : i32
      %dma_start3A_133 = tpu.memref_slice %arg17[%dma_start3A_131, %dma_start3A_132] : memref<128x128xf32, #tpu.memory_space<vmem>> -> memref<112x128xf32, #tpu.memory_space<vmem>>
      %dma_start3A_134 = arith.constant 0 : i32
      %dma_start3A_135 = tpu.memref_slice %arg18[%add3A_48, %dma_start3A_134] : memref<10016x128xf32, #tpu.memory_space<vmem_shared>> -> memref<112x128xf32, #tpu.memory_space<vmem_shared>>
      %dma_start3A_136 = arith.constant 0 : i32
      %dma_start3A_137 = tpu.memref_slice %arg18[%add3A_48, %dma_start3A_136] : memref<10016x128xf32, #tpu.memory_space<vmem_shared>> -> memref<112x128xf32, #tpu.memory_space<vmem_shared>>
      %dma_start3A_138 = arith.constant 0 : i32
      %dma_start3A_139 = arith.constant 0 : i32
      %dma_start3A_140 = tpu.memref_slice %arg17[%dma_start3A_138, %dma_start3A_139] : memref<128x128xf32, #tpu.memory_space<vmem>> -> memref<112x128xf32, #tpu.memory_space<vmem>>
      tpu.enqueue_dma source(%dma_start3A_140 : memref<112x128xf32, #tpu.memory_space<vmem>>) target(%dma_start3A_137 : memref<112x128xf32, #tpu.memory_space<vmem_shared>>) target_semaphore(%run_scoped3A : memref<!tpu.dma_semaphore, #tpu.memory_space<semaphore_mem>>)
      %dma_wait3A_141 = arith.constant 0 : i32
      %dma_wait3A_142 = arith.constant 0 : i32
      %dma_wait3A_143 = tpu.memref_slice %arg17[%dma_wait3A_141, %dma_wait3A_142] : memref<128x128xf32, #tpu.memory_space<vmem>> -> memref<112x128xf32, #tpu.memory_space<vmem>>
      %dma_wait3A_144 = arith.constant 0 : i32
      %dma_wait3A_145 = tpu.memref_slice %arg18[%add3A_48, %dma_wait3A_144] : memref<10016x128xf32, #tpu.memory_space<vmem_shared>> -> memref<112x128xf32, #tpu.memory_space<vmem_shared>>
      %dma_wait3A_146 = arith.constant 0 : i32
      %dma_wait3A_147 = tpu.memref_slice %arg18[%add3A_48, %dma_wait3A_146] : memref<10016x128xf32, #tpu.memory_space<vmem_shared>> -> memref<112x128xf32, #tpu.memory_space<vmem_shared>>
      %dma_wait3A_148 = arith.constant 0 : i32
      %dma_wait3A_149 = arith.constant 0 : i32
      %dma_wait3A_150 = tpu.memref_slice %arg17[%dma_wait3A_148, %dma_wait3A_149] : memref<128x128xf32, #tpu.memory_space<vmem>> -> memref<112x128xf32, #tpu.memory_space<vmem>>
      tpu.wait_dma2 semaphore(%run_scoped3A : memref<!tpu.dma_semaphore, #tpu.memory_space<semaphore_mem>>) src(%dma_wait3A_150 : memref<112x128xf32, #tpu.memory_space<vmem>>) dst(%dma_wait3A_147 : memref<112x128xf32, #tpu.memory_space<vmem_shared>>)
      tpu.yield
    }) : () -> ()
    %eq3A = arith.constant 15 : i32
    %eq3A_49 = arith.cmpi eq, %arg1, %eq3A : i32
    %convert_element_type3A = arith.extui %eq3A_49 : i1 to i32
    %cond3A = arith.constant 0 : i32
    %cond3A_50 = arith.cmpi ne, %convert_element_type3A, %cond3A : i32
    scf.if %cond3A_50 {
      "tpu.region"() ({
        %run_scoped3A = tpu.sem_alloc : memref<!tpu.dma_semaphore, #tpu.memory_space<semaphore_mem>>
        %dma_start3A_131 = arith.constant 0 : i32
        %dma_start3A_132 = arith.constant 0 : i32
        %dma_start3A_133 = tpu.memref_slice %arg17[%dma_start3A_131, %dma_start3A_132] : memref<128x128xf32, #tpu.memory_space<vmem>> -> memref<32x128xf32, #tpu.memory_space<vmem>>
        %dma_start3A_134 = arith.constant 9984 : i32
        %dma_start3A_135 = arith.constant 0 : i32
        %dma_start3A_136 = tpu.memref_slice %arg18[%dma_start3A_134, %dma_start3A_135] : memref<10016x128xf32, #tpu.memory_space<vmem_shared>> -> memref<32x128xf32, #tpu.memory_space<vmem_shared>>
        %dma_start3A_137 = arith.constant 9984 : i32
        %dma_start3A_138 = arith.constant 0 : i32
        %dma_start3A_139 = tpu.memref_slice %arg18[%dma_start3A_137, %dma_start3A_138] : memref<10016x128xf32, #tpu.memory_space<vmem_shared>> -> memref<32x128xf32, #tpu.memory_space<vmem_shared>>
        %dma_start3A_140 = arith.constant 0 : i32
        %dma_start3A_141 = arith.constant 0 : i32
        %dma_start3A_142 = tpu.memref_slice %arg17[%dma_start3A_140, %dma_start3A_141] : memref<128x128xf32, #tpu.memory_space<vmem>> -> memref<32x128xf32, #tpu.memory_space<vmem>>
        tpu.enqueue_dma source(%dma_start3A_142 : memref<32x128xf32, #tpu.memory_space<vmem>>) target(%dma_start3A_139 : memref<32x128xf32, #tpu.memory_space<vmem_shared>>) target_semaphore(%run_scoped3A : memref<!tpu.dma_semaphore, #tpu.memory_space<semaphore_mem>>)
        %dma_wait3A_143 = arith.constant 0 : i32
        %dma_wait3A_144 = arith.constant 0 : i32
        %dma_wait3A_145 = tpu.memref_slice %arg17[%dma_wait3A_143, %dma_wait3A_144] : memref<128x128xf32, #tpu.memory_space<vmem>> -> memref<32x128xf32, #tpu.memory_space<vmem>>
        %dma_wait3A_146 = arith.constant 9984 : i32
        %dma_wait3A_147 = arith.constant 0 : i32
        %dma_wait3A_148 = tpu.memref_slice %arg18[%dma_wait3A_146, %dma_wait3A_147] : memref<10016x128xf32, #tpu.memory_space<vmem_shared>> -> memref<32x128xf32, #tpu.memory_space<vmem_shared>>
        %dma_wait3A_149 = arith.constant 9984 : i32
        %dma_wait3A_150 = arith.constant 0 : i32
        %dma_wait3A_151 = tpu.memref_slice %arg18[%dma_wait3A_149, %dma_wait3A_150] : memref<10016x128xf32, #tpu.memory_space<vmem_shared>> -> memref<32x128xf32, #tpu.memory_space<vmem_shared>>
        %dma_wait3A_152 = arith.constant 0 : i32
        %dma_wait3A_153 = arith.constant 0 : i32
        %dma_wait3A_154 = tpu.memref_slice %arg17[%dma_wait3A_152, %dma_wait3A_153] : memref<128x128xf32, #tpu.memory_space<vmem>> -> memref<32x128xf32, #tpu.memory_space<vmem>>
        tpu.wait_dma2 semaphore(%run_scoped3A : memref<!tpu.dma_semaphore, #tpu.memory_space<semaphore_mem>>) src(%dma_wait3A_154 : memref<32x128xf32, #tpu.memory_space<vmem>>) dst(%dma_wait3A_151 : memref<32x128xf32, #tpu.memory_space<vmem_shared>>)
        tpu.yield
      }) : () -> ()
    } else {
    }
    %barrier3A = arith.constant 0 : index
    tpu.barrier barrier_id(%barrier3A)
    %scan3A_51 = arith.constant 0 : i32
    %scan3A_52 = arith.constant 0 : i32
    %scan3A_53 = arith.constant 26 : i32
    %scan3A_54 = arith.addi %scan3A_52, %scan3A_53 : i32
    %scan3A_55 = arith.constant 1 : i32
    scf.for %scan3A_131 = %scan3A_52 to %scan3A_54 step %scan3A_55  : i32 {
      %mul3A_132 = arith.constant 3 : i32
      %mul3A_133 = arith.muli %scan3A_131, %mul3A_132 : i32
      %add3A_134 = arith.constant 2 : i32
      %add3A_135 = arith.addi %mul3A_133, %add3A_134 : i32
      %lt3A = arith.constant 79 : i32
      %lt3A_136 = arith.cmpi slt, %add3A_135, %lt3A : i32
      %convert_element_type3A_137 = arith.extui %lt3A_136 : i1 to i32
      %cond3A_138 = arith.constant 0 : i32
      %cond3A_139 = arith.cmpi ne, %convert_element_type3A_137, %cond3A_138 : i32
      scf.if %cond3A_139 {
        %add3A_369 = arith.addi %mul3A_2, %mul3A_133 : i32
        %add3A_370 = arith.constant 2 : i32
        %add3A_371 = arith.addi %add3A_369, %add3A_370 : i32
        %dma_wait3A_372 = arith.constant 0 : i32
        %dma_wait3A_373 = tpu.memref_slice %arg3[%add3A_371, %dma_wait3A_372] : memref<2528x128xi32, #tpu.memory_space<hbm>> -> memref<1x128xi32, #tpu.memory_space<hbm>>
        %dma_wait3A_374 = tpu.memref_squeeze %dma_wait3A_373 : memref<1x128xi32, #tpu.memory_space<hbm>> -> memref<128xi32, #tpu.memory_space<hbm>>
        %dma_wait3A_375 = arith.constant 0 : i32
        %dma_wait3A_376 = tpu.memref_slice %arg3[%add3A_371, %dma_wait3A_375] : memref<2528x128xi32, #tpu.memory_space<hbm>> -> memref<1x128xi32, #tpu.memory_space<hbm>>
        %dma_wait3A_377 = tpu.memref_squeeze %dma_wait3A_376 : memref<1x128xi32, #tpu.memory_space<hbm>> -> memref<128xi32, #tpu.memory_space<hbm>>
        tpu.wait_dma2 semaphore(%arg21 : memref<!tpu.dma_semaphore, #tpu.memory_space<semaphore_mem>>) src(%dma_wait3A_377 : memref<128xi32, #tpu.memory_space<hbm>>) dst(%arg8 : memref<128xi32, #tpu.memory_space<vmem>>)
        %add3A_378 = arith.addi %mul3A_2, %mul3A_133 : i32
        %add3A_379 = arith.constant 2 : i32
        %add3A_380 = arith.addi %add3A_378, %add3A_379 : i32
        %dma_wait3A_381 = arith.constant 0 : i32
        %dma_wait3A_382 = tpu.memref_slice %arg4[%add3A_380, %dma_wait3A_381] : memref<2528x128xi32, #tpu.memory_space<hbm>> -> memref<1x128xi32, #tpu.memory_space<hbm>>
        %dma_wait3A_383 = tpu.memref_squeeze %dma_wait3A_382 : memref<1x128xi32, #tpu.memory_space<hbm>> -> memref<128xi32, #tpu.memory_space<hbm>>
        %dma_wait3A_384 = arith.constant 0 : i32
        %dma_wait3A_385 = tpu.memref_slice %arg4[%add3A_380, %dma_wait3A_384] : memref<2528x128xi32, #tpu.memory_space<hbm>> -> memref<1x128xi32, #tpu.memory_space<hbm>>
        %dma_wait3A_386 = tpu.memref_squeeze %dma_wait3A_385 : memref<1x128xi32, #tpu.memory_space<hbm>> -> memref<128xi32, #tpu.memory_space<hbm>>
        tpu.wait_dma2 semaphore(%arg21 : memref<!tpu.dma_semaphore, #tpu.memory_space<semaphore_mem>>) src(%dma_wait3A_386 : memref<128xi32, #tpu.memory_space<hbm>>) dst(%arg11 : memref<128xi32, #tpu.memory_space<vmem>>)
        %ge3A = arith.constant 1 : i32
        %ge3A_387 = arith.cmpi sge, %mul3A_133, %ge3A : i32
        %convert_element_type3A_388 = arith.extui %ge3A_387 : i1 to i32
        %cond3A_389 = arith.constant 0 : i32
        %cond3A_390 = arith.cmpi ne, %convert_element_type3A_388, %cond3A_389 : i32
        scf.if %cond3A_390 {
          %dma_wait3A_394 = arith.constant 0 : i32
          %dma_wait3A_395 = arith.constant 0 : i32
          %dma_wait3A_396 = tpu.memref_slice %arg18[%dma_wait3A_394, %dma_wait3A_395] : memref<10016x128xf32, #tpu.memory_space<vmem_shared>> -> memref<10016x128xf32, #tpu.memory_space<vmem_shared>>
          tpu.wait_indirect_dma semaphore(%arg27 : memref<!tpu.dma_semaphore, #tpu.memory_space<semaphore_mem>>) src(%arg17 : memref<128x128xf32, #tpu.memory_space<vmem>>) dst(%dma_wait3A_396 : memref<10016x128xf32, #tpu.memory_space<vmem_shared>>)
        } else {
        }
        %dma_start3A_391 = arith.constant 0 : i32
        %dma_start3A_392 = arith.constant 0 : i32
        %dma_start3A_393 = tpu.memref_slice %arg2[%dma_start3A_391, %dma_start3A_392] : memref<10000x128xf32, #tpu.memory_space<hbm>> -> memref<10000x128xf32, #tpu.memory_space<hbm>>
        tpu.enqueue_indirect_dma source(%dma_start3A_393 : memref<10000x128xf32, #tpu.memory_space<hbm>>) target(%arg17 : memref<128x128xf32, #tpu.memory_space<vmem>>) offsets(%arg8 : memref<128xi32, #tpu.memory_space<vmem>>) semaphore(%arg24 : memref<!tpu.dma_semaphore, #tpu.memory_space<semaphore_mem>>)
      } else {
      }
      %dma_wait3A_140 = arith.constant 0 : i32
      %dma_wait3A_141 = arith.constant 0 : i32
      %dma_wait3A_142 = tpu.memref_slice %arg2[%dma_wait3A_140, %dma_wait3A_141] : memref<10000x128xf32, #tpu.memory_space<hbm>> -> memref<10000x128xf32, #tpu.memory_space<hbm>>
      tpu.wait_indirect_dma semaphore(%arg22 : memref<!tpu.dma_semaphore, #tpu.memory_space<semaphore_mem>>) src(%dma_wait3A_142 : memref<10000x128xf32, #tpu.memory_space<hbm>>) dst(%arg15 : memref<128x128xf32, #tpu.memory_space<vmem>>)
      %get3A_143 = arith.constant 0 : index
      %get3A_144 = tpu.vector_load %arg9[%get3A_143] {strides = array<i32>} : memref<128xi32, #tpu.memory_space<vmem>>, vector<16xi32>,
      %get3A_145 = vector.shape_cast %get3A_144 : vector<16xi32> to vector<16xi32>
      %swap3A_146 = arith.constant 0 : index
      %swap3A_147 = tpu.vector_load %arg12[%swap3A_146] {strides = array<i32>} : memref<128xi32, #tpu.memory_space<vmem>>, vector<16xi32>,
      %swap3A_148 = vector.shape_cast %swap3A_147 : vector<16xi32> to vector<16xi32>
      %swap3A_149 = vector.shape_cast %get3A_145 : vector<16xi32> to vector<16xi32>
      tpu.vector_store %arg12[%swap3A_146], %swap3A_149 {strides = array<i32>} : memref<128xi32, #tpu.memory_space<vmem>>, vector<16xi32>,
      %get3A_150 = arith.constant 16 : index
      %get3A_151 = tpu.vector_load %arg9[%get3A_150] {strides = array<i32>} : memref<128xi32, #tpu.memory_space<vmem>>, vector<16xi32>,
      %get3A_152 = vector.shape_cast %get3A_151 : vector<16xi32> to vector<16xi32>
      %swap3A_153 = arith.constant 16 : index
      %swap3A_154 = tpu.vector_load %arg12[%swap3A_153] {strides = array<i32>} : memref<128xi32, #tpu.memory_space<vmem>>, vector<16xi32>,
      %swap3A_155 = vector.shape_cast %swap3A_154 : vector<16xi32> to vector<16xi32>
      %swap3A_156 = vector.shape_cast %get3A_152 : vector<16xi32> to vector<16xi32>
      tpu.vector_store %arg12[%swap3A_153], %swap3A_156 {strides = array<i32>} : memref<128xi32, #tpu.memory_space<vmem>>, vector<16xi32>,
      %get3A_157 = arith.constant 32 : index
      %get3A_158 = tpu.vector_load %arg9[%get3A_157] {strides = array<i32>} : memref<128xi32, #tpu.memory_space<vmem>>, vector<16xi32>,
      %get3A_159 = vector.shape_cast %get3A_158 : vector<16xi32> to vector<16xi32>
      %swap3A_160 = arith.constant 32 : index
      %swap3A_161 = tpu.vector_load %arg12[%swap3A_160] {strides = array<i32>} : memref<128xi32, #tpu.memory_space<vmem>>, vector<16xi32>,
      %swap3A_162 = vector.shape_cast %swap3A_161 : vector<16xi32> to vector<16xi32>
      %swap3A_163 = vector.shape_cast %get3A_159 : vector<16xi32> to vector<16xi32>
      tpu.vector_store %arg12[%swap3A_160], %swap3A_163 {strides = array<i32>} : memref<128xi32, #tpu.memory_space<vmem>>, vector<16xi32>,
      %get3A_164 = arith.constant 48 : index
      %get3A_165 = tpu.vector_load %arg9[%get3A_164] {strides = array<i32>} : memref<128xi32, #tpu.memory_space<vmem>>, vector<16xi32>,
      %get3A_166 = vector.shape_cast %get3A_165 : vector<16xi32> to vector<16xi32>
      %swap3A_167 = arith.constant 48 : index
      %swap3A_168 = tpu.vector_load %arg12[%swap3A_167] {strides = array<i32>} : memref<128xi32, #tpu.memory_space<vmem>>, vector<16xi32>,
      %swap3A_169 = vector.shape_cast %swap3A_168 : vector<16xi32> to vector<16xi32>
      %swap3A_170 = vector.shape_cast %get3A_166 : vector<16xi32> to vector<16xi32>
      tpu.vector_store %arg12[%swap3A_167], %swap3A_170 {strides = array<i32>} : memref<128xi32, #tpu.memory_space<vmem>>, vector<16xi32>,
      %get3A_171 = arith.constant 64 : index
      %get3A_172 = tpu.vector_load %arg9[%get3A_171] {strides = array<i32>} : memref<128xi32, #tpu.memory_space<vmem>>, vector<16xi32>,
      %get3A_173 = vector.shape_cast %get3A_172 : vector<16xi32> to vector<16xi32>
      %swap3A_174 = arith.constant 64 : index
      %swap3A_175 = tpu.vector_load %arg12[%swap3A_174] {strides = array<i32>} : memref<128xi32, #tpu.memory_space<vmem>>, vector<16xi32>,
      %swap3A_176 = vector.shape_cast %swap3A_175 : vector<16xi32> to vector<16xi32>
      %swap3A_177 = vector.shape_cast %get3A_173 : vector<16xi32> to vector<16xi32>
      tpu.vector_store %arg12[%swap3A_174], %swap3A_177 {strides = array<i32>} : memref<128xi32, #tpu.memory_space<vmem>>, vector<16xi32>,
      %get3A_178 = arith.constant 80 : index
      %get3A_179 = tpu.vector_load %arg9[%get3A_178] {strides = array<i32>} : memref<128xi32, #tpu.memory_space<vmem>>, vector<16xi32>,
      %get3A_180 = vector.shape_cast %get3A_179 : vector<16xi32> to vector<16xi32>
      %swap3A_181 = arith.constant 80 : index
      %swap3A_182 = tpu.vector_load %arg12[%swap3A_181] {strides = array<i32>} : memref<128xi32, #tpu.memory_space<vmem>>, vector<16xi32>,
      %swap3A_183 = vector.shape_cast %swap3A_182 : vector<16xi32> to vector<16xi32>
      %swap3A_184 = vector.shape_cast %get3A_180 : vector<16xi32> to vector<16xi32>
      tpu.vector_store %arg12[%swap3A_181], %swap3A_184 {strides = array<i32>} : memref<128xi32, #tpu.memory_space<vmem>>, vector<16xi32>,
      %get3A_185 = arith.constant 96 : index
      %get3A_186 = tpu.vector_load %arg9[%get3A_185] {strides = array<i32>} : memref<128xi32, #tpu.memory_space<vmem>>, vector<16xi32>,
      %get3A_187 = vector.shape_cast %get3A_186 : vector<16xi32> to vector<16xi32>
      %swap3A_188 = arith.constant 96 : index
      %swap3A_189 = tpu.vector_load %arg12[%swap3A_188] {strides = array<i32>} : memref<128xi32, #tpu.memory_space<vmem>>, vector<16xi32>,
      %swap3A_190 = vector.shape_cast %swap3A_189 : vector<16xi32> to vector<16xi32>
      %swap3A_191 = vector.shape_cast %get3A_187 : vector<16xi32> to vector<16xi32>
      tpu.vector_store %arg12[%swap3A_188], %swap3A_191 {strides = array<i32>} : memref<128xi32, #tpu.memory_space<vmem>>, vector<16xi32>,
      %get3A_192 = arith.constant 112 : index
      %get3A_193 = tpu.vector_load %arg9[%get3A_192] {strides = array<i32>} : memref<128xi32, #tpu.memory_space<vmem>>, vector<16xi32>,
      %get3A_194 = vector.shape_cast %get3A_193 : vector<16xi32> to vector<16xi32>
      %swap3A_195 = arith.constant 112 : index
      %swap3A_196 = tpu.vector_load %arg12[%swap3A_195] {strides = array<i32>} : memref<128xi32, #tpu.memory_space<vmem>>, vector<16xi32>,
      %swap3A_197 = vector.shape_cast %swap3A_196 : vector<16xi32> to vector<16xi32>
      %swap3A_198 = vector.shape_cast %get3A_194 : vector<16xi32> to vector<16xi32>
      tpu.vector_store %arg12[%swap3A_195], %swap3A_198 {strides = array<i32>} : memref<128xi32, #tpu.memory_space<vmem>>, vector<16xi32>,
      %add3A_199 = arith.constant 3 : i32
      %add3A_200 = arith.addi %mul3A_133, %add3A_199 : i32
      %lt3A_201 = arith.constant 79 : i32
      %lt3A_202 = arith.cmpi slt, %add3A_200, %lt3A_201 : i32
      %convert_element_type3A_203 = arith.extui %lt3A_202 : i1 to i32
      %cond3A_204 = arith.constant 0 : i32
      %cond3A_205 = arith.cmpi ne, %convert_element_type3A_203, %cond3A_204 : i32
      scf.if %cond3A_205 {
        %add3A_369 = arith.addi %mul3A_2, %mul3A_133 : i32
        %add3A_370 = arith.constant 3 : i32
        %add3A_371 = arith.addi %add3A_369, %add3A_370 : i32
        %dma_start3A_372 = arith.constant 0 : i32
        %dma_start3A_373 = tpu.memref_slice %arg3[%add3A_371, %dma_start3A_372] : memref<2528x128xi32, #tpu.memory_space<hbm>> -> memref<1x128xi32, #tpu.memory_space<hbm>>
        %dma_start3A_374 = tpu.memref_squeeze %dma_start3A_373 : memref<1x128xi32, #tpu.memory_space<hbm>> -> memref<128xi32, #tpu.memory_space<hbm>>
        %dma_start3A_375 = arith.constant 0 : i32
        %dma_start3A_376 = tpu.memref_slice %arg3[%add3A_371, %dma_start3A_375] : memref<2528x128xi32, #tpu.memory_space<hbm>> -> memref<1x128xi32, #tpu.memory_space<hbm>>
        %dma_start3A_377 = tpu.memref_squeeze %dma_start3A_376 : memref<1x128xi32, #tpu.memory_space<hbm>> -> memref<128xi32, #tpu.memory_space<hbm>>
        tpu.enqueue_dma source(%dma_start3A_377 : memref<128xi32, #tpu.memory_space<hbm>>) target(%arg6 : memref<128xi32, #tpu.memory_space<vmem>>) target_semaphore(%arg19 : memref<!tpu.dma_semaphore, #tpu.memory_space<semaphore_mem>>)
        %add3A_378 = arith.addi %mul3A_2, %mul3A_133 : i32
        %add3A_379 = arith.constant 3 : i32
        %add3A_380 = arith.addi %add3A_378, %add3A_379 : i32
        %dma_start3A_381 = arith.constant 0 : i32
        %dma_start3A_382 = tpu.memref_slice %arg4[%add3A_380, %dma_start3A_381] : memref<2528x128xi32, #tpu.memory_space<hbm>> -> memref<1x128xi32, #tpu.memory_space<hbm>>
        %dma_start3A_383 = tpu.memref_squeeze %dma_start3A_382 : memref<1x128xi32, #tpu.memory_space<hbm>> -> memref<128xi32, #tpu.memory_space<hbm>>
        %dma_start3A_384 = arith.constant 0 : i32
        %dma_start3A_385 = tpu.memref_slice %arg4[%add3A_380, %dma_start3A_384] : memref<2528x128xi32, #tpu.memory_space<hbm>> -> memref<1x128xi32, #tpu.memory_space<hbm>>
        %dma_start3A_386 = tpu.memref_squeeze %dma_start3A_385 : memref<1x128xi32, #tpu.memory_space<hbm>> -> memref<128xi32, #tpu.memory_space<hbm>>
        tpu.enqueue_dma source(%dma_start3A_386 : memref<128xi32, #tpu.memory_space<hbm>>) target(%arg9 : memref<128xi32, #tpu.memory_space<vmem>>) target_semaphore(%arg19 : memref<!tpu.dma_semaphore, #tpu.memory_space<semaphore_mem>>)
      } else {
      }
      %dma_start3A_206 = arith.constant 0 : i32
      %dma_start3A_207 = arith.constant 0 : i32
      %dma_start3A_208 = tpu.memref_slice %arg18[%dma_start3A_206, %dma_start3A_207] : memref<10016x128xf32, #tpu.memory_space<vmem_shared>> -> memref<10016x128xf32, #tpu.memory_space<vmem_shared>>
      tpu.enqueue_indirect_dma source(%arg15 : memref<128x128xf32, #tpu.memory_space<vmem>>) target(%dma_start3A_208 : memref<10016x128xf32, #tpu.memory_space<vmem_shared>>) offsets(%arg12 : memref<128xi32, #tpu.memory_space<vmem>>) semaphore(%arg25 : memref<!tpu.dma_semaphore, #tpu.memory_space<semaphore_mem>>) {add = true}
      %mul3A_209 = arith.constant 3 : i32
      %mul3A_210 = arith.muli %scan3A_131, %mul3A_209 : i32
      %add3A_211 = arith.constant 1 : i32
      %add3A_212 = arith.addi %mul3A_210, %add3A_211 : i32
      %add3A_213 = arith.constant 2 : i32
      %add3A_214 = arith.addi %add3A_212, %add3A_213 : i32
      %lt3A_215 = arith.constant 79 : i32
      %lt3A_216 = arith.cmpi slt, %add3A_214, %lt3A_215 : i32
      %convert_element_type3A_217 = arith.extui %lt3A_216 : i1 to i32
      %cond3A_218 = arith.constant 0 : i32
      %cond3A_219 = arith.cmpi ne, %convert_element_type3A_217, %cond3A_218 : i32
      scf.if %cond3A_219 {
        %add3A_369 = arith.addi %mul3A_2, %add3A_212 : i32
        %add3A_370 = arith.constant 2 : i32
        %add3A_371 = arith.addi %add3A_369, %add3A_370 : i32
        %dma_wait3A_372 = arith.constant 0 : i32
        %dma_wait3A_373 = tpu.memref_slice %arg3[%add3A_371, %dma_wait3A_372] : memref<2528x128xi32, #tpu.memory_space<hbm>> -> memref<1x128xi32, #tpu.memory_space<hbm>>
        %dma_wait3A_374 = tpu.memref_squeeze %dma_wait3A_373 : memref<1x128xi32, #tpu.memory_space<hbm>> -> memref<128xi32, #tpu.memory_space<hbm>>
        %dma_wait3A_375 = arith.constant 0 : i32
        %dma_wait3A_376 = tpu.memref_slice %arg3[%add3A_371, %dma_wait3A_375] : memref<2528x128xi32, #tpu.memory_space<hbm>> -> memref<1x128xi32, #tpu.memory_space<hbm>>
        %dma_wait3A_377 = tpu.memref_squeeze %dma_wait3A_376 : memref<1x128xi32, #tpu.memory_space<hbm>> -> memref<128xi32, #tpu.memory_space<hbm>>
        tpu.wait_dma2 semaphore(%arg19 : memref<!tpu.dma_semaphore, #tpu.memory_space<semaphore_mem>>) src(%dma_wait3A_377 : memref<128xi32, #tpu.memory_space<hbm>>) dst(%arg6 : memref<128xi32, #tpu.memory_space<vmem>>)
        %add3A_378 = arith.addi %mul3A_2, %add3A_212 : i32
        %add3A_379 = arith.constant 2 : i32
        %add3A_380 = arith.addi %add3A_378, %add3A_379 : i32
        %dma_wait3A_381 = arith.constant 0 : i32
        %dma_wait3A_382 = tpu.memref_slice %arg4[%add3A_380, %dma_wait3A_381] : memref<2528x128xi32, #tpu.memory_space<hbm>> -> memref<1x128xi32, #tpu.memory_space<hbm>>
        %dma_wait3A_383 = tpu.memref_squeeze %dma_wait3A_382 : memref<1x128xi32, #tpu.memory_space<hbm>> -> memref<128xi32, #tpu.memory_space<hbm>>
        %dma_wait3A_384 = arith.constant 0 : i32
        %dma_wait3A_385 = tpu.memref_slice %arg4[%add3A_380, %dma_wait3A_384] : memref<2528x128xi32, #tpu.memory_space<hbm>> -> memref<1x128xi32, #tpu.memory_space<hbm>>
        %dma_wait3A_386 = tpu.memref_squeeze %dma_wait3A_385 : memref<1x128xi32, #tpu.memory_space<hbm>> -> memref<128xi32, #tpu.memory_space<hbm>>
        tpu.wait_dma2 semaphore(%arg19 : memref<!tpu.dma_semaphore, #tpu.memory_space<semaphore_mem>>) src(%dma_wait3A_386 : memref<128xi32, #tpu.memory_space<hbm>>) dst(%arg9 : memref<128xi32, #tpu.memory_space<vmem>>)
        %ge3A = arith.constant 1 : i32
        %ge3A_387 = arith.cmpi sge, %add3A_212, %ge3A : i32
        %convert_element_type3A_388 = arith.extui %ge3A_387 : i1 to i32
        %cond3A_389 = arith.constant 0 : i32
        %cond3A_390 = arith.cmpi ne, %convert_element_type3A_388, %cond3A_389 : i32
        scf.if %cond3A_390 {
          %dma_wait3A_394 = arith.constant 0 : i32
          %dma_wait3A_395 = arith.constant 0 : i32
          %dma_wait3A_396 = tpu.memref_slice %arg18[%dma_wait3A_394, %dma_wait3A_395] : memref<10016x128xf32, #tpu.memory_space<vmem_shared>> -> memref<10016x128xf32, #tpu.memory_space<vmem_shared>>
          tpu.wait_indirect_dma semaphore(%arg25 : memref<!tpu.dma_semaphore, #tpu.memory_space<semaphore_mem>>) src(%arg15 : memref<128x128xf32, #tpu.memory_space<vmem>>) dst(%dma_wait3A_396 : memref<10016x128xf32, #tpu.memory_space<vmem_shared>>)
        } else {
        }
        %dma_start3A_391 = arith.constant 0 : i32
        %dma_start3A_392 = arith.constant 0 : i32
        %dma_start3A_393 = tpu.memref_slice %arg2[%dma_start3A_391, %dma_start3A_392] : memref<10000x128xf32, #tpu.memory_space<hbm>> -> memref<10000x128xf32, #tpu.memory_space<hbm>>
        tpu.enqueue_indirect_dma source(%dma_start3A_393 : memref<10000x128xf32, #tpu.memory_space<hbm>>) target(%arg15 : memref<128x128xf32, #tpu.memory_space<vmem>>) offsets(%arg6 : memref<128xi32, #tpu.memory_space<vmem>>) semaphore(%arg22 : memref<!tpu.dma_semaphore, #tpu.memory_space<semaphore_mem>>)
      } else {
      }
      %dma_wait3A_220 = arith.constant 0 : i32
      %dma_wait3A_221 = arith.constant 0 : i32
      %dma_wait3A_222 = tpu.memref_slice %arg2[%dma_wait3A_220, %dma_wait3A_221] : memref<10000x128xf32, #tpu.memory_space<hbm>> -> memref<10000x128xf32, #tpu.memory_space<hbm>>
      tpu.wait_indirect_dma semaphore(%arg23 : memref<!tpu.dma_semaphore, #tpu.memory_space<semaphore_mem>>) src(%dma_wait3A_222 : memref<10000x128xf32, #tpu.memory_space<hbm>>) dst(%arg16 : memref<128x128xf32, #tpu.memory_space<vmem>>)
      %get3A_223 = arith.constant 0 : index
      %get3A_224 = tpu.vector_load %arg10[%get3A_223] {strides = array<i32>} : memref<128xi32, #tpu.memory_space<vmem>>, vector<16xi32>,
      %get3A_225 = vector.shape_cast %get3A_224 : vector<16xi32> to vector<16xi32>
      %swap3A_226 = arith.constant 0 : index
      %swap3A_227 = tpu.vector_load %arg13[%swap3A_226] {strides = array<i32>} : memref<128xi32, #tpu.memory_space<vmem>>, vector<16xi32>,
      %swap3A_228 = vector.shape_cast %swap3A_227 : vector<16xi32> to vector<16xi32>
      %swap3A_229 = vector.shape_cast %get3A_225 : vector<16xi32> to vector<16xi32>
      tpu.vector_store %arg13[%swap3A_226], %swap3A_229 {strides = array<i32>} : memref<128xi32, #tpu.memory_space<vmem>>, vector<16xi32>,
      %get3A_230 = arith.constant 16 : index
      %get3A_231 = tpu.vector_load %arg10[%get3A_230] {strides = array<i32>} : memref<128xi32, #tpu.memory_space<vmem>>, vector<16xi32>,
      %get3A_232 = vector.shape_cast %get3A_231 : vector<16xi32> to vector<16xi32>
      %swap3A_233 = arith.constant 16 : index
      %swap3A_234 = tpu.vector_load %arg13[%swap3A_233] {strides = array<i32>} : memref<128xi32, #tpu.memory_space<vmem>>, vector<16xi32>,
      %swap3A_235 = vector.shape_cast %swap3A_234 : vector<16xi32> to vector<16xi32>
      %swap3A_236 = vector.shape_cast %get3A_232 : vector<16xi32> to vector<16xi32>
      tpu.vector_store %arg13[%swap3A_233], %swap3A_236 {strides = array<i32>} : memref<128xi32, #tpu.memory_space<vmem>>, vector<16xi32>,
      %get3A_237 = arith.constant 32 : index
      %get3A_238 = tpu.vector_load %arg10[%get3A_237] {strides = array<i32>} : memref<128xi32, #tpu.memory_space<vmem>>, vector<16xi32>,
      %get3A_239 = vector.shape_cast %get3A_238 : vector<16xi32> to vector<16xi32>
      %swap3A_240 = arith.constant 32 : index
      %swap3A_241 = tpu.vector_load %arg13[%swap3A_240] {strides = array<i32>} : memref<128xi32, #tpu.memory_space<vmem>>, vector<16xi32>,
      %swap3A_242 = vector.shape_cast %swap3A_241 : vector<16xi32> to vector<16xi32>
      %swap3A_243 = vector.shape_cast %get3A_239 : vector<16xi32> to vector<16xi32>
      tpu.vector_store %arg13[%swap3A_240], %swap3A_243 {strides = array<i32>} : memref<128xi32, #tpu.memory_space<vmem>>, vector<16xi32>,
      %get3A_244 = arith.constant 48 : index
      %get3A_245 = tpu.vector_load %arg10[%get3A_244] {strides = array<i32>} : memref<128xi32, #tpu.memory_space<vmem>>, vector<16xi32>,
      %get3A_246 = vector.shape_cast %get3A_245 : vector<16xi32> to vector<16xi32>
      %swap3A_247 = arith.constant 48 : index
      %swap3A_248 = tpu.vector_load %arg13[%swap3A_247] {strides = array<i32>} : memref<128xi32, #tpu.memory_space<vmem>>, vector<16xi32>,
      %swap3A_249 = vector.shape_cast %swap3A_248 : vector<16xi32> to vector<16xi32>
      %swap3A_250 = vector.shape_cast %get3A_246 : vector<16xi32> to vector<16xi32>
      tpu.vector_store %arg13[%swap3A_247], %swap3A_250 {strides = array<i32>} : memref<128xi32, #tpu.memory_space<vmem>>, vector<16xi32>,
      %get3A_251 = arith.constant 64 : index
      %get3A_252 = tpu.vector_load %arg10[%get3A_251] {strides = array<i32>} : memref<128xi32, #tpu.memory_space<vmem>>, vector<16xi32>,
      %get3A_253 = vector.shape_cast %get3A_252 : vector<16xi32> to vector<16xi32>
      %swap3A_254 = arith.constant 64 : index
      %swap3A_255 = tpu.vector_load %arg13[%swap3A_254] {strides = array<i32>} : memref<128xi32, #tpu.memory_space<vmem>>, vector<16xi32>,
      %swap3A_256 = vector.shape_cast %swap3A_255 : vector<16xi32> to vector<16xi32>
      %swap3A_257 = vector.shape_cast %get3A_253 : vector<16xi32> to vector<16xi32>
      tpu.vector_store %arg13[%swap3A_254], %swap3A_257 {strides = array<i32>} : memref<128xi32, #tpu.memory_space<vmem>>, vector<16xi32>,
      %get3A_258 = arith.constant 80 : index
      %get3A_259 = tpu.vector_load %arg10[%get3A_258] {strides = array<i32>} : memref<128xi32, #tpu.memory_space<vmem>>, vector<16xi32>,
      %get3A_260 = vector.shape_cast %get3A_259 : vector<16xi32> to vector<16xi32>
      %swap3A_261 = arith.constant 80 : index
      %swap3A_262 = tpu.vector_load %arg13[%swap3A_261] {strides = array<i32>} : memref<128xi32, #tpu.memory_space<vmem>>, vector<16xi32>,
      %swap3A_263 = vector.shape_cast %swap3A_262 : vector<16xi32> to vector<16xi32>
      %swap3A_264 = vector.shape_cast %get3A_260 : vector<16xi32> to vector<16xi32>
      tpu.vector_store %arg13[%swap3A_261], %swap3A_264 {strides = array<i32>} : memref<128xi32, #tpu.memory_space<vmem>>, vector<16xi32>,
      %get3A_265 = arith.constant 96 : index
      %get3A_266 = tpu.vector_load %arg10[%get3A_265] {strides = array<i32>} : memref<128xi32, #tpu.memory_space<vmem>>, vector<16xi32>,
      %get3A_267 = vector.shape_cast %get3A_266 : vector<16xi32> to vector<16xi32>
      %swap3A_268 = arith.constant 96 : index
      %swap3A_269 = tpu.vector_load %arg13[%swap3A_268] {strides = array<i32>} : memref<128xi32, #tpu.memory_space<vmem>>, vector<16xi32>,
      %swap3A_270 = vector.shape_cast %swap3A_269 : vector<16xi32> to vector<16xi32>
      %swap3A_271 = vector.shape_cast %get3A_267 : vector<16xi32> to vector<16xi32>
      tpu.vector_store %arg13[%swap3A_268], %swap3A_271 {strides = array<i32>} : memref<128xi32, #tpu.memory_space<vmem>>, vector<16xi32>,
      %get3A_272 = arith.constant 112 : index
      %get3A_273 = tpu.vector_load %arg10[%get3A_272] {strides = array<i32>} : memref<128xi32, #tpu.memory_space<vmem>>, vector<16xi32>,
      %get3A_274 = vector.shape_cast %get3A_273 : vector<16xi32> to vector<16xi32>
      %swap3A_275 = arith.constant 112 : index
      %swap3A_276 = tpu.vector_load %arg13[%swap3A_275] {strides = array<i32>} : memref<128xi32, #tpu.memory_space<vmem>>, vector<16xi32>,
      %swap3A_277 = vector.shape_cast %swap3A_276 : vector<16xi32> to vector<16xi32>
      %swap3A_278 = vector.shape_cast %get3A_274 : vector<16xi32> to vector<16xi32>
      tpu.vector_store %arg13[%swap3A_275], %swap3A_278 {strides = array<i32>} : memref<128xi32, #tpu.memory_space<vmem>>, vector<16xi32>,
      %add3A_279 = arith.constant 3 : i32
      %add3A_280 = arith.addi %add3A_212, %add3A_279 : i32
      %lt3A_281 = arith.constant 79 : i32
      %lt3A_282 = arith.cmpi slt, %add3A_280, %lt3A_281 : i32
      %convert_element_type3A_283 = arith.extui %lt3A_282 : i1 to i32
      %cond3A_284 = arith.constant 0 : i32
      %cond3A_285 = arith.cmpi ne, %convert_element_type3A_283, %cond3A_284 : i32
      scf.if %cond3A_285 {
        %add3A_369 = arith.addi %mul3A_2, %add3A_212 : i32
        %add3A_370 = arith.constant 3 : i32
        %add3A_371 = arith.addi %add3A_369, %add3A_370 : i32
        %dma_start3A_372 = arith.constant 0 : i32
        %dma_start3A_373 = tpu.memref_slice %arg3[%add3A_371, %dma_start3A_372] : memref<2528x128xi32, #tpu.memory_space<hbm>> -> memref<1x128xi32, #tpu.memory_space<hbm>>
        %dma_start3A_374 = tpu.memref_squeeze %dma_start3A_373 : memref<1x128xi32, #tpu.memory_space<hbm>> -> memref<128xi32, #tpu.memory_space<hbm>>
        %dma_start3A_375 = arith.constant 0 : i32
        %dma_start3A_376 = tpu.memref_slice %arg3[%add3A_371, %dma_start3A_375] : memref<2528x128xi32, #tpu.memory_space<hbm>> -> memref<1x128xi32, #tpu.memory_space<hbm>>
        %dma_start3A_377 = tpu.memref_squeeze %dma_start3A_376 : memref<1x128xi32, #tpu.memory_space<hbm>> -> memref<128xi32, #tpu.memory_space<hbm>>
        tpu.enqueue_dma source(%dma_start3A_377 : memref<128xi32, #tpu.memory_space<hbm>>) target(%arg7 : memref<128xi32, #tpu.memory_space<vmem>>) target_semaphore(%arg20 : memref<!tpu.dma_semaphore, #tpu.memory_space<semaphore_mem>>)
        %add3A_378 = arith.addi %mul3A_2, %add3A_212 : i32
        %add3A_379 = arith.constant 3 : i32
        %add3A_380 = arith.addi %add3A_378, %add3A_379 : i32
        %dma_start3A_381 = arith.constant 0 : i32
        %dma_start3A_382 = tpu.memref_slice %arg4[%add3A_380, %dma_start3A_381] : memref<2528x128xi32, #tpu.memory_space<hbm>> -> memref<1x128xi32, #tpu.memory_space<hbm>>
        %dma_start3A_383 = tpu.memref_squeeze %dma_start3A_382 : memref<1x128xi32, #tpu.memory_space<hbm>> -> memref<128xi32, #tpu.memory_space<hbm>>
        %dma_start3A_384 = arith.constant 0 : i32
        %dma_start3A_385 = tpu.memref_slice %arg4[%add3A_380, %dma_start3A_384] : memref<2528x128xi32, #tpu.memory_space<hbm>> -> memref<1x128xi32, #tpu.memory_space<hbm>>
        %dma_start3A_386 = tpu.memref_squeeze %dma_start3A_385 : memref<1x128xi32, #tpu.memory_space<hbm>> -> memref<128xi32, #tpu.memory_space<hbm>>
        tpu.enqueue_dma source(%dma_start3A_386 : memref<128xi32, #tpu.memory_space<hbm>>) target(%arg10 : memref<128xi32, #tpu.memory_space<vmem>>) target_semaphore(%arg20 : memref<!tpu.dma_semaphore, #tpu.memory_space<semaphore_mem>>)
      } else {
      }
      %dma_start3A_286 = arith.constant 0 : i32
      %dma_start3A_287 = arith.constant 0 : i32
      %dma_start3A_288 = tpu.memref_slice %arg18[%dma_start3A_286, %dma_start3A_287] : memref<10016x128xf32, #tpu.memory_space<vmem_shared>> -> memref<10016x128xf32, #tpu.memory_space<vmem_shared>>
      tpu.enqueue_indirect_dma source(%arg16 : memref<128x128xf32, #tpu.memory_space<vmem>>) target(%dma_start3A_288 : memref<10016x128xf32, #tpu.memory_space<vmem_shared>>) offsets(%arg13 : memref<128xi32, #tpu.memory_space<vmem>>) semaphore(%arg26 : memref<!tpu.dma_semaphore, #tpu.memory_space<semaphore_mem>>) {add = true}
      %mul3A_289 = arith.constant 3 : i32
      %mul3A_290 = arith.muli %scan3A_131, %mul3A_289 : i32
      %add3A_291 = arith.constant 2 : i32
      %add3A_292 = arith.addi %mul3A_290, %add3A_291 : i32
      %add3A_293 = arith.constant 2 : i32
      %add3A_294 = arith.addi %add3A_292, %add3A_293 : i32
      %lt3A_295 = arith.constant 79 : i32
      %lt3A_296 = arith.cmpi slt, %add3A_294, %lt3A_295 : i32
      %convert_element_type3A_297 = arith.extui %lt3A_296 : i1 to i32
      %cond3A_298 = arith.constant 0 : i32
      %cond3A_299 = arith.cmpi ne, %convert_element_type3A_297, %cond3A_298 : i32
      scf.if %cond3A_299 {
        %add3A_369 = arith.addi %mul3A_2, %add3A_292 : i32
        %add3A_370 = arith.constant 2 : i32
        %add3A_371 = arith.addi %add3A_369, %add3A_370 : i32
        %dma_wait3A_372 = arith.constant 0 : i32
        %dma_wait3A_373 = tpu.memref_slice %arg3[%add3A_371, %dma_wait3A_372] : memref<2528x128xi32, #tpu.memory_space<hbm>> -> memref<1x128xi32, #tpu.memory_space<hbm>>
        %dma_wait3A_374 = tpu.memref_squeeze %dma_wait3A_373 : memref<1x128xi32, #tpu.memory_space<hbm>> -> memref<128xi32, #tpu.memory_space<hbm>>
        %dma_wait3A_375 = arith.constant 0 : i32
        %dma_wait3A_376 = tpu.memref_slice %arg3[%add3A_371, %dma_wait3A_375] : memref<2528x128xi32, #tpu.memory_space<hbm>> -> memref<1x128xi32, #tpu.memory_space<hbm>>
        %dma_wait3A_377 = tpu.memref_squeeze %dma_wait3A_376 : memref<1x128xi32, #tpu.memory_space<hbm>> -> memref<128xi32, #tpu.memory_space<hbm>>
        tpu.wait_dma2 semaphore(%arg20 : memref<!tpu.dma_semaphore, #tpu.memory_space<semaphore_mem>>) src(%dma_wait3A_377 : memref<128xi32, #tpu.memory_space<hbm>>) dst(%arg7 : memref<128xi32, #tpu.memory_space<vmem>>)
        %add3A_378 = arith.addi %mul3A_2, %add3A_292 : i32
        %add3A_379 = arith.constant 2 : i32
        %add3A_380 = arith.addi %add3A_378, %add3A_379 : i32
        %dma_wait3A_381 = arith.constant 0 : i32
        %dma_wait3A_382 = tpu.memref_slice %arg4[%add3A_380, %dma_wait3A_381] : memref<2528x128xi32, #tpu.memory_space<hbm>> -> memref<1x128xi32, #tpu.memory_space<hbm>>
        %dma_wait3A_383 = tpu.memref_squeeze %dma_wait3A_382 : memref<1x128xi32, #tpu.memory_space<hbm>> -> memref<128xi32, #tpu.memory_space<hbm>>
        %dma_wait3A_384 = arith.constant 0 : i32
        %dma_wait3A_385 = tpu.memref_slice %arg4[%add3A_380, %dma_wait3A_384] : memref<2528x128xi32, #tpu.memory_space<hbm>> -> memref<1x128xi32, #tpu.memory_space<hbm>>
        %dma_wait3A_386 = tpu.memref_squeeze %dma_wait3A_385 : memref<1x128xi32, #tpu.memory_space<hbm>> -> memref<128xi32, #tpu.memory_space<hbm>>
        tpu.wait_dma2 semaphore(%arg20 : memref<!tpu.dma_semaphore, #tpu.memory_space<semaphore_mem>>) src(%dma_wait3A_386 : memref<128xi32, #tpu.memory_space<hbm>>) dst(%arg10 : memref<128xi32, #tpu.memory_space<vmem>>)
        %ge3A = arith.constant 1 : i32
        %ge3A_387 = arith.cmpi sge, %add3A_292, %ge3A : i32
        %convert_element_type3A_388 = arith.extui %ge3A_387 : i1 to i32
        %cond3A_389 = arith.constant 0 : i32
        %cond3A_390 = arith.cmpi ne, %convert_element_type3A_388, %cond3A_389 : i32
        scf.if %cond3A_390 {
          %dma_wait3A_394 = arith.constant 0 : i32
          %dma_wait3A_395 = arith.constant 0 : i32
          %dma_wait3A_396 = tpu.memref_slice %arg18[%dma_wait3A_394, %dma_wait3A_395] : memref<10016x128xf32, #tpu.memory_space<vmem_shared>> -> memref<10016x128xf32, #tpu.memory_space<vmem_shared>>
          tpu.wait_indirect_dma semaphore(%arg26 : memref<!tpu.dma_semaphore, #tpu.memory_space<semaphore_mem>>) src(%arg16 : memref<128x128xf32, #tpu.memory_space<vmem>>) dst(%dma_wait3A_396 : memref<10016x128xf32, #tpu.memory_space<vmem_shared>>)
        } else {
        }
        %dma_start3A_391 = arith.constant 0 : i32
        %dma_start3A_392 = arith.constant 0 : i32
        %dma_start3A_393 = tpu.memref_slice %arg2[%dma_start3A_391, %dma_start3A_392] : memref<10000x128xf32, #tpu.memory_space<hbm>> -> memref<10000x128xf32, #tpu.memory_space<hbm>>
        tpu.enqueue_indirect_dma source(%dma_start3A_393 : memref<10000x128xf32, #tpu.memory_space<hbm>>) target(%arg16 : memref<128x128xf32, #tpu.memory_space<vmem>>) offsets(%arg7 : memref<128xi32, #tpu.memory_space<vmem>>) semaphore(%arg23 : memref<!tpu.dma_semaphore, #tpu.memory_space<semaphore_mem>>)
      } else {
      }
      %dma_wait3A_300 = arith.constant 0 : i32
      %dma_wait3A_301 = arith.constant 0 : i32
      %dma_wait3A_302 = tpu.memref_slice %arg2[%dma_wait3A_300, %dma_wait3A_301] : memref<10000x128xf32, #tpu.memory_space<hbm>> -> memref<10000x128xf32, #tpu.memory_space<hbm>>
      tpu.wait_indirect_dma semaphore(%arg24 : memref<!tpu.dma_semaphore, #tpu.memory_space<semaphore_mem>>) src(%dma_wait3A_302 : memref<10000x128xf32, #tpu.memory_space<hbm>>) dst(%arg17 : memref<128x128xf32, #tpu.memory_space<vmem>>)
      %get3A_303 = arith.constant 0 : index
      %get3A_304 = tpu.vector_load %arg11[%get3A_303] {strides = array<i32>} : memref<128xi32, #tpu.memory_space<vmem>>, vector<16xi32>,
      %get3A_305 = vector.shape_cast %get3A_304 : vector<16xi32> to vector<16xi32>
      %swap3A_306 = arith.constant 0 : index
      %swap3A_307 = tpu.vector_load %arg14[%swap3A_306] {strides = array<i32>} : memref<128xi32, #tpu.memory_space<vmem>>, vector<16xi32>,
      %swap3A_308 = vector.shape_cast %swap3A_307 : vector<16xi32> to vector<16xi32>
      %swap3A_309 = vector.shape_cast %get3A_305 : vector<16xi32> to vector<16xi32>
      tpu.vector_store %arg14[%swap3A_306], %swap3A_309 {strides = array<i32>} : memref<128xi32, #tpu.memory_space<vmem>>, vector<16xi32>,
      %get3A_310 = arith.constant 16 : index
      %get3A_311 = tpu.vector_load %arg11[%get3A_310] {strides = array<i32>} : memref<128xi32, #tpu.memory_space<vmem>>, vector<16xi32>,
      %get3A_312 = vector.shape_cast %get3A_311 : vector<16xi32> to vector<16xi32>
      %swap3A_313 = arith.constant 16 : index
      %swap3A_314 = tpu.vector_load %arg14[%swap3A_313] {strides = array<i32>} : memref<128xi32, #tpu.memory_space<vmem>>, vector<16xi32>,
      %swap3A_315 = vector.shape_cast %swap3A_314 : vector<16xi32> to vector<16xi32>
      %swap3A_316 = vector.shape_cast %get3A_312 : vector<16xi32> to vector<16xi32>
      tpu.vector_store %arg14[%swap3A_313], %swap3A_316 {strides = array<i32>} : memref<128xi32, #tpu.memory_space<vmem>>, vector<16xi32>,
      %get3A_317 = arith.constant 32 : index
      %get3A_318 = tpu.vector_load %arg11[%get3A_317] {strides = array<i32>} : memref<128xi32, #tpu.memory_space<vmem>>, vector<16xi32>,
      %get3A_319 = vector.shape_cast %get3A_318 : vector<16xi32> to vector<16xi32>
      %swap3A_320 = arith.constant 32 : index
      %swap3A_321 = tpu.vector_load %arg14[%swap3A_320] {strides = array<i32>} : memref<128xi32, #tpu.memory_space<vmem>>, vector<16xi32>,
      %swap3A_322 = vector.shape_cast %swap3A_321 : vector<16xi32> to vector<16xi32>
      %swap3A_323 = vector.shape_cast %get3A_319 : vector<16xi32> to vector<16xi32>
      tpu.vector_store %arg14[%swap3A_320], %swap3A_323 {strides = array<i32>} : memref<128xi32, #tpu.memory_space<vmem>>, vector<16xi32>,
      %get3A_324 = arith.constant 48 : index
      %get3A_325 = tpu.vector_load %arg11[%get3A_324] {strides = array<i32>} : memref<128xi32, #tpu.memory_space<vmem>>, vector<16xi32>,
      %get3A_326 = vector.shape_cast %get3A_325 : vector<16xi32> to vector<16xi32>
      %swap3A_327 = arith.constant 48 : index
      %swap3A_328 = tpu.vector_load %arg14[%swap3A_327] {strides = array<i32>} : memref<128xi32, #tpu.memory_space<vmem>>, vector<16xi32>,
      %swap3A_329 = vector.shape_cast %swap3A_328 : vector<16xi32> to vector<16xi32>
      %swap3A_330 = vector.shape_cast %get3A_326 : vector<16xi32> to vector<16xi32>
      tpu.vector_store %arg14[%swap3A_327], %swap3A_330 {strides = array<i32>} : memref<128xi32, #tpu.memory_space<vmem>>, vector<16xi32>,
      %get3A_331 = arith.constant 64 : index
      %get3A_332 = tpu.vector_load %arg11[%get3A_331] {strides = array<i32>} : memref<128xi32, #tpu.memory_space<vmem>>, vector<16xi32>,
      %get3A_333 = vector.shape_cast %get3A_332 : vector<16xi32> to vector<16xi32>
      %swap3A_334 = arith.constant 64 : index
      %swap3A_335 = tpu.vector_load %arg14[%swap3A_334] {strides = array<i32>} : memref<128xi32, #tpu.memory_space<vmem>>, vector<16xi32>,
      %swap3A_336 = vector.shape_cast %swap3A_335 : vector<16xi32> to vector<16xi32>
      %swap3A_337 = vector.shape_cast %get3A_333 : vector<16xi32> to vector<16xi32>
      tpu.vector_store %arg14[%swap3A_334], %swap3A_337 {strides = array<i32>} : memref<128xi32, #tpu.memory_space<vmem>>, vector<16xi32>,
      %get3A_338 = arith.constant 80 : index
      %get3A_339 = tpu.vector_load %arg11[%get3A_338] {strides = array<i32>} : memref<128xi32, #tpu.memory_space<vmem>>, vector<16xi32>,
      %get3A_340 = vector.shape_cast %get3A_339 : vector<16xi32> to vector<16xi32>
      %swap3A_341 = arith.constant 80 : index
      %swap3A_342 = tpu.vector_load %arg14[%swap3A_341] {strides = array<i32>} : memref<128xi32, #tpu.memory_space<vmem>>, vector<16xi32>,
      %swap3A_343 = vector.shape_cast %swap3A_342 : vector<16xi32> to vector<16xi32>
      %swap3A_344 = vector.shape_cast %get3A_340 : vector<16xi32> to vector<16xi32>
      tpu.vector_store %arg14[%swap3A_341], %swap3A_344 {strides = array<i32>} : memref<128xi32, #tpu.memory_space<vmem>>, vector<16xi32>,
      %get3A_345 = arith.constant 96 : index
      %get3A_346 = tpu.vector_load %arg11[%get3A_345] {strides = array<i32>} : memref<128xi32, #tpu.memory_space<vmem>>, vector<16xi32>,
      %get3A_347 = vector.shape_cast %get3A_346 : vector<16xi32> to vector<16xi32>
      %swap3A_348 = arith.constant 96 : index
      %swap3A_349 = tpu.vector_load %arg14[%swap3A_348] {strides = array<i32>} : memref<128xi32, #tpu.memory_space<vmem>>, vector<16xi32>,
      %swap3A_350 = vector.shape_cast %swap3A_349 : vector<16xi32> to vector<16xi32>
      %swap3A_351 = vector.shape_cast %get3A_347 : vector<16xi32> to vector<16xi32>
      tpu.vector_store %arg14[%swap3A_348], %swap3A_351 {strides = array<i32>} : memref<128xi32, #tpu.memory_space<vmem>>, vector<16xi32>,
      %get3A_352 = arith.constant 112 : index
      %get3A_353 = tpu.vector_load %arg11[%get3A_352] {strides = array<i32>} : memref<128xi32, #tpu.memory_space<vmem>>, vector<16xi32>,
      %get3A_354 = vector.shape_cast %get3A_353 : vector<16xi32> to vector<16xi32>
      %swap3A_355 = arith.constant 112 : index
      %swap3A_356 = tpu.vector_load %arg14[%swap3A_355] {strides = array<i32>} : memref<128xi32, #tpu.memory_space<vmem>>, vector<16xi32>,
      %swap3A_357 = vector.shape_cast %swap3A_356 : vector<16xi32> to vector<16xi32>
      %swap3A_358 = vector.shape_cast %get3A_354 : vector<16xi32> to vector<16xi32>
      tpu.vector_store %arg14[%swap3A_355], %swap3A_358 {strides = array<i32>} : memref<128xi32, #tpu.memory_space<vmem>>, vector<16xi32>,
      %add3A_359 = arith.constant 3 : i32
      %add3A_360 = arith.addi %add3A_292, %add3A_359 : i32
      %lt3A_361 = arith.constant 79 : i32
      %lt3A_362 = arith.cmpi slt, %add3A_360, %lt3A_361 : i32
      %convert_element_type3A_363 = arith.extui %lt3A_362 : i1 to i32
      %cond3A_364 = arith.constant 0 : i32
      %cond3A_365 = arith.cmpi ne, %convert_element_type3A_363, %cond3A_364 : i32
      scf.if %cond3A_365 {
        %add3A_369 = arith.addi %mul3A_2, %add3A_292 : i32
        %add3A_370 = arith.constant 3 : i32
        %add3A_371 = arith.addi %add3A_369, %add3A_370 : i32
        %dma_start3A_372 = arith.constant 0 : i32
        %dma_start3A_373 = tpu.memref_slice %arg3[%add3A_371, %dma_start3A_372] : memref<2528x128xi32, #tpu.memory_space<hbm>> -> memref<1x128xi32, #tpu.memory_space<hbm>>
        %dma_start3A_374 = tpu.memref_squeeze %dma_start3A_373 : memref<1x128xi32, #tpu.memory_space<hbm>> -> memref<128xi32, #tpu.memory_space<hbm>>
        %dma_start3A_375 = arith.constant 0 : i32
        %dma_start3A_376 = tpu.memref_slice %arg3[%add3A_371, %dma_start3A_375] : memref<2528x128xi32, #tpu.memory_space<hbm>> -> memref<1x128xi32, #tpu.memory_space<hbm>>
        %dma_start3A_377 = tpu.memref_squeeze %dma_start3A_376 : memref<1x128xi32, #tpu.memory_space<hbm>> -> memref<128xi32, #tpu.memory_space<hbm>>
        tpu.enqueue_dma source(%dma_start3A_377 : memref<128xi32, #tpu.memory_space<hbm>>) target(%arg8 : memref<128xi32, #tpu.memory_space<vmem>>) target_semaphore(%arg21 : memref<!tpu.dma_semaphore, #tpu.memory_space<semaphore_mem>>)
        %add3A_378 = arith.addi %mul3A_2, %add3A_292 : i32
        %add3A_379 = arith.constant 3 : i32
        %add3A_380 = arith.addi %add3A_378, %add3A_379 : i32
        %dma_start3A_381 = arith.constant 0 : i32
        %dma_start3A_382 = tpu.memref_slice %arg4[%add3A_380, %dma_start3A_381] : memref<2528x128xi32, #tpu.memory_space<hbm>> -> memref<1x128xi32, #tpu.memory_space<hbm>>
        %dma_start3A_383 = tpu.memref_squeeze %dma_start3A_382 : memref<1x128xi32, #tpu.memory_space<hbm>> -> memref<128xi32, #tpu.memory_space<hbm>>
        %dma_start3A_384 = arith.constant 0 : i32
        %dma_start3A_385 = tpu.memref_slice %arg4[%add3A_380, %dma_start3A_384] : memref<2528x128xi32, #tpu.memory_space<hbm>> -> memref<1x128xi32, #tpu.memory_space<hbm>>
        %dma_start3A_386 = tpu.memref_squeeze %dma_start3A_385 : memref<1x128xi32, #tpu.memory_space<hbm>> -> memref<128xi32, #tpu.memory_space<hbm>>
        tpu.enqueue_dma source(%dma_start3A_386 : memref<128xi32, #tpu.memory_space<hbm>>) target(%arg11 : memref<128xi32, #tpu.memory_space<vmem>>) target_semaphore(%arg21 : memref<!tpu.dma_semaphore, #tpu.memory_space<semaphore_mem>>)
      } else {
      }
      %dma_start3A_366 = arith.constant 0 : i32
      %dma_start3A_367 = arith.constant 0 : i32
      %dma_start3A_368 = tpu.memref_slice %arg18[%dma_start3A_366, %dma_start3A_367] : memref<10016x128xf32, #tpu.memory_space<vmem_shared>> -> memref<10016x128xf32, #tpu.memory_space<vmem_shared>>
      tpu.enqueue_indirect_dma source(%arg17 : memref<128x128xf32, #tpu.memory_space<vmem>>) target(%dma_start3A_368 : memref<10016x128xf32, #tpu.memory_space<vmem_shared>>) offsets(%arg14 : memref<128xi32, #tpu.memory_space<vmem>>) semaphore(%arg27 : memref<!tpu.dma_semaphore, #tpu.memory_space<semaphore_mem>>) {add = true}
    }
    %scan3A_56 = arith.constant 26 : i32
    %dma_wait3A = arith.constant 0 : i32
    %dma_wait3A_57 = arith.constant 0 : i32
    %dma_wait3A_58 = tpu.memref_slice %arg2[%dma_wait3A, %dma_wait3A_57] : memref<10000x128xf32, #tpu.memory_space<hbm>> -> memref<10000x128xf32, #tpu.memory_space<hbm>>
    tpu.wait_indirect_dma semaphore(%arg22 : memref<!tpu.dma_semaphore, #tpu.memory_space<semaphore_mem>>) src(%dma_wait3A_58 : memref<10000x128xf32, #tpu.memory_space<hbm>>) dst(%arg15 : memref<128x128xf32, #tpu.memory_space<vmem>>)
    %get3A = arith.constant 0 : index
    %get3A_59 = tpu.vector_load %arg9[%get3A] {strides = array<i32>} : memref<128xi32, #tpu.memory_space<vmem>>, vector<16xi32>,
    %get3A_60 = vector.shape_cast %get3A_59 : vector<16xi32> to vector<16xi32>
    %swap3A = arith.constant 0 : index
    %swap3A_61 = tpu.vector_load %arg12[%swap3A] {strides = array<i32>} : memref<128xi32, #tpu.memory_space<vmem>>, vector<16xi32>,
    %swap3A_62 = vector.shape_cast %swap3A_61 : vector<16xi32> to vector<16xi32>
    %swap3A_63 = vector.shape_cast %get3A_60 : vector<16xi32> to vector<16xi32>
    tpu.vector_store %arg12[%swap3A], %swap3A_63 {strides = array<i32>} : memref<128xi32, #tpu.memory_space<vmem>>, vector<16xi32>,
    %get3A_64 = arith.constant 16 : index
    %get3A_65 = tpu.vector_load %arg9[%get3A_64] {strides = array<i32>} : memref<128xi32, #tpu.memory_space<vmem>>, vector<16xi32>,
    %get3A_66 = vector.shape_cast %get3A_65 : vector<16xi32> to vector<16xi32>
    %swap3A_67 = arith.constant 16 : index
    %swap3A_68 = tpu.vector_load %arg12[%swap3A_67] {strides = array<i32>} : memref<128xi32, #tpu.memory_space<vmem>>, vector<16xi32>,
    %swap3A_69 = vector.shape_cast %swap3A_68 : vector<16xi32> to vector<16xi32>
    %swap3A_70 = vector.shape_cast %get3A_66 : vector<16xi32> to vector<16xi32>
    tpu.vector_store %arg12[%swap3A_67], %swap3A_70 {strides = array<i32>} : memref<128xi32, #tpu.memory_space<vmem>>, vector<16xi32>,
    %get3A_71 = arith.constant 32 : index
    %get3A_72 = tpu.vector_load %arg9[%get3A_71] {strides = array<i32>} : memref<128xi32, #tpu.memory_space<vmem>>, vector<16xi32>,
    %get3A_73 = vector.shape_cast %get3A_72 : vector<16xi32> to vector<16xi32>
    %swap3A_74 = arith.constant 32 : index
    %swap3A_75 = tpu.vector_load %arg12[%swap3A_74] {strides = array<i32>} : memref<128xi32, #tpu.memory_space<vmem>>, vector<16xi32>,
    %swap3A_76 = vector.shape_cast %swap3A_75 : vector<16xi32> to vector<16xi32>
    %swap3A_77 = vector.shape_cast %get3A_73 : vector<16xi32> to vector<16xi32>
    tpu.vector_store %arg12[%swap3A_74], %swap3A_77 {strides = array<i32>} : memref<128xi32, #tpu.memory_space<vmem>>, vector<16xi32>,
    %get3A_78 = arith.constant 48 : index
    %get3A_79 = tpu.vector_load %arg9[%get3A_78] {strides = array<i32>} : memref<128xi32, #tpu.memory_space<vmem>>, vector<16xi32>,
    %get3A_80 = vector.shape_cast %get3A_79 : vector<16xi32> to vector<16xi32>
    %swap3A_81 = arith.constant 48 : index
    %swap3A_82 = tpu.vector_load %arg12[%swap3A_81] {strides = array<i32>} : memref<128xi32, #tpu.memory_space<vmem>>, vector<16xi32>,
    %swap3A_83 = vector.shape_cast %swap3A_82 : vector<16xi32> to vector<16xi32>
    %swap3A_84 = vector.shape_cast %get3A_80 : vector<16xi32> to vector<16xi32>
    tpu.vector_store %arg12[%swap3A_81], %swap3A_84 {strides = array<i32>} : memref<128xi32, #tpu.memory_space<vmem>>, vector<16xi32>,
    %get3A_85 = arith.constant 64 : index
    %get3A_86 = tpu.vector_load %arg9[%get3A_85] {strides = array<i32>} : memref<128xi32, #tpu.memory_space<vmem>>, vector<16xi32>,
    %get3A_87 = vector.shape_cast %get3A_86 : vector<16xi32> to vector<16xi32>
    %swap3A_88 = arith.constant 64 : index
    %swap3A_89 = tpu.vector_load %arg12[%swap3A_88] {strides = array<i32>} : memref<128xi32, #tpu.memory_space<vmem>>, vector<16xi32>,
    %swap3A_90 = vector.shape_cast %swap3A_89 : vector<16xi32> to vector<16xi32>
    %swap3A_91 = vector.shape_cast %get3A_87 : vector<16xi32> to vector<16xi32>
    tpu.vector_store %arg12[%swap3A_88], %swap3A_91 {strides = array<i32>} : memref<128xi32, #tpu.memory_space<vmem>>, vector<16xi32>,
    %get3A_92 = arith.constant 80 : index
    %get3A_93 = tpu.vector_load %arg9[%get3A_92] {strides = array<i32>} : memref<128xi32, #tpu.memory_space<vmem>>, vector<16xi32>,
    %get3A_94 = vector.shape_cast %get3A_93 : vector<16xi32> to vector<16xi32>
    %swap3A_95 = arith.constant 80 : index
    %swap3A_96 = tpu.vector_load %arg12[%swap3A_95] {strides = array<i32>} : memref<128xi32, #tpu.memory_space<vmem>>, vector<16xi32>,
    %swap3A_97 = vector.shape_cast %swap3A_96 : vector<16xi32> to vector<16xi32>
    %swap3A_98 = vector.shape_cast %get3A_94 : vector<16xi32> to vector<16xi32>
    tpu.vector_store %arg12[%swap3A_95], %swap3A_98 {strides = array<i32>} : memref<128xi32, #tpu.memory_space<vmem>>, vector<16xi32>,
    %get3A_99 = arith.constant 96 : index
    %get3A_100 = tpu.vector_load %arg9[%get3A_99] {strides = array<i32>} : memref<128xi32, #tpu.memory_space<vmem>>, vector<16xi32>,
    %get3A_101 = vector.shape_cast %get3A_100 : vector<16xi32> to vector<16xi32>
    %swap3A_102 = arith.constant 96 : index
    %swap3A_103 = tpu.vector_load %arg12[%swap3A_102] {strides = array<i32>} : memref<128xi32, #tpu.memory_space<vmem>>, vector<16xi32>,
    %swap3A_104 = vector.shape_cast %swap3A_103 : vector<16xi32> to vector<16xi32>
    %swap3A_105 = vector.shape_cast %get3A_101 : vector<16xi32> to vector<16xi32>
    tpu.vector_store %arg12[%swap3A_102], %swap3A_105 {strides = array<i32>} : memref<128xi32, #tpu.memory_space<vmem>>, vector<16xi32>,
    %get3A_106 = arith.constant 112 : index
    %get3A_107 = tpu.vector_load %arg9[%get3A_106] {strides = array<i32>} : memref<128xi32, #tpu.memory_space<vmem>>, vector<16xi32>,
    %get3A_108 = vector.shape_cast %get3A_107 : vector<16xi32> to vector<16xi32>
    %swap3A_109 = arith.constant 112 : index
    %swap3A_110 = tpu.vector_load %arg12[%swap3A_109] {strides = array<i32>} : memref<128xi32, #tpu.memory_space<vmem>>, vector<16xi32>,
    %swap3A_111 = vector.shape_cast %swap3A_110 : vector<16xi32> to vector<16xi32>
    %swap3A_112 = vector.shape_cast %get3A_108 : vector<16xi32> to vector<16xi32>
    tpu.vector_store %arg12[%swap3A_109], %swap3A_112 {strides = array<i32>} : memref<128xi32, #tpu.memory_space<vmem>>, vector<16xi32>,
    %dma_start3A_113 = arith.constant 0 : i32
    %dma_start3A_114 = arith.constant 0 : i32
    %dma_start3A_115 = tpu.memref_slice %arg18[%dma_start3A_113, %dma_start3A_114] : memref<10016x128xf32, #tpu.memory_space<vmem_shared>> -> memref<10016x128xf32, #tpu.memory_space<vmem_shared>>
    tpu.enqueue_indirect_dma source(%arg15 : memref<128x128xf32, #tpu.memory_space<vmem>>) target(%dma_start3A_115 : memref<10016x128xf32, #tpu.memory_space<vmem_shared>>) offsets(%arg12 : memref<128xi32, #tpu.memory_space<vmem>>) semaphore(%arg25 : memref<!tpu.dma_semaphore, #tpu.memory_space<semaphore_mem>>) {add = true}
    %dma_wait3A_116 = arith.constant 0 : i32
    %dma_wait3A_117 = arith.constant 0 : i32
    %dma_wait3A_118 = tpu.memref_slice %arg18[%dma_wait3A_116, %dma_wait3A_117] : memref<10016x128xf32, #tpu.memory_space<vmem_shared>> -> memref<10016x128xf32, #tpu.memory_space<vmem_shared>>
    tpu.wait_indirect_dma semaphore(%arg26 : memref<!tpu.dma_semaphore, #tpu.memory_space<semaphore_mem>>) src(%arg16 : memref<128x128xf32, #tpu.memory_space<vmem>>) dst(%dma_wait3A_118 : memref<10016x128xf32, #tpu.memory_space<vmem_shared>>)
    %dma_wait3A_119 = arith.constant 0 : i32
    %dma_wait3A_120 = arith.constant 0 : i32
    %dma_wait3A_121 = tpu.memref_slice %arg18[%dma_wait3A_119, %dma_wait3A_120] : memref<10016x128xf32, #tpu.memory_space<vmem_shared>> -> memref<10016x128xf32, #tpu.memory_space<vmem_shared>>
    tpu.wait_indirect_dma semaphore(%arg27 : memref<!tpu.dma_semaphore, #tpu.memory_space<semaphore_mem>>) src(%arg17 : memref<128x128xf32, #tpu.memory_space<vmem>>) dst(%dma_wait3A_121 : memref<10016x128xf32, #tpu.memory_space<vmem_shared>>)
    %dma_wait3A_122 = arith.constant 0 : i32
    %dma_wait3A_123 = arith.constant 0 : i32
    %dma_wait3A_124 = tpu.memref_slice %arg18[%dma_wait3A_122, %dma_wait3A_123] : memref<10016x128xf32, #tpu.memory_space<vmem_shared>> -> memref<10016x128xf32, #tpu.memory_space<vmem_shared>>
    tpu.wait_indirect_dma semaphore(%arg25 : memref<!tpu.dma_semaphore, #tpu.memory_space<semaphore_mem>>) src(%arg15 : memref<128x128xf32, #tpu.memory_space<vmem>>) dst(%dma_wait3A_124 : memref<10016x128xf32, #tpu.memory_space<vmem_shared>>)
    %barrier3A_125 = arith.constant 0 : index
    tpu.barrier barrier_id(%barrier3A_125)
    "tpu.region"() ({
      %run_scoped3A = tpu.sem_alloc : memref<!tpu.dma_semaphore, #tpu.memory_space<semaphore_mem>>
      %dma_start3A_131 = arith.constant 0 : i32
      %dma_start3A_132 = tpu.memref_slice %arg5[%arg0, %mul3A_38, %dma_start3A_131] : memref<2x10000x128xf32, #tpu.memory_space<hbm>> -> memref<1x624x128xf32, #tpu.memory_space<hbm>>
      %dma_start3A_133 = tpu.memref_squeeze %dma_start3A_132 : memref<1x624x128xf32, #tpu.memory_space<hbm>> -> memref<624x128xf32, #tpu.memory_space<hbm>>
      %dma_start3A_134 = arith.constant 0 : i32
      %dma_start3A_135 = tpu.memref_slice %arg18[%mul3A_38, %dma_start3A_134] : memref<10016x128xf32, #tpu.memory_space<vmem_shared>> -> memref<624x128xf32, #tpu.memory_space<vmem_shared>>
      tpu.enqueue_dma source(%dma_start3A_135 : memref<624x128xf32, #tpu.memory_space<vmem_shared>>) target(%dma_start3A_133 : memref<624x128xf32, #tpu.memory_space<hbm>>) target_semaphore(%run_scoped3A : memref<!tpu.dma_semaphore, #tpu.memory_space<semaphore_mem>>)
      %dma_wait3A_136 = arith.constant 0 : i32
      %dma_wait3A_137 = tpu.memref_slice %arg5[%arg0, %mul3A_38, %dma_wait3A_136] : memref<2x10000x128xf32, #tpu.memory_space<hbm>> -> memref<1x624x128xf32, #tpu.memory_space<hbm>>
      %dma_wait3A_138 = tpu.memref_squeeze %dma_wait3A_137 : memref<1x624x128xf32, #tpu.memory_space<hbm>> -> memref<624x128xf32, #tpu.memory_space<hbm>>
      %dma_wait3A_139 = arith.constant 0 : i32
      %dma_wait3A_140 = tpu.memref_slice %arg18[%mul3A_38, %dma_wait3A_139] : memref<10016x128xf32, #tpu.memory_space<vmem_shared>> -> memref<624x128xf32, #tpu.memory_space<vmem_shared>>
      tpu.wait_dma2 semaphore(%run_scoped3A : memref<!tpu.dma_semaphore, #tpu.memory_space<semaphore_mem>>) src(%dma_wait3A_140 : memref<624x128xf32, #tpu.memory_space<vmem_shared>>) dst(%dma_wait3A_138 : memref<624x128xf32, #tpu.memory_space<hbm>>)
      tpu.yield
    }) : () -> ()
    %eq3A_126 = arith.constant 15 : i32
    %eq3A_127 = arith.cmpi eq, %arg1, %eq3A_126 : i32
    %convert_element_type3A_128 = arith.extui %eq3A_127 : i1 to i32
    %cond3A_129 = arith.constant 0 : i32
    %cond3A_130 = arith.cmpi ne, %convert_element_type3A_128, %cond3A_129 : i32
    scf.if %cond3A_130 {
      "tpu.region"() ({
        %run_scoped3A = tpu.sem_alloc : memref<!tpu.dma_semaphore, #tpu.memory_space<semaphore_mem>>
        %dma_start3A_131 = arith.constant 9984 : i32
        %dma_start3A_132 = arith.constant 0 : i32
        %dma_start3A_133 = tpu.memref_slice %arg5[%arg0, %dma_start3A_131, %dma_start3A_132] : memref<2x10000x128xf32, #tpu.memory_space<hbm>> -> memref<1x16x128xf32, #tpu.memory_space<hbm>>
        %dma_start3A_134 = tpu.memref_squeeze %dma_start3A_133 : memref<1x16x128xf32, #tpu.memory_space<hbm>> -> memref<16x128xf32, #tpu.memory_space<hbm>>
        %dma_start3A_135 = arith.constant 9984 : i32
        %dma_start3A_136 = arith.constant 0 : i32
        %dma_start3A_137 = tpu.memref_slice %arg18[%dma_start3A_135, %dma_start3A_136] : memref<10016x128xf32, #tpu.memory_space<vmem_shared>> -> memref<16x128xf32, #tpu.memory_space<vmem_shared>>
        tpu.enqueue_dma source(%dma_start3A_137 : memref<16x128xf32, #tpu.memory_space<vmem_shared>>) target(%dma_start3A_134 : memref<16x128xf32, #tpu.memory_space<hbm>>) target_semaphore(%run_scoped3A : memref<!tpu.dma_semaphore, #tpu.memory_space<semaphore_mem>>)
        %dma_wait3A_138 = arith.constant 9984 : i32
        %dma_wait3A_139 = arith.constant 0 : i32
        %dma_wait3A_140 = tpu.memref_slice %arg5[%arg0, %dma_wait3A_138, %dma_wait3A_139] : memref<2x10000x128xf32, #tpu.memory_space<hbm>> -> memref<1x16x128xf32, #tpu.memory_space<hbm>>
        %dma_wait3A_141 = tpu.memref_squeeze %dma_wait3A_140 : memref<1x16x128xf32, #tpu.memory_space<hbm>> -> memref<16x128xf32, #tpu.memory_space<hbm>>
        %dma_wait3A_142 = arith.constant 9984 : i32
        %dma_wait3A_143 = arith.constant 0 : i32
        %dma_wait3A_144 = tpu.memref_slice %arg18[%dma_wait3A_142, %dma_wait3A_143] : memref<10016x128xf32, #tpu.memory_space<vmem_shared>> -> memref<16x128xf32, #tpu.memory_space<vmem_shared>>
        tpu.wait_dma2 semaphore(%run_scoped3A : memref<!tpu.dma_semaphore, #tpu.memory_space<semaphore_mem>>) src(%dma_wait3A_144 : memref<16x128xf32, #tpu.memory_space<vmem_shared>>) dst(%dma_wait3A_141 : memref<16x128xf32, #tpu.memory_space<hbm>>)
        tpu.yield
      }) : () -> ()
    } else {
    }
    return
  }
}

#map = affine_map<(d0, d1) -> (0, 0)>
#map1 = affine_map<(d0, d1) -> (0, 0, 0)>
module attributes {stable_mosaic.version = 14 : i64} {
  func.func @agg_kernel(%arg0: i32, %arg1: i32, %arg2: memref<10000x128xf32, #tpu.memory_space<hbm>>, %arg3: memref<2528x128xi32, #tpu.memory_space<hbm>>, %arg4: memref<2528x128xi32, #tpu.memory_space<hbm>>, %arg5: memref<2x10000x128xf32, #tpu.memory_space<hbm>>, %arg6: memref<128xi32, #tpu.memory_space<vmem>>, %arg7: memref<128xi32, #tpu.memory_space<vmem>>, %arg8: memref<128xi32, #tpu.memory_space<vmem>>, %arg9: memref<128xi32, #tpu.memory_space<vmem>>, %arg10: memref<128xi32, #tpu.memory_space<vmem>>, %arg11: memref<128xi32, #tpu.memory_space<vmem>>, %arg12: memref<128xi32, #tpu.memory_space<vmem>>, %arg13: memref<128xi32, #tpu.memory_space<vmem>>, %arg14: memref<128xi32, #tpu.memory_space<vmem>>, %arg15: memref<128x128xf32, #tpu.memory_space<vmem>>, %arg16: memref<128x128xf32, #tpu.memory_space<vmem>>, %arg17: memref<128x128xf32, #tpu.memory_space<vmem>>, %arg18: memref<10016x128xf32, #tpu.memory_space<vmem_shared>>, %arg19: memref<!tpu.dma_semaphore, #tpu.memory_space<semaphore_mem>>, %arg20: memref<!tpu.dma_semaphore, #tpu.memory_space<semaphore_mem>>, %arg21: memref<!tpu.dma_semaphore, #tpu.memory_space<semaphore_mem>>, %arg22: memref<!tpu.dma_semaphore, #tpu.memory_space<semaphore_mem>>, %arg23: memref<!tpu.dma_semaphore, #tpu.memory_space<semaphore_mem>>, %arg24: memref<!tpu.dma_semaphore, #tpu.memory_space<semaphore_mem>>, %arg25: memref<!tpu.dma_semaphore, #tpu.memory_space<semaphore_mem>>, %arg26: memref<!tpu.dma_semaphore, #tpu.memory_space<semaphore_mem>>, %arg27: memref<!tpu.dma_semaphore, #tpu.memory_space<semaphore_mem>>) attributes {dimension_semantics = [#tpu.dimension_semantics<core_parallel>, #tpu.dimension_semantics<subcore_parallel>], iteration_bounds = array<i64: 2, 16>, scalar_prefetch = 0 : i64, scratch_operands = 22 : i64, tpu.core_type = #tpu.core_type<sc_vector_subcore>, window_params = [{transform_indices = #map}, {transform_indices = #map}, {transform_indices = #map}, {transform_indices = #map1}]} {
    %mul3A = arith.constant 2 : i32
    %mul3A_0 = arith.muli %arg1, %mul3A : i32
    %add3A = arith.addi %mul3A_0, %arg0 : i32
    %mul3A_1 = arith.constant 79 : i32
    %mul3A_2 = arith.muli %add3A, %mul3A_1 : i32
    %add3A_3 = arith.constant 0 : i32
    %add3A_4 = arith.addi %mul3A_2, %add3A_3 : i32
    "tpu.region"() ({
      %run_scoped3A = tpu.sem_alloc : memref<!tpu.dma_semaphore, #tpu.memory_space<semaphore_mem>>
      %dma_start3A_131 = arith.constant 0 : i32
      %dma_start3A_132 = tpu.memref_slice %arg3[%add3A_4, %dma_start3A_131] : memref<2528x128xi32, #tpu.memory_space<hbm>> -> memref<1x128xi32, #tpu.memory_space<hbm>>
      %dma_start3A_133 = tpu.memref_squeeze %dma_start3A_132 : memref<1x128xi32, #tpu.memory_space<hbm>> -> memref<128xi32, #tpu.memory_space<hbm>>
      %dma_start3A_134 = arith.constant 0 : i32
      %dma_start3A_135 = tpu.memref_slice %arg3[%add3A_4, %dma_start3A_134] : memref<2528x128xi32, #tpu.memory_space<hbm>> -> memref<1x128xi32, #tpu.memory_space<hbm>>
      %dma_start3A_136 = tpu.memref_squeeze %dma_start3A_135 : memref<1x128xi32, #tpu.memory_space<hbm>> -> memref<128xi32, #tpu.memory_space<hbm>>
      tpu.enqueue_dma source(%dma_start3A_136 : memref<128xi32, #tpu.memory_space<hbm>>) target(%arg6 : memref<128xi32, #tpu.memory_space<vmem>>) target_semaphore(%run_scoped3A : memref<!tpu.dma_semaphore, #tpu.memory_space<semaphore_mem>>)
      %dma_wait3A_137 = arith.constant 0 : i32
      %dma_wait3A_138 = tpu.memref_slice %arg3[%add3A_4, %dma_wait3A_137] : memref<2528x128xi32, #tpu.memory_space<hbm>> -> memref<1x128xi32, #tpu.memory_space<hbm>>
      %dma_wait3A_139 = tpu.memref_squeeze %dma_wait3A_138 : memref<1x128xi32, #tpu.memory_space<hbm>> -> memref<128xi32, #tpu.memory_space<hbm>>
      %dma_wait3A_140 = arith.constant 0 : i32
      %dma_wait3A_141 = tpu.memref_slice %arg3[%add3A_4, %dma_wait3A_140] : memref<2528x128xi32, #tpu.memory_space<hbm>> -> memref<1x128xi32, #tpu.memory_space<hbm>>
      %dma_wait3A_142 = tpu.memref_squeeze %dma_wait3A_141 : memref<1x128xi32, #tpu.memory_space<hbm>> -> memref<128xi32, #tpu.memory_space<hbm>>
      tpu.wait_dma2 semaphore(%run_scoped3A : memref<!tpu.dma_semaphore, #tpu.memory_space<semaphore_mem>>) src(%dma_wait3A_142 : memref<128xi32, #tpu.memory_space<hbm>>) dst(%arg6 : memref<128xi32, #tpu.memory_space<vmem>>)
      tpu.yield
    }) : () -> ()
    %add3A_5 = arith.constant 0 : i32
    %add3A_6 = arith.addi %mul3A_2, %add3A_5 : i32
    "tpu.region"() ({
      %run_scoped3A = tpu.sem_alloc : memref<!tpu.dma_semaphore, #tpu.memory_space<semaphore_mem>>
      %dma_start3A_131 = arith.constant 0 : i32
      %dma_start3A_132 = tpu.memref_slice %arg4[%add3A_6, %dma_start3A_131] : memref<2528x128xi32, #tpu.memory_space<hbm>> -> memref<1x128xi32, #tpu.memory_space<hbm>>
      %dma_start3A_133 = tpu.memref_squeeze %dma_start3A_132 : memref<1x128xi32, #tpu.memory_space<hbm>> -> memref<128xi32, #tpu.memory_space<hbm>>
      %dma_start3A_134 = arith.constant 0 : i32
      %dma_start3A_135 = tpu.memref_slice %arg4[%add3A_6, %dma_start3A_134] : memref<2528x128xi32, #tpu.memory_space<hbm>> -> memref<1x128xi32, #tpu.memory_space<hbm>>
      %dma_start3A_136 = tpu.memref_squeeze %dma_start3A_135 : memref<1x128xi32, #tpu.memory_space<hbm>> -> memref<128xi32, #tpu.memory_space<hbm>>
      tpu.enqueue_dma source(%dma_start3A_136 : memref<128xi32, #tpu.memory_space<hbm>>) target(%arg9 : memref<128xi32, #tpu.memory_space<vmem>>) target_semaphore(%run_scoped3A : memref<!tpu.dma_semaphore, #tpu.memory_space<semaphore_mem>>)
      %dma_wait3A_137 = arith.constant 0 : i32
      %dma_wait3A_138 = tpu.memref_slice %arg4[%add3A_6, %dma_wait3A_137] : memref<2528x128xi32, #tpu.memory_space<hbm>> -> memref<1x128xi32, #tpu.memory_space<hbm>>
      %dma_wait3A_139 = tpu.memref_squeeze %dma_wait3A_138 : memref<1x128xi32, #tpu.memory_space<hbm>> -> memref<128xi32, #tpu.memory_space<hbm>>
      %dma_wait3A_140 = arith.constant 0 : i32
      %dma_wait3A_141 = tpu.memref_slice %arg4[%add3A_6, %dma_wait3A_140] : memref<2528x128xi32, #tpu.memory_space<hbm>> -> memref<1x128xi32, #tpu.memory_space<hbm>>
      %dma_wait3A_142 = tpu.memref_squeeze %dma_wait3A_141 : memref<1x128xi32, #tpu.memory_space<hbm>> -> memref<128xi32, #tpu.memory_space<hbm>>
      tpu.wait_dma2 semaphore(%run_scoped3A : memref<!tpu.dma_semaphore, #tpu.memory_space<semaphore_mem>>) src(%dma_wait3A_142 : memref<128xi32, #tpu.memory_space<hbm>>) dst(%arg9 : memref<128xi32, #tpu.memory_space<vmem>>)
      tpu.yield
    }) : () -> ()
    %dma_start3A = arith.constant 0 : i32
    %dma_start3A_7 = arith.constant 0 : i32
    %dma_start3A_8 = tpu.memref_slice %arg2[%dma_start3A, %dma_start3A_7] : memref<10000x128xf32, #tpu.memory_space<hbm>> -> memref<10000x128xf32, #tpu.memory_space<hbm>>
    tpu.enqueue_indirect_dma source(%dma_start3A_8 : memref<10000x128xf32, #tpu.memory_space<hbm>>) target(%arg15 : memref<128x128xf32, #tpu.memory_space<vmem>>) offsets(%arg6 : memref<128xi32, #tpu.memory_space<vmem>>) semaphore(%arg22 : memref<!tpu.dma_semaphore, #tpu.memory_space<semaphore_mem>>)
    %add3A_9 = arith.constant 1 : i32
    %add3A_10 = arith.addi %mul3A_2, %add3A_9 : i32
    "tpu.region"() ({
      %run_scoped3A = tpu.sem_alloc : memref<!tpu.dma_semaphore, #tpu.memory_space<semaphore_mem>>
      %dma_start3A_131 = arith.constant 0 : i32
      %dma_start3A_132 = tpu.memref_slice %arg3[%add3A_10, %dma_start3A_131] : memref<2528x128xi32, #tpu.memory_space<hbm>> -> memref<1x128xi32, #tpu.memory_space<hbm>>
      %dma_start3A_133 = tpu.memref_squeeze %dma_start3A_132 : memref<1x128xi32, #tpu.memory_space<hbm>> -> memref<128xi32, #tpu.memory_space<hbm>>
      %dma_start3A_134 = arith.constant 0 : i32
      %dma_start3A_135 = tpu.memref_slice %arg3[%add3A_10, %dma_start3A_134] : memref<2528x128xi32, #tpu.memory_space<hbm>> -> memref<1x128xi32, #tpu.memory_space<hbm>>
      %dma_start3A_136 = tpu.memref_squeeze %dma_start3A_135 : memref<1x128xi32, #tpu.memory_space<hbm>> -> memref<128xi32, #tpu.memory_space<hbm>>
      tpu.enqueue_dma source(%dma_start3A_136 : memref<128xi32, #tpu.memory_space<hbm>>) target(%arg7 : memref<128xi32, #tpu.memory_space<vmem>>) target_semaphore(%run_scoped3A : memref<!tpu.dma_semaphore, #tpu.memory_space<semaphore_mem>>)
      %dma_wait3A_137 = arith.constant 0 : i32
      %dma_wait3A_138 = tpu.memref_slice %arg3[%add3A_10, %dma_wait3A_137] : memref<2528x128xi32, #tpu.memory_space<hbm>> -> memref<1x128xi32, #tpu.memory_space<hbm>>
      %dma_wait3A_139 = tpu.memref_squeeze %dma_wait3A_138 : memref<1x128xi32, #tpu.memory_space<hbm>> -> memref<128xi32, #tpu.memory_space<hbm>>
      %dma_wait3A_140 = arith.constant 0 : i32
      %dma_wait3A_141 = tpu.memref_slice %arg3[%add3A_10, %dma_wait3A_140] : memref<2528x128xi32, #tpu.memory_space<hbm>> -> memref<1x128xi32, #tpu.memory_space<hbm>>
      %dma_wait3A_142 = tpu.memref_squeeze %dma_wait3A_141 : memref<1x128xi32, #tpu.memory_space<hbm>> -> memref<128xi32, #tpu.memory_space<hbm>>
      tpu.wait_dma2 semaphore(%run_scoped3A : memref<!tpu.dma_semaphore, #tpu.memory_space<semaphore_mem>>) src(%dma_wait3A_142 : memref<128xi32, #tpu.memory_space<hbm>>) dst(%arg7 : memref<128xi32, #tpu.memory_space<vmem>>)
      tpu.yield
    }) : () -> ()
    %add3A_11 = arith.constant 1 : i32
    %add3A_12 = arith.addi %mul3A_2, %add3A_11 : i32
    "tpu.region"() ({
      %run_scoped3A = tpu.sem_alloc : memref<!tpu.dma_semaphore, #tpu.memory_space<semaphore_mem>>
      %dma_start3A_131 = arith.constant 0 : i32
      %dma_start3A_132 = tpu.memref_slice %arg4[%add3A_12, %dma_start3A_131] : memref<2528x128xi32, #tpu.memory_space<hbm>> -> memref<1x128xi32, #tpu.memory_space<hbm>>
      %dma_start3A_133 = tpu.memref_squeeze %dma_start3A_132 : memref<1x128xi32, #tpu.memory_space<hbm>> -> memref<128xi32, #tpu.memory_space<hbm>>
      %dma_start3A_134 = arith.constant 0 : i32
      %dma_start3A_135 = tpu.memref_slice %arg4[%add3A_12, %dma_start3A_134] : memref<2528x128xi32, #tpu.memory_space<hbm>> -> memref<1x128xi32, #tpu.memory_space<hbm>>
      %dma_start3A_136 = tpu.memref_squeeze %dma_start3A_135 : memref<1x128xi32, #tpu.memory_space<hbm>> -> memref<128xi32, #tpu.memory_space<hbm>>
      tpu.enqueue_dma source(%dma_start3A_136 : memref<128xi32, #tpu.memory_space<hbm>>) target(%arg10 : memref<128xi32, #tpu.memory_space<vmem>>) target_semaphore(%run_scoped3A : memref<!tpu.dma_semaphore, #tpu.memory_space<semaphore_mem>>)
      %dma_wait3A_137 = arith.constant 0 : i32
      %dma_wait3A_138 = tpu.memref_slice %arg4[%add3A_12, %dma_wait3A_137] : memref<2528x128xi32, #tpu.memory_space<hbm>> -> memref<1x128xi32, #tpu.memory_space<hbm>>
      %dma_wait3A_139 = tpu.memref_squeeze %dma_wait3A_138 : memref<1x128xi32, #tpu.memory_space<hbm>> -> memref<128xi32, #tpu.memory_space<hbm>>
      %dma_wait3A_140 = arith.constant 0 : i32
      %dma_wait3A_141 = tpu.memref_slice %arg4[%add3A_12, %dma_wait3A_140] : memref<2528x128xi32, #tpu.memory_space<hbm>> -> memref<1x128xi32, #tpu.memory_space<hbm>>
      %dma_wait3A_142 = tpu.memref_squeeze %dma_wait3A_141 : memref<1x128xi32, #tpu.memory_space<hbm>> -> memref<128xi32, #tpu.memory_space<hbm>>
      tpu.wait_dma2 semaphore(%run_scoped3A : memref<!tpu.dma_semaphore, #tpu.memory_space<semaphore_mem>>) src(%dma_wait3A_142 : memref<128xi32, #tpu.memory_space<hbm>>) dst(%arg10 : memref<128xi32, #tpu.memory_space<vmem>>)
      tpu.yield
    }) : () -> ()
    %dma_start3A_13 = arith.constant 0 : i32
    %dma_start3A_14 = arith.constant 0 : i32
    %dma_start3A_15 = tpu.memref_slice %arg2[%dma_start3A_13, %dma_start3A_14] : memref<10000x128xf32, #tpu.memory_space<hbm>> -> memref<10000x128xf32, #tpu.memory_space<hbm>>
    tpu.enqueue_indirect_dma source(%dma_start3A_15 : memref<10000x128xf32, #tpu.memory_space<hbm>>) target(%arg16 : memref<128x128xf32, #tpu.memory_space<vmem>>) offsets(%arg7 : memref<128xi32, #tpu.memory_space<vmem>>) semaphore(%arg23 : memref<!tpu.dma_semaphore, #tpu.memory_space<semaphore_mem>>)
    %add3A_16 = arith.constant 2 : i32
    %add3A_17 = arith.addi %mul3A_2, %add3A_16 : i32
    %dma_start3A_18 = arith.constant 0 : i32
    %dma_start3A_19 = tpu.memref_slice %arg3[%add3A_17, %dma_start3A_18] : memref<2528x128xi32, #tpu.memory_space<hbm>> -> memref<1x128xi32, #tpu.memory_space<hbm>>
    %dma_start3A_20 = tpu.memref_squeeze %dma_start3A_19 : memref<1x128xi32, #tpu.memory_space<hbm>> -> memref<128xi32, #tpu.memory_space<hbm>>
    %dma_start3A_21 = arith.constant 0 : i32
    %dma_start3A_22 = tpu.memref_slice %arg3[%add3A_17, %dma_start3A_21] : memref<2528x128xi32, #tpu.memory_space<hbm>> -> memref<1x128xi32, #tpu.memory_space<hbm>>
    %dma_start3A_23 = tpu.memref_squeeze %dma_start3A_22 : memref<1x128xi32, #tpu.memory_space<hbm>> -> memref<128xi32, #tpu.memory_space<hbm>>
    tpu.enqueue_dma source(%dma_start3A_23 : memref<128xi32, #tpu.memory_space<hbm>>) target(%arg8 : memref<128xi32, #tpu.memory_space<vmem>>) target_semaphore(%arg21 : memref<!tpu.dma_semaphore, #tpu.memory_space<semaphore_mem>>)
    %add3A_24 = arith.constant 2 : i32
    %add3A_25 = arith.addi %mul3A_2, %add3A_24 : i32
    %dma_start3A_26 = arith.constant 0 : i32
    %dma_start3A_27 = tpu.memref_slice %arg4[%add3A_25, %dma_start3A_26] : memref<2528x128xi32, #tpu.memory_space<hbm>> -> memref<1x128xi32, #tpu.memory_space<hbm>>
    %dma_start3A_28 = tpu.memref_squeeze %dma_start3A_27 : memref<1x128xi32, #tpu.memory_space<hbm>> -> memref<128xi32, #tpu.memory_space<hbm>>
    %dma_start3A_29 = arith.constant 0 : i32
    %dma_start3A_30 = tpu.memref_slice %arg4[%add3A_25, %dma_start3A_29] : memref<2528x128xi32, #tpu.memory_space<hbm>> -> memref<1x128xi32, #tpu.memory_space<hbm>>
    %dma_start3A_31 = tpu.memref_squeeze %dma_start3A_30 : memref<1x128xi32, #tpu.memory_space<hbm>> -> memref<128xi32, #tpu.memory_space<hbm>>
    tpu.enqueue_dma source(%dma_start3A_31 : memref<128xi32, #tpu.memory_space<hbm>>) target(%arg11 : memref<128xi32, #tpu.memory_space<vmem>>) target_semaphore(%arg21 : memref<!tpu.dma_semaphore, #tpu.memory_space<semaphore_mem>>)
    %scan3A = arith.constant 0 : i32
    %scan3A_32 = arith.constant 0 : i32
    %scan3A_33 = arith.constant 128 : i32
    %scan3A_34 = arith.addi %scan3A_32, %scan3A_33 : i32
    %scan3A_35 = arith.constant 1 : i32
    scf.for %scan3A_131 = %scan3A_32 to %scan3A_34 step %scan3A_35  : i32 {
      %broadcast_in_dim3A = arith.constant 0.000000e+00 : f32
      %broadcast_in_dim3A_132 = vector.broadcast %broadcast_in_dim3A : f32 to vector<16xf32>
      %swap3A_133 = arith.index_cast %scan3A_131 : i32 to index
      %swap3A_134 = arith.constant 0 : index
      %swap3A_135 = tpu.vector_load %arg17[%swap3A_133, %swap3A_134] {strides = array<i32>} : memref<128x128xf32, #tpu.memory_space<vmem>>, vector<1x16xf32>,
      %swap3A_136 = vector.shape_cast %swap3A_135 : vector<1x16xf32> to vector<16xf32>
      %swap3A_137 = vector.shape_cast %broadcast_in_dim3A_132 : vector<16xf32> to vector<1x16xf32>
      tpu.vector_store %arg17[%swap3A_133, %swap3A_134], %swap3A_137 {strides = array<i32>} : memref<128x128xf32, #tpu.memory_space<vmem>>, vector<1x16xf32>,
      %broadcast_in_dim3A_138 = arith.constant 0.000000e+00 : f32
      %broadcast_in_dim3A_139 = vector.broadcast %broadcast_in_dim3A_138 : f32 to vector<16xf32>
      %swap3A_140 = arith.index_cast %scan3A_131 : i32 to index
      %swap3A_141 = arith.constant 16 : index
      %swap3A_142 = tpu.vector_load %arg17[%swap3A_140, %swap3A_141] {strides = array<i32>} : memref<128x128xf32, #tpu.memory_space<vmem>>, vector<1x16xf32>,
      %swap3A_143 = vector.shape_cast %swap3A_142 : vector<1x16xf32> to vector<16xf32>
      %swap3A_144 = vector.shape_cast %broadcast_in_dim3A_139 : vector<16xf32> to vector<1x16xf32>
      tpu.vector_store %arg17[%swap3A_140, %swap3A_141], %swap3A_144 {strides = array<i32>} : memref<128x128xf32, #tpu.memory_space<vmem>>, vector<1x16xf32>,
      %broadcast_in_dim3A_145 = arith.constant 0.000000e+00 : f32
      %broadcast_in_dim3A_146 = vector.broadcast %broadcast_in_dim3A_145 : f32 to vector<16xf32>
      %swap3A_147 = arith.index_cast %scan3A_131 : i32 to index
      %swap3A_148 = arith.constant 32 : index
      %swap3A_149 = tpu.vector_load %arg17[%swap3A_147, %swap3A_148] {strides = array<i32>} : memref<128x128xf32, #tpu.memory_space<vmem>>, vector<1x16xf32>,
      %swap3A_150 = vector.shape_cast %swap3A_149 : vector<1x16xf32> to vector<16xf32>
      %swap3A_151 = vector.shape_cast %broadcast_in_dim3A_146 : vector<16xf32> to vector<1x16xf32>
      tpu.vector_store %arg17[%swap3A_147, %swap3A_148], %swap3A_151 {strides = array<i32>} : memref<128x128xf32, #tpu.memory_space<vmem>>, vector<1x16xf32>,
      %broadcast_in_dim3A_152 = arith.constant 0.000000e+00 : f32
      %broadcast_in_dim3A_153 = vector.broadcast %broadcast_in_dim3A_152 : f32 to vector<16xf32>
      %swap3A_154 = arith.index_cast %scan3A_131 : i32 to index
      %swap3A_155 = arith.constant 48 : index
      %swap3A_156 = tpu.vector_load %arg17[%swap3A_154, %swap3A_155] {strides = array<i32>} : memref<128x128xf32, #tpu.memory_space<vmem>>, vector<1x16xf32>,
      %swap3A_157 = vector.shape_cast %swap3A_156 : vector<1x16xf32> to vector<16xf32>
      %swap3A_158 = vector.shape_cast %broadcast_in_dim3A_153 : vector<16xf32> to vector<1x16xf32>
      tpu.vector_store %arg17[%swap3A_154, %swap3A_155], %swap3A_158 {strides = array<i32>} : memref<128x128xf32, #tpu.memory_space<vmem>>, vector<1x16xf32>,
      %broadcast_in_dim3A_159 = arith.constant 0.000000e+00 : f32
      %broadcast_in_dim3A_160 = vector.broadcast %broadcast_in_dim3A_159 : f32 to vector<16xf32>
      %swap3A_161 = arith.index_cast %scan3A_131 : i32 to index
      %swap3A_162 = arith.constant 64 : index
      %swap3A_163 = tpu.vector_load %arg17[%swap3A_161, %swap3A_162] {strides = array<i32>} : memref<128x128xf32, #tpu.memory_space<vmem>>, vector<1x16xf32>,
      %swap3A_164 = vector.shape_cast %swap3A_163 : vector<1x16xf32> to vector<16xf32>
      %swap3A_165 = vector.shape_cast %broadcast_in_dim3A_160 : vector<16xf32> to vector<1x16xf32>
      tpu.vector_store %arg17[%swap3A_161, %swap3A_162], %swap3A_165 {strides = array<i32>} : memref<128x128xf32, #tpu.memory_space<vmem>>, vector<1x16xf32>,
      %broadcast_in_dim3A_166 = arith.constant 0.000000e+00 : f32
      %broadcast_in_dim3A_167 = vector.broadcast %broadcast_in_dim3A_166 : f32 to vector<16xf32>
      %swap3A_168 = arith.index_cast %scan3A_131 : i32 to index
      %swap3A_169 = arith.constant 80 : index
      %swap3A_170 = tpu.vector_load %arg17[%swap3A_168, %swap3A_169] {strides = array<i32>} : memref<128x128xf32, #tpu.memory_space<vmem>>, vector<1x16xf32>,
      %swap3A_171 = vector.shape_cast %swap3A_170 : vector<1x16xf32> to vector<16xf32>
      %swap3A_172 = vector.shape_cast %broadcast_in_dim3A_167 : vector<16xf32> to vector<1x16xf32>
      tpu.vector_store %arg17[%swap3A_168, %swap3A_169], %swap3A_172 {strides = array<i32>} : memref<128x128xf32, #tpu.memory_space<vmem>>, vector<1x16xf32>,
      %broadcast_in_dim3A_173 = arith.constant 0.000000e+00 : f32
      %broadcast_in_dim3A_174 = vector.broadcast %broadcast_in_dim3A_173 : f32 to vector<16xf32>
      %swap3A_175 = arith.index_cast %scan3A_131 : i32 to index
      %swap3A_176 = arith.constant 96 : index
      %swap3A_177 = tpu.vector_load %arg17[%swap3A_175, %swap3A_176] {strides = array<i32>} : memref<128x128xf32, #tpu.memory_space<vmem>>, vector<1x16xf32>,
      %swap3A_178 = vector.shape_cast %swap3A_177 : vector<1x16xf32> to vector<16xf32>
      %swap3A_179 = vector.shape_cast %broadcast_in_dim3A_174 : vector<16xf32> to vector<1x16xf32>
      tpu.vector_store %arg17[%swap3A_175, %swap3A_176], %swap3A_179 {strides = array<i32>} : memref<128x128xf32, #tpu.memory_space<vmem>>, vector<1x16xf32>,
      %broadcast_in_dim3A_180 = arith.constant 0.000000e+00 : f32
      %broadcast_in_dim3A_181 = vector.broadcast %broadcast_in_dim3A_180 : f32 to vector<16xf32>
      %swap3A_182 = arith.index_cast %scan3A_131 : i32 to index
      %swap3A_183 = arith.constant 112 : index
      %swap3A_184 = tpu.vector_load %arg17[%swap3A_182, %swap3A_183] {strides = array<i32>} : memref<128x128xf32, #tpu.memory_space<vmem>>, vector<1x16xf32>,
      %swap3A_185 = vector.shape_cast %swap3A_184 : vector<1x16xf32> to vector<16xf32>
      %swap3A_186 = vector.shape_cast %broadcast_in_dim3A_181 : vector<16xf32> to vector<1x16xf32>
      tpu.vector_store %arg17[%swap3A_182, %swap3A_183], %swap3A_186 {strides = array<i32>} : memref<128x128xf32, #tpu.memory_space<vmem>>, vector<1x16xf32>,
    }
    %scan3A_36 = arith.constant 128 : i32
    %mul3A_37 = arith.constant 624 : i32
    %mul3A_38 = arith.muli %arg1, %mul3A_37 : i32
    %add3A_39 = arith.constant 0 : i32
    %add3A_40 = arith.addi %mul3A_38, %add3A_39 : i32
    "tpu.region"() ({
      %run_scoped3A = tpu.sem_alloc : memref<!tpu.dma_semaphore, #tpu.memory_space<semaphore_mem>>
      %dma_start3A_131 = arith.constant 0 : i32
      %dma_start3A_132 = tpu.memref_slice %arg18[%add3A_40, %dma_start3A_131] : memref<10016x128xf32, #tpu.memory_space<vmem_shared>> -> memref<128x128xf32, #tpu.memory_space<vmem_shared>>
      %dma_start3A_133 = arith.constant 0 : i32
      %dma_start3A_134 = tpu.memref_slice %arg18[%add3A_40, %dma_start3A_133] : memref<10016x128xf32, #tpu.memory_space<vmem_shared>> -> memref<128x128xf32, #tpu.memory_space<vmem_shared>>
      tpu.enqueue_dma source(%arg17 : memref<128x128xf32, #tpu.memory_space<vmem>>) target(%dma_start3A_134 : memref<128x128xf32, #tpu.memory_space<vmem_shared>>) target_semaphore(%run_scoped3A : memref<!tpu.dma_semaphore, #tpu.memory_space<semaphore_mem>>)
      %dma_wait3A_135 = arith.constant 0 : i32
      %dma_wait3A_136 = tpu.memref_slice %arg18[%add3A_40, %dma_wait3A_135] : memref<10016x128xf32, #tpu.memory_space<vmem_shared>> -> memref<128x128xf32, #tpu.memory_space<vmem_shared>>
      %dma_wait3A_137 = arith.constant 0 : i32
      %dma_wait3A_138 = tpu.memref_slice %arg18[%add3A_40, %dma_wait3A_137] : memref<10016x128xf32, #tpu.memory_space<vmem_shared>> -> memref<128x128xf32, #tpu.memory_space<vmem_shared>>
      tpu.wait_dma2 semaphore(%run_scoped3A : memref<!tpu.dma_semaphore, #tpu.memory_space<semaphore_mem>>) src(%arg17 : memref<128x128xf32, #tpu.memory_space<vmem>>) dst(%dma_wait3A_138 : memref<128x128xf32, #tpu.memory_space<vmem_shared>>)
      tpu.yield
    }) : () -> ()
    %add3A_41 = arith.constant 128 : i32
    %add3A_42 = arith.addi %mul3A_38, %add3A_41 : i32
    "tpu.region"() ({
      %run_scoped3A = tpu.sem_alloc : memref<!tpu.dma_semaphore, #tpu.memory_space<semaphore_mem>>
      %dma_start3A_131 = arith.constant 0 : i32
      %dma_start3A_132 = tpu.memref_slice %arg18[%add3A_42, %dma_start3A_131] : memref<10016x128xf32, #tpu.memory_space<vmem_shared>> -> memref<128x128xf32, #tpu.memory_space<vmem_shared>>
      %dma_start3A_133 = arith.constant 0 : i32
      %dma_start3A_134 = tpu.memref_slice %arg18[%add3A_42, %dma_start3A_133] : memref<10016x128xf32, #tpu.memory_space<vmem_shared>> -> memref<128x128xf32, #tpu.memory_space<vmem_shared>>
      tpu.enqueue_dma source(%arg17 : memref<128x128xf32, #tpu.memory_space<vmem>>) target(%dma_start3A_134 : memref<128x128xf32, #tpu.memory_space<vmem_shared>>) target_semaphore(%run_scoped3A : memref<!tpu.dma_semaphore, #tpu.memory_space<semaphore_mem>>)
      %dma_wait3A_135 = arith.constant 0 : i32
      %dma_wait3A_136 = tpu.memref_slice %arg18[%add3A_42, %dma_wait3A_135] : memref<10016x128xf32, #tpu.memory_space<vmem_shared>> -> memref<128x128xf32, #tpu.memory_space<vmem_shared>>
      %dma_wait3A_137 = arith.constant 0 : i32
      %dma_wait3A_138 = tpu.memref_slice %arg18[%add3A_42, %dma_wait3A_137] : memref<10016x128xf32, #tpu.memory_space<vmem_shared>> -> memref<128x128xf32, #tpu.memory_space<vmem_shared>>
      tpu.wait_dma2 semaphore(%run_scoped3A : memref<!tpu.dma_semaphore, #tpu.memory_space<semaphore_mem>>) src(%arg17 : memref<128x128xf32, #tpu.memory_space<vmem>>) dst(%dma_wait3A_138 : memref<128x128xf32, #tpu.memory_space<vmem_shared>>)
      tpu.yield
    }) : () -> ()
    %add3A_43 = arith.constant 256 : i32
    %add3A_44 = arith.addi %mul3A_38, %add3A_43 : i32
    "tpu.region"() ({
      %run_scoped3A = tpu.sem_alloc : memref<!tpu.dma_semaphore, #tpu.memory_space<semaphore_mem>>
      %dma_start3A_131 = arith.constant 0 : i32
      %dma_start3A_132 = tpu.memref_slice %arg18[%add3A_44, %dma_start3A_131] : memref<10016x128xf32, #tpu.memory_space<vmem_shared>> -> memref<128x128xf32, #tpu.memory_space<vmem_shared>>
      %dma_start3A_133 = arith.constant 0 : i32
      %dma_start3A_134 = tpu.memref_slice %arg18[%add3A_44, %dma_start3A_133] : memref<10016x128xf32, #tpu.memory_space<vmem_shared>> -> memref<128x128xf32, #tpu.memory_space<vmem_shared>>
      tpu.enqueue_dma source(%arg17 : memref<128x128xf32, #tpu.memory_space<vmem>>) target(%dma_start3A_134 : memref<128x128xf32, #tpu.memory_space<vmem_shared>>) target_semaphore(%run_scoped3A : memref<!tpu.dma_semaphore, #tpu.memory_space<semaphore_mem>>)
      %dma_wait3A_135 = arith.constant 0 : i32
      %dma_wait3A_136 = tpu.memref_slice %arg18[%add3A_44, %dma_wait3A_135] : memref<10016x128xf32, #tpu.memory_space<vmem_shared>> -> memref<128x128xf32, #tpu.memory_space<vmem_shared>>
      %dma_wait3A_137 = arith.constant 0 : i32
      %dma_wait3A_138 = tpu.memref_slice %arg18[%add3A_44, %dma_wait3A_137] : memref<10016x128xf32, #tpu.memory_space<vmem_shared>> -> memref<128x128xf32, #tpu.memory_space<vmem_shared>>
      tpu.wait_dma2 semaphore(%run_scoped3A : memref<!tpu.dma_semaphore, #tpu.memory_space<semaphore_mem>>) src(%arg17 : memref<128x128xf32, #tpu.memory_space<vmem>>) dst(%dma_wait3A_138 : memref<128x128xf32, #tpu.memory_space<vmem_shared>>)
      tpu.yield
    }) : () -> ()
    %add3A_45 = arith.constant 384 : i32
    %add3A_46 = arith.addi %mul3A_38, %add3A_45 : i32
    "tpu.region"() ({
      %run_scoped3A = tpu.sem_alloc : memref<!tpu.dma_semaphore, #tpu.memory_space<semaphore_mem>>
      %dma_start3A_131 = arith.constant 0 : i32
      %dma_start3A_132 = tpu.memref_slice %arg18[%add3A_46, %dma_start3A_131] : memref<10016x128xf32, #tpu.memory_space<vmem_shared>> -> memref<128x128xf32, #tpu.memory_space<vmem_shared>>
      %dma_start3A_133 = arith.constant 0 : i32
      %dma_start3A_134 = tpu.memref_slice %arg18[%add3A_46, %dma_start3A_133] : memref<10016x128xf32, #tpu.memory_space<vmem_shared>> -> memref<128x128xf32, #tpu.memory_space<vmem_shared>>
      tpu.enqueue_dma source(%arg17 : memref<128x128xf32, #tpu.memory_space<vmem>>) target(%dma_start3A_134 : memref<128x128xf32, #tpu.memory_space<vmem_shared>>) target_semaphore(%run_scoped3A : memref<!tpu.dma_semaphore, #tpu.memory_space<semaphore_mem>>)
      %dma_wait3A_135 = arith.constant 0 : i32
      %dma_wait3A_136 = tpu.memref_slice %arg18[%add3A_46, %dma_wait3A_135] : memref<10016x128xf32, #tpu.memory_space<vmem_shared>> -> memref<128x128xf32, #tpu.memory_space<vmem_shared>>
      %dma_wait3A_137 = arith.constant 0 : i32
      %dma_wait3A_138 = tpu.memref_slice %arg18[%add3A_46, %dma_wait3A_137] : memref<10016x128xf32, #tpu.memory_space<vmem_shared>> -> memref<128x128xf32, #tpu.memory_space<vmem_shared>>
      tpu.wait_dma2 semaphore(%run_scoped3A : memref<!tpu.dma_semaphore, #tpu.memory_space<semaphore_mem>>) src(%arg17 : memref<128x128xf32, #tpu.memory_space<vmem>>) dst(%dma_wait3A_138 : memref<128x128xf32, #tpu.memory_space<vmem_shared>>)
      tpu.yield
    }) : () -> ()
    %add3A_47 = arith.constant 512 : i32
    %add3A_48 = arith.addi %mul3A_38, %add3A_47 : i32
    "tpu.region"() ({
      %run_scoped3A = tpu.sem_alloc : memref<!tpu.dma_semaphore, #tpu.memory_space<semaphore_mem>>
      %dma_start3A_131 = arith.constant 0 : i32
      %dma_start3A_132 = arith.constant 0 : i32
      %dma_start3A_133 = tpu.memref_slice %arg17[%dma_start3A_131, %dma_start3A_132] : memref<128x128xf32, #tpu.memory_space<vmem>> -> memref<112x128xf32, #tpu.memory_space<vmem>>
      %dma_start3A_134 = arith.constant 0 : i32
      %dma_start3A_135 = tpu.memref_slice %arg18[%add3A_48, %dma_start3A_134] : memref<10016x128xf32, #tpu.memory_space<vmem_shared>> -> memref<112x128xf32, #tpu.memory_space<vmem_shared>>
      %dma_start3A_136 = arith.constant 0 : i32
      %dma_start3A_137 = tpu.memref_slice %arg18[%add3A_48, %dma_start3A_136] : memref<10016x128xf32, #tpu.memory_space<vmem_shared>> -> memref<112x128xf32, #tpu.memory_space<vmem_shared>>
      %dma_start3A_138 = arith.constant 0 : i32
      %dma_start3A_139 = arith.constant 0 : i32
      %dma_start3A_140 = tpu.memref_slice %arg17[%dma_start3A_138, %dma_start3A_139] : memref<128x128xf32, #tpu.memory_space<vmem>> -> memref<112x128xf32, #tpu.memory_space<vmem>>
      tpu.enqueue_dma source(%dma_start3A_140 : memref<112x128xf32, #tpu.memory_space<vmem>>) target(%dma_start3A_137 : memref<112x128xf32, #tpu.memory_space<vmem_shared>>) target_semaphore(%run_scoped3A : memref<!tpu.dma_semaphore, #tpu.memory_space<semaphore_mem>>)
      %dma_wait3A_141 = arith.constant 0 : i32
      %dma_wait3A_142 = arith.constant 0 : i32
      %dma_wait3A_143 = tpu.memref_slice %arg17[%dma_wait3A_141, %dma_wait3A_142] : memref<128x128xf32, #tpu.memory_space<vmem>> -> memref<112x128xf32, #tpu.memory_space<vmem>>
      %dma_wait3A_144 = arith.constant 0 : i32
      %dma_wait3A_145 = tpu.memref_slice %arg18[%add3A_48, %dma_wait3A_144] : memref<10016x128xf32, #tpu.memory_space<vmem_shared>> -> memref<112x128xf32, #tpu.memory_space<vmem_shared>>
      %dma_wait3A_146 = arith.constant 0 : i32
      %dma_wait3A_147 = tpu.memref_slice %arg18[%add3A_48, %dma_wait3A_146] : memref<10016x128xf32, #tpu.memory_space<vmem_shared>> -> memref<112x128xf32, #tpu.memory_space<vmem_shared>>
      %dma_wait3A_148 = arith.constant 0 : i32
      %dma_wait3A_149 = arith.constant 0 : i32
      %dma_wait3A_150 = tpu.memref_slice %arg17[%dma_wait3A_148, %dma_wait3A_149] : memref<128x128xf32, #tpu.memory_space<vmem>> -> memref<112x128xf32, #tpu.memory_space<vmem>>
      tpu.wait_dma2 semaphore(%run_scoped3A : memref<!tpu.dma_semaphore, #tpu.memory_space<semaphore_mem>>) src(%dma_wait3A_150 : memref<112x128xf32, #tpu.memory_space<vmem>>) dst(%dma_wait3A_147 : memref<112x128xf32, #tpu.memory_space<vmem_shared>>)
      tpu.yield
    }) : () -> ()
    %eq3A = arith.constant 15 : i32
    %eq3A_49 = arith.cmpi eq, %arg1, %eq3A : i32
    %convert_element_type3A = arith.extui %eq3A_49 : i1 to i32
    %cond3A = arith.constant 0 : i32
    %cond3A_50 = arith.cmpi ne, %convert_element_type3A, %cond3A : i32
    scf.if %cond3A_50 {
      "tpu.region"() ({
        %run_scoped3A = tpu.sem_alloc : memref<!tpu.dma_semaphore, #tpu.memory_space<semaphore_mem>>
        %dma_start3A_131 = arith.constant 0 : i32
        %dma_start3A_132 = arith.constant 0 : i32
        %dma_start3A_133 = tpu.memref_slice %arg17[%dma_start3A_131, %dma_start3A_132] : memref<128x128xf32, #tpu.memory_space<vmem>> -> memref<32x128xf32, #tpu.memory_space<vmem>>
        %dma_start3A_134 = arith.constant 9984 : i32
        %dma_start3A_135 = arith.constant 0 : i32
        %dma_start3A_136 = tpu.memref_slice %arg18[%dma_start3A_134, %dma_start3A_135] : memref<10016x128xf32, #tpu.memory_space<vmem_shared>> -> memref<32x128xf32, #tpu.memory_space<vmem_shared>>
        %dma_start3A_137 = arith.constant 9984 : i32
        %dma_start3A_138 = arith.constant 0 : i32
        %dma_start3A_139 = tpu.memref_slice %arg18[%dma_start3A_137, %dma_start3A_138] : memref<10016x128xf32, #tpu.memory_space<vmem_shared>> -> memref<32x128xf32, #tpu.memory_space<vmem_shared>>
        %dma_start3A_140 = arith.constant 0 : i32
        %dma_start3A_141 = arith.constant 0 : i32
        %dma_start3A_142 = tpu.memref_slice %arg17[%dma_start3A_140, %dma_start3A_141] : memref<128x128xf32, #tpu.memory_space<vmem>> -> memref<32x128xf32, #tpu.memory_space<vmem>>
        tpu.enqueue_dma source(%dma_start3A_142 : memref<32x128xf32, #tpu.memory_space<vmem>>) target(%dma_start3A_139 : memref<32x128xf32, #tpu.memory_space<vmem_shared>>) target_semaphore(%run_scoped3A : memref<!tpu.dma_semaphore, #tpu.memory_space<semaphore_mem>>)
        %dma_wait3A_143 = arith.constant 0 : i32
        %dma_wait3A_144 = arith.constant 0 : i32
        %dma_wait3A_145 = tpu.memref_slice %arg17[%dma_wait3A_143, %dma_wait3A_144] : memref<128x128xf32, #tpu.memory_space<vmem>> -> memref<32x128xf32, #tpu.memory_space<vmem>>
        %dma_wait3A_146 = arith.constant 9984 : i32
        %dma_wait3A_147 = arith.constant 0 : i32
        %dma_wait3A_148 = tpu.memref_slice %arg18[%dma_wait3A_146, %dma_wait3A_147] : memref<10016x128xf32, #tpu.memory_space<vmem_shared>> -> memref<32x128xf32, #tpu.memory_space<vmem_shared>>
        %dma_wait3A_149 = arith.constant 9984 : i32
        %dma_wait3A_150 = arith.constant 0 : i32
        %dma_wait3A_151 = tpu.memref_slice %arg18[%dma_wait3A_149, %dma_wait3A_150] : memref<10016x128xf32, #tpu.memory_space<vmem_shared>> -> memref<32x128xf32, #tpu.memory_space<vmem_shared>>
        %dma_wait3A_152 = arith.constant 0 : i32
        %dma_wait3A_153 = arith.constant 0 : i32
        %dma_wait3A_154 = tpu.memref_slice %arg17[%dma_wait3A_152, %dma_wait3A_153] : memref<128x128xf32, #tpu.memory_space<vmem>> -> memref<32x128xf32, #tpu.memory_space<vmem>>
        tpu.wait_dma2 semaphore(%run_scoped3A : memref<!tpu.dma_semaphore, #tpu.memory_space<semaphore_mem>>) src(%dma_wait3A_154 : memref<32x128xf32, #tpu.memory_space<vmem>>) dst(%dma_wait3A_151 : memref<32x128xf32, #tpu.memory_space<vmem_shared>>)
        tpu.yield
      }) : () -> ()
    } else {
    }
    %barrier3A = arith.constant 0 : index
    tpu.barrier barrier_id(%barrier3A)
    %scan3A_51 = arith.constant 0 : i32
    %scan3A_52 = arith.constant 0 : i32
    %scan3A_53 = arith.constant 26 : i32
    %scan3A_54 = arith.addi %scan3A_52, %scan3A_53 : i32
    %scan3A_55 = arith.constant 1 : i32
    scf.for %scan3A_131 = %scan3A_52 to %scan3A_54 step %scan3A_55  : i32 {
      %mul3A_132 = arith.constant 3 : i32
      %mul3A_133 = arith.muli %scan3A_131, %mul3A_132 : i32
      %add3A_134 = arith.constant 2 : i32
      %add3A_135 = arith.addi %mul3A_133, %add3A_134 : i32
      %lt3A = arith.constant 79 : i32
      %lt3A_136 = arith.cmpi slt, %add3A_135, %lt3A : i32
      %convert_element_type3A_137 = arith.extui %lt3A_136 : i1 to i32
      %cond3A_138 = arith.constant 0 : i32
      %cond3A_139 = arith.cmpi ne, %convert_element_type3A_137, %cond3A_138 : i32
      scf.if %cond3A_139 {
        %add3A_369 = arith.addi %mul3A_2, %mul3A_133 : i32
        %add3A_370 = arith.constant 2 : i32
        %add3A_371 = arith.addi %add3A_369, %add3A_370 : i32
        %dma_wait3A_372 = arith.constant 0 : i32
        %dma_wait3A_373 = tpu.memref_slice %arg3[%add3A_371, %dma_wait3A_372] : memref<2528x128xi32, #tpu.memory_space<hbm>> -> memref<1x128xi32, #tpu.memory_space<hbm>>
        %dma_wait3A_374 = tpu.memref_squeeze %dma_wait3A_373 : memref<1x128xi32, #tpu.memory_space<hbm>> -> memref<128xi32, #tpu.memory_space<hbm>>
        %dma_wait3A_375 = arith.constant 0 : i32
        %dma_wait3A_376 = tpu.memref_slice %arg3[%add3A_371, %dma_wait3A_375] : memref<2528x128xi32, #tpu.memory_space<hbm>> -> memref<1x128xi32, #tpu.memory_space<hbm>>
        %dma_wait3A_377 = tpu.memref_squeeze %dma_wait3A_376 : memref<1x128xi32, #tpu.memory_space<hbm>> -> memref<128xi32, #tpu.memory_space<hbm>>
        tpu.wait_dma2 semaphore(%arg21 : memref<!tpu.dma_semaphore, #tpu.memory_space<semaphore_mem>>) src(%dma_wait3A_377 : memref<128xi32, #tpu.memory_space<hbm>>) dst(%arg8 : memref<128xi32, #tpu.memory_space<vmem>>)
        %add3A_378 = arith.addi %mul3A_2, %mul3A_133 : i32
        %add3A_379 = arith.constant 2 : i32
        %add3A_380 = arith.addi %add3A_378, %add3A_379 : i32
        %dma_wait3A_381 = arith.constant 0 : i32
        %dma_wait3A_382 = tpu.memref_slice %arg4[%add3A_380, %dma_wait3A_381] : memref<2528x128xi32, #tpu.memory_space<hbm>> -> memref<1x128xi32, #tpu.memory_space<hbm>>
        %dma_wait3A_383 = tpu.memref_squeeze %dma_wait3A_382 : memref<1x128xi32, #tpu.memory_space<hbm>> -> memref<128xi32, #tpu.memory_space<hbm>>
        %dma_wait3A_384 = arith.constant 0 : i32
        %dma_wait3A_385 = tpu.memref_slice %arg4[%add3A_380, %dma_wait3A_384] : memref<2528x128xi32, #tpu.memory_space<hbm>> -> memref<1x128xi32, #tpu.memory_space<hbm>>
        %dma_wait3A_386 = tpu.memref_squeeze %dma_wait3A_385 : memref<1x128xi32, #tpu.memory_space<hbm>> -> memref<128xi32, #tpu.memory_space<hbm>>
        tpu.wait_dma2 semaphore(%arg21 : memref<!tpu.dma_semaphore, #tpu.memory_space<semaphore_mem>>) src(%dma_wait3A_386 : memref<128xi32, #tpu.memory_space<hbm>>) dst(%arg11 : memref<128xi32, #tpu.memory_space<vmem>>)
        %ge3A = arith.constant 1 : i32
        %ge3A_387 = arith.cmpi sge, %mul3A_133, %ge3A : i32
        %convert_element_type3A_388 = arith.extui %ge3A_387 : i1 to i32
        %cond3A_389 = arith.constant 0 : i32
        %cond3A_390 = arith.cmpi ne, %convert_element_type3A_388, %cond3A_389 : i32
        scf.if %cond3A_390 {
          %dma_wait3A_394 = arith.constant 0 : i32
          %dma_wait3A_395 = arith.constant 0 : i32
          %dma_wait3A_396 = tpu.memref_slice %arg18[%dma_wait3A_394, %dma_wait3A_395] : memref<10016x128xf32, #tpu.memory_space<vmem_shared>> -> memref<10016x128xf32, #tpu.memory_space<vmem_shared>>
          tpu.wait_indirect_dma semaphore(%arg27 : memref<!tpu.dma_semaphore, #tpu.memory_space<semaphore_mem>>) src(%arg17 : memref<128x128xf32, #tpu.memory_space<vmem>>) dst(%dma_wait3A_396 : memref<10016x128xf32, #tpu.memory_space<vmem_shared>>)
        } else {
        }
        %dma_start3A_391 = arith.constant 0 : i32
        %dma_start3A_392 = arith.constant 0 : i32
        %dma_start3A_393 = tpu.memref_slice %arg2[%dma_start3A_391, %dma_start3A_392] : memref<10000x128xf32, #tpu.memory_space<hbm>> -> memref<10000x128xf32, #tpu.memory_space<hbm>>
        tpu.enqueue_indirect_dma source(%dma_start3A_393 : memref<10000x128xf32, #tpu.memory_space<hbm>>) target(%arg17 : memref<128x128xf32, #tpu.memory_space<vmem>>) offsets(%arg8 : memref<128xi32, #tpu.memory_space<vmem>>) semaphore(%arg24 : memref<!tpu.dma_semaphore, #tpu.memory_space<semaphore_mem>>)
      } else {
      }
      %dma_wait3A_140 = arith.constant 0 : i32
      %dma_wait3A_141 = arith.constant 0 : i32
      %dma_wait3A_142 = tpu.memref_slice %arg2[%dma_wait3A_140, %dma_wait3A_141] : memref<10000x128xf32, #tpu.memory_space<hbm>> -> memref<10000x128xf32, #tpu.memory_space<hbm>>
      tpu.wait_indirect_dma semaphore(%arg22 : memref<!tpu.dma_semaphore, #tpu.memory_space<semaphore_mem>>) src(%dma_wait3A_142 : memref<10000x128xf32, #tpu.memory_space<hbm>>) dst(%arg15 : memref<128x128xf32, #tpu.memory_space<vmem>>)
      %get3A_143 = arith.constant 0 : index
      %get3A_144 = tpu.vector_load %arg9[%get3A_143] {strides = array<i32>} : memref<128xi32, #tpu.memory_space<vmem>>, vector<16xi32>,
      %get3A_145 = vector.shape_cast %get3A_144 : vector<16xi32> to vector<16xi32>
      %swap3A_146 = arith.constant 0 : index
      %swap3A_147 = tpu.vector_load %arg12[%swap3A_146] {strides = array<i32>} : memref<128xi32, #tpu.memory_space<vmem>>, vector<16xi32>,
      %swap3A_148 = vector.shape_cast %swap3A_147 : vector<16xi32> to vector<16xi32>
      %swap3A_149 = vector.shape_cast %get3A_145 : vector<16xi32> to vector<16xi32>
      tpu.vector_store %arg12[%swap3A_146], %swap3A_149 {strides = array<i32>} : memref<128xi32, #tpu.memory_space<vmem>>, vector<16xi32>,
      %get3A_150 = arith.constant 16 : index
      %get3A_151 = tpu.vector_load %arg9[%get3A_150] {strides = array<i32>} : memref<128xi32, #tpu.memory_space<vmem>>, vector<16xi32>,
      %get3A_152 = vector.shape_cast %get3A_151 : vector<16xi32> to vector<16xi32>
      %swap3A_153 = arith.constant 16 : index
      %swap3A_154 = tpu.vector_load %arg12[%swap3A_153] {strides = array<i32>} : memref<128xi32, #tpu.memory_space<vmem>>, vector<16xi32>,
      %swap3A_155 = vector.shape_cast %swap3A_154 : vector<16xi32> to vector<16xi32>
      %swap3A_156 = vector.shape_cast %get3A_152 : vector<16xi32> to vector<16xi32>
      tpu.vector_store %arg12[%swap3A_153], %swap3A_156 {strides = array<i32>} : memref<128xi32, #tpu.memory_space<vmem>>, vector<16xi32>,
      %get3A_157 = arith.constant 32 : index
      %get3A_158 = tpu.vector_load %arg9[%get3A_157] {strides = array<i32>} : memref<128xi32, #tpu.memory_space<vmem>>, vector<16xi32>,
      %get3A_159 = vector.shape_cast %get3A_158 : vector<16xi32> to vector<16xi32>
      %swap3A_160 = arith.constant 32 : index
      %swap3A_161 = tpu.vector_load %arg12[%swap3A_160] {strides = array<i32>} : memref<128xi32, #tpu.memory_space<vmem>>, vector<16xi32>,
      %swap3A_162 = vector.shape_cast %swap3A_161 : vector<16xi32> to vector<16xi32>
      %swap3A_163 = vector.shape_cast %get3A_159 : vector<16xi32> to vector<16xi32>
      tpu.vector_store %arg12[%swap3A_160], %swap3A_163 {strides = array<i32>} : memref<128xi32, #tpu.memory_space<vmem>>, vector<16xi32>,
      %get3A_164 = arith.constant 48 : index
      %get3A_165 = tpu.vector_load %arg9[%get3A_164] {strides = array<i32>} : memref<128xi32, #tpu.memory_space<vmem>>, vector<16xi32>,
      %get3A_166 = vector.shape_cast %get3A_165 : vector<16xi32> to vector<16xi32>
      %swap3A_167 = arith.constant 48 : index
      %swap3A_168 = tpu.vector_load %arg12[%swap3A_167] {strides = array<i32>} : memref<128xi32, #tpu.memory_space<vmem>>, vector<16xi32>,
      %swap3A_169 = vector.shape_cast %swap3A_168 : vector<16xi32> to vector<16xi32>
      %swap3A_170 = vector.shape_cast %get3A_166 : vector<16xi32> to vector<16xi32>
      tpu.vector_store %arg12[%swap3A_167], %swap3A_170 {strides = array<i32>} : memref<128xi32, #tpu.memory_space<vmem>>, vector<16xi32>,
      %get3A_171 = arith.constant 64 : index
      %get3A_172 = tpu.vector_load %arg9[%get3A_171] {strides = array<i32>} : memref<128xi32, #tpu.memory_space<vmem>>, vector<16xi32>,
      %get3A_173 = vector.shape_cast %get3A_172 : vector<16xi32> to vector<16xi32>
      %swap3A_174 = arith.constant 64 : index
      %swap3A_175 = tpu.vector_load %arg12[%swap3A_174] {strides = array<i32>} : memref<128xi32, #tpu.memory_space<vmem>>, vector<16xi32>,
      %swap3A_176 = vector.shape_cast %swap3A_175 : vector<16xi32> to vector<16xi32>
      %swap3A_177 = vector.shape_cast %get3A_173 : vector<16xi32> to vector<16xi32>
      tpu.vector_store %arg12[%swap3A_174], %swap3A_177 {strides = array<i32>} : memref<128xi32, #tpu.memory_space<vmem>>, vector<16xi32>,
      %get3A_178 = arith.constant 80 : index
      %get3A_179 = tpu.vector_load %arg9[%get3A_178] {strides = array<i32>} : memref<128xi32, #tpu.memory_space<vmem>>, vector<16xi32>,
      %get3A_180 = vector.shape_cast %get3A_179 : vector<16xi32> to vector<16xi32>
      %swap3A_181 = arith.constant 80 : index
      %swap3A_182 = tpu.vector_load %arg12[%swap3A_181] {strides = array<i32>} : memref<128xi32, #tpu.memory_space<vmem>>, vector<16xi32>,
      %swap3A_183 = vector.shape_cast %swap3A_182 : vector<16xi32> to vector<16xi32>
      %swap3A_184 = vector.shape_cast %get3A_180 : vector<16xi32> to vector<16xi32>
      tpu.vector_store %arg12[%swap3A_181], %swap3A_184 {strides = array<i32>} : memref<128xi32, #tpu.memory_space<vmem>>, vector<16xi32>,
      %get3A_185 = arith.constant 96 : index
      %get3A_186 = tpu.vector_load %arg9[%get3A_185] {strides = array<i32>} : memref<128xi32, #tpu.memory_space<vmem>>, vector<16xi32>,
      %get3A_187 = vector.shape_cast %get3A_186 : vector<16xi32> to vector<16xi32>
      %swap3A_188 = arith.constant 96 : index
      %swap3A_189 = tpu.vector_load %arg12[%swap3A_188] {strides = array<i32>} : memref<128xi32, #tpu.memory_space<vmem>>, vector<16xi32>,
      %swap3A_190 = vector.shape_cast %swap3A_189 : vector<16xi32> to vector<16xi32>
      %swap3A_191 = vector.shape_cast %get3A_187 : vector<16xi32> to vector<16xi32>
      tpu.vector_store %arg12[%swap3A_188], %swap3A_191 {strides = array<i32>} : memref<128xi32, #tpu.memory_space<vmem>>, vector<16xi32>,
      %get3A_192 = arith.constant 112 : index
      %get3A_193 = tpu.vector_load %arg9[%get3A_192] {strides = array<i32>} : memref<128xi32, #tpu.memory_space<vmem>>, vector<16xi32>,
      %get3A_194 = vector.shape_cast %get3A_193 : vector<16xi32> to vector<16xi32>
      %swap3A_195 = arith.constant 112 : index
      %swap3A_196 = tpu.vector_load %arg12[%swap3A_195] {strides = array<i32>} : memref<128xi32, #tpu.memory_space<vmem>>, vector<16xi32>,
      %swap3A_197 = vector.shape_cast %swap3A_196 : vector<16xi32> to vector<16xi32>
      %swap3A_198 = vector.shape_cast %get3A_194 : vector<16xi32> to vector<16xi32>
      tpu.vector_store %arg12[%swap3A_195], %swap3A_198 {strides = array<i32>} : memref<128xi32, #tpu.memory_space<vmem>>, vector<16xi32>,
      %add3A_199 = arith.constant 3 : i32
      %add3A_200 = arith.addi %mul3A_133, %add3A_199 : i32
      %lt3A_201 = arith.constant 79 : i32
      %lt3A_202 = arith.cmpi slt, %add3A_200, %lt3A_201 : i32
      %convert_element_type3A_203 = arith.extui %lt3A_202 : i1 to i32
      %cond3A_204 = arith.constant 0 : i32
      %cond3A_205 = arith.cmpi ne, %convert_element_type3A_203, %cond3A_204 : i32
      scf.if %cond3A_205 {
        %add3A_369 = arith.addi %mul3A_2, %mul3A_133 : i32
        %add3A_370 = arith.constant 3 : i32
        %add3A_371 = arith.addi %add3A_369, %add3A_370 : i32
        %dma_start3A_372 = arith.constant 0 : i32
        %dma_start3A_373 = tpu.memref_slice %arg3[%add3A_371, %dma_start3A_372] : memref<2528x128xi32, #tpu.memory_space<hbm>> -> memref<1x128xi32, #tpu.memory_space<hbm>>
        %dma_start3A_374 = tpu.memref_squeeze %dma_start3A_373 : memref<1x128xi32, #tpu.memory_space<hbm>> -> memref<128xi32, #tpu.memory_space<hbm>>
        %dma_start3A_375 = arith.constant 0 : i32
        %dma_start3A_376 = tpu.memref_slice %arg3[%add3A_371, %dma_start3A_375] : memref<2528x128xi32, #tpu.memory_space<hbm>> -> memref<1x128xi32, #tpu.memory_space<hbm>>
        %dma_start3A_377 = tpu.memref_squeeze %dma_start3A_376 : memref<1x128xi32, #tpu.memory_space<hbm>> -> memref<128xi32, #tpu.memory_space<hbm>>
        tpu.enqueue_dma source(%dma_start3A_377 : memref<128xi32, #tpu.memory_space<hbm>>) target(%arg6 : memref<128xi32, #tpu.memory_space<vmem>>) target_semaphore(%arg19 : memref<!tpu.dma_semaphore, #tpu.memory_space<semaphore_mem>>)
        %add3A_378 = arith.addi %mul3A_2, %mul3A_133 : i32
        %add3A_379 = arith.constant 3 : i32
        %add3A_380 = arith.addi %add3A_378, %add3A_379 : i32
        %dma_start3A_381 = arith.constant 0 : i32
        %dma_start3A_382 = tpu.memref_slice %arg4[%add3A_380, %dma_start3A_381] : memref<2528x128xi32, #tpu.memory_space<hbm>> -> memref<1x128xi32, #tpu.memory_space<hbm>>
        %dma_start3A_383 = tpu.memref_squeeze %dma_start3A_382 : memref<1x128xi32, #tpu.memory_space<hbm>> -> memref<128xi32, #tpu.memory_space<hbm>>
        %dma_start3A_384 = arith.constant 0 : i32
        %dma_start3A_385 = tpu.memref_slice %arg4[%add3A_380, %dma_start3A_384] : memref<2528x128xi32, #tpu.memory_space<hbm>> -> memref<1x128xi32, #tpu.memory_space<hbm>>
        %dma_start3A_386 = tpu.memref_squeeze %dma_start3A_385 : memref<1x128xi32, #tpu.memory_space<hbm>> -> memref<128xi32, #tpu.memory_space<hbm>>
        tpu.enqueue_dma source(%dma_start3A_386 : memref<128xi32, #tpu.memory_space<hbm>>) target(%arg9 : memref<128xi32, #tpu.memory_space<vmem>>) target_semaphore(%arg19 : memref<!tpu.dma_semaphore, #tpu.memory_space<semaphore_mem>>)
      } else {
      }
      %dma_start3A_206 = arith.constant 0 : i32
      %dma_start3A_207 = arith.constant 0 : i32
      %dma_start3A_208 = tpu.memref_slice %arg18[%dma_start3A_206, %dma_start3A_207] : memref<10016x128xf32, #tpu.memory_space<vmem_shared>> -> memref<10016x128xf32, #tpu.memory_space<vmem_shared>>
      tpu.enqueue_indirect_dma source(%arg15 : memref<128x128xf32, #tpu.memory_space<vmem>>) target(%dma_start3A_208 : memref<10016x128xf32, #tpu.memory_space<vmem_shared>>) offsets(%arg12 : memref<128xi32, #tpu.memory_space<vmem>>) semaphore(%arg25 : memref<!tpu.dma_semaphore, #tpu.memory_space<semaphore_mem>>) {add = true}
      %mul3A_209 = arith.constant 3 : i32
      %mul3A_210 = arith.muli %scan3A_131, %mul3A_209 : i32
      %add3A_211 = arith.constant 1 : i32
      %add3A_212 = arith.addi %mul3A_210, %add3A_211 : i32
      %add3A_213 = arith.constant 2 : i32
      %add3A_214 = arith.addi %add3A_212, %add3A_213 : i32
      %lt3A_215 = arith.constant 79 : i32
      %lt3A_216 = arith.cmpi slt, %add3A_214, %lt3A_215 : i32
      %convert_element_type3A_217 = arith.extui %lt3A_216 : i1 to i32
      %cond3A_218 = arith.constant 0 : i32
      %cond3A_219 = arith.cmpi ne, %convert_element_type3A_217, %cond3A_218 : i32
      scf.if %cond3A_219 {
        %add3A_369 = arith.addi %mul3A_2, %add3A_212 : i32
        %add3A_370 = arith.constant 2 : i32
        %add3A_371 = arith.addi %add3A_369, %add3A_370 : i32
        %dma_wait3A_372 = arith.constant 0 : i32
        %dma_wait3A_373 = tpu.memref_slice %arg3[%add3A_371, %dma_wait3A_372] : memref<2528x128xi32, #tpu.memory_space<hbm>> -> memref<1x128xi32, #tpu.memory_space<hbm>>
        %dma_wait3A_374 = tpu.memref_squeeze %dma_wait3A_373 : memref<1x128xi32, #tpu.memory_space<hbm>> -> memref<128xi32, #tpu.memory_space<hbm>>
        %dma_wait3A_375 = arith.constant 0 : i32
        %dma_wait3A_376 = tpu.memref_slice %arg3[%add3A_371, %dma_wait3A_375] : memref<2528x128xi32, #tpu.memory_space<hbm>> -> memref<1x128xi32, #tpu.memory_space<hbm>>
        %dma_wait3A_377 = tpu.memref_squeeze %dma_wait3A_376 : memref<1x128xi32, #tpu.memory_space<hbm>> -> memref<128xi32, #tpu.memory_space<hbm>>
        tpu.wait_dma2 semaphore(%arg19 : memref<!tpu.dma_semaphore, #tpu.memory_space<semaphore_mem>>) src(%dma_wait3A_377 : memref<128xi32, #tpu.memory_space<hbm>>) dst(%arg6 : memref<128xi32, #tpu.memory_space<vmem>>)
        %add3A_378 = arith.addi %mul3A_2, %add3A_212 : i32
        %add3A_379 = arith.constant 2 : i32
        %add3A_380 = arith.addi %add3A_378, %add3A_379 : i32
        %dma_wait3A_381 = arith.constant 0 : i32
        %dma_wait3A_382 = tpu.memref_slice %arg4[%add3A_380, %dma_wait3A_381] : memref<2528x128xi32, #tpu.memory_space<hbm>> -> memref<1x128xi32, #tpu.memory_space<hbm>>
        %dma_wait3A_383 = tpu.memref_squeeze %dma_wait3A_382 : memref<1x128xi32, #tpu.memory_space<hbm>> -> memref<128xi32, #tpu.memory_space<hbm>>
        %dma_wait3A_384 = arith.constant 0 : i32
        %dma_wait3A_385 = tpu.memref_slice %arg4[%add3A_380, %dma_wait3A_384] : memref<2528x128xi32, #tpu.memory_space<hbm>> -> memref<1x128xi32, #tpu.memory_space<hbm>>
        %dma_wait3A_386 = tpu.memref_squeeze %dma_wait3A_385 : memref<1x128xi32, #tpu.memory_space<hbm>> -> memref<128xi32, #tpu.memory_space<hbm>>
        tpu.wait_dma2 semaphore(%arg19 : memref<!tpu.dma_semaphore, #tpu.memory_space<semaphore_mem>>) src(%dma_wait3A_386 : memref<128xi32, #tpu.memory_space<hbm>>) dst(%arg9 : memref<128xi32, #tpu.memory_space<vmem>>)
        %ge3A = arith.constant 1 : i32
        %ge3A_387 = arith.cmpi sge, %add3A_212, %ge3A : i32
        %convert_element_type3A_388 = arith.extui %ge3A_387 : i1 to i32
        %cond3A_389 = arith.constant 0 : i32
        %cond3A_390 = arith.cmpi ne, %convert_element_type3A_388, %cond3A_389 : i32
        scf.if %cond3A_390 {
          %dma_wait3A_394 = arith.constant 0 : i32
          %dma_wait3A_395 = arith.constant 0 : i32
          %dma_wait3A_396 = tpu.memref_slice %arg18[%dma_wait3A_394, %dma_wait3A_395] : memref<10016x128xf32, #tpu.memory_space<vmem_shared>> -> memref<10016x128xf32, #tpu.memory_space<vmem_shared>>
          tpu.wait_indirect_dma semaphore(%arg25 : memref<!tpu.dma_semaphore, #tpu.memory_space<semaphore_mem>>) src(%arg15 : memref<128x128xf32, #tpu.memory_space<vmem>>) dst(%dma_wait3A_396 : memref<10016x128xf32, #tpu.memory_space<vmem_shared>>)
        } else {
        }
        %dma_start3A_391 = arith.constant 0 : i32
        %dma_start3A_392 = arith.constant 0 : i32
        %dma_start3A_393 = tpu.memref_slice %arg2[%dma_start3A_391, %dma_start3A_392] : memref<10000x128xf32, #tpu.memory_space<hbm>> -> memref<10000x128xf32, #tpu.memory_space<hbm>>
        tpu.enqueue_indirect_dma source(%dma_start3A_393 : memref<10000x128xf32, #tpu.memory_space<hbm>>) target(%arg15 : memref<128x128xf32, #tpu.memory_space<vmem>>) offsets(%arg6 : memref<128xi32, #tpu.memory_space<vmem>>) semaphore(%arg22 : memref<!tpu.dma_semaphore, #tpu.memory_space<semaphore_mem>>)
      } else {
      }
      %dma_wait3A_220 = arith.constant 0 : i32
      %dma_wait3A_221 = arith.constant 0 : i32
      %dma_wait3A_222 = tpu.memref_slice %arg2[%dma_wait3A_220, %dma_wait3A_221] : memref<10000x128xf32, #tpu.memory_space<hbm>> -> memref<10000x128xf32, #tpu.memory_space<hbm>>
      tpu.wait_indirect_dma semaphore(%arg23 : memref<!tpu.dma_semaphore, #tpu.memory_space<semaphore_mem>>) src(%dma_wait3A_222 : memref<10000x128xf32, #tpu.memory_space<hbm>>) dst(%arg16 : memref<128x128xf32, #tpu.memory_space<vmem>>)
      %get3A_223 = arith.constant 0 : index
      %get3A_224 = tpu.vector_load %arg10[%get3A_223] {strides = array<i32>} : memref<128xi32, #tpu.memory_space<vmem>>, vector<16xi32>,
      %get3A_225 = vector.shape_cast %get3A_224 : vector<16xi32> to vector<16xi32>
      %swap3A_226 = arith.constant 0 : index
      %swap3A_227 = tpu.vector_load %arg13[%swap3A_226] {strides = array<i32>} : memref<128xi32, #tpu.memory_space<vmem>>, vector<16xi32>,
      %swap3A_228 = vector.shape_cast %swap3A_227 : vector<16xi32> to vector<16xi32>
      %swap3A_229 = vector.shape_cast %get3A_225 : vector<16xi32> to vector<16xi32>
      tpu.vector_store %arg13[%swap3A_226], %swap3A_229 {strides = array<i32>} : memref<128xi32, #tpu.memory_space<vmem>>, vector<16xi32>,
      %get3A_230 = arith.constant 16 : index
      %get3A_231 = tpu.vector_load %arg10[%get3A_230] {strides = array<i32>} : memref<128xi32, #tpu.memory_space<vmem>>, vector<16xi32>,
      %get3A_232 = vector.shape_cast %get3A_231 : vector<16xi32> to vector<16xi32>
      %swap3A_233 = arith.constant 16 : index
      %swap3A_234 = tpu.vector_load %arg13[%swap3A_233] {strides = array<i32>} : memref<128xi32, #tpu.memory_space<vmem>>, vector<16xi32>,
      %swap3A_235 = vector.shape_cast %swap3A_234 : vector<16xi32> to vector<16xi32>
      %swap3A_236 = vector.shape_cast %get3A_232 : vector<16xi32> to vector<16xi32>
      tpu.vector_store %arg13[%swap3A_233], %swap3A_236 {strides = array<i32>} : memref<128xi32, #tpu.memory_space<vmem>>, vector<16xi32>,
      %get3A_237 = arith.constant 32 : index
      %get3A_238 = tpu.vector_load %arg10[%get3A_237] {strides = array<i32>} : memref<128xi32, #tpu.memory_space<vmem>>, vector<16xi32>,
      %get3A_239 = vector.shape_cast %get3A_238 : vector<16xi32> to vector<16xi32>
      %swap3A_240 = arith.constant 32 : index
      %swap3A_241 = tpu.vector_load %arg13[%swap3A_240] {strides = array<i32>} : memref<128xi32, #tpu.memory_space<vmem>>, vector<16xi32>,
      %swap3A_242 = vector.shape_cast %swap3A_241 : vector<16xi32> to vector<16xi32>
      %swap3A_243 = vector.shape_cast %get3A_239 : vector<16xi32> to vector<16xi32>
      tpu.vector_store %arg13[%swap3A_240], %swap3A_243 {strides = array<i32>} : memref<128xi32, #tpu.memory_space<vmem>>, vector<16xi32>,
      %get3A_244 = arith.constant 48 : index
      %get3A_245 = tpu.vector_load %arg10[%get3A_244] {strides = array<i32>} : memref<128xi32, #tpu.memory_space<vmem>>, vector<16xi32>,
      %get3A_246 = vector.shape_cast %get3A_245 : vector<16xi32> to vector<16xi32>
      %swap3A_247 = arith.constant 48 : index
      %swap3A_248 = tpu.vector_load %arg13[%swap3A_247] {strides = array<i32>} : memref<128xi32, #tpu.memory_space<vmem>>, vector<16xi32>,
      %swap3A_249 = vector.shape_cast %swap3A_248 : vector<16xi32> to vector<16xi32>
      %swap3A_250 = vector.shape_cast %get3A_246 : vector<16xi32> to vector<16xi32>
      tpu.vector_store %arg13[%swap3A_247], %swap3A_250 {strides = array<i32>} : memref<128xi32, #tpu.memory_space<vmem>>, vector<16xi32>,
      %get3A_251 = arith.constant 64 : index
      %get3A_252 = tpu.vector_load %arg10[%get3A_251] {strides = array<i32>} : memref<128xi32, #tpu.memory_space<vmem>>, vector<16xi32>,
      %get3A_253 = vector.shape_cast %get3A_252 : vector<16xi32> to vector<16xi32>
      %swap3A_254 = arith.constant 64 : index
      %swap3A_255 = tpu.vector_load %arg13[%swap3A_254] {strides = array<i32>} : memref<128xi32, #tpu.memory_space<vmem>>, vector<16xi32>,
      %swap3A_256 = vector.shape_cast %swap3A_255 : vector<16xi32> to vector<16xi32>
      %swap3A_257 = vector.shape_cast %get3A_253 : vector<16xi32> to vector<16xi32>
      tpu.vector_store %arg13[%swap3A_254], %swap3A_257 {strides = array<i32>} : memref<128xi32, #tpu.memory_space<vmem>>, vector<16xi32>,
      %get3A_258 = arith.constant 80 : index
      %get3A_259 = tpu.vector_load %arg10[%get3A_258] {strides = array<i32>} : memref<128xi32, #tpu.memory_space<vmem>>, vector<16xi32>,
      %get3A_260 = vector.shape_cast %get3A_259 : vector<16xi32> to vector<16xi32>
      %swap3A_261 = arith.constant 80 : index
      %swap3A_262 = tpu.vector_load %arg13[%swap3A_261] {strides = array<i32>} : memref<128xi32, #tpu.memory_space<vmem>>, vector<16xi32>,
      %swap3A_263 = vector.shape_cast %swap3A_262 : vector<16xi32> to vector<16xi32>
      %swap3A_264 = vector.shape_cast %get3A_260 : vector<16xi32> to vector<16xi32>
      tpu.vector_store %arg13[%swap3A_261], %swap3A_264 {strides = array<i32>} : memref<128xi32, #tpu.memory_space<vmem>>, vector<16xi32>,
      %get3A_265 = arith.constant 96 : index
      %get3A_266 = tpu.vector_load %arg10[%get3A_265] {strides = array<i32>} : memref<128xi32, #tpu.memory_space<vmem>>, vector<16xi32>,
      %get3A_267 = vector.shape_cast %get3A_266 : vector<16xi32> to vector<16xi32>
      %swap3A_268 = arith.constant 96 : index
      %swap3A_269 = tpu.vector_load %arg13[%swap3A_268] {strides = array<i32>} : memref<128xi32, #tpu.memory_space<vmem>>, vector<16xi32>,
      %swap3A_270 = vector.shape_cast %swap3A_269 : vector<16xi32> to vector<16xi32>
      %swap3A_271 = vector.shape_cast %get3A_267 : vector<16xi32> to vector<16xi32>
      tpu.vector_store %arg13[%swap3A_268], %swap3A_271 {strides = array<i32>} : memref<128xi32, #tpu.memory_space<vmem>>, vector<16xi32>,
      %get3A_272 = arith.constant 112 : index
      %get3A_273 = tpu.vector_load %arg10[%get3A_272] {strides = array<i32>} : memref<128xi32, #tpu.memory_space<vmem>>, vector<16xi32>,
      %get3A_274 = vector.shape_cast %get3A_273 : vector<16xi32> to vector<16xi32>
      %swap3A_275 = arith.constant 112 : index
      %swap3A_276 = tpu.vector_load %arg13[%swap3A_275] {strides = array<i32>} : memref<128xi32, #tpu.memory_space<vmem>>, vector<16xi32>,
      %swap3A_277 = vector.shape_cast %swap3A_276 : vector<16xi32> to vector<16xi32>
      %swap3A_278 = vector.shape_cast %get3A_274 : vector<16xi32> to vector<16xi32>
      tpu.vector_store %arg13[%swap3A_275], %swap3A_278 {strides = array<i32>} : memref<128xi32, #tpu.memory_space<vmem>>, vector<16xi32>,
      %add3A_279 = arith.constant 3 : i32
      %add3A_280 = arith.addi %add3A_212, %add3A_279 : i32
      %lt3A_281 = arith.constant 79 : i32
      %lt3A_282 = arith.cmpi slt, %add3A_280, %lt3A_281 : i32
      %convert_element_type3A_283 = arith.extui %lt3A_282 : i1 to i32
      %cond3A_284 = arith.constant 0 : i32
      %cond3A_285 = arith.cmpi ne, %convert_element_type3A_283, %cond3A_284 : i32
      scf.if %cond3A_285 {
        %add3A_369 = arith.addi %mul3A_2, %add3A_212 : i32
        %add3A_370 = arith.constant 3 : i32
        %add3A_371 = arith.addi %add3A_369, %add3A_370 : i32
        %dma_start3A_372 = arith.constant 0 : i32
        %dma_start3A_373 = tpu.memref_slice %arg3[%add3A_371, %dma_start3A_372] : memref<2528x128xi32, #tpu.memory_space<hbm>> -> memref<1x128xi32, #tpu.memory_space<hbm>>
        %dma_start3A_374 = tpu.memref_squeeze %dma_start3A_373 : memref<1x128xi32, #tpu.memory_space<hbm>> -> memref<128xi32, #tpu.memory_space<hbm>>
        %dma_start3A_375 = arith.constant 0 : i32
        %dma_start3A_376 = tpu.memref_slice %arg3[%add3A_371, %dma_start3A_375] : memref<2528x128xi32, #tpu.memory_space<hbm>> -> memref<1x128xi32, #tpu.memory_space<hbm>>
        %dma_start3A_377 = tpu.memref_squeeze %dma_start3A_376 : memref<1x128xi32, #tpu.memory_space<hbm>> -> memref<128xi32, #tpu.memory_space<hbm>>
        tpu.enqueue_dma source(%dma_start3A_377 : memref<128xi32, #tpu.memory_space<hbm>>) target(%arg7 : memref<128xi32, #tpu.memory_space<vmem>>) target_semaphore(%arg20 : memref<!tpu.dma_semaphore, #tpu.memory_space<semaphore_mem>>)
        %add3A_378 = arith.addi %mul3A_2, %add3A_212 : i32
        %add3A_379 = arith.constant 3 : i32
        %add3A_380 = arith.addi %add3A_378, %add3A_379 : i32
        %dma_start3A_381 = arith.constant 0 : i32
        %dma_start3A_382 = tpu.memref_slice %arg4[%add3A_380, %dma_start3A_381] : memref<2528x128xi32, #tpu.memory_space<hbm>> -> memref<1x128xi32, #tpu.memory_space<hbm>>
        %dma_start3A_383 = tpu.memref_squeeze %dma_start3A_382 : memref<1x128xi32, #tpu.memory_space<hbm>> -> memref<128xi32, #tpu.memory_space<hbm>>
        %dma_start3A_384 = arith.constant 0 : i32
        %dma_start3A_385 = tpu.memref_slice %arg4[%add3A_380, %dma_start3A_384] : memref<2528x128xi32, #tpu.memory_space<hbm>> -> memref<1x128xi32, #tpu.memory_space<hbm>>
        %dma_start3A_386 = tpu.memref_squeeze %dma_start3A_385 : memref<1x128xi32, #tpu.memory_space<hbm>> -> memref<128xi32, #tpu.memory_space<hbm>>
        tpu.enqueue_dma source(%dma_start3A_386 : memref<128xi32, #tpu.memory_space<hbm>>) target(%arg10 : memref<128xi32, #tpu.memory_space<vmem>>) target_semaphore(%arg20 : memref<!tpu.dma_semaphore, #tpu.memory_space<semaphore_mem>>)
      } else {
      }
      %dma_start3A_286 = arith.constant 0 : i32
      %dma_start3A_287 = arith.constant 0 : i32
      %dma_start3A_288 = tpu.memref_slice %arg18[%dma_start3A_286, %dma_start3A_287] : memref<10016x128xf32, #tpu.memory_space<vmem_shared>> -> memref<10016x128xf32, #tpu.memory_space<vmem_shared>>
      tpu.enqueue_indirect_dma source(%arg16 : memref<128x128xf32, #tpu.memory_space<vmem>>) target(%dma_start3A_288 : memref<10016x128xf32, #tpu.memory_space<vmem_shared>>) offsets(%arg13 : memref<128xi32, #tpu.memory_space<vmem>>) semaphore(%arg26 : memref<!tpu.dma_semaphore, #tpu.memory_space<semaphore_mem>>) {add = true}
      %mul3A_289 = arith.constant 3 : i32
      %mul3A_290 = arith.muli %scan3A_131, %mul3A_289 : i32
      %add3A_291 = arith.constant 2 : i32
      %add3A_292 = arith.addi %mul3A_290, %add3A_291 : i32
      %add3A_293 = arith.constant 2 : i32
      %add3A_294 = arith.addi %add3A_292, %add3A_293 : i32
      %lt3A_295 = arith.constant 79 : i32
      %lt3A_296 = arith.cmpi slt, %add3A_294, %lt3A_295 : i32
      %convert_element_type3A_297 = arith.extui %lt3A_296 : i1 to i32
      %cond3A_298 = arith.constant 0 : i32
      %cond3A_299 = arith.cmpi ne, %convert_element_type3A_297, %cond3A_298 : i32
      scf.if %cond3A_299 {
        %add3A_369 = arith.addi %mul3A_2, %add3A_292 : i32
        %add3A_370 = arith.constant 2 : i32
        %add3A_371 = arith.addi %add3A_369, %add3A_370 : i32
        %dma_wait3A_372 = arith.constant 0 : i32
        %dma_wait3A_373 = tpu.memref_slice %arg3[%add3A_371, %dma_wait3A_372] : memref<2528x128xi32, #tpu.memory_space<hbm>> -> memref<1x128xi32, #tpu.memory_space<hbm>>
        %dma_wait3A_374 = tpu.memref_squeeze %dma_wait3A_373 : memref<1x128xi32, #tpu.memory_space<hbm>> -> memref<128xi32, #tpu.memory_space<hbm>>
        %dma_wait3A_375 = arith.constant 0 : i32
        %dma_wait3A_376 = tpu.memref_slice %arg3[%add3A_371, %dma_wait3A_375] : memref<2528x128xi32, #tpu.memory_space<hbm>> -> memref<1x128xi32, #tpu.memory_space<hbm>>
        %dma_wait3A_377 = tpu.memref_squeeze %dma_wait3A_376 : memref<1x128xi32, #tpu.memory_space<hbm>> -> memref<128xi32, #tpu.memory_space<hbm>>
        tpu.wait_dma2 semaphore(%arg20 : memref<!tpu.dma_semaphore, #tpu.memory_space<semaphore_mem>>) src(%dma_wait3A_377 : memref<128xi32, #tpu.memory_space<hbm>>) dst(%arg7 : memref<128xi32, #tpu.memory_space<vmem>>)
        %add3A_378 = arith.addi %mul3A_2, %add3A_292 : i32
        %add3A_379 = arith.constant 2 : i32
        %add3A_380 = arith.addi %add3A_378, %add3A_379 : i32
        %dma_wait3A_381 = arith.constant 0 : i32
        %dma_wait3A_382 = tpu.memref_slice %arg4[%add3A_380, %dma_wait3A_381] : memref<2528x128xi32, #tpu.memory_space<hbm>> -> memref<1x128xi32, #tpu.memory_space<hbm>>
        %dma_wait3A_383 = tpu.memref_squeeze %dma_wait3A_382 : memref<1x128xi32, #tpu.memory_space<hbm>> -> memref<128xi32, #tpu.memory_space<hbm>>
        %dma_wait3A_384 = arith.constant 0 : i32
        %dma_wait3A_385 = tpu.memref_slice %arg4[%add3A_380, %dma_wait3A_384] : memref<2528x128xi32, #tpu.memory_space<hbm>> -> memref<1x128xi32, #tpu.memory_space<hbm>>
        %dma_wait3A_386 = tpu.memref_squeeze %dma_wait3A_385 : memref<1x128xi32, #tpu.memory_space<hbm>> -> memref<128xi32, #tpu.memory_space<hbm>>
        tpu.wait_dma2 semaphore(%arg20 : memref<!tpu.dma_semaphore, #tpu.memory_space<semaphore_mem>>) src(%dma_wait3A_386 : memref<128xi32, #tpu.memory_space<hbm>>) dst(%arg10 : memref<128xi32, #tpu.memory_space<vmem>>)
        %ge3A = arith.constant 1 : i32
        %ge3A_387 = arith.cmpi sge, %add3A_292, %ge3A : i32
        %convert_element_type3A_388 = arith.extui %ge3A_387 : i1 to i32
        %cond3A_389 = arith.constant 0 : i32
        %cond3A_390 = arith.cmpi ne, %convert_element_type3A_388, %cond3A_389 : i32
        scf.if %cond3A_390 {
          %dma_wait3A_394 = arith.constant 0 : i32
          %dma_wait3A_395 = arith.constant 0 : i32
          %dma_wait3A_396 = tpu.memref_slice %arg18[%dma_wait3A_394, %dma_wait3A_395] : memref<10016x128xf32, #tpu.memory_space<vmem_shared>> -> memref<10016x128xf32, #tpu.memory_space<vmem_shared>>
          tpu.wait_indirect_dma semaphore(%arg26 : memref<!tpu.dma_semaphore, #tpu.memory_space<semaphore_mem>>) src(%arg16 : memref<128x128xf32, #tpu.memory_space<vmem>>) dst(%dma_wait3A_396 : memref<10016x128xf32, #tpu.memory_space<vmem_shared>>)
        } else {
        }
        %dma_start3A_391 = arith.constant 0 : i32
        %dma_start3A_392 = arith.constant 0 : i32
        %dma_start3A_393 = tpu.memref_slice %arg2[%dma_start3A_391, %dma_start3A_392] : memref<10000x128xf32, #tpu.memory_space<hbm>> -> memref<10000x128xf32, #tpu.memory_space<hbm>>
        tpu.enqueue_indirect_dma source(%dma_start3A_393 : memref<10000x128xf32, #tpu.memory_space<hbm>>) target(%arg16 : memref<128x128xf32, #tpu.memory_space<vmem>>) offsets(%arg7 : memref<128xi32, #tpu.memory_space<vmem>>) semaphore(%arg23 : memref<!tpu.dma_semaphore, #tpu.memory_space<semaphore_mem>>)
      } else {
      }
      %dma_wait3A_300 = arith.constant 0 : i32
      %dma_wait3A_301 = arith.constant 0 : i32
      %dma_wait3A_302 = tpu.memref_slice %arg2[%dma_wait3A_300, %dma_wait3A_301] : memref<10000x128xf32, #tpu.memory_space<hbm>> -> memref<10000x128xf32, #tpu.memory_space<hbm>>
      tpu.wait_indirect_dma semaphore(%arg24 : memref<!tpu.dma_semaphore, #tpu.memory_space<semaphore_mem>>) src(%dma_wait3A_302 : memref<10000x128xf32, #tpu.memory_space<hbm>>) dst(%arg17 : memref<128x128xf32, #tpu.memory_space<vmem>>)
      %get3A_303 = arith.constant 0 : index
      %get3A_304 = tpu.vector_load %arg11[%get3A_303] {strides = array<i32>} : memref<128xi32, #tpu.memory_space<vmem>>, vector<16xi32>,
      %get3A_305 = vector.shape_cast %get3A_304 : vector<16xi32> to vector<16xi32>
      %swap3A_306 = arith.constant 0 : index
      %swap3A_307 = tpu.vector_load %arg14[%swap3A_306] {strides = array<i32>} : memref<128xi32, #tpu.memory_space<vmem>>, vector<16xi32>,
      %swap3A_308 = vector.shape_cast %swap3A_307 : vector<16xi32> to vector<16xi32>
      %swap3A_309 = vector.shape_cast %get3A_305 : vector<16xi32> to vector<16xi32>
      tpu.vector_store %arg14[%swap3A_306], %swap3A_309 {strides = array<i32>} : memref<128xi32, #tpu.memory_space<vmem>>, vector<16xi32>,
      %get3A_310 = arith.constant 16 : index
      %get3A_311 = tpu.vector_load %arg11[%get3A_310] {strides = array<i32>} : memref<128xi32, #tpu.memory_space<vmem>>, vector<16xi32>,
      %get3A_312 = vector.shape_cast %get3A_311 : vector<16xi32> to vector<16xi32>
      %swap3A_313 = arith.constant 16 : index
      %swap3A_314 = tpu.vector_load %arg14[%swap3A_313] {strides = array<i32>} : memref<128xi32, #tpu.memory_space<vmem>>, vector<16xi32>,
      %swap3A_315 = vector.shape_cast %swap3A_314 : vector<16xi32> to vector<16xi32>
      %swap3A_316 = vector.shape_cast %get3A_312 : vector<16xi32> to vector<16xi32>
      tpu.vector_store %arg14[%swap3A_313], %swap3A_316 {strides = array<i32>} : memref<128xi32, #tpu.memory_space<vmem>>, vector<16xi32>,
      %get3A_317 = arith.constant 32 : index
      %get3A_318 = tpu.vector_load %arg11[%get3A_317] {strides = array<i32>} : memref<128xi32, #tpu.memory_space<vmem>>, vector<16xi32>,
      %get3A_319 = vector.shape_cast %get3A_318 : vector<16xi32> to vector<16xi32>
      %swap3A_320 = arith.constant 32 : index
      %swap3A_321 = tpu.vector_load %arg14[%swap3A_320] {strides = array<i32>} : memref<128xi32, #tpu.memory_space<vmem>>, vector<16xi32>,
      %swap3A_322 = vector.shape_cast %swap3A_321 : vector<16xi32> to vector<16xi32>
      %swap3A_323 = vector.shape_cast %get3A_319 : vector<16xi32> to vector<16xi32>
      tpu.vector_store %arg14[%swap3A_320], %swap3A_323 {strides = array<i32>} : memref<128xi32, #tpu.memory_space<vmem>>, vector<16xi32>,
      %get3A_324 = arith.constant 48 : index
      %get3A_325 = tpu.vector_load %arg11[%get3A_324] {strides = array<i32>} : memref<128xi32, #tpu.memory_space<vmem>>, vector<16xi32>,
      %get3A_326 = vector.shape_cast %get3A_325 : vector<16xi32> to vector<16xi32>
      %swap3A_327 = arith.constant 48 : index
      %swap3A_328 = tpu.vector_load %arg14[%swap3A_327] {strides = array<i32>} : memref<128xi32, #tpu.memory_space<vmem>>, vector<16xi32>,
      %swap3A_329 = vector.shape_cast %swap3A_328 : vector<16xi32> to vector<16xi32>
      %swap3A_330 = vector.shape_cast %get3A_326 : vector<16xi32> to vector<16xi32>
      tpu.vector_store %arg14[%swap3A_327], %swap3A_330 {strides = array<i32>} : memref<128xi32, #tpu.memory_space<vmem>>, vector<16xi32>,
      %get3A_331 = arith.constant 64 : index
      %get3A_332 = tpu.vector_load %arg11[%get3A_331] {strides = array<i32>} : memref<128xi32, #tpu.memory_space<vmem>>, vector<16xi32>,
      %get3A_333 = vector.shape_cast %get3A_332 : vector<16xi32> to vector<16xi32>
      %swap3A_334 = arith.constant 64 : index
      %swap3A_335 = tpu.vector_load %arg14[%swap3A_334] {strides = array<i32>} : memref<128xi32, #tpu.memory_space<vmem>>, vector<16xi32>,
      %swap3A_336 = vector.shape_cast %swap3A_335 : vector<16xi32> to vector<16xi32>
      %swap3A_337 = vector.shape_cast %get3A_333 : vector<16xi32> to vector<16xi32>
      tpu.vector_store %arg14[%swap3A_334], %swap3A_337 {strides = array<i32>} : memref<128xi32, #tpu.memory_space<vmem>>, vector<16xi32>,
      %get3A_338 = arith.constant 80 : index
      %get3A_339 = tpu.vector_load %arg11[%get3A_338] {strides = array<i32>} : memref<128xi32, #tpu.memory_space<vmem>>, vector<16xi32>,
      %get3A_340 = vector.shape_cast %get3A_339 : vector<16xi32> to vector<16xi32>
      %swap3A_341 = arith.constant 80 : index
      %swap3A_342 = tpu.vector_load %arg14[%swap3A_341] {strides = array<i32>} : memref<128xi32, #tpu.memory_space<vmem>>, vector<16xi32>,
      %swap3A_343 = vector.shape_cast %swap3A_342 : vector<16xi32> to vector<16xi32>
      %swap3A_344 = vector.shape_cast %get3A_340 : vector<16xi32> to vector<16xi32>
      tpu.vector_store %arg14[%swap3A_341], %swap3A_344 {strides = array<i32>} : memref<128xi32, #tpu.memory_space<vmem>>, vector<16xi32>,
      %get3A_345 = arith.constant 96 : index
      %get3A_346 = tpu.vector_load %arg11[%get3A_345] {strides = array<i32>} : memref<128xi32, #tpu.memory_space<vmem>>, vector<16xi32>,
      %get3A_347 = vector.shape_cast %get3A_346 : vector<16xi32> to vector<16xi32>
      %swap3A_348 = arith.constant 96 : index
      %swap3A_349 = tpu.vector_load %arg14[%swap3A_348] {strides = array<i32>} : memref<128xi32, #tpu.memory_space<vmem>>, vector<16xi32>,
      %swap3A_350 = vector.shape_cast %swap3A_349 : vector<16xi32> to vector<16xi32>
      %swap3A_351 = vector.shape_cast %get3A_347 : vector<16xi32> to vector<16xi32>
      tpu.vector_store %arg14[%swap3A_348], %swap3A_351 {strides = array<i32>} : memref<128xi32, #tpu.memory_space<vmem>>, vector<16xi32>,
      %get3A_352 = arith.constant 112 : index
      %get3A_353 = tpu.vector_load %arg11[%get3A_352] {strides = array<i32>} : memref<128xi32, #tpu.memory_space<vmem>>, vector<16xi32>,
      %get3A_354 = vector.shape_cast %get3A_353 : vector<16xi32> to vector<16xi32>
      %swap3A_355 = arith.constant 112 : index
      %swap3A_356 = tpu.vector_load %arg14[%swap3A_355] {strides = array<i32>} : memref<128xi32, #tpu.memory_space<vmem>>, vector<16xi32>,
      %swap3A_357 = vector.shape_cast %swap3A_356 : vector<16xi32> to vector<16xi32>
      %swap3A_358 = vector.shape_cast %get3A_354 : vector<16xi32> to vector<16xi32>
      tpu.vector_store %arg14[%swap3A_355], %swap3A_358 {strides = array<i32>} : memref<128xi32, #tpu.memory_space<vmem>>, vector<16xi32>,
      %add3A_359 = arith.constant 3 : i32
      %add3A_360 = arith.addi %add3A_292, %add3A_359 : i32
      %lt3A_361 = arith.constant 79 : i32
      %lt3A_362 = arith.cmpi slt, %add3A_360, %lt3A_361 : i32
      %convert_element_type3A_363 = arith.extui %lt3A_362 : i1 to i32
      %cond3A_364 = arith.constant 0 : i32
      %cond3A_365 = arith.cmpi ne, %convert_element_type3A_363, %cond3A_364 : i32
      scf.if %cond3A_365 {
        %add3A_369 = arith.addi %mul3A_2, %add3A_292 : i32
        %add3A_370 = arith.constant 3 : i32
        %add3A_371 = arith.addi %add3A_369, %add3A_370 : i32
        %dma_start3A_372 = arith.constant 0 : i32
        %dma_start3A_373 = tpu.memref_slice %arg3[%add3A_371, %dma_start3A_372] : memref<2528x128xi32, #tpu.memory_space<hbm>> -> memref<1x128xi32, #tpu.memory_space<hbm>>
        %dma_start3A_374 = tpu.memref_squeeze %dma_start3A_373 : memref<1x128xi32, #tpu.memory_space<hbm>> -> memref<128xi32, #tpu.memory_space<hbm>>
        %dma_start3A_375 = arith.constant 0 : i32
        %dma_start3A_376 = tpu.memref_slice %arg3[%add3A_371, %dma_start3A_375] : memref<2528x128xi32, #tpu.memory_space<hbm>> -> memref<1x128xi32, #tpu.memory_space<hbm>>
        %dma_start3A_377 = tpu.memref_squeeze %dma_start3A_376 : memref<1x128xi32, #tpu.memory_space<hbm>> -> memref<128xi32, #tpu.memory_space<hbm>>
        tpu.enqueue_dma source(%dma_start3A_377 : memref<128xi32, #tpu.memory_space<hbm>>) target(%arg8 : memref<128xi32, #tpu.memory_space<vmem>>) target_semaphore(%arg21 : memref<!tpu.dma_semaphore, #tpu.memory_space<semaphore_mem>>)
        %add3A_378 = arith.addi %mul3A_2, %add3A_292 : i32
        %add3A_379 = arith.constant 3 : i32
        %add3A_380 = arith.addi %add3A_378, %add3A_379 : i32
        %dma_start3A_381 = arith.constant 0 : i32
        %dma_start3A_382 = tpu.memref_slice %arg4[%add3A_380, %dma_start3A_381] : memref<2528x128xi32, #tpu.memory_space<hbm>> -> memref<1x128xi32, #tpu.memory_space<hbm>>
        %dma_start3A_383 = tpu.memref_squeeze %dma_start3A_382 : memref<1x128xi32, #tpu.memory_space<hbm>> -> memref<128xi32, #tpu.memory_space<hbm>>
        %dma_start3A_384 = arith.constant 0 : i32
        %dma_start3A_385 = tpu.memref_slice %arg4[%add3A_380, %dma_start3A_384] : memref<2528x128xi32, #tpu.memory_space<hbm>> -> memref<1x128xi32, #tpu.memory_space<hbm>>
        %dma_start3A_386 = tpu.memref_squeeze %dma_start3A_385 : memref<1x128xi32, #tpu.memory_space<hbm>> -> memref<128xi32, #tpu.memory_space<hbm>>
        tpu.enqueue_dma source(%dma_start3A_386 : memref<128xi32, #tpu.memory_space<hbm>>) target(%arg11 : memref<128xi32, #tpu.memory_space<vmem>>) target_semaphore(%arg21 : memref<!tpu.dma_semaphore, #tpu.memory_space<semaphore_mem>>)
      } else {
      }
      %dma_start3A_366 = arith.constant 0 : i32
      %dma_start3A_367 = arith.constant 0 : i32
      %dma_start3A_368 = tpu.memref_slice %arg18[%dma_start3A_366, %dma_start3A_367] : memref<10016x128xf32, #tpu.memory_space<vmem_shared>> -> memref<10016x128xf32, #tpu.memory_space<vmem_shared>>
      tpu.enqueue_indirect_dma source(%arg17 : memref<128x128xf32, #tpu.memory_space<vmem>>) target(%dma_start3A_368 : memref<10016x128xf32, #tpu.memory_space<vmem_shared>>) offsets(%arg14 : memref<128xi32, #tpu.memory_space<vmem>>) semaphore(%arg27 : memref<!tpu.dma_semaphore, #tpu.memory_space<semaphore_mem>>) {add = true}
    }
    %scan3A_56 = arith.constant 26 : i32
    %dma_wait3A = arith.constant 0 : i32
    %dma_wait3A_57 = arith.constant 0 : i32
    %dma_wait3A_58 = tpu.memref_slice %arg2[%dma_wait3A, %dma_wait3A_57] : memref<10000x128xf32, #tpu.memory_space<hbm>> -> memref<10000x128xf32, #tpu.memory_space<hbm>>
    tpu.wait_indirect_dma semaphore(%arg22 : memref<!tpu.dma_semaphore, #tpu.memory_space<semaphore_mem>>) src(%dma_wait3A_58 : memref<10000x128xf32, #tpu.memory_space<hbm>>) dst(%arg15 : memref<128x128xf32, #tpu.memory_space<vmem>>)
    %get3A = arith.constant 0 : index
    %get3A_59 = tpu.vector_load %arg9[%get3A] {strides = array<i32>} : memref<128xi32, #tpu.memory_space<vmem>>, vector<16xi32>,
    %get3A_60 = vector.shape_cast %get3A_59 : vector<16xi32> to vector<16xi32>
    %swap3A = arith.constant 0 : index
    %swap3A_61 = tpu.vector_load %arg12[%swap3A] {strides = array<i32>} : memref<128xi32, #tpu.memory_space<vmem>>, vector<16xi32>,
    %swap3A_62 = vector.shape_cast %swap3A_61 : vector<16xi32> to vector<16xi32>
    %swap3A_63 = vector.shape_cast %get3A_60 : vector<16xi32> to vector<16xi32>
    tpu.vector_store %arg12[%swap3A], %swap3A_63 {strides = array<i32>} : memref<128xi32, #tpu.memory_space<vmem>>, vector<16xi32>,
    %get3A_64 = arith.constant 16 : index
    %get3A_65 = tpu.vector_load %arg9[%get3A_64] {strides = array<i32>} : memref<128xi32, #tpu.memory_space<vmem>>, vector<16xi32>,
    %get3A_66 = vector.shape_cast %get3A_65 : vector<16xi32> to vector<16xi32>
    %swap3A_67 = arith.constant 16 : index
    %swap3A_68 = tpu.vector_load %arg12[%swap3A_67] {strides = array<i32>} : memref<128xi32, #tpu.memory_space<vmem>>, vector<16xi32>,
    %swap3A_69 = vector.shape_cast %swap3A_68 : vector<16xi32> to vector<16xi32>
    %swap3A_70 = vector.shape_cast %get3A_66 : vector<16xi32> to vector<16xi32>
    tpu.vector_store %arg12[%swap3A_67], %swap3A_70 {strides = array<i32>} : memref<128xi32, #tpu.memory_space<vmem>>, vector<16xi32>,
    %get3A_71 = arith.constant 32 : index
    %get3A_72 = tpu.vector_load %arg9[%get3A_71] {strides = array<i32>} : memref<128xi32, #tpu.memory_space<vmem>>, vector<16xi32>,
    %get3A_73 = vector.shape_cast %get3A_72 : vector<16xi32> to vector<16xi32>
    %swap3A_74 = arith.constant 32 : index
    %swap3A_75 = tpu.vector_load %arg12[%swap3A_74] {strides = array<i32>} : memref<128xi32, #tpu.memory_space<vmem>>, vector<16xi32>,
    %swap3A_76 = vector.shape_cast %swap3A_75 : vector<16xi32> to vector<16xi32>
    %swap3A_77 = vector.shape_cast %get3A_73 : vector<16xi32> to vector<16xi32>
    tpu.vector_store %arg12[%swap3A_74], %swap3A_77 {strides = array<i32>} : memref<128xi32, #tpu.memory_space<vmem>>, vector<16xi32>,
    %get3A_78 = arith.constant 48 : index
    %get3A_79 = tpu.vector_load %arg9[%get3A_78] {strides = array<i32>} : memref<128xi32, #tpu.memory_space<vmem>>, vector<16xi32>,
    %get3A_80 = vector.shape_cast %get3A_79 : vector<16xi32> to vector<16xi32>
    %swap3A_81 = arith.constant 48 : index
    %swap3A_82 = tpu.vector_load %arg12[%swap3A_81] {strides = array<i32>} : memref<128xi32, #tpu.memory_space<vmem>>, vector<16xi32>,
    %swap3A_83 = vector.shape_cast %swap3A_82 : vector<16xi32> to vector<16xi32>
    %swap3A_84 = vector.shape_cast %get3A_80 : vector<16xi32> to vector<16xi32>
    tpu.vector_store %arg12[%swap3A_81], %swap3A_84 {strides = array<i32>} : memref<128xi32, #tpu.memory_space<vmem>>, vector<16xi32>,
    %get3A_85 = arith.constant 64 : index
    %get3A_86 = tpu.vector_load %arg9[%get3A_85] {strides = array<i32>} : memref<128xi32, #tpu.memory_space<vmem>>, vector<16xi32>,
    %get3A_87 = vector.shape_cast %get3A_86 : vector<16xi32> to vector<16xi32>
    %swap3A_88 = arith.constant 64 : index
    %swap3A_89 = tpu.vector_load %arg12[%swap3A_88] {strides = array<i32>} : memref<128xi32, #tpu.memory_space<vmem>>, vector<16xi32>,
    %swap3A_90 = vector.shape_cast %swap3A_89 : vector<16xi32> to vector<16xi32>
    %swap3A_91 = vector.shape_cast %get3A_87 : vector<16xi32> to vector<16xi32>
    tpu.vector_store %arg12[%swap3A_88], %swap3A_91 {strides = array<i32>} : memref<128xi32, #tpu.memory_space<vmem>>, vector<16xi32>,
    %get3A_92 = arith.constant 80 : index
    %get3A_93 = tpu.vector_load %arg9[%get3A_92] {strides = array<i32>} : memref<128xi32, #tpu.memory_space<vmem>>, vector<16xi32>,
    %get3A_94 = vector.shape_cast %get3A_93 : vector<16xi32> to vector<16xi32>
    %swap3A_95 = arith.constant 80 : index
    %swap3A_96 = tpu.vector_load %arg12[%swap3A_95] {strides = array<i32>} : memref<128xi32, #tpu.memory_space<vmem>>, vector<16xi32>,
    %swap3A_97 = vector.shape_cast %swap3A_96 : vector<16xi32> to vector<16xi32>
    %swap3A_98 = vector.shape_cast %get3A_94 : vector<16xi32> to vector<16xi32>
    tpu.vector_store %arg12[%swap3A_95], %swap3A_98 {strides = array<i32>} : memref<128xi32, #tpu.memory_space<vmem>>, vector<16xi32>,
    %get3A_99 = arith.constant 96 : index
    %get3A_100 = tpu.vector_load %arg9[%get3A_99] {strides = array<i32>} : memref<128xi32, #tpu.memory_space<vmem>>, vector<16xi32>,
    %get3A_101 = vector.shape_cast %get3A_100 : vector<16xi32> to vector<16xi32>
    %swap3A_102 = arith.constant 96 : index
    %swap3A_103 = tpu.vector_load %arg12[%swap3A_102] {strides = array<i32>} : memref<128xi32, #tpu.memory_space<vmem>>, vector<16xi32>,
    %swap3A_104 = vector.shape_cast %swap3A_103 : vector<16xi32> to vector<16xi32>
    %swap3A_105 = vector.shape_cast %get3A_101 : vector<16xi32> to vector<16xi32>
    tpu.vector_store %arg12[%swap3A_102], %swap3A_105 {strides = array<i32>} : memref<128xi32, #tpu.memory_space<vmem>>, vector<16xi32>,
    %get3A_106 = arith.constant 112 : index
    %get3A_107 = tpu.vector_load %arg9[%get3A_106] {strides = array<i32>} : memref<128xi32, #tpu.memory_space<vmem>>, vector<16xi32>,
    %get3A_108 = vector.shape_cast %get3A_107 : vector<16xi32> to vector<16xi32>
    %swap3A_109 = arith.constant 112 : index
    %swap3A_110 = tpu.vector_load %arg12[%swap3A_109] {strides = array<i32>} : memref<128xi32, #tpu.memory_space<vmem>>, vector<16xi32>,
    %swap3A_111 = vector.shape_cast %swap3A_110 : vector<16xi32> to vector<16xi32>
    %swap3A_112 = vector.shape_cast %get3A_108 : vector<16xi32> to vector<16xi32>
    tpu.vector_store %arg12[%swap3A_109], %swap3A_112 {strides = array<i32>} : memref<128xi32, #tpu.memory_space<vmem>>, vector<16xi32>,
    %dma_start3A_113 = arith.constant 0 : i32
    %dma_start3A_114 = arith.constant 0 : i32
    %dma_start3A_115 = tpu.memref_slice %arg18[%dma_start3A_113, %dma_start3A_114] : memref<10016x128xf32, #tpu.memory_space<vmem_shared>> -> memref<10016x128xf32, #tpu.memory_space<vmem_shared>>
    tpu.enqueue_indirect_dma source(%arg15 : memref<128x128xf32, #tpu.memory_space<vmem>>) target(%dma_start3A_115 : memref<10016x128xf32, #tpu.memory_space<vmem_shared>>) offsets(%arg12 : memref<128xi32, #tpu.memory_space<vmem>>) semaphore(%arg25 : memref<!tpu.dma_semaphore, #tpu.memory_space<semaphore_mem>>) {add = true}
    %dma_wait3A_116 = arith.constant 0 : i32
    %dma_wait3A_117 = arith.constant 0 : i32
    %dma_wait3A_118 = tpu.memref_slice %arg18[%dma_wait3A_116, %dma_wait3A_117] : memref<10016x128xf32, #tpu.memory_space<vmem_shared>> -> memref<10016x128xf32, #tpu.memory_space<vmem_shared>>
    tpu.wait_indirect_dma semaphore(%arg26 : memref<!tpu.dma_semaphore, #tpu.memory_space<semaphore_mem>>) src(%arg16 : memref<128x128xf32, #tpu.memory_space<vmem>>) dst(%dma_wait3A_118 : memref<10016x128xf32, #tpu.memory_space<vmem_shared>>)
    %dma_wait3A_119 = arith.constant 0 : i32
    %dma_wait3A_120 = arith.constant 0 : i32
    %dma_wait3A_121 = tpu.memref_slice %arg18[%dma_wait3A_119, %dma_wait3A_120] : memref<10016x128xf32, #tpu.memory_space<vmem_shared>> -> memref<10016x128xf32, #tpu.memory_space<vmem_shared>>
    tpu.wait_indirect_dma semaphore(%arg27 : memref<!tpu.dma_semaphore, #tpu.memory_space<semaphore_mem>>) src(%arg17 : memref<128x128xf32, #tpu.memory_space<vmem>>) dst(%dma_wait3A_121 : memref<10016x128xf32, #tpu.memory_space<vmem_shared>>)
    %dma_wait3A_122 = arith.constant 0 : i32
    %dma_wait3A_123 = arith.constant 0 : i32
    %dma_wait3A_124 = tpu.memref_slice %arg18[%dma_wait3A_122, %dma_wait3A_123] : memref<10016x128xf32, #tpu.memory_space<vmem_shared>> -> memref<10016x128xf32, #tpu.memory_space<vmem_shared>>
    tpu.wait_indirect_dma semaphore(%arg25 : memref<!tpu.dma_semaphore, #tpu.memory_space<semaphore_mem>>) src(%arg15 : memref<128x128xf32, #tpu.memory_space<vmem>>) dst(%dma_wait3A_124 : memref<10016x128xf32, #tpu.memory_space<vmem_shared>>)
    %barrier3A_125 = arith.constant 0 : index
    tpu.barrier barrier_id(%barrier3A_125)
    "tpu.region"() ({
      %run_scoped3A = tpu.sem_alloc : memref<!tpu.dma_semaphore, #tpu.memory_space<semaphore_mem>>
      %dma_start3A_131 = arith.constant 0 : i32
      %dma_start3A_132 = tpu.memref_slice %arg5[%arg0, %mul3A_38, %dma_start3A_131] : memref<2x10000x128xf32, #tpu.memory_space<hbm>> -> memref<1x624x128xf32, #tpu.memory_space<hbm>>
      %dma_start3A_133 = tpu.memref_squeeze %dma_start3A_132 : memref<1x624x128xf32, #tpu.memory_space<hbm>> -> memref<624x128xf32, #tpu.memory_space<hbm>>
      %dma_start3A_134 = arith.constant 0 : i32
      %dma_start3A_135 = tpu.memref_slice %arg18[%mul3A_38, %dma_start3A_134] : memref<10016x128xf32, #tpu.memory_space<vmem_shared>> -> memref<624x128xf32, #tpu.memory_space<vmem_shared>>
      tpu.enqueue_dma source(%dma_start3A_135 : memref<624x128xf32, #tpu.memory_space<vmem_shared>>) target(%dma_start3A_133 : memref<624x128xf32, #tpu.memory_space<hbm>>) target_semaphore(%run_scoped3A : memref<!tpu.dma_semaphore, #tpu.memory_space<semaphore_mem>>)
      %dma_wait3A_136 = arith.constant 0 : i32
      %dma_wait3A_137 = tpu.memref_slice %arg5[%arg0, %mul3A_38, %dma_wait3A_136] : memref<2x10000x128xf32, #tpu.memory_space<hbm>> -> memref<1x624x128xf32, #tpu.memory_space<hbm>>
      %dma_wait3A_138 = tpu.memref_squeeze %dma_wait3A_137 : memref<1x624x128xf32, #tpu.memory_space<hbm>> -> memref<624x128xf32, #tpu.memory_space<hbm>>
      %dma_wait3A_139 = arith.constant 0 : i32
      %dma_wait3A_140 = tpu.memref_slice %arg18[%mul3A_38, %dma_wait3A_139] : memref<10016x128xf32, #tpu.memory_space<vmem_shared>> -> memref<624x128xf32, #tpu.memory_space<vmem_shared>>
      tpu.wait_dma2 semaphore(%run_scoped3A : memref<!tpu.dma_semaphore, #tpu.memory_space<semaphore_mem>>) src(%dma_wait3A_140 : memref<624x128xf32, #tpu.memory_space<vmem_shared>>) dst(%dma_wait3A_138 : memref<624x128xf32, #tpu.memory_space<hbm>>)
      tpu.yield
    }) : () -> ()
    %eq3A_126 = arith.constant 15 : i32
    %eq3A_127 = arith.cmpi eq, %arg1, %eq3A_126 : i32
    %convert_element_type3A_128 = arith.extui %eq3A_127 : i1 to i32
    %cond3A_129 = arith.constant 0 : i32
    %cond3A_130 = arith.cmpi ne, %convert_element_type3A_128, %cond3A_129 : i32
    scf.if %cond3A_130 {
      "tpu.region"() ({
        %run_scoped3A = tpu.sem_alloc : memref<!tpu.dma_semaphore, #tpu.memory_space<semaphore_mem>>
        %dma_start3A_131 = arith.constant 9984 : i32
        %dma_start3A_132 = arith.constant 0 : i32
        %dma_start3A_133 = tpu.memref_slice %arg5[%arg0, %dma_start3A_131, %dma_start3A_132] : memref<2x10000x128xf32, #tpu.memory_space<hbm>> -> memref<1x16x128xf32, #tpu.memory_space<hbm>>
        %dma_start3A_134 = tpu.memref_squeeze %dma_start3A_133 : memref<1x16x128xf32, #tpu.memory_space<hbm>> -> memref<16x128xf32, #tpu.memory_space<hbm>>
        %dma_start3A_135 = arith.constant 9984 : i32
        %dma_start3A_136 = arith.constant 0 : i32
        %dma_start3A_137 = tpu.memref_slice %arg18[%dma_start3A_135, %dma_start3A_136] : memref<10016x128xf32, #tpu.memory_space<vmem_shared>> -> memref<16x128xf32, #tpu.memory_space<vmem_shared>>
        tpu.enqueue_dma source(%dma_start3A_137 : memref<16x128xf32, #tpu.memory_space<vmem_shared>>) target(%dma_start3A_134 : memref<16x128xf32, #tpu.memory_space<hbm>>) target_semaphore(%run_scoped3A : memref<!tpu.dma_semaphore, #tpu.memory_space<semaphore_mem>>)
        %dma_wait3A_138 = arith.constant 9984 : i32
        %dma_wait3A_139 = arith.constant 0 : i32
        %dma_wait3A_140 = tpu.memref_slice %arg5[%arg0, %dma_wait3A_138, %dma_wait3A_139] : memref<2x10000x128xf32, #tpu.memory_space<hbm>> -> memref<1x16x128xf32, #tpu.memory_space<hbm>>
        %dma_wait3A_141 = tpu.memref_squeeze %dma_wait3A_140 : memref<1x16x128xf32, #tpu.memory_space<hbm>> -> memref<16x128xf32, #tpu.memory_space<hbm>>
        %dma_wait3A_142 = arith.constant 9984 : i32
        %dma_wait3A_143 = arith.constant 0 : i32
        %dma_wait3A_144 = tpu.memref_slice %arg18[%dma_wait3A_142, %dma_wait3A_143] : memref<10016x128xf32, #tpu.memory_space<vmem_shared>> -> memref<16x128xf32, #tpu.memory_space<vmem_shared>>
        tpu.wait_dma2 semaphore(%run_scoped3A : memref<!tpu.dma_semaphore, #tpu.memory_space<semaphore_mem>>) src(%dma_wait3A_144 : memref<16x128xf32, #tpu.memory_space<vmem_shared>>) dst(%dma_wait3A_141 : memref<16x128xf32, #tpu.memory_space<hbm>>)
        tpu.yield
      }) : () -> ()
    } else {
    }
    return
  }
}

module attributes {stable_mosaic.version = 14 : i64} {
  func.func @body(%arg0: i32, %arg1: memref<2000x128xf32, #tpu.memory_space<vmem>>, %arg2: memref<2000x128xf32, #tpu.memory_space<vmem>>, %arg3: memref<2000x128xf32, #tpu.memory_space<vmem>>, %arg4: memref<128x128xf32, #tpu.memory_space<vmem>>, %arg5: memref<1x128xf32, #tpu.memory_space<vmem>>, %arg6: memref<128x128xf32, #tpu.memory_space<vmem>>, %arg7: memref<1x128xf32, #tpu.memory_space<vmem>>, %arg8: memref<1x128xf32, #tpu.memory_space<vmem>>, %arg9: memref<1x128xf32, #tpu.memory_space<vmem>>, %arg10: memref<2000x128xf32, #tpu.memory_space<vmem>>) attributes {dimension_semantics = [#tpu.dimension_semantics<arbitrary>], iteration_bounds = array<i64: 5>, scalar_prefetch = 0 : i64, scratch_operands = 0 : i64, tpu.core_type = #tpu.core_type<tc>, window_params = [{transform_indices = @transform_0, window_bounds = array<i64: 2000, 128>}, {transform_indices = @transform_1, window_bounds = array<i64: 2000, 128>}, {transform_indices = @transform_2, window_bounds = array<i64: 2000, 128>}, {pipeline_mode = #tpu.pipeline_mode<synchronous>, transform_indices = @transform_3, window_bounds = array<i64: 128, 128>}, {pipeline_mode = #tpu.pipeline_mode<synchronous>, transform_indices = @transform_4, window_bounds = array<i64: 1, 128>}, {pipeline_mode = #tpu.pipeline_mode<synchronous>, transform_indices = @transform_5, window_bounds = array<i64: 128, 128>}, {pipeline_mode = #tpu.pipeline_mode<synchronous>, transform_indices = @transform_6, window_bounds = array<i64: 1, 128>}, {pipeline_mode = #tpu.pipeline_mode<synchronous>, transform_indices = @transform_7, window_bounds = array<i64: 1, 128>}, {pipeline_mode = #tpu.pipeline_mode<synchronous>, transform_indices = @transform_8, window_bounds = array<i64: 1, 128>}, {transform_indices = @transform_9, window_bounds = array<i64: 2000, 128>}]} {
    %get3A = arith.constant 0 : index
    %get3A_0 = arith.constant 0 : index
    %get3A_1 = vector.load %arg1[%get3A, %get3A_0] : memref<2000x128xf32, #tpu.memory_space<vmem>>, vector<2000x128xf32>
    %get3A_2 = arith.constant 0 : index
    %get3A_3 = arith.constant 0 : index
    %get3A_4 = vector.load %arg2[%get3A_2, %get3A_3] : memref<2000x128xf32, #tpu.memory_space<vmem>>, vector<2000x128xf32>
    %add3A = arith.addf %get3A_1, %get3A_4 : vector<2000x128xf32>
    %get3A_5 = arith.constant 0 : index
    %get3A_6 = arith.constant 0 : index
    %get3A_7 = vector.load %arg3[%get3A_5, %get3A_6] : memref<2000x128xf32, #tpu.memory_space<vmem>>, vector<2000x128xf32>
    %add3A_8 = arith.addf %add3A, %get3A_7 : vector<2000x128xf32>
    %get3A_9 = arith.constant 0 : index
    %get3A_10 = arith.constant 0 : index
    %get3A_11 = vector.load %arg4[%get3A_9, %get3A_10] : memref<128x128xf32, #tpu.memory_space<vmem>>, vector<128x128xf32>
    %dot_general3A = arith.constant dense<0.000000e+00> : vector<2000x128xf32>
    %dot_general3A_12 = tpu.matmul %add3A_8, %get3A_11, %dot_general3A {dimension_numbers = #tpu.dot_dimension_numbers<[1], [0], [0], [1], [0, 0, 1, 1], [], []>, transpose_lhs_hint = false} : vector<2000x128xf32>, vector<128x128xf32>, vector<2000x128xf32> -> vector<2000x128xf32>
    %get3A_13 = arith.constant 0 : index
    %get3A_14 = arith.constant 0 : index
    %get3A_15 = vector.load %arg5[%get3A_13, %get3A_14] : memref<1x128xf32, #tpu.memory_space<vmem>>, vector<1x128xf32>
    %add3A_16 = vector.broadcast %get3A_15 : vector<1x128xf32> to vector<2000x128xf32>
    %add3A_17 = arith.addf %dot_general3A_12, %add3A_16 : vector<2000x128xf32>
    %max3A = arith.constant 0.000000e+00 : f32
    %max3A_18 = vector.broadcast %max3A : f32 to vector<2000x128xf32>
    %max3A_19 = arith.maximumf %add3A_17, %max3A_18 : vector<2000x128xf32>
    %get3A_20 = arith.constant 0 : index
    %get3A_21 = arith.constant 0 : index
    %get3A_22 = vector.load %arg6[%get3A_20, %get3A_21] : memref<128x128xf32, #tpu.memory_space<vmem>>, vector<128x128xf32>
    %dot_general3A_23 = arith.constant dense<0.000000e+00> : vector<2000x128xf32>
    %dot_general3A_24 = tpu.matmul %max3A_19, %get3A_22, %dot_general3A_23 {dimension_numbers = #tpu.dot_dimension_numbers<[1], [0], [0], [1], [0, 0, 1, 1], [], []>, transpose_lhs_hint = false} : vector<2000x128xf32>, vector<128x128xf32>, vector<2000x128xf32> -> vector<2000x128xf32>
    %get3A_25 = arith.constant 0 : index
    %get3A_26 = arith.constant 0 : index
    %get3A_27 = vector.load %arg7[%get3A_25, %get3A_26] : memref<1x128xf32, #tpu.memory_space<vmem>>, vector<1x128xf32>
    %add3A_28 = vector.broadcast %get3A_27 : vector<1x128xf32> to vector<2000x128xf32>
    %add3A_29 = arith.addf %dot_general3A_24, %add3A_28 : vector<2000x128xf32>
    %get3A_30 = arith.constant 0 : index
    %get3A_31 = arith.constant 0 : index
    %get3A_32 = vector.load %arg8[%get3A_30, %get3A_31] : memref<1x128xf32, #tpu.memory_space<vmem>>, vector<1x128xf32>
    %mul3A = arith.constant 0.999994993 : f32
    %mul3A_33 = vector.broadcast %mul3A : f32 to vector<2000x128xf32>
    %mul3A_34 = arith.mulf %add3A_29, %mul3A_33 : vector<2000x128xf32>
    %mul3A_35 = vector.broadcast %get3A_32 : vector<1x128xf32> to vector<2000x128xf32>
    %mul3A_36 = arith.mulf %mul3A_35, %mul3A_34 : vector<2000x128xf32>
    %get3A_37 = arith.constant 0 : index
    %get3A_38 = arith.constant 0 : index
    %get3A_39 = vector.load %arg9[%get3A_37, %get3A_38] : memref<1x128xf32, #tpu.memory_space<vmem>>, vector<1x128xf32>
    %add3A_40 = vector.broadcast %get3A_39 : vector<1x128xf32> to vector<2000x128xf32>
    %add3A_41 = arith.addf %mul3A_36, %add3A_40 : vector<2000x128xf32>
    %max3A_42 = arith.constant 0.000000e+00 : f32
    %max3A_43 = vector.broadcast %max3A_42 : f32 to vector<2000x128xf32>
    %max3A_44 = arith.maximumf %add3A_41, %max3A_43 : vector<2000x128xf32>
    %add3A_45 = arith.addf %max3A_44, %get3A_1 : vector<2000x128xf32>
    %swap3A = arith.constant 0 : index
    %swap3A_46 = arith.constant 0 : index
    %swap3A_47 = vector.load %arg10[%swap3A, %swap3A_46] : memref<2000x128xf32, #tpu.memory_space<vmem>>, vector<2000x128xf32>
    tpu.vector_store %arg10[%swap3A, %swap3A_46], %add3A_45 {strides = array<i32>} : memref<2000x128xf32, #tpu.memory_space<vmem>>, vector<2000x128xf32>,
    return
  }
  func.func @transform_0(%arg0: i32) -> (i32, i32) {
    %c0_i32 = arith.constant 0 : i32
    %c0_i32_0 = arith.constant 0 : i32
    return %arg0, %c0_i32 : i32, i32
  }
  func.func @transform_1(%arg0: i32) -> (i32, i32) {
    %c0_i32 = arith.constant 0 : i32
    %c0_i32_0 = arith.constant 0 : i32
    return %arg0, %c0_i32 : i32, i32
  }
  func.func @transform_2(%arg0: i32) -> (i32, i32) {
    %c0_i32 = arith.constant 0 : i32
    %c0_i32_0 = arith.constant 0 : i32
    return %arg0, %c0_i32 : i32, i32
  }
  func.func @transform_3(%arg0: i32) -> (i32, i32) {
    %c0_i32 = arith.constant 0 : i32
    %c0_i32_0 = arith.constant 0 : i32
    %c0_i32_1 = arith.constant 0 : i32
    return %c0_i32, %c0_i32_0 : i32, i32
  }
  func.func @transform_4(%arg0: i32) -> (i32, i32) {
    %c0_i32 = arith.constant 0 : i32
    %c0_i32_0 = arith.constant 0 : i32
    %c0_i32_1 = arith.constant 0 : i32
    return %c0_i32, %c0_i32_0 : i32, i32
  }
  func.func @transform_5(%arg0: i32) -> (i32, i32) {
    %c0_i32 = arith.constant 0 : i32
    %c0_i32_0 = arith.constant 0 : i32
    %c0_i32_1 = arith.constant 0 : i32
    return %c0_i32, %c0_i32_0 : i32, i32
  }
  func.func @transform_6(%arg0: i32) -> (i32, i32) {
    %c0_i32 = arith.constant 0 : i32
    %c0_i32_0 = arith.constant 0 : i32
    %c0_i32_1 = arith.constant 0 : i32
    return %c0_i32, %c0_i32_0 : i32, i32
  }
  func.func @transform_7(%arg0: i32) -> (i32, i32) {
    %c0_i32 = arith.constant 0 : i32
    %c0_i32_0 = arith.constant 0 : i32
    %c0_i32_1 = arith.constant 0 : i32
    return %c0_i32, %c0_i32_0 : i32, i32
  }
  func.func @transform_8(%arg0: i32) -> (i32, i32) {
    %c0_i32 = arith.constant 0 : i32
    %c0_i32_0 = arith.constant 0 : i32
    %c0_i32_1 = arith.constant 0 : i32
    return %c0_i32, %c0_i32_0 : i32, i32
  }
  func.func @transform_9(%arg0: i32) -> (i32, i32) {
    %c0_i32 = arith.constant 0 : i32
    %c0_i32_0 = arith.constant 0 : i32
    return %arg0, %c0_i32 : i32, i32
  }
}

module attributes {stable_mosaic.version = 14 : i64} {
  func.func @body(%arg0: i32, %arg1: memref<2000x128xf32, #tpu.memory_space<vmem>>, %arg2: memref<2000x128xf32, #tpu.memory_space<vmem>>, %arg3: memref<2000x128xf32, #tpu.memory_space<vmem>>, %arg4: memref<128x128xf32, #tpu.memory_space<vmem>>, %arg5: memref<1x128xf32, #tpu.memory_space<vmem>>, %arg6: memref<128x128xf32, #tpu.memory_space<vmem>>, %arg7: memref<1x128xf32, #tpu.memory_space<vmem>>, %arg8: memref<1x128xf32, #tpu.memory_space<vmem>>, %arg9: memref<1x128xf32, #tpu.memory_space<vmem>>, %arg10: memref<2000x1xi32, #tpu.memory_space<vmem>>, %arg11: memref<2000x128xf32, #tpu.memory_space<vmem>>, %arg12: memref<64x128xf32, #tpu.memory_space<vmem>>, %arg13: memref<64x128xf32, #tpu.memory_space<vmem>>, %arg14: memref<64x128xf32, #tpu.memory_space<vmem>>) attributes {dimension_semantics = [#tpu.dimension_semantics<arbitrary>], iteration_bounds = array<i64: 5>, scalar_prefetch = 0 : i64, scratch_operands = 2 : i64, tpu.core_type = #tpu.core_type<tc>, window_params = [{transform_indices = @transform_0, window_bounds = array<i64: 2000, 128>}, {transform_indices = @transform_1, window_bounds = array<i64: 2000, 128>}, {transform_indices = @transform_2, window_bounds = array<i64: 2000, 128>}, {pipeline_mode = #tpu.pipeline_mode<synchronous>, transform_indices = @transform_3, window_bounds = array<i64: 128, 128>}, {pipeline_mode = #tpu.pipeline_mode<synchronous>, transform_indices = @transform_4, window_bounds = array<i64: 1, 128>}, {pipeline_mode = #tpu.pipeline_mode<synchronous>, transform_indices = @transform_5, window_bounds = array<i64: 128, 128>}, {pipeline_mode = #tpu.pipeline_mode<synchronous>, transform_indices = @transform_6, window_bounds = array<i64: 1, 128>}, {pipeline_mode = #tpu.pipeline_mode<synchronous>, transform_indices = @transform_7, window_bounds = array<i64: 1, 128>}, {pipeline_mode = #tpu.pipeline_mode<synchronous>, transform_indices = @transform_8, window_bounds = array<i64: 1, 128>}, {transform_indices = @transform_9, window_bounds = array<i64: 2000, 1>}, {transform_indices = @transform_10, window_bounds = array<i64: 2000, 128>}, {pipeline_mode = #tpu.pipeline_mode<synchronous>, transform_indices = @transform_11, window_bounds = array<i64: 64, 128>}]} {
    %eq3A = arith.constant 0 : i32
    %eq3A_0 = arith.cmpi eq, %arg0, %eq3A : i32
    %convert_element_type3A = arith.extui %eq3A_0 : i1 to i32
    %cond3A = arith.constant 0 : i32
    %cond3A_1 = arith.cmpi ne, %convert_element_type3A, %cond3A : i32
    scf.if %cond3A_1 {
      %broadcast_in_dim3A_82 = arith.constant 0.000000e+00 : f32
      %broadcast_in_dim3A_83 = vector.broadcast %broadcast_in_dim3A_82 : f32 to vector<64x128xf32>
      %swap3A_84 = arith.constant 0 : index
      %swap3A_85 = arith.constant 0 : index
      %swap3A_86 = vector.load %arg13[%swap3A_84, %swap3A_85] : memref<64x128xf32, #tpu.memory_space<vmem>>, vector<64x128xf32>
      tpu.vector_store %arg13[%swap3A_84, %swap3A_85], %broadcast_in_dim3A_83 {strides = array<i32>} : memref<64x128xf32, #tpu.memory_space<vmem>>, vector<64x128xf32>,
      %broadcast_in_dim3A_87 = arith.constant 0.000000e+00 : f32
      %broadcast_in_dim3A_88 = vector.broadcast %broadcast_in_dim3A_87 : f32 to vector<64x128xf32>
      %swap3A_89 = arith.constant 0 : index
      %swap3A_90 = arith.constant 0 : index
      %swap3A_91 = vector.load %arg14[%swap3A_89, %swap3A_90] : memref<64x128xf32, #tpu.memory_space<vmem>>, vector<64x128xf32>
      tpu.vector_store %arg14[%swap3A_89, %swap3A_90], %broadcast_in_dim3A_88 {strides = array<i32>} : memref<64x128xf32, #tpu.memory_space<vmem>>, vector<64x128xf32>,
    } else {
    }
    %get3A = arith.constant 0 : index
    %get3A_2 = arith.constant 0 : index
    %get3A_3 = vector.load %arg1[%get3A, %get3A_2] : memref<2000x128xf32, #tpu.memory_space<vmem>>, vector<2000x128xf32>
    %get3A_4 = arith.constant 0 : index
    %get3A_5 = arith.constant 0 : index
    %get3A_6 = vector.load %arg2[%get3A_4, %get3A_5] : memref<2000x128xf32, #tpu.memory_space<vmem>>, vector<2000x128xf32>
    %add3A = arith.addf %get3A_3, %get3A_6 : vector<2000x128xf32>
    %get3A_7 = arith.constant 0 : index
    %get3A_8 = arith.constant 0 : index
    %get3A_9 = vector.load %arg3[%get3A_7, %get3A_8] : memref<2000x128xf32, #tpu.memory_space<vmem>>, vector<2000x128xf32>
    %add3A_10 = arith.addf %add3A, %get3A_9 : vector<2000x128xf32>
    %get3A_11 = arith.constant 0 : index
    %get3A_12 = arith.constant 0 : index
    %get3A_13 = vector.load %arg4[%get3A_11, %get3A_12] : memref<128x128xf32, #tpu.memory_space<vmem>>, vector<128x128xf32>
    %dot_general3A = arith.constant dense<0.000000e+00> : vector<2000x128xf32>
    %dot_general3A_14 = tpu.matmul %add3A_10, %get3A_13, %dot_general3A {dimension_numbers = #tpu.dot_dimension_numbers<[1], [0], [0], [1], [0, 0, 1, 1], [], []>, transpose_lhs_hint = false} : vector<2000x128xf32>, vector<128x128xf32>, vector<2000x128xf32> -> vector<2000x128xf32>
    %get3A_15 = arith.constant 0 : index
    %get3A_16 = arith.constant 0 : index
    %get3A_17 = vector.load %arg5[%get3A_15, %get3A_16] : memref<1x128xf32, #tpu.memory_space<vmem>>, vector<1x128xf32>
    %add3A_18 = vector.broadcast %get3A_17 : vector<1x128xf32> to vector<2000x128xf32>
    %add3A_19 = arith.addf %dot_general3A_14, %add3A_18 : vector<2000x128xf32>
    %max3A = arith.constant 0.000000e+00 : f32
    %max3A_20 = vector.broadcast %max3A : f32 to vector<2000x128xf32>
    %max3A_21 = arith.maximumf %add3A_19, %max3A_20 : vector<2000x128xf32>
    %get3A_22 = arith.constant 0 : index
    %get3A_23 = arith.constant 0 : index
    %get3A_24 = vector.load %arg6[%get3A_22, %get3A_23] : memref<128x128xf32, #tpu.memory_space<vmem>>, vector<128x128xf32>
    %dot_general3A_25 = arith.constant dense<0.000000e+00> : vector<2000x128xf32>
    %dot_general3A_26 = tpu.matmul %max3A_21, %get3A_24, %dot_general3A_25 {dimension_numbers = #tpu.dot_dimension_numbers<[1], [0], [0], [1], [0, 0, 1, 1], [], []>, transpose_lhs_hint = false} : vector<2000x128xf32>, vector<128x128xf32>, vector<2000x128xf32> -> vector<2000x128xf32>
    %get3A_27 = arith.constant 0 : index
    %get3A_28 = arith.constant 0 : index
    %get3A_29 = vector.load %arg7[%get3A_27, %get3A_28] : memref<1x128xf32, #tpu.memory_space<vmem>>, vector<1x128xf32>
    %add3A_30 = vector.broadcast %get3A_29 : vector<1x128xf32> to vector<2000x128xf32>
    %add3A_31 = arith.addf %dot_general3A_26, %add3A_30 : vector<2000x128xf32>
    %get3A_32 = arith.constant 0 : index
    %get3A_33 = arith.constant 0 : index
    %get3A_34 = vector.load %arg8[%get3A_32, %get3A_33] : memref<1x128xf32, #tpu.memory_space<vmem>>, vector<1x128xf32>
    %mul3A = arith.constant 0.999994993 : f32
    %mul3A_35 = vector.broadcast %mul3A : f32 to vector<2000x128xf32>
    %mul3A_36 = arith.mulf %add3A_31, %mul3A_35 : vector<2000x128xf32>
    %mul3A_37 = vector.broadcast %get3A_34 : vector<1x128xf32> to vector<2000x128xf32>
    %mul3A_38 = arith.mulf %mul3A_37, %mul3A_36 : vector<2000x128xf32>
    %get3A_39 = arith.constant 0 : index
    %get3A_40 = arith.constant 0 : index
    %get3A_41 = vector.load %arg9[%get3A_39, %get3A_40] : memref<1x128xf32, #tpu.memory_space<vmem>>, vector<1x128xf32>
    %add3A_42 = vector.broadcast %get3A_41 : vector<1x128xf32> to vector<2000x128xf32>
    %add3A_43 = arith.addf %mul3A_38, %add3A_42 : vector<2000x128xf32>
    %max3A_44 = arith.constant 0.000000e+00 : f32
    %max3A_45 = vector.broadcast %max3A_44 : f32 to vector<2000x128xf32>
    %max3A_46 = arith.maximumf %add3A_43, %max3A_45 : vector<2000x128xf32>
    %add3A_47 = arith.addf %max3A_46, %get3A_3 : vector<2000x128xf32>
    %swap3A = arith.constant 0 : index
    %swap3A_48 = arith.constant 0 : index
    %swap3A_49 = vector.load %arg11[%swap3A, %swap3A_48] : memref<2000x128xf32, #tpu.memory_space<vmem>>, vector<2000x128xf32>
    tpu.vector_store %arg11[%swap3A, %swap3A_48], %add3A_47 {strides = array<i32>} : memref<2000x128xf32, #tpu.memory_space<vmem>>, vector<2000x128xf32>,
    %get3A_50 = arith.constant 0 : index
    %get3A_51 = arith.constant 0 : index
    %get3A_52 = vector.load %arg10[%get3A_50, %get3A_51] : memref<2000x1xi32, #tpu.memory_space<vmem>>, vector<2000x1xi32>
    %iota3A = tpu.iota {dimensions = array<i32: 1>} : vector<1x64xi32>
    %eq3A_53 = vector.broadcast %get3A_52 : vector<2000x1xi32> to vector<2000x64xi32>
    %eq3A_54 = vector.broadcast %iota3A : vector<1x64xi32> to vector<2000x64xi32>
    %eq3A_55 = arith.cmpi eq, %eq3A_53, %eq3A_54 : vector<2000x64xi32>
    %convert_element_type3A_56 = arith.extui %eq3A_55 : vector<2000x64xi1> to vector<2000x64xi32>
    %convert_element_type3A_57 = arith.sitofp %convert_element_type3A_56 : vector<2000x64xi32> to vector<2000x64xf32>
    %get3A_58 = arith.constant 0 : index
    %get3A_59 = arith.constant 0 : index
    %get3A_60 = vector.load %arg13[%get3A_58, %get3A_59] : memref<64x128xf32, #tpu.memory_space<vmem>>, vector<64x128xf32>
    %dot_general3A_61 = arith.constant dense<0.000000e+00> : vector<64x128xf32>
    %dot_general3A_62 = tpu.matmul %convert_element_type3A_57, %add3A_47, %dot_general3A_61 {dimension_numbers = #tpu.dot_dimension_numbers<[0], [0], [1], [1], [0, 1, 1, 1], [], []>, transpose_lhs_hint = false} : vector<2000x64xf32>, vector<2000x128xf32>, vector<64x128xf32> -> vector<64x128xf32>
    %add3A_63 = arith.addf %get3A_60, %dot_general3A_62 : vector<64x128xf32>
    %swap3A_64 = arith.constant 0 : index
    %swap3A_65 = arith.constant 0 : index
    %swap3A_66 = vector.load %arg13[%swap3A_64, %swap3A_65] : memref<64x128xf32, #tpu.memory_space<vmem>>, vector<64x128xf32>
    tpu.vector_store %arg13[%swap3A_64, %swap3A_65], %add3A_63 {strides = array<i32>} : memref<64x128xf32, #tpu.memory_space<vmem>>, vector<64x128xf32>,
    %get3A_67 = arith.constant 0 : index
    %get3A_68 = arith.constant 0 : index
    %get3A_69 = vector.load %arg14[%get3A_67, %get3A_68] : memref<64x128xf32, #tpu.memory_space<vmem>>, vector<64x128xf32>
    %broadcast_in_dim3A = arith.constant 1.000000e+00 : f32
    %broadcast_in_dim3A_70 = vector.broadcast %broadcast_in_dim3A : f32 to vector<2000x128xf32>
    %dot_general3A_71 = arith.constant dense<0.000000e+00> : vector<64x128xf32>
    %dot_general3A_72 = tpu.matmul %convert_element_type3A_57, %broadcast_in_dim3A_70, %dot_general3A_71 {dimension_numbers = #tpu.dot_dimension_numbers<[0], [0], [1], [1], [0, 1, 1, 1], [], []>, transpose_lhs_hint = false} : vector<2000x64xf32>, vector<2000x128xf32>, vector<64x128xf32> -> vector<64x128xf32>
    %add3A_73 = arith.addf %get3A_69, %dot_general3A_72 : vector<64x128xf32>
    %swap3A_74 = arith.constant 0 : index
    %swap3A_75 = arith.constant 0 : index
    %swap3A_76 = vector.load %arg14[%swap3A_74, %swap3A_75] : memref<64x128xf32, #tpu.memory_space<vmem>>, vector<64x128xf32>
    tpu.vector_store %arg14[%swap3A_74, %swap3A_75], %add3A_73 {strides = array<i32>} : memref<64x128xf32, #tpu.memory_space<vmem>>, vector<64x128xf32>,
    %eq3A_77 = arith.constant 4 : i32
    %eq3A_78 = arith.cmpi eq, %arg0, %eq3A_77 : i32
    %convert_element_type3A_79 = arith.extui %eq3A_78 : i1 to i32
    %cond3A_80 = arith.constant 0 : i32
    %cond3A_81 = arith.cmpi ne, %convert_element_type3A_79, %cond3A_80 : i32
    scf.if %cond3A_81 {
      %get3A_82 = arith.constant 0 : index
      %get3A_83 = arith.constant 0 : index
      %get3A_84 = vector.load %arg13[%get3A_82, %get3A_83] : memref<64x128xf32, #tpu.memory_space<vmem>>, vector<64x128xf32>
      %get3A_85 = arith.constant 0 : index
      %get3A_86 = arith.constant 0 : index
      %get3A_87 = vector.load %arg14[%get3A_85, %get3A_86] : memref<64x128xf32, #tpu.memory_space<vmem>>, vector<64x128xf32>
      %max3A_88 = arith.constant 1.000000e+00 : f32
      %max3A_89 = vector.broadcast %max3A_88 : f32 to vector<64x128xf32>
      %max3A_90 = arith.maximumf %get3A_87, %max3A_89 : vector<64x128xf32>
      %div3A = arith.divf %get3A_84, %max3A_90 : vector<64x128xf32>
      %swap3A_91 = arith.constant 0 : index
      %swap3A_92 = arith.constant 0 : index
      %swap3A_93 = vector.load %arg12[%swap3A_91, %swap3A_92] : memref<64x128xf32, #tpu.memory_space<vmem>>, vector<64x128xf32>
      tpu.vector_store %arg12[%swap3A_91, %swap3A_92], %div3A {strides = array<i32>} : memref<64x128xf32, #tpu.memory_space<vmem>>, vector<64x128xf32>,
    } else {
    }
    return
  }
  func.func @transform_0(%arg0: i32) -> (i32, i32) {
    %c0_i32 = arith.constant 0 : i32
    %c0_i32_0 = arith.constant 0 : i32
    return %arg0, %c0_i32 : i32, i32
  }
  func.func @transform_1(%arg0: i32) -> (i32, i32) {
    %c0_i32 = arith.constant 0 : i32
    %c0_i32_0 = arith.constant 0 : i32
    return %arg0, %c0_i32 : i32, i32
  }
  func.func @transform_2(%arg0: i32) -> (i32, i32) {
    %c0_i32 = arith.constant 0 : i32
    %c0_i32_0 = arith.constant 0 : i32
    return %arg0, %c0_i32 : i32, i32
  }
  func.func @transform_3(%arg0: i32) -> (i32, i32) {
    %c0_i32 = arith.constant 0 : i32
    %c0_i32_0 = arith.constant 0 : i32
    %c0_i32_1 = arith.constant 0 : i32
    return %c0_i32, %c0_i32_0 : i32, i32
  }
  func.func @transform_4(%arg0: i32) -> (i32, i32) {
    %c0_i32 = arith.constant 0 : i32
    %c0_i32_0 = arith.constant 0 : i32
    %c0_i32_1 = arith.constant 0 : i32
    return %c0_i32, %c0_i32_0 : i32, i32
  }
  func.func @transform_5(%arg0: i32) -> (i32, i32) {
    %c0_i32 = arith.constant 0 : i32
    %c0_i32_0 = arith.constant 0 : i32
    %c0_i32_1 = arith.constant 0 : i32
    return %c0_i32, %c0_i32_0 : i32, i32
  }
  func.func @transform_6(%arg0: i32) -> (i32, i32) {
    %c0_i32 = arith.constant 0 : i32
    %c0_i32_0 = arith.constant 0 : i32
    %c0_i32_1 = arith.constant 0 : i32
    return %c0_i32, %c0_i32_0 : i32, i32
  }
  func.func @transform_7(%arg0: i32) -> (i32, i32) {
    %c0_i32 = arith.constant 0 : i32
    %c0_i32_0 = arith.constant 0 : i32
    %c0_i32_1 = arith.constant 0 : i32
    return %c0_i32, %c0_i32_0 : i32, i32
  }
  func.func @transform_8(%arg0: i32) -> (i32, i32) {
    %c0_i32 = arith.constant 0 : i32
    %c0_i32_0 = arith.constant 0 : i32
    %c0_i32_1 = arith.constant 0 : i32
    return %c0_i32, %c0_i32_0 : i32, i32
  }
  func.func @transform_9(%arg0: i32) -> (i32, i32) {
    %c0_i32 = arith.constant 0 : i32
    %c0_i32_0 = arith.constant 0 : i32
    return %arg0, %c0_i32 : i32, i32
  }
  func.func @transform_10(%arg0: i32) -> (i32, i32) {
    %c0_i32 = arith.constant 0 : i32
    %c0_i32_0 = arith.constant 0 : i32
    return %arg0, %c0_i32 : i32, i32
  }
  func.func @transform_11(%arg0: i32) -> (i32, i32) {
    %c0_i32 = arith.constant 0 : i32
    %c0_i32_0 = arith.constant 0 : i32
    %c0_i32_1 = arith.constant 0 : i32
    return %c0_i32, %c0_i32_0 : i32, i32
  }
}

</mosaic_0001>

<sc_bundles>
// kernel: kernel.10.cloned.1.call-start
scs
__scs_entry_jumppad:
0x0: {  	(pc) =	sbr.rel $0x88, $3  }
0x1: {  	(tag) =	ssettag $0x0;
	lr =	simm.s32 $0x1  }
0x2: {  	[smem:$0x3F98] =	sst lr;
	_ =	strace $0xD0000000  }
0x3: {  	_ = 	snop  }
0x4: {  	_ = 	snop  }
0x5: {  	_ = 	snop  }
0x6: {  	_ = 	snop  }
0x7: {  	_ = 	snop  }
__scs_overlays_trampoline_lowered:
0x8: {  	[smem:$0x3FA7] =	sst s0  }
0x9: {  	[smem:$0x3FA8] =	sst s1  }
0xa: {  	[smem:$0x3FA9] =	sst s2  }
0xb: {  	[smem:$0x3FAA] =	sst s3  }
0xc: {  	[smem:$0x3FAB] =	sst s4  }
0xd: {  	[smem:$0x3FAC] =	sst s5  }
0xe: {  	[smem:$0x3FAD] =	sst s6  }
0xf: {  	[smem:$0x3FAE] =	sst s7  }
0x10: {  	[smem:$0x3FAF] =	sst s8  }
0x11: {  	[smem:$0x3FB0] =	sst s9;
	s0 =	simm.s32 @!p0 $0x0  }
0x12: {  	s1 =	sld [smem:$0x3F96];
	s0 =	simm.s32 @p0 $0x1  }
0x13: {  	[smem:$0x3FB1] =	sst s0;
	s0 =	simm.s32 @!p1 $0x0  }
0x14: {  	s2 =	sld [smem:$0x3F95];
	s0 =	simm.s32 @p1 $0x1  }
0x15: {  	[smem:$0x3FB2] =	sst s0;
	s0 =	simm.s32 @!p2 $0x0  }
0x16: {  	s3 =	sld [smem:$0x3FDB];
	s0 =	simm.s32 @p2 $0x1  }
0x17: {  	s4 =	simm.s32 $0x1BF5;
	[smem:$0x3FB4] =	sst s0  }
0x18: {  	s0 =	sld [smem:$0x3F97];
	_ =	swait.ge [sflag:s4], $0x0  }
0x19: {  	s7 =	sld [smem:$0x3F98]  }
0x1a: {  	s8 =	sadd.s32 $0xFFFFE003, lr  }
0x1b: {  	s9 =	sadd.s32 $0xFFFFFEF7, lr;
	s5 =	simm.s32 $0xFFFFFFFF;
	p2 =	slt.u32 s8, $0xFFFFF086  }
0x1c: {  	p1 =	slt.u32 s9, $0xF7A;
	s5 =	simm.s32 @!p2 $0x0  }
0x1d: {  	s5 =	simm.s32 @p1 $0x1;
	p0 =	seq.s32 s7, s2  }
0x1e: {  	s7 =	smul.u32 @!p0 $0xF7A, s2;
	p2 =	seq.s32 @!p0 s5, $0x0  }
0x1f: {  	s9 =	smul.u32 $0xF7A, s1;
	s8 =	simm.s32 @!p0 $0x1BF5;
	p2 =	por !p2, p0  }
0x20: {  	[sflag:s8] =	ssyncset.s32 @!p0 $0xFFFFF086;
	s6 =	sadd.s32 @!p0 s3, s7;
	s7 =	simm.s32 @!p0 $0x108  }
0x21: {  	s3 =	sadd.s32 s3, s9;
	s6 =	sadd.s32 @!p0 $0x88, s6;
	s7 =	simm.s32 @p2 $0x1082  }
0x22: {  	[simem:s7], [sflag:s8] =	dma.local @!p0 [hbm:s6], $0xF7A  }
0x23: {  	s9 =	sor.u32 $0xD0000000, s2;
	s6 =	simm.s32 $0x108;
	_ =	swait.ge @!p0 [sflag:s8], $0x0  }
0x24: {  	s3 =	sadd.s32 $0x88, s3;
	s6 =	simm.s32 @!p1 $0x1082;
	[sflag:s4] =	ssyncset.s32 $0xFFFFF086  }
0x25: {  	[simem:s6], [sflag:s4] =	dma.local [hbm:s3], $0xF7A  }
0x26: {  	[smem:$0x3F98] =	sst s1;
	(tag) =	ssettag s2;
	_ =	strace s9  }
0x27: {  	s1 =	sld [smem:$0x3FA8]  }
0x28: {  	s2 =	sld [smem:$0x3FA9]  }
0x29: {  	s4 =	sld [smem:$0x3FAB]  }
0x2a: {  	p0 =	seq.s32 s5, $0x0;
	s5 =	sld [smem:$0x3FAC]  }
0x2b: {  	s6 =	sld [smem:$0x3FAD]  }
0x2c: {  	s7 =	sld [smem:$0x3FAE]  }
0x2d: {  	s3 =	simm.s32 $0x108;
	s8 =	sld [smem:$0x3FAF]  }
0x2e: {  	s3 =	simm.s32 @!p0 $0x1082;
	s9 =	sld [smem:$0x3FB0]  }
0x2f: {  	lr =	sadd.s32 s0, s3;
	s0 =	sld [smem:$0x3FA7]  }
0x30: {  	s3 =	sld [smem:$0x3FAA]  }
0x31: {  	[smem:$0x3FB3] =	sst s10  }
0x32: {  	s10 =	sld [smem:$0x3FB1];
	_ =	sdelay $0x3  }
0x33: {  	p0 =	seq.s32 s10, $0x1;
	s10 =	sld [smem:$0x3FB3];
	_ =	sdelay $0x3  }
0x34: {  	[smem:$0x3FB3] =	sst s10  }
0x35: {  	s10 =	sld [smem:$0x3FB2];
	_ =	sdelay $0x3  }
0x36: {  	p1 =	seq.s32 s10, $0x1;
	s10 =	sld [smem:$0x3FB3];
	_ =	sdelay $0x3  }
0x37: {  	[smem:$0x3FB3] =	sst s10  }
0x38: {  	s10 =	sld [smem:$0x3FB4]  }
0x39: {  	_ = 	snop;
	(pc) =	sbr.ind lr, $3  }
0x3a: {  	_ = 	snop  }
0x3b: {  	_ = 	snop  }
0x3c: {  	p2 =	seq.s32 s10, $0x1;
	s10 =	sld [smem:$0x3FB3]  }
0x3d: {  	_ =	shalt  }
0x3e: {  	_ =	shalt  }
0x3f: {  	_ =	shalt  }
0x40: {  	_ =	shalt  }
0x41: {  	_ =	shalt  }
0x42: {  	_ =	shalt  }
0x43: {  	_ =	shalt  }
0x44: {  	_ =	shalt  }
0x45: {  	_ =	shalt  }
0x46: {  	_ =	shalt  }
0x47: {  	_ =	shalt  }
0x48: {  	_ =	shalt  }
0x49: {  	_ =	shalt  }
0x4a: {  	_ =	shalt  }
0x4b: {  	_ =	shalt  }
0x4c: {  	_ =	shalt  }
0x4d: {  	_ =	shalt  }
0x4e: {  	_ =	shalt  }
0x4f: {  	_ =	shalt  }
0x50: {  	_ =	shalt  }
0x51: {  	_ =	shalt  }
0x52: {  	_ =	shalt  }
0x53: {  	_ =	shalt  }
0x54: {  	_ =	shalt  }
0x55: {  	_ =	shalt  }
0x56: {  	_ =	shalt  }
0x57: {  	_ =	shalt  }
0x58: {  	_ =	shalt  }
0x59: {  	_ =	shalt  }
0x5a: {  	_ =	shalt  }
0x5b: {  	_ =	shalt  }
0x5c: {  	_ =	shalt  }
0x5d: {  	_ =	shalt  }
0x5e: {  	_ =	shalt  }
0x5f: {  	_ =	shalt  }
0x60: {  	_ =	shalt  }
0x61: {  	_ =	shalt  }
0x62: {  	_ =	shalt  }
0x63: {  	_ =	shalt  }
0x64: {  	_ =	shalt  }
0x65: {  	_ =	shalt  }
0x66: {  	_ =	shalt  }
0x67: {  	_ =	shalt  }
0x68: {  	_ =	shalt  }
0x69: {  	_ =	shalt  }
0x6a: {  	_ =	shalt  }
0x6b: {  	_ =	shalt  }
0x6c: {  	_ =	shalt  }
0x6d: {  	_ =	shalt  }
0x6e: {  	_ =	shalt  }
0x6f: {  	_ =	shalt  }
0x70: {  	_ =	shalt  }
0x71: {  	_ =	shalt  }
0x72: {  	_ =	shalt  }
0x73: {  	_ =	shalt  }
0x74: {  	_ =	shalt  }
0x75: {  	_ =	shalt  }
0x76: {  	_ =	shalt  }
0x77: {  	_ =	shalt  }
0x78: {  	_ =	shalt  }
0x79: {  	_ =	shalt  }
0x7a: {  	_ =	shalt  }
0x7b: {  	_ =	shalt  }
0x7c: {  	_ =	shalt  }
0x7d: {  	_ =	shalt  }
0x7e: {  	_ =	shalt  }
0x7f: {  	_ =	shalt  }
0x80: {  	_ =	shalt  }
0x81: {  	_ =	shalt  }
0x82: {  	_ =	shalt  }
0x83: {  	_ =	shalt  }
0x84: {  	_ =	shalt  }
0x85: {  	_ =	shalt  }
0x86: {  	_ =	shalt  }
0x87: {  	_ =	shalt  }
.Lfunc_end0:
.L_simem_size_0:
called_computation_lowered:
.L_overlay_start_0:
0x88: {  	s2 =	sld [smem:$0x3FD9]  }
0x89: {  	s3 =	sld [smem:$0x3FFE];
	_ =	sdelay $0x1  }
0x8a: {  	s1 =	srdreg.scid  }
0x8b: {  	s0 =	sand.u32 $0x1, s1  }
0x8c: {  	s17 =	sshll.u32 s0, $0xA;
	s2 =	sadd.s32 s3, s2  }
0x8d: {  	s2 =	sadd.s32 s2, s17  }
0x8e: {  	[smem:$0x3FBF] =	sst s2  }
0x8f: {  	_ = 	snop  }
0x90: {  	s2 =	sld [smem:$0x3FC9];
	(tm) =	ssettm $0x1  }
0x91: {  	s18 =	sld [smem:$0x3FFB];
	_ =	sdelay $0x3  }
0x92: {  	_ =	strace s18  }
0x93: {  	s3 =	sld [smem:$0x3FFC];
	_ =	sdelay $0x3  }
0x94: {  	_ =	strace s3  }
0x95: {  	s3 =	sld [smem:$0x3FFD];
	_ =	sdelay $0x3  }
0x96: {  	_ =	strace s3  }
0x97: {  	_ =	strace $0x8FFFFFFF  }
0x98: {  	s19 =	sld [smem:$0x3FDB];
	_ =	sdelay $0x1  }
0x99: {  	s4 =	simm.s32 $_scs_section_size  }
0x9a: {  	s5 =	simm.s32 $_size__tile_overlayer_lowered;
	s6 =	simm.s32 $_tile_overlayer_lowered  }
0x9b: {  	s22 =	simm.s32 $0x1BFF;
	s21 =	sshll.u32 s6, $0x1;
	s3 =	sadd.s32 s4, s19  }
0x9c: {  	s7 =	simm.s32 $0x0;
	s20 =	sshll.u32 s5, $0x1;
	s5 =	sadd.s32 s21, s3  }
0x9d: {  	[timem:s7], [sflag:s22] =	dma.local [hbm:s5], s20  }
0x9e: {  	_ =	swait.ge [sflag:s22], s20  }
0x9f: {  	s4 =	ssub.s32 $0x0, s20;
	[sflag:s22] =	ssyncset.done $0x0  }
0xa0: {  	[sflag:s22] =	ssyncadd.s32 s4;
	_ =	sdelay $0x1  }
0xa1: {  	s23 =	simm.s32 $0x1B8B  }
0xa2: {  	_ =	swait.ge [sflag:s23], $0x1  }
0xa3: {  	[sflag:s23] =	ssyncset.done $0x0  }
0xa4: {  	s25 =	simm.s32 $0x1B8E;
	s24 =	sld [smem:$0x3FFE];
	[sflag:s23] =	ssyncadd.s32 $0xFFFFFFFF  }
0xa5: {  	s26 =	simm.s32 $execute0_lowered;
	[smem:$0x3FD2] =	sst s25  }
0xa6: {  	s5 =	sshll.u32 s26, $0x1;
	_ =	strace $0x80000046;
	[dreg:$0x1] =	wrdreg $0xFFFFFFFF  }
0xa7: {  	s28 =	simm.s32 $_size_execute0_lowered;
	s3 =	sadd.s32 s3, s5;
	[dreg:$0x0] =	wrdreg $0x0  }
0xa8: {  	s5 =	sshll.u32 s28, $0x1;
	[dreg:$0x2] =	wrdreg s3  }
0xa9: {  	[dreg:$0x3] =	wrdreg s5  }
0xaa: {  	[dreg:$0x4] =	wrdreg $0xC0  }
0xab: {  	_ =	task [dreg:s7], $0x5FFFF  }
0xac: {  	[dreg:$0x1] =	wrdreg $0xFFFFFFFF  }
0xad: {  	[dreg:$0x0] =	wrdreg $0x60  }
0xae: {  	[dreg:$0x2] =	wrdreg s2  }
0xaf: {  	[dreg:$0x3] =	wrdreg s24  }
0xb0: {  	[dreg:$0x4] =	wrdreg $0xC4800  }
0xb1: {  	[dreg:$0x5] =	wrdreg $0x9  }
0xb2: {  	_ =	task.clear_ibuf [dreg:s7], $0x6FFFF;
	_ =	strace $0x90000046  }
0xb3: {  	s29 =	simm.s32 $0x9;
	_ =	strace $0x80000048  }
0xb4: {  	_ =	swait.ge [sflag:s29], $0x1  }
0xb5: {  	[sflag:s29] =	ssyncadd.s32 $0xFFFFFFFF  }
0xb6: {  	_ =	strace $0x90000048  }
0xb7: {  	_ =	sfence  }
0xb8: {  	s30 =	sld [smem:$0x0];
	_ =	sdelay $0x2  }
0xb9: {  	s31 =	sshll.u32 s1, $0xD;
	s1 =	sshrl.u32 s1, $0x2  }
0xba: {  	s3 =	sand.u32 $0x4000, s31;
	s1 =	sadd.s32 s1, s30  }
0xbb: {  	s0 =	sor.u32 s3, s0;
	s1 =	sshll.u32 s1, $0x11  }
0xbc: {  	s0 =	sor.u32 s1, s0  }
0xbd: {  	s0 =	sadd.s32 $0x8F2B, s0  }
0xbe: {  	[sflag:s0] =	ssyncadd.remote.s32 $0x1  }
0xbf: {  	_ =	sfence.sel $0xFFFF  }
0xc0: {  	[dreg:$0x0] =	wrdreg $0xFFFFFFFF;
	(pc) =	sbr.abs _section_cstart, $3  }
0xc1: {  	[dreg:$0x1] =	wrdreg $0xFFFFFFFF  }
0xc2: {  	_ =	task.clear_ibuf [dreg:s7], $0x2FFFF;
	_ =	strace $0x9FFFFFFF  }
0xc3: {  	(tm) =	ssettm $0x7FFFFFFF  }
tec
execute0_lowered:
.L_overlay_start_1:
0x0: {  	(tag) =	ssettag $0x1  }
0x1: {  	s1 =	rddreg [dreg:$0x0]  }
0x2: {  	s0 =	srdreg.scid;
	s2 =	rddreg [dreg:$0x1]  }
0x3: {  	s12 =	stileid.u32;
	s3 =	rddreg [dreg:$0x2];
	s29 =	simm.s32 $0x100  }
0x4: {  	s30 =	simm.s32 $0x280;
	s31 =	simm.s32 $0x8480;
	s14 =	smul.u32 $0x4E000, s12  }
0x5: {  	s28 =	simm.s32 $0x1;
	s0 =	sand.u32 $0x1, s0;
	s18 =	smul.u32 $0x13800, s12  }
0x6: {  	s4 =	sshll.u32 s12, $0x1;
	s7 =	sadd.s32 $0x4C00, s2;
	s23 =	smul.u32 $0x9E0, s12  }
0x7: {  	s9 =	sadd.s32 $0xEA00, s2;
	s2 =	sadd.s32 $0x18800, s2;
	s17 =	smul.u32 $0x138800, s0  }
0x8: {  	s5 =	sor.u32 s0, s4;
	s10 =	ssub.s32 $0x2, s0;
	s0 =	smul.u32 $0x4F0, s0  }
0x9: {  	p0 =	sne.s32 s12, $0xF;
	s4 =	simm.s32 $0x0;
	s6 =	smul.u32 $0x2780, s5  }
0xa: {  	s12 =	simm.s32 $0x0;
	[smem:$0x7FF] =	sst s4;
	s5 =	smul.u32 $0x380, s5  }
0xb: {  	s26 =	sshrl.u32 s10, $0x1;
	s16 =	sshrl.u32 s14, $0x2;
	s24 =	sadd.s32 s23, s7  }
0xc: {  	s8 =	sand.u32 $0x7FC00, s6;
	s5 =	sand.u32 $0x380, s5;
	s6 =	sshrl.u32 s6, $0x3  }
0xd: {  	_ =	strace $0x80000047;
	s5 =	sor.u32 s5, s8;
	s15 =	sadd.s32 $0x20, s6  }
0xe: {  	s8 =	ssub.s32 s10, s26;
	s13 =	sadd.s32 $0x10, s6;
	s6 =	sadd.s32 s7, s15  }
0xf: {  	s5 =	sshrl.u32 s5, $0x3;
	s26 =	smax.u32 s8, $0x1;
	[dreg:$0x8] =	wrdreg s6  }
0x10: {  	s25 =	sadd.s32 s23, s9;
	s11 =	sadd.s32 s7, s5;
	[dreg:$0x10] =	wrdreg s26  }
0x11: {  	s23 =	simm.s32 $0x180;
	s5 =	sadd.s32 s9, s5;
	[dreg:$0x4] =	wrdreg s11  }
0x12: {  	s22 =	sshrl.u32 s17, $0x3;
	[dreg:$0x5] =	wrdreg s5;
	s11 =	sadd.s32 s7, s13  }
0x13: {  	s10 =	simm.s32 $0x9;
	s5 =	sadd.s32 s9, s13;
	[dreg:$0x6] =	wrdreg s11  }
0x14: {  	[dreg:$0x7] =	wrdreg s5;
	s5 =	sadd.s32 s9, s15;
	s11 =	sadd.s32 s16, s3  }
0x15: {  	s8 =	simm.s32 $0x400;
	[dreg:$0x9] =	wrdreg s5;
	s6 =	sadd.s32 $0x4000, s11  }
0x16: {  	s26 =	simm.s32 $0x300;
	s19 =	sadd.s32 $0x8000, s11;
	[dreg:$0xa] =	wrdreg s6  }
0x17: {  	s7 =	simm.s32 $0x6;
	s20 =	sadd.s32 $0xC000, s11;
	[dreg:$0xb] =	wrdreg s19  }
0x18: {  	s21 =	sadd.s32 $0x10000, s11;
	s5 =	sadd.s32 s18, s17;
	[dreg:$0xc] =	wrdreg s20  }
0x19: {  	s16 =	sadd.s32 $0x138000, s3;
	[dreg:$0xd] =	wrdreg s21;
	s5 =	sshrl.u32 s5, $0x3  }
.Ltmp0:
0x1a: {  	s20 =	sadd.s32 s0, s24;
	s21 =	sadd.s32 s0, s25;
	(pc) =	sbr.rel .LBB2_1-.Ltmp0, $4  }
0x1b: {  	s24 =	simm.s32 $0x80;
	s25 =	simm.s32 $0x480;
	s0 =	simm.s32 $0x4  }
0x1c: {  	s6 =	simm.s32 $0x5;
	s5 =	sadd.s32 s2, s5;
	s2 =	sadd.s32 s2, s22  }
0x1d: {  	s22 =	simm.s32 $0xA;
	[dreg:$0xe] =	wrdreg s5;
	s2 =	sadd.s32 $0x27000, s2  }
0x1e: {  	v0 =	vimm.f32 $0.0e+00;
	s5 =	simm.s32 $0x7;
	[dreg:$0xf] =	wrdreg s2;
	s2 =	simm.s32 $0x3  }
.LBB2_6:
0x1f: {  	[spmem:s3] =	stream.indirect.scatter.add.f32 [tilespmem:s31], [sflag:$0x9], $0x80, s8, s24, $0xb8;
	[tilespmem:$0x1FD80] =	vst v63  }
0x20: {  	_ =	swait.ge [sflag:s0], $0x4000  }
0x21: {  	[sflag:s0] =	ssyncset.done $0x0  }
0x22: {  	[sflag:s0] =	ssyncadd.s32 $0xFFFFC000  }
0x23: {  	v1 =	vld [tilespmem:$0x180]  }
0x24: {  	v2 =	vld [tilespmem:$0x190]  }
0x25: {  	v3 =	vld [tilespmem:$0x1A0]  }
0x26: {  	v4 =	vld [tilespmem:$0x1B0]  }
0x27: {  	v5 =	vld [tilespmem:$0x1C0]  }
0x28: {  	[tilespmem:$0x300] =	vst v1;
	v1 =	vld [tilespmem:$0x1D0]  }
0x29: {  	[tilespmem:$0x310] =	vst v2;
	v2 =	vld [tilespmem:$0x1E0]  }
0x2a: {  	[tilespmem:$0x320] =	vst v3;
	v3 =	vld [tilespmem:$0x1F0]  }
0x2b: {  	[tilespmem:$0x330] =	vst v4  }
0x2c: {  	[tilespmem:$0x340] =	vst v5  }
0x2d: {  	[tilespmem:$0x350] =	vst v1  }
0x2e: {  	[tilespmem:$0x360] =	vst v2  }
0x2f: {  	s9 =	simm.s32 $0x8;
	[tilespmem:$0x370] =	vst v3  }
0x30: {  	[spmem:s3] =	stream.indirect.scatter.add.f32 [tilespmem:s25], [sflag:$0x7], $0x80, s26, s24, $0xb8;
	[tilespmem:$0x1FD80] =	vst v63  }
0x31: {  	_ =	swait.ge [sflag:s9], $0x4000  }
0x32: {  	[sflag:s9] =	ssyncset.done $0x0  }
0x33: {  	[sflag:s9] =	ssyncadd.s32 $0xFFFFC000  }
0x34: {  	_ =	swait.ge [sflag:s10], $0x4000  }
0x35: {  	[sflag:s10] =	ssyncset.done $0x0  }
0x36: {  	[sflag:s10] =	ssyncadd.s32 $0xFFFFC000  }
0x37: {  	_ =	swait.ge [sflag:s5], $0x4000  }
0x38: {  	[sflag:s5] =	ssyncset.done $0x0  }
0x39: {  	s18 =	stileid.u32;
	[sflag:s5] =	ssyncadd.s32 $0xFFFFC000  }
0x3a: {  	s9 =	sshll.u32 s18, $0x6;
	[bflag:$0x0] =	sbarrier.arrive $0xFFFF  }
0x3b: {  	s13 =	sshrl.u32 s11, $0x3;
	s9 =	sor.u32 $0x1C0A, s9;
	s14 =	rddreg [dreg:$0xe]  }
0x3c: {  	[hbm:s14], [sflag:s9] =	dma.local [spmem:s13], $0x2700  }
0x3d: {  	_ =	swait.ge [sflag:s22], $0x2700  }
0x3e: {  	[sflag:s22] =	ssyncset.done $0x0  }
0x3f: {  	s13 =	sshrl.u32 @!p0 s16, $0x3;
	s14 =	rddreg [dreg:$0xf];
	[sflag:s22] =	ssyncadd.s32 $0xFFFFD900  }
0x40: {  	[hbm:s14], [sflag:s9] =	dma.local @!p0 [spmem:s13], $0x100  }
0x41: {  	s9 =	simm.s32 @!p0 $0xA  }
0x42: {  	_ =	swait.ge @!p0 [sflag:s9], $0x100  }
0x43: {  	s12 =	sadd.s32 $0x1, s12;
	s19 =	rddreg [dreg:$0x10]  }
0x44: {  	p1 =	sne.s32 s12, s19  }
.Ltmp1:
0x45: {  	_ = 	snop;
	(pc) =	sbr.rel @!p1 .LBB2_7-.Ltmp1, $3  }
0x46: {  	_ =	sdelay $0x1  }
0x47: {  	[sflag:s9] =	ssyncset.done @!p0 $0x0  }
0x48: {  	[sflag:s9] =	ssyncadd.s32 @!p0 $0xFFFFFF00  }
.LBB2_1:
0x49: {  	s9 =	rddreg [dreg:$0x4]  }
0x4a: {  	[tilespmem:s4], [sflag:$0xA] =	stream.linear.gather [hbm4b:s9+s4], $0x80, $0x38;
	[tilespmem:$0x1FD80] =	vst v63  }
0x4b: {  	_ =	swait.ge [sflag:s22], $0x80  }
0x4c: {  	[sflag:s22] =	ssyncset.done $0x0  }
0x4d: {  	s13 =	rddreg [dreg:$0x5];
	[sflag:s22] =	ssyncadd.s32 $0xFFFFFF80  }
0x4e: {  	[tilespmem:s23], [sflag:$0xA] =	stream.linear.gather [hbm4b:s13+s4], $0x80, $0x38;
	[tilespmem:$0x1FD80] =	vst v63  }
0x4f: {  	_ =	swait.ge [sflag:s22], $0x80  }
0x50: {  	[sflag:s22] =	ssyncset.done $0x0  }
0x51: {  	[sflag:s22] =	ssyncadd.s32 $0xFFFFFF80  }
0x52: {  	[tilespmem:s25], [sflag:$0x4] =	stream.indirect.gather [hbm4b:s1+s24], $0x80, s4, s24, $0xb8;
	[tilespmem:$0x1FD80] =	vst v63  }
0x53: {  	s14 =	rddreg [dreg:$0x6]  }
0x54: {  	[tilespmem:s24], [sflag:$0xA] =	stream.linear.gather [hbm4b:s14+s4], $0x80, $0x38;
	[tilespmem:$0x1FD80] =	vst v63  }
0x55: {  	_ =	swait.ge [sflag:s22], $0x80  }
0x56: {  	[sflag:s22] =	ssyncset.done $0x0  }
0x57: {  	s13 =	simm.s32 $0x200;
	s15 =	rddreg [dreg:$0x7];
	[sflag:s22] =	ssyncadd.s32 $0xFFFFFF80  }
0x58: {  	[tilespmem:s13], [sflag:$0xA] =	stream.linear.gather [hbm4b:s15+s4], $0x80, $0x38;
	[tilespmem:$0x1FD80] =	vst v63  }
0x59: {  	_ =	swait.ge [sflag:s22], $0x80  }
0x5a: {  	[sflag:s22] =	ssyncset.done $0x0  }
0x5b: {  	s17 =	simm.s32 $0x4480;
	[sflag:s22] =	ssyncadd.s32 $0xFFFFFF80  }
0x5c: {  	[tilespmem:s17], [sflag:$0x5] =	stream.indirect.gather [hbm4b:s1+s24], $0x80, s24, s24, $0xb8;
	[tilespmem:$0x1FD80] =	vst v63  }
0x5d: {  	s18 =	rddreg [dreg:$0x8]  }
0x5e: {  	[tilespmem:s29], [sflag:$0x3] =	stream.linear.gather [hbm4b:s18+s4], $0x80, $0x38;
	[tilespmem:$0x1FD80] =	vst v63  }
0x5f: {  	s14 =	simm.s32 $0x200;
	s13 =	simm.s32 $0x0;
	s19 =	rddreg [dreg:$0x9]  }
0x60: {  	[tilespmem:s30], [sflag:$0x3] =	stream.linear.gather [hbm4b:s19+s4], $0x80, $0x38;
	[tilespmem:$0x1FD80] =	vst v63  }
.LBB2_2:
0x61: {  	p1 =	sne.s32 s14, $0xFE00;
	[tilespmem:s13+$0x84F0] =	vst v0  }
0x62: {  	[tilespmem:s13+$0x8480] =	vst v0  }
0x63: {  	[tilespmem:s13+$0x8490] =	vst v0  }
.Ltmp2:
0x64: {  	[tilespmem:s13+$0x84A0] =	vst v0;
	(pc) =	sbr.rel @p1 .LBB2_2-.Ltmp2, $4  }
0x65: {  	[tilespmem:s13+$0x84B0] =	vst v0  }
0x66: {  	[tilespmem:s13+$0x84C0] =	vst v0  }
0x67: {  	[tilespmem:s13+$0x84D0] =	vst v0  }
0x68: {  	[tilespmem:s13+$0x84E0] =	vst v0;
	s13 =	sshra.s32 s14, $0x2;
	s14 =	sadd.s32 $0x200, s14  }
0x69: {  	[tilespmem:s13+$0x84F0] =	vst v0  }
0x6a: {  	[tilespmem:s13+$0x8480] =	vst v0  }
0x6b: {  	[tilespmem:s13+$0x8490] =	vst v0  }
0x6c: {  	[tilespmem:s13+$0x84A0] =	vst v0  }
0x6d: {  	[tilespmem:s13+$0x84B0] =	vst v0  }
0x6e: {  	[tilespmem:s13+$0x84C0] =	vst v0  }
0x6f: {  	[tilespmem:s13+$0x84D0] =	vst v0  }
0x70: {  	[tilespmem:s13+$0x84E0] =	vst v0  }
0x71: {  	[spmem:s11] =	stream.linear.scatter [tilespmem:s31], [sflag:$0xA], $0x4000, $0x38;
	[tilespmem:$0x1FD80] =	vst v63  }
0x72: {  	_ =	swait.ge [sflag:s22], $0x4000  }
0x73: {  	[sflag:s22] =	ssyncset.done $0x0  }
0x74: {  	s9 =	rddreg [dreg:$0xa];
	[sflag:s22] =	ssyncadd.s32 $0xFFFFC000  }
0x75: {  	[spmem:s9] =	stream.linear.scatter [tilespmem:s31], [sflag:$0xA], $0x4000, $0x38;
	[tilespmem:$0x1FD80] =	vst v63  }
0x76: {  	_ =	swait.ge [sflag:s22], $0x4000  }
0x77: {  	[sflag:s22] =	ssyncset.done $0x0  }
0x78: {  	s17 =	rddreg [dreg:$0xb];
	[sflag:s22] =	ssyncadd.s32 $0xFFFFC000  }
0x79: {  	[spmem:s17] =	stream.linear.scatter [tilespmem:s31], [sflag:$0xA], $0x4000, $0x38;
	[tilespmem:$0x1FD80] =	vst v63  }
0x7a: {  	_ =	swait.ge [sflag:s22], $0x4000  }
0x7b: {  	[sflag:s22] =	ssyncset.done $0x0  }
0x7c: {  	s18 =	rddreg [dreg:$0xc];
	[sflag:s22] =	ssyncadd.s32 $0xFFFFC000  }
0x7d: {  	[spmem:s18] =	stream.linear.scatter [tilespmem:s31], [sflag:$0xA], $0x4000, $0x38;
	[tilespmem:$0x1FD80] =	vst v63  }
0x7e: {  	_ =	swait.ge [sflag:s22], $0x4000  }
0x7f: {  	[sflag:s22] =	ssyncset.done $0x0  }
0x80: {  	s19 =	rddreg [dreg:$0xd];
	[sflag:s22] =	ssyncadd.s32 $0xFFFFC000  }
0x81: {  	[spmem:s19] =	stream.linear.scatter [tilespmem:s31], [sflag:$0xA], $0x3800, $0x38;
	[tilespmem:$0x1FD80] =	vst v63  }
0x82: {  	_ =	swait.ge [sflag:s22], $0x3800  }
0x83: {  	[sflag:s22] =	ssyncset.done $0x0  }
0x84: {  	s13 =	simm.s32 @!p0 $0x8480;
	[sflag:s22] =	ssyncadd.s32 $0xFFFFC800  }
0x85: {  	[spmem:s16] =	stream.linear.scatter @!p0 [tilespmem:s13], [sflag:$0xA], $0x1000, $0x38;
	[tilespmem:$0x1FD80] =	vst v63  }
0x86: {  	s13 =	simm.s32 @!p0 $0xA  }
0x87: {  	_ =	swait.ge @!p0 [sflag:s13], $0x1000  }
0x88: {  	[sflag:s13] =	ssyncset.done @!p0 $0x0  }
0x89: {  	[sflag:s13] =	ssyncadd.s32 @!p0 $0xFFFFF000  }
0x8a: {  	s13 =	simm.s32 $0x0;
	[bflag:$0x0] =	sbarrier.arrive $0xFFFF  }
.LBB2_4:
0x8b: {  	_ =	swait.ge [sflag:s2], $0x80  }
0x8c: {  	[sflag:s2] =	ssyncset.done $0x0  }
0x8d: {  	[sflag:s2] =	ssyncadd.s32 $0xFFFFFF80  }
0x8e: {  	_ =	swait.ge [sflag:s2], $0x80  }
0x8f: {  	p1 =	seq.s32 s13, $0x0;
	[sflag:s2] =	ssyncset.done $0x0  }
0x90: {  	s14 =	simm.s32 @!p1 $0x9;
	[sflag:s2] =	ssyncadd.s32 $0xFFFFFF80  }
0x91: {  	_ =	swait.ge @!p1 [sflag:s14], $0x4000  }
0x92: {  	[sflag:s14] =	ssyncset.done @!p1 $0x0  }
0x93: {  	[sflag:s14] =	ssyncadd.s32 @!p1 $0xFFFFC000  }
0x94: {  	[tilespmem:s31], [sflag:$0x6] =	stream.indirect.gather [hbm4b:s1+s24], $0x80, s29, s24, $0xb8;
	[tilespmem:$0x1FD80] =	vst v63  }
0x95: {  	_ =	swait.ge [sflag:s0], $0x4000  }
0x96: {  	[sflag:s0] =	ssyncset.done $0x0  }
0x97: {  	[sflag:s0] =	ssyncadd.s32 $0xFFFFC000  }
0x98: {  	v1 =	vld [tilespmem:$0x180]  }
0x99: {  	v2 =	vld [tilespmem:$0x190]  }
0x9a: {  	v3 =	vld [tilespmem:$0x1A0]  }
0x9b: {  	v4 =	vld [tilespmem:$0x1B0]  }
0x9c: {  	v5 =	vld [tilespmem:$0x1C0]  }
0x9d: {  	[tilespmem:$0x300] =	vst v1;
	v1 =	vld [tilespmem:$0x1D0]  }
0x9e: {  	[tilespmem:$0x310] =	vst v2;
	v2 =	vld [tilespmem:$0x1E0]  }
0x9f: {  	[tilespmem:$0x320] =	vst v3;
	v3 =	vld [tilespmem:$0x1F0]  }
0xa0: {  	[tilespmem:$0x330] =	vst v4  }
0xa1: {  	[tilespmem:$0x340] =	vst v5  }
0xa2: {  	[tilespmem:$0x350] =	vst v1  }
0xa3: {  	s14 =	sadd.s32 s13, s20;
	[tilespmem:$0x360] =	vst v2  }
0xa4: {  	s15 =	sadd.s32 $0x30, s14;
	[tilespmem:$0x370] =	vst v3  }
0xa5: {  	[tilespmem:s4], [sflag:$0x1] =	stream.linear.gather [hbm4b:s15+s4], $0x80, $0x38;
	[tilespmem:$0x1FD80] =	vst v63  }
0xa6: {  	s15 =	sadd.s32 s13, s21  }
0xa7: {  	s17 =	sadd.s32 $0x30, s15  }
0xa8: {  	[tilespmem:s23], [sflag:$0x1] =	stream.linear.gather [hbm4b:s17+s4], $0x80, $0x38;
	[tilespmem:$0x1FD80] =	vst v63  }
0xa9: {  	_ = 	snop  }
0xaa: {  	[spmem:s3] =	stream.indirect.scatter.add.f32 [tilespmem:s25], [sflag:$0x7], $0x80, s26, s24, $0xb8;
	[tilespmem:$0x1FD80] =	vst v63  }
0xab: {  	_ =	swait.ge [sflag:s28], $0x80  }
0xac: {  	[sflag:s28] =	ssyncset.done $0x0  }
0xad: {  	[sflag:s28] =	ssyncadd.s32 $0xFFFFFF80  }
0xae: {  	_ =	swait.ge [sflag:s28], $0x80  }
0xaf: {  	[sflag:s28] =	ssyncset.done $0x0  }
0xb0: {  	[sflag:s28] =	ssyncadd.s32 $0xFFFFFF80  }
0xb1: {  	_ =	swait.ge [sflag:s5], $0x4000  }
0xb2: {  	[sflag:s5] =	ssyncset.done $0x0  }
0xb3: {  	[sflag:s5] =	ssyncadd.s32 $0xFFFFC000  }
0xb4: {  	[tilespmem:s25], [sflag:$0x4] =	stream.indirect.gather [hbm4b:s1+s24], $0x80, s4, s24, $0xb8;
	[tilespmem:$0x1FD80] =	vst v63  }
0xb5: {  	_ =	swait.ge [sflag:s6], $0x4000  }
0xb6: {  	[sflag:s6] =	ssyncset.done $0x0  }
0xb7: {  	[sflag:s6] =	ssyncadd.s32 $0xFFFFC000  }
0xb8: {  	v1 =	vld [tilespmem:$0x200]  }
0xb9: {  	v2 =	vld [tilespmem:$0x210]  }
0xba: {  	v3 =	vld [tilespmem:$0x220]  }
0xbb: {  	v60 =	vld [tilespmem:$0x230]  }
0xbc: {  	v61 =	vld [tilespmem:$0x240]  }
0xbd: {  	[tilespmem:$0x380] =	vst v1;
	v1 =	vld [tilespmem:$0x250]  }
0xbe: {  	[tilespmem:$0x390] =	vst v2;
	v2 =	vld [tilespmem:$0x260]  }
0xbf: {  	[tilespmem:$0x3A0] =	vst v3;
	v3 =	vld [tilespmem:$0x270]  }
0xc0: {  	[tilespmem:$0x3B0] =	vst v60  }
0xc1: {  	[tilespmem:$0x3C0] =	vst v61  }
0xc2: {  	[tilespmem:$0x3D0] =	vst v1  }
0xc3: {  	p1 =	seq.s32 s13, $0x4B0;
	[tilespmem:$0x3E0] =	vst v2  }
0xc4: {  	s18 =	simm.s32 @p1 $0x380;
	s19 =	simm.s32 @p1 $0x4480;
	s17 =	simm.s32 @p1 $0x80;
	[tilespmem:$0x3F0] =	vst v3  }
0xc5: {  	[spmem:s3] =	stream.indirect.scatter.add.f32 @p1 [tilespmem:s19], [sflag:$0x8], $0x80, s18, s17, $0xb8;
	[tilespmem:$0x1FD80] =	vst v63  }
0xc6: {  	s17 =	sadd.s32 @!p1 s13, s20  }
0xc7: {  	s18 =	simm.s32 @!p1 $0x0;
	s19 =	simm.s32 @!p1 $0x80;
	s17 =	sadd.s32 @!p1 $0x40, s17  }
0xc8: {  	[tilespmem:s19], [sflag:$0x2] =	stream.linear.gather @!p1 [hbm4b:s17+s18], $0x80, $0x38;
	[tilespmem:$0x1FD80] =	vst v63  }
0xc9: {  	s17 =	sadd.s32 @!p1 s13, s21  }
0xca: {  	s9 =	simm.s32 @!p1 $0x200;
	s17 =	sadd.s32 @!p1 $0x40, s17  }
0xcb: {  	[tilespmem:s9], [sflag:$0x2] =	stream.linear.gather @!p1 [hbm4b:s17+s18], $0x80, $0x38;
	[tilespmem:$0x1FD80] =	vst v63  }
0xcc: {  	s9 =	simm.s32 @!p1 $0x380;
	s17 =	simm.s32 @!p1 $0x4480  }
0xcd: {  	[spmem:s3] =	stream.indirect.scatter.add.f32 @!p1 [tilespmem:s17], [sflag:$0x8], $0x80, s9, s19, $0xb8;
	[tilespmem:$0x1FD80] =	vst v63  }
0xce: {  	s9 =	simm.s32 @!p1 $0x2  }
0xcf: {  	_ =	swait.ge @!p1 [sflag:s9], $0x80  }
0xd0: {  	[sflag:s9] =	ssyncset.done @!p1 $0x0  }
0xd1: {  	[sflag:s9] =	ssyncadd.s32 @!p1 $0xFFFFFF80  }
0xd2: {  	_ =	swait.ge @!p1 [sflag:s9], $0x80  }
0xd3: {  	[sflag:s9] =	ssyncset.done @!p1 $0x0  }
0xd4: {  	[sflag:s9] =	ssyncadd.s32 @!p1 $0xFFFFFF80;
	s9 =	simm.s32 @!p1 $0x8  }
0xd5: {  	_ =	swait.ge @!p1 [sflag:s9], $0x4000  }
0xd6: {  	[sflag:s9] =	ssyncset.done @!p1 $0x0  }
0xd7: {  	[sflag:s9] =	ssyncadd.s32 @!p1 $0xFFFFC000  }
0xd8: {  	[tilespmem:s17], [sflag:$0x5] =	stream.indirect.gather @!p1 [hbm4b:s1+s19], $0x80, s19, s19, $0xb8;
	[tilespmem:$0x1FD80] =	vst v63  }
0xd9: {  	_ =	swait.ge [sflag:s7], $0x4000  }
0xda: {  	[sflag:s7] =	ssyncset.done $0x0  }
0xdb: {  	[sflag:s7] =	ssyncadd.s32 $0xFFFFC000  }
0xdc: {  	v1 =	vld [tilespmem:$0x280]  }
0xdd: {  	v2 =	vld [tilespmem:$0x290]  }
0xde: {  	v3 =	vld [tilespmem:$0x2A0]  }
0xdf: {  	v62 =	vld [tilespmem:$0x2B0]  }
0xe0: {  	v63 =	vld [tilespmem:$0x2C0]  }
0xe1: {  	[tilespmem:$0x400] =	vst v1;
	v1 =	vld [tilespmem:$0x2D0]  }
0xe2: {  	[tilespmem:$0x410] =	vst v2;
	v2 =	vld [tilespmem:$0x2E0]  }
0xe3: {  	[tilespmem:$0x420] =	vst v3;
	v3 =	vld [tilespmem:$0x2F0]  }
.Ltmp3:
0xe4: {  	[tilespmem:$0x430] =	vst v62;
	(pc) =	sbr.rel @p1 .LBB2_6-.Ltmp3, $4  }
0xe5: {  	[tilespmem:$0x440] =	vst v63  }
0xe6: {  	[tilespmem:$0x450] =	vst v1  }
0xe7: {  	[tilespmem:$0x460] =	vst v2  }
0xe8: {  	[tilespmem:$0x470] =	vst v3  }
0xe9: {  	s9 =	sadd.s32 $0x50, s14  }
0xea: {  	[tilespmem:s29], [sflag:$0x3] =	stream.linear.gather [hbm4b:s9+s4], $0x80, $0x38;
	[tilespmem:$0x1FD80] =	vst v63  }
.Ltmp4:
0xeb: {  	_ = 	snop;
	(pc) =	sbr.rel .LBB2_4-.Ltmp4, $4  }
0xec: {  	s19 =	sadd.s32 $0x50, s15  }
0xed: {  	[tilespmem:s30], [sflag:$0x3] =	stream.linear.gather [hbm4b:s19+s4], $0x80, $0x38;
	[tilespmem:$0x1FD80] =	vst v63  }
0xee: {  	s13 =	sadd.s32 $0x30, s13  }
0xef: {  	[spmem:s3] =	stream.indirect.scatter.add.f32 [tilespmem:s31], [sflag:$0x9], $0x80, s8, s24, $0xb8;
	[tilespmem:$0x1FD80] =	vst v63  }
.LBB2_7:
0xf0: {  	_ =	sfence.sel $0x180000  }
0xf1: {  	[bflag:$0x0] =	sbarrier.arrive $0xFFFF  }
0xf2: {  	_ =	strace $0x90000047  }
0xf3: {  	s0 =	stileid.u32;
	[bflag:$0x2] =	sbarrier.arrive $0xFFFF  }
0xf4: {  	p0 =	sne.s32 s0, $0x0;
	s0 =	rddreg [dreg:$0x3]  }
0xf5: {  	s0 =	sadd.s32 @!p0 $0x100000, s0  }
0xf6: {  	[sflag:s0] =	ssyncadd.tile.s32 @!p0 $0x1;
	_ =	shalt  }
.Lfunc_end2:
_tile_overlayer_lowered:
.L_overlay_start_2:
0xf7: {  	(tag) =	ssettag $0x2  }
0xf8: {  	s0 =	rddreg [dreg:$0x0];
	s2 =	stileid.u32  }
0xf9: {  	s1 =	rddreg [dreg:$0x1];
	p0 =	sne.s32 s2, $0x0  }
0xfa: {  	s3 =	rddreg [dreg:$0x2];
	[bflag:$0x3] =	sbarrier.arrive $0xFFFF;
	s2 =	simm.s32 @!p0 $0x1C0A  }
0xfb: {  	[timem:s3], [sflag:s2] =	dma.local @!p0 [hbm:s0], s1  }
0xfc: {  	s0 =	simm.s32 @!p0 $0xA  }
0xfd: {  	_ =	swait.ge @!p0 [sflag:s0], s1  }
0xfe: {  	s1 =	ssub.s32 @!p0 $0x0, s1;
	[sflag:s0] =	ssyncset.done @!p0 $0x0  }
0xff: {  	[sflag:s0] =	ssyncadd.s32 @!p0 s1  }
0x100: {  	[bflag:$0x3] =	sbarrier.arrive $0xFFFF  }
0x101: {  	_ =	shalt  }

// kernel: kernel.13.cloned.1.call-start
scs
__scs_entry_jumppad:
0x0: {  	(pc) =	sbr.rel $0x88, $3  }
0x1: {  	(tag) =	ssettag $0x0;
	lr =	simm.s32 $0x1  }
0x2: {  	[smem:$0x3F98] =	sst lr;
	_ =	strace $0xD0000000  }
0x3: {  	_ = 	snop  }
0x4: {  	_ = 	snop  }
0x5: {  	_ = 	snop  }
0x6: {  	_ = 	snop  }
0x7: {  	_ = 	snop  }
__scs_overlays_trampoline_lowered:
0x8: {  	[smem:$0x3FA7] =	sst s0  }
0x9: {  	[smem:$0x3FA8] =	sst s1  }
0xa: {  	[smem:$0x3FA9] =	sst s2  }
0xb: {  	[smem:$0x3FAA] =	sst s3  }
0xc: {  	[smem:$0x3FAB] =	sst s4  }
0xd: {  	[smem:$0x3FAC] =	sst s5  }
0xe: {  	[smem:$0x3FAD] =	sst s6  }
0xf: {  	[smem:$0x3FAE] =	sst s7  }
0x10: {  	[smem:$0x3FAF] =	sst s8  }
0x11: {  	[smem:$0x3FB0] =	sst s9;
	s0 =	simm.s32 @!p0 $0x0  }
0x12: {  	s1 =	sld [smem:$0x3F96];
	s0 =	simm.s32 @p0 $0x1  }
0x13: {  	[smem:$0x3FB1] =	sst s0;
	s0 =	simm.s32 @!p1 $0x0  }
0x14: {  	s2 =	sld [smem:$0x3F95];
	s0 =	simm.s32 @p1 $0x1  }
0x15: {  	[smem:$0x3FB2] =	sst s0;
	s0 =	simm.s32 @!p2 $0x0  }
0x16: {  	s3 =	sld [smem:$0x3FDB];
	s0 =	simm.s32 @p2 $0x1  }
0x17: {  	s4 =	simm.s32 $0x1BF5;
	[smem:$0x3FB4] =	sst s0  }
0x18: {  	s0 =	sld [smem:$0x3F97];
	_ =	swait.ge [sflag:s4], $0x0  }
0x19: {  	s7 =	sld [smem:$0x3F98]  }
0x1a: {  	s8 =	sadd.s32 $0xFFFFE003, lr  }
0x1b: {  	s9 =	sadd.s32 $0xFFFFFEF7, lr;
	s5 =	simm.s32 $0xFFFFFFFF;
	p2 =	slt.u32 s8, $0xFFFFF086  }
0x1c: {  	p1 =	slt.u32 s9, $0xF7A;
	s5 =	simm.s32 @!p2 $0x0  }
0x1d: {  	s5 =	simm.s32 @p1 $0x1;
	p0 =	seq.s32 s7, s2  }
0x1e: {  	s7 =	smul.u32 @!p0 $0xF7A, s2;
	p2 =	seq.s32 @!p0 s5, $0x0  }
0x1f: {  	s9 =	smul.u32 $0xF7A, s1;
	s8 =	simm.s32 @!p0 $0x1BF5;
	p2 =	por !p2, p0  }
0x20: {  	[sflag:s8] =	ssyncset.s32 @!p0 $0xFFFFF086;
	s6 =	sadd.s32 @!p0 s3, s7;
	s7 =	simm.s32 @!p0 $0x108  }
0x21: {  	s3 =	sadd.s32 s3, s9;
	s6 =	sadd.s32 @!p0 $0x88, s6;
	s7 =	simm.s32 @p2 $0x1082  }
0x22: {  	[simem:s7], [sflag:s8] =	dma.local @!p0 [hbm:s6], $0xF7A  }
0x23: {  	s9 =	sor.u32 $0xD0000000, s2;
	s6 =	simm.s32 $0x108;
	_ =	swait.ge @!p0 [sflag:s8], $0x0  }
0x24: {  	s3 =	sadd.s32 $0x88, s3;
	s6 =	simm.s32 @!p1 $0x1082;
	[sflag:s4] =	ssyncset.s32 $0xFFFFF086  }
0x25: {  	[simem:s6], [sflag:s4] =	dma.local [hbm:s3], $0xF7A  }
0x26: {  	[smem:$0x3F98] =	sst s1;
	(tag) =	ssettag s2;
	_ =	strace s9  }
0x27: {  	s1 =	sld [smem:$0x3FA8]  }
0x28: {  	s2 =	sld [smem:$0x3FA9]  }
0x29: {  	s4 =	sld [smem:$0x3FAB]  }
0x2a: {  	p0 =	seq.s32 s5, $0x0;
	s5 =	sld [smem:$0x3FAC]  }
0x2b: {  	s6 =	sld [smem:$0x3FAD]  }
0x2c: {  	s7 =	sld [smem:$0x3FAE]  }
0x2d: {  	s3 =	simm.s32 $0x108;
	s8 =	sld [smem:$0x3FAF]  }
0x2e: {  	s3 =	simm.s32 @!p0 $0x1082;
	s9 =	sld [smem:$0x3FB0]  }
0x2f: {  	lr =	sadd.s32 s0, s3;
	s0 =	sld [smem:$0x3FA7]  }
0x30: {  	s3 =	sld [smem:$0x3FAA]  }
0x31: {  	[smem:$0x3FB3] =	sst s10  }
0x32: {  	s10 =	sld [smem:$0x3FB1];
	_ =	sdelay $0x3  }
0x33: {  	p0 =	seq.s32 s10, $0x1;
	s10 =	sld [smem:$0x3FB3];
	_ =	sdelay $0x3  }
0x34: {  	[smem:$0x3FB3] =	sst s10  }
0x35: {  	s10 =	sld [smem:$0x3FB2];
	_ =	sdelay $0x3  }
0x36: {  	p1 =	seq.s32 s10, $0x1;
	s10 =	sld [smem:$0x3FB3];
	_ =	sdelay $0x3  }
0x37: {  	[smem:$0x3FB3] =	sst s10  }
0x38: {  	s10 =	sld [smem:$0x3FB4]  }
0x39: {  	_ = 	snop;
	(pc) =	sbr.ind lr, $3  }
0x3a: {  	_ = 	snop  }
0x3b: {  	_ = 	snop  }
0x3c: {  	p2 =	seq.s32 s10, $0x1;
	s10 =	sld [smem:$0x3FB3]  }
0x3d: {  	_ =	shalt  }
0x3e: {  	_ =	shalt  }
0x3f: {  	_ =	shalt  }
0x40: {  	_ =	shalt  }
0x41: {  	_ =	shalt  }
0x42: {  	_ =	shalt  }
0x43: {  	_ =	shalt  }
0x44: {  	_ =	shalt  }
0x45: {  	_ =	shalt  }
0x46: {  	_ =	shalt  }
0x47: {  	_ =	shalt  }
0x48: {  	_ =	shalt  }
0x49: {  	_ =	shalt  }
0x4a: {  	_ =	shalt  }
0x4b: {  	_ =	shalt  }
0x4c: {  	_ =	shalt  }
0x4d: {  	_ =	shalt  }
0x4e: {  	_ =	shalt  }
0x4f: {  	_ =	shalt  }
0x50: {  	_ =	shalt  }
0x51: {  	_ =	shalt  }
0x52: {  	_ =	shalt  }
0x53: {  	_ =	shalt  }
0x54: {  	_ =	shalt  }
0x55: {  	_ =	shalt  }
0x56: {  	_ =	shalt  }
0x57: {  	_ =	shalt  }
0x58: {  	_ =	shalt  }
0x59: {  	_ =	shalt  }
0x5a: {  	_ =	shalt  }
0x5b: {  	_ =	shalt  }
0x5c: {  	_ =	shalt  }
0x5d: {  	_ =	shalt  }
0x5e: {  	_ =	shalt  }
0x5f: {  	_ =	shalt  }
0x60: {  	_ =	shalt  }
0x61: {  	_ =	shalt  }
0x62: {  	_ =	shalt  }
0x63: {  	_ =	shalt  }
0x64: {  	_ =	shalt  }
0x65: {  	_ =	shalt  }
0x66: {  	_ =	shalt  }
0x67: {  	_ =	shalt  }
0x68: {  	_ =	shalt  }
0x69: {  	_ =	shalt  }
0x6a: {  	_ =	shalt  }
0x6b: {  	_ =	shalt  }
0x6c: {  	_ =	shalt  }
0x6d: {  	_ =	shalt  }
0x6e: {  	_ =	shalt  }
0x6f: {  	_ =	shalt  }
0x70: {  	_ =	shalt  }
0x71: {  	_ =	shalt  }
0x72: {  	_ =	shalt  }
0x73: {  	_ =	shalt  }
0x74: {  	_ =	shalt  }
0x75: {  	_ =	shalt  }
0x76: {  	_ =	shalt  }
0x77: {  	_ =	shalt  }
0x78: {  	_ =	shalt  }
0x79: {  	_ =	shalt  }
0x7a: {  	_ =	shalt  }
0x7b: {  	_ =	shalt  }
0x7c: {  	_ =	shalt  }
0x7d: {  	_ =	shalt  }
0x7e: {  	_ =	shalt  }
0x7f: {  	_ =	shalt  }
0x80: {  	_ =	shalt  }
0x81: {  	_ =	shalt  }
0x82: {  	_ =	shalt  }
0x83: {  	_ =	shalt  }
0x84: {  	_ =	shalt  }
0x85: {  	_ =	shalt  }
0x86: {  	_ =	shalt  }
0x87: {  	_ =	shalt  }
.Lfunc_end0:
.L_simem_size_0:
called_computation.1_lowered:
.L_overlay_start_0:
0x88: {  	s2 =	sld [smem:$0x3FD9]  }
0x89: {  	s3 =	sld [smem:$0x3FFE];
	_ =	sdelay $0x1  }
0x8a: {  	s1 =	srdreg.scid  }
0x8b: {  	s0 =	sand.u32 $0x1, s1  }
0x8c: {  	s14 =	sshll.u32 s0, $0xA;
	s2 =	sadd.s32 s3, s2  }
0x8d: {  	s2 =	sadd.s32 s2, s14  }
0x8e: {  	[smem:$0x3FBF] =	sst s2  }
0x8f: {  	_ = 	snop  }
0x90: {  	s2 =	sld [smem:$0x3FD0];
	_ =	sdelay $0x2  }
0x91: {  	s15 =	simm.s32 $0xA;
	s4 =	simm.s32 $0x10  }
0x92: {  	[smem:s4], [sflag:s15] =	dma.local [hbm:s2], $0x1  }
0x93: {  	_ =	swait.eq [sflag:s15], $0x1  }
0x94: {  	[sflag:s15] =	ssyncset.done $0x0  }
0x95: {  	[sflag:s15] =	ssyncadd.s32 $0xFFFFFFFF  }
0x96: {  	s16 =	sld [smem:$0x10];
	(tm) =	ssettm $0x1  }
0x97: {  	s17 =	sld [smem:$0x3FFB];
	_ =	sdelay $0x3  }
0x98: {  	_ =	strace s17  }
0x99: {  	s3 =	sld [smem:$0x3FFC];
	_ =	sdelay $0x3  }
0x9a: {  	_ =	strace s3  }
0x9b: {  	s3 =	sld [smem:$0x3FFD];
	_ =	sdelay $0x3  }
0x9c: {  	_ =	strace s3  }
0x9d: {  	_ =	strace $0x8FFFFFFF  }
0x9e: {  	s18 =	sld [smem:$0x3FDB];
	_ =	sdelay $0x1  }
0x9f: {  	s19 =	simm.s32 $_scs_section_size  }
0xa0: {  	s5 =	simm.s32 $_size__tile_overlayer_lowered;
	s6 =	simm.s32 $_tile_overlayer_lowered  }
0xa1: {  	s22 =	simm.s32 $0x1BFF;
	s21 =	sshll.u32 s6, $0x1;
	s3 =	sadd.s32 s19, s18  }
0xa2: {  	s7 =	simm.s32 $0x0;
	s20 =	sshll.u32 s5, $0x1;
	s5 =	sadd.s32 s21, s3  }
0xa3: {  	[timem:s7], [sflag:s22] =	dma.local [hbm:s5], s20  }
0xa4: {  	_ =	swait.ge [sflag:s22], s20  }
0xa5: {  	s4 =	ssub.s32 $0x0, s20;
	[sflag:s22] =	ssyncset.done $0x0  }
0xa6: {  	[sflag:s22] =	ssyncadd.s32 s4;
	_ =	sdelay $0x1  }
0xa7: {  	s23 =	simm.s32 $0x1B8B  }
0xa8: {  	_ =	swait.ge [sflag:s23], $0x1  }
0xa9: {  	[sflag:s23] =	ssyncset.done $0x0  }
0xaa: {  	s25 =	simm.s32 $0x1B8E;
	s24 =	sld [smem:$0x3FFE];
	[sflag:s23] =	ssyncadd.s32 $0xFFFFFFFF  }
0xab: {  	s26 =	simm.s32 $execute0_lowered;
	[smem:$0x3FD2] =	sst s25  }
0xac: {  	s5 =	sshll.u32 s26, $0x1;
	_ =	strace $0x80000049;
	[dreg:$0x1] =	wrdreg $0xFFFFFFFF  }
0xad: {  	s28 =	simm.s32 $_size_execute0_lowered;
	s3 =	sadd.s32 s3, s5;
	[dreg:$0x0] =	wrdreg $0x0  }
0xae: {  	s5 =	sshll.u32 s28, $0x1;
	[dreg:$0x2] =	wrdreg s3  }
0xaf: {  	[dreg:$0x3] =	wrdreg s5  }
0xb0: {  	[dreg:$0x4] =	wrdreg $0xC0  }
0xb1: {  	_ =	task [dreg:s7], $0x5FFFF  }
0xb2: {  	[dreg:$0x1] =	wrdreg $0xFFFFFFFF  }
0xb3: {  	[dreg:$0x0] =	wrdreg $0x60  }
0xb4: {  	[dreg:$0x2] =	wrdreg s16  }
0xb5: {  	[dreg:$0x3] =	wrdreg s24  }
0xb6: {  	[dreg:$0x4] =	wrdreg $0xC4800  }
0xb7: {  	[dreg:$0x5] =	wrdreg $0x9  }
0xb8: {  	_ =	task.clear_ibuf [dreg:s7], $0x6FFFF;
	_ =	strace $0x90000049  }
0xb9: {  	s29 =	simm.s32 $0x9;
	_ =	strace $0x8000004B  }
0xba: {  	_ =	swait.ge [sflag:s29], $0x1  }
0xbb: {  	[sflag:s29] =	ssyncadd.s32 $0xFFFFFFFF  }
0xbc: {  	_ =	strace $0x9000004B  }
0xbd: {  	_ =	sfence  }
0xbe: {  	s30 =	sld [smem:$0x0];
	_ =	sdelay $0x2  }
0xbf: {  	s31 =	sshll.u32 s1, $0xD;
	s1 =	sshrl.u32 s1, $0x2  }
0xc0: {  	s3 =	sand.u32 $0x4000, s31;
	s1 =	sadd.s32 s1, s30  }
0xc1: {  	s0 =	sor.u32 s3, s0;
	s1 =	sshll.u32 s1, $0x11  }
0xc2: {  	s0 =	sor.u32 s1, s0  }
0xc3: {  	s0 =	sadd.s32 $0x8F2B, s0  }
0xc4: {  	[sflag:s0] =	ssyncadd.remote.s32 $0x1  }
0xc5: {  	_ =	sfence.sel $0xFFFF  }
0xc6: {  	[dreg:$0x0] =	wrdreg $0xFFFFFFFF;
	(pc) =	sbr.abs _section_cstart, $3  }
0xc7: {  	[dreg:$0x1] =	wrdreg $0xFFFFFFFF  }
0xc8: {  	_ =	task.clear_ibuf [dreg:s7], $0x2FFFF;
	_ =	strace $0x9FFFFFFF  }
0xc9: {  	(tm) =	ssettm $0x7FFFFFFF  }
tec
execute0_lowered:
.L_overlay_start_1:
0x0: {  	(tag) =	ssettag $0x1  }
0x1: {  	s1 =	rddreg [dreg:$0x0]  }
0x2: {  	s0 =	srdreg.scid;
	s2 =	rddreg [dreg:$0x1]  }
0x3: {  	s12 =	stileid.u32;
	s3 =	rddreg [dreg:$0x2];
	s29 =	simm.s32 $0x100  }
0x4: {  	s30 =	simm.s32 $0x280;
	s31 =	simm.s32 $0x8480;
	s14 =	smul.u32 $0x4E000, s12  }
0x5: {  	s28 =	simm.s32 $0x1;
	s0 =	sand.u32 $0x1, s0;
	s18 =	smul.u32 $0x13800, s12  }
0x6: {  	s4 =	sshll.u32 s12, $0x1;
	s7 =	sadd.s32 $0x4C00, s2;
	s23 =	smul.u32 $0x9E0, s12  }
0x7: {  	s9 =	sadd.s32 $0xEA00, s2;
	s2 =	sadd.s32 $0x18800, s2;
	s17 =	smul.u32 $0x138800, s0  }
0x8: {  	s5 =	sor.u32 s0, s4;
	s10 =	ssub.s32 $0x2, s0;
	s0 =	smul.u32 $0x4F0, s0  }
0x9: {  	p0 =	sne.s32 s12, $0xF;
	s4 =	simm.s32 $0x0;
	s6 =	smul.u32 $0x2780, s5  }
0xa: {  	s12 =	simm.s32 $0x0;
	[smem:$0x7FF] =	sst s4;
	s5 =	smul.u32 $0x380, s5  }
0xb: {  	s26 =	sshrl.u32 s10, $0x1;
	s16 =	sshrl.u32 s14, $0x2;
	s24 =	sadd.s32 s23, s7  }
0xc: {  	s8 =	sand.u32 $0x7FC00, s6;
	s5 =	sand.u32 $0x380, s5;
	s6 =	sshrl.u32 s6, $0x3  }
0xd: {  	_ =	strace $0x8000004A;
	s5 =	sor.u32 s5, s8;
	s15 =	sadd.s32 $0x20, s6  }
0xe: {  	s8 =	ssub.s32 s10, s26;
	s13 =	sadd.s32 $0x10, s6;
	s6 =	sadd.s32 s7, s15  }
0xf: {  	s5 =	sshrl.u32 s5, $0x3;
	s26 =	smax.u32 s8, $0x1;
	[dreg:$0x8] =	wrdreg s6  }
0x10: {  	s25 =	sadd.s32 s23, s9;
	s11 =	sadd.s32 s7, s5;
	[dreg:$0x10] =	wrdreg s26  }
0x11: {  	s23 =	simm.s32 $0x180;
	s5 =	sadd.s32 s9, s5;
	[dreg:$0x4] =	wrdreg s11  }
0x12: {  	s22 =	sshrl.u32 s17, $0x3;
	[dreg:$0x5] =	wrdreg s5;
	s11 =	sadd.s32 s7, s13  }
0x13: {  	s10 =	simm.s32 $0x9;
	s5 =	sadd.s32 s9, s13;
	[dreg:$0x6] =	wrdreg s11  }
0x14: {  	[dreg:$0x7] =	wrdreg s5;
	s5 =	sadd.s32 s9, s15;
	s11 =	sadd.s32 s16, s3  }
0x15: {  	s8 =	simm.s32 $0x400;
	[dreg:$0x9] =	wrdreg s5;
	s6 =	sadd.s32 $0x4000, s11  }
0x16: {  	s26 =	simm.s32 $0x300;
	s19 =	sadd.s32 $0x8000, s11;
	[dreg:$0xa] =	wrdreg s6  }
0x17: {  	s7 =	simm.s32 $0x6;
	s20 =	sadd.s32 $0xC000, s11;
	[dreg:$0xb] =	wrdreg s19  }
0x18: {  	s21 =	sadd.s32 $0x10000, s11;
	s5 =	sadd.s32 s18, s17;
	[dreg:$0xc] =	wrdreg s20  }
0x19: {  	s16 =	sadd.s32 $0x138000, s3;
	[dreg:$0xd] =	wrdreg s21;
	s5 =	sshrl.u32 s5, $0x3  }
.Ltmp0:
0x1a: {  	s20 =	sadd.s32 s0, s24;
	s21 =	sadd.s32 s0, s25;
	(pc) =	sbr.rel .LBB2_1-.Ltmp0, $4  }
0x1b: {  	s24 =	simm.s32 $0x80;
	s25 =	simm.s32 $0x480;
	s0 =	simm.s32 $0x4  }
0x1c: {  	s6 =	simm.s32 $0x5;
	s5 =	sadd.s32 s2, s5;
	s2 =	sadd.s32 s2, s22  }
0x1d: {  	s22 =	simm.s32 $0xA;
	[dreg:$0xe] =	wrdreg s5;
	s2 =	sadd.s32 $0x27000, s2  }
0x1e: {  	v0 =	vimm.f32 $0.0e+00;
	s5 =	simm.s32 $0x7;
	[dreg:$0xf] =	wrdreg s2;
	s2 =	simm.s32 $0x3  }
.LBB2_6:
0x1f: {  	[spmem:s3] =	stream.indirect.scatter.add.f32 [tilespmem:s31], [sflag:$0x9], $0x80, s8, s24, $0xb8;
	[tilespmem:$0x1FD80] =	vst v63  }
0x20: {  	_ =	swait.ge [sflag:s0], $0x4000  }
0x21: {  	[sflag:s0] =	ssyncset.done $0x0  }
0x22: {  	[sflag:s0] =	ssyncadd.s32 $0xFFFFC000  }
0x23: {  	v1 =	vld [tilespmem:$0x180]  }
0x24: {  	v2 =	vld [tilespmem:$0x190]  }
0x25: {  	v3 =	vld [tilespmem:$0x1A0]  }
0x26: {  	v4 =	vld [tilespmem:$0x1B0]  }
0x27: {  	v5 =	vld [tilespmem:$0x1C0]  }
0x28: {  	[tilespmem:$0x300] =	vst v1;
	v1 =	vld [tilespmem:$0x1D0]  }
0x29: {  	[tilespmem:$0x310] =	vst v2;
	v2 =	vld [tilespmem:$0x1E0]  }
0x2a: {  	[tilespmem:$0x320] =	vst v3;
	v3 =	vld [tilespmem:$0x1F0]  }
0x2b: {  	[tilespmem:$0x330] =	vst v4  }
0x2c: {  	[tilespmem:$0x340] =	vst v5  }
0x2d: {  	[tilespmem:$0x350] =	vst v1  }
0x2e: {  	[tilespmem:$0x360] =	vst v2  }
0x2f: {  	s9 =	simm.s32 $0x8;
	[tilespmem:$0x370] =	vst v3  }
0x30: {  	[spmem:s3] =	stream.indirect.scatter.add.f32 [tilespmem:s25], [sflag:$0x7], $0x80, s26, s24, $0xb8;
	[tilespmem:$0x1FD80] =	vst v63  }
0x31: {  	_ =	swait.ge [sflag:s9], $0x4000  }
0x32: {  	[sflag:s9] =	ssyncset.done $0x0  }
0x33: {  	[sflag:s9] =	ssyncadd.s32 $0xFFFFC000  }
0x34: {  	_ =	swait.ge [sflag:s10], $0x4000  }
0x35: {  	[sflag:s10] =	ssyncset.done $0x0  }
0x36: {  	[sflag:s10] =	ssyncadd.s32 $0xFFFFC000  }
0x37: {  	_ =	swait.ge [sflag:s5], $0x4000  }
0x38: {  	[sflag:s5] =	ssyncset.done $0x0  }
0x39: {  	s18 =	stileid.u32;
	[sflag:s5] =	ssyncadd.s32 $0xFFFFC000  }
0x3a: {  	s9 =	sshll.u32 s18, $0x6;
	[bflag:$0x0] =	sbarrier.arrive $0xFFFF  }
0x3b: {  	s13 =	sshrl.u32 s11, $0x3;
	s9 =	sor.u32 $0x1C0A, s9;
	s14 =	rddreg [dreg:$0xe]  }
0x3c: {  	[hbm:s14], [sflag:s9] =	dma.local [spmem:s13], $0x2700  }
0x3d: {  	_ =	swait.ge [sflag:s22], $0x2700  }
0x3e: {  	[sflag:s22] =	ssyncset.done $0x0  }
0x3f: {  	s13 =	sshrl.u32 @!p0 s16, $0x3;
	s14 =	rddreg [dreg:$0xf];
	[sflag:s22] =	ssyncadd.s32 $0xFFFFD900  }
0x40: {  	[hbm:s14], [sflag:s9] =	dma.local @!p0 [spmem:s13], $0x100  }
0x41: {  	s9 =	simm.s32 @!p0 $0xA  }
0x42: {  	_ =	swait.ge @!p0 [sflag:s9], $0x100  }
0x43: {  	s12 =	sadd.s32 $0x1, s12;
	s19 =	rddreg [dreg:$0x10]  }
0x44: {  	p1 =	sne.s32 s12, s19  }
.Ltmp1:
0x45: {  	_ = 	snop;
	(pc) =	sbr.rel @!p1 .LBB2_7-.Ltmp1, $3  }
0x46: {  	_ =	sdelay $0x1  }
0x47: {  	[sflag:s9] =	ssyncset.done @!p0 $0x0  }
0x48: {  	[sflag:s9] =	ssyncadd.s32 @!p0 $0xFFFFFF00  }
.LBB2_1:
0x49: {  	s9 =	rddreg [dreg:$0x4]  }
0x4a: {  	[tilespmem:s4], [sflag:$0xA] =	stream.linear.gather [hbm4b:s9+s4], $0x80, $0x38;
	[tilespmem:$0x1FD80] =	vst v63  }
0x4b: {  	_ =	swait.ge [sflag:s22], $0x80  }
0x4c: {  	[sflag:s22] =	ssyncset.done $0x0  }
0x4d: {  	s13 =	rddreg [dreg:$0x5];
	[sflag:s22] =	ssyncadd.s32 $0xFFFFFF80  }
0x4e: {  	[tilespmem:s23], [sflag:$0xA] =	stream.linear.gather [hbm4b:s13+s4], $0x80, $0x38;
	[tilespmem:$0x1FD80] =	vst v63  }
0x4f: {  	_ =	swait.ge [sflag:s22], $0x80  }
0x50: {  	[sflag:s22] =	ssyncset.done $0x0  }
0x51: {  	[sflag:s22] =	ssyncadd.s32 $0xFFFFFF80  }
0x52: {  	[tilespmem:s25], [sflag:$0x4] =	stream.indirect.gather [hbm4b:s1+s24], $0x80, s4, s24, $0xb8;
	[tilespmem:$0x1FD80] =	vst v63  }
0x53: {  	s14 =	rddreg [dreg:$0x6]  }
0x54: {  	[tilespmem:s24], [sflag:$0xA] =	stream.linear.gather [hbm4b:s14+s4], $0x80, $0x38;
	[tilespmem:$0x1FD80] =	vst v63  }
0x55: {  	_ =	swait.ge [sflag:s22], $0x80  }
0x56: {  	[sflag:s22] =	ssyncset.done $0x0  }
0x57: {  	s13 =	simm.s32 $0x200;
	s15 =	rddreg [dreg:$0x7];
	[sflag:s22] =	ssyncadd.s32 $0xFFFFFF80  }
0x58: {  	[tilespmem:s13], [sflag:$0xA] =	stream.linear.gather [hbm4b:s15+s4], $0x80, $0x38;
	[tilespmem:$0x1FD80] =	vst v63  }
0x59: {  	_ =	swait.ge [sflag:s22], $0x80  }
0x5a: {  	[sflag:s22] =	ssyncset.done $0x0  }
0x5b: {  	s17 =	simm.s32 $0x4480;
	[sflag:s22] =	ssyncadd.s32 $0xFFFFFF80  }
0x5c: {  	[tilespmem:s17], [sflag:$0x5] =	stream.indirect.gather [hbm4b:s1+s24], $0x80, s24, s24, $0xb8;
	[tilespmem:$0x1FD80] =	vst v63  }
0x5d: {  	s18 =	rddreg [dreg:$0x8]  }
0x5e: {  	[tilespmem:s29], [sflag:$0x3] =	stream.linear.gather [hbm4b:s18+s4], $0x80, $0x38;
	[tilespmem:$0x1FD80] =	vst v63  }
0x5f: {  	s14 =	simm.s32 $0x200;
	s13 =	simm.s32 $0x0;
	s19 =	rddreg [dreg:$0x9]  }
0x60: {  	[tilespmem:s30], [sflag:$0x3] =	stream.linear.gather [hbm4b:s19+s4], $0x80, $0x38;
	[tilespmem:$0x1FD80] =	vst v63  }
.LBB2_2:
0x61: {  	p1 =	sne.s32 s14, $0xFE00;
	[tilespmem:s13+$0x84F0] =	vst v0  }
0x62: {  	[tilespmem:s13+$0x8480] =	vst v0  }
0x63: {  	[tilespmem:s13+$0x8490] =	vst v0  }
.Ltmp2:
0x64: {  	[tilespmem:s13+$0x84A0] =	vst v0;
	(pc) =	sbr.rel @p1 .LBB2_2-.Ltmp2, $4  }
0x65: {  	[tilespmem:s13+$0x84B0] =	vst v0  }
0x66: {  	[tilespmem:s13+$0x84C0] =	vst v0  }
0x67: {  	[tilespmem:s13+$0x84D0] =	vst v0  }
0x68: {  	[tilespmem:s13+$0x84E0] =	vst v0;
	s13 =	sshra.s32 s14, $0x2;
	s14 =	sadd.s32 $0x200, s14  }
0x69: {  	[tilespmem:s13+$0x84F0] =	vst v0  }
0x6a: {  	[tilespmem:s13+$0x8480] =	vst v0  }
0x6b: {  	[tilespmem:s13+$0x8490] =	vst v0  }
0x6c: {  	[tilespmem:s13+$0x84A0] =	vst v0  }
0x6d: {  	[tilespmem:s13+$0x84B0] =	vst v0  }
0x6e: {  	[tilespmem:s13+$0x84C0] =	vst v0  }
0x6f: {  	[tilespmem:s13+$0x84D0] =	vst v0  }
0x70: {  	[tilespmem:s13+$0x84E0] =	vst v0  }
0x71: {  	[spmem:s11] =	stream.linear.scatter [tilespmem:s31], [sflag:$0xA], $0x4000, $0x38;
	[tilespmem:$0x1FD80] =	vst v63  }
0x72: {  	_ =	swait.ge [sflag:s22], $0x4000  }
0x73: {  	[sflag:s22] =	ssyncset.done $0x0  }
0x74: {  	s9 =	rddreg [dreg:$0xa];
	[sflag:s22] =	ssyncadd.s32 $0xFFFFC000  }
0x75: {  	[spmem:s9] =	stream.linear.scatter [tilespmem:s31], [sflag:$0xA], $0x4000, $0x38;
	[tilespmem:$0x1FD80] =	vst v63  }
0x76: {  	_ =	swait.ge [sflag:s22], $0x4000  }
0x77: {  	[sflag:s22] =	ssyncset.done $0x0  }
0x78: {  	s17 =	rddreg [dreg:$0xb];
	[sflag:s22] =	ssyncadd.s32 $0xFFFFC000  }
0x79: {  	[spmem:s17] =	stream.linear.scatter [tilespmem:s31], [sflag:$0xA], $0x4000, $0x38;
	[tilespmem:$0x1FD80] =	vst v63  }
0x7a: {  	_ =	swait.ge [sflag:s22], $0x4000  }
0x7b: {  	[sflag:s22] =	ssyncset.done $0x0  }
0x7c: {  	s18 =	rddreg [dreg:$0xc];
	[sflag:s22] =	ssyncadd.s32 $0xFFFFC000  }
0x7d: {  	[spmem:s18] =	stream.linear.scatter [tilespmem:s31], [sflag:$0xA], $0x4000, $0x38;
	[tilespmem:$0x1FD80] =	vst v63  }
0x7e: {  	_ =	swait.ge [sflag:s22], $0x4000  }
0x7f: {  	[sflag:s22] =	ssyncset.done $0x0  }
0x80: {  	s19 =	rddreg [dreg:$0xd];
	[sflag:s22] =	ssyncadd.s32 $0xFFFFC000  }
0x81: {  	[spmem:s19] =	stream.linear.scatter [tilespmem:s31], [sflag:$0xA], $0x3800, $0x38;
	[tilespmem:$0x1FD80] =	vst v63  }
0x82: {  	_ =	swait.ge [sflag:s22], $0x3800  }
0x83: {  	[sflag:s22] =	ssyncset.done $0x0  }
0x84: {  	s13 =	simm.s32 @!p0 $0x8480;
	[sflag:s22] =	ssyncadd.s32 $0xFFFFC800  }
0x85: {  	[spmem:s16] =	stream.linear.scatter @!p0 [tilespmem:s13], [sflag:$0xA], $0x1000, $0x38;
	[tilespmem:$0x1FD80] =	vst v63  }
0x86: {  	s13 =	simm.s32 @!p0 $0xA  }
0x87: {  	_ =	swait.ge @!p0 [sflag:s13], $0x1000  }
0x88: {  	[sflag:s13] =	ssyncset.done @!p0 $0x0  }
0x89: {  	[sflag:s13] =	ssyncadd.s32 @!p0 $0xFFFFF000  }
0x8a: {  	s13 =	simm.s32 $0x0;
	[bflag:$0x0] =	sbarrier.arrive $0xFFFF  }
.LBB2_4:
0x8b: {  	_ =	swait.ge [sflag:s2], $0x80  }
0x8c: {  	[sflag:s2] =	ssyncset.done $0x0  }
0x8d: {  	[sflag:s2] =	ssyncadd.s32 $0xFFFFFF80  }
0x8e: {  	_ =	swait.ge [sflag:s2], $0x80  }
0x8f: {  	p1 =	seq.s32 s13, $0x0;
	[sflag:s2] =	ssyncset.done $0x0  }
0x90: {  	s14 =	simm.s32 @!p1 $0x9;
	[sflag:s2] =	ssyncadd.s32 $0xFFFFFF80  }
0x91: {  	_ =	swait.ge @!p1 [sflag:s14], $0x4000  }
0x92: {  	[sflag:s14] =	ssyncset.done @!p1 $0x0  }
0x93: {  	[sflag:s14] =	ssyncadd.s32 @!p1 $0xFFFFC000  }
0x94: {  	[tilespmem:s31], [sflag:$0x6] =	stream.indirect.gather [hbm4b:s1+s24], $0x80, s29, s24, $0xb8;
	[tilespmem:$0x1FD80] =	vst v63  }
0x95: {  	_ =	swait.ge [sflag:s0], $0x4000  }
0x96: {  	[sflag:s0] =	ssyncset.done $0x0  }
0x97: {  	[sflag:s0] =	ssyncadd.s32 $0xFFFFC000  }
0x98: {  	v1 =	vld [tilespmem:$0x180]  }
0x99: {  	v2 =	vld [tilespmem:$0x190]  }
0x9a: {  	v3 =	vld [tilespmem:$0x1A0]  }
0x9b: {  	v4 =	vld [tilespmem:$0x1B0]  }
0x9c: {  	v5 =	vld [tilespmem:$0x1C0]  }
0x9d: {  	[tilespmem:$0x300] =	vst v1;
	v1 =	vld [tilespmem:$0x1D0]  }
0x9e: {  	[tilespmem:$0x310] =	vst v2;
	v2 =	vld [tilespmem:$0x1E0]  }
0x9f: {  	[tilespmem:$0x320] =	vst v3;
	v3 =	vld [tilespmem:$0x1F0]  }
0xa0: {  	[tilespmem:$0x330] =	vst v4  }
0xa1: {  	[tilespmem:$0x340] =	vst v5  }
0xa2: {  	[tilespmem:$0x350] =	vst v1  }
0xa3: {  	s14 =	sadd.s32 s13, s20;
	[tilespmem:$0x360] =	vst v2  }
0xa4: {  	s15 =	sadd.s32 $0x30, s14;
	[tilespmem:$0x370] =	vst v3  }
0xa5: {  	[tilespmem:s4], [sflag:$0x1] =	stream.linear.gather [hbm4b:s15+s4], $0x80, $0x38;
	[tilespmem:$0x1FD80] =	vst v63  }
0xa6: {  	s15 =	sadd.s32 s13, s21  }
0xa7: {  	s17 =	sadd.s32 $0x30, s15  }
0xa8: {  	[tilespmem:s23], [sflag:$0x1] =	stream.linear.gather [hbm4b:s17+s4], $0x80, $0x38;
	[tilespmem:$0x1FD80] =	vst v63  }
0xa9: {  	_ = 	snop  }
0xaa: {  	[spmem:s3] =	stream.indirect.scatter.add.f32 [tilespmem:s25], [sflag:$0x7], $0x80, s26, s24, $0xb8;
	[tilespmem:$0x1FD80] =	vst v63  }
0xab: {  	_ =	swait.ge [sflag:s28], $0x80  }
0xac: {  	[sflag:s28] =	ssyncset.done $0x0  }
0xad: {  	[sflag:s28] =	ssyncadd.s32 $0xFFFFFF80  }
0xae: {  	_ =	swait.ge [sflag:s28], $0x80  }
0xaf: {  	[sflag:s28] =	ssyncset.done $0x0  }
0xb0: {  	[sflag:s28] =	ssyncadd.s32 $0xFFFFFF80  }
0xb1: {  	_ =	swait.ge [sflag:s5], $0x4000  }
0xb2: {  	[sflag:s5] =	ssyncset.done $0x0  }
0xb3: {  	[sflag:s5] =	ssyncadd.s32 $0xFFFFC000  }
0xb4: {  	[tilespmem:s25], [sflag:$0x4] =	stream.indirect.gather [hbm4b:s1+s24], $0x80, s4, s24, $0xb8;
	[tilespmem:$0x1FD80] =	vst v63  }
0xb5: {  	_ =	swait.ge [sflag:s6], $0x4000  }
0xb6: {  	[sflag:s6] =	ssyncset.done $0x0  }
0xb7: {  	[sflag:s6] =	ssyncadd.s32 $0xFFFFC000  }
0xb8: {  	v1 =	vld [tilespmem:$0x200]  }
0xb9: {  	v2 =	vld [tilespmem:$0x210]  }
0xba: {  	v3 =	vld [tilespmem:$0x220]  }
0xbb: {  	v60 =	vld [tilespmem:$0x230]  }
0xbc: {  	v61 =	vld [tilespmem:$0x240]  }
0xbd: {  	[tilespmem:$0x380] =	vst v1;
	v1 =	vld [tilespmem:$0x250]  }
0xbe: {  	[tilespmem:$0x390] =	vst v2;
	v2 =	vld [tilespmem:$0x260]  }
0xbf: {  	[tilespmem:$0x3A0] =	vst v3;
	v3 =	vld [tilespmem:$0x270]  }
0xc0: {  	[tilespmem:$0x3B0] =	vst v60  }
0xc1: {  	[tilespmem:$0x3C0] =	vst v61  }
0xc2: {  	[tilespmem:$0x3D0] =	vst v1  }
0xc3: {  	p1 =	seq.s32 s13, $0x4B0;
	[tilespmem:$0x3E0] =	vst v2  }
0xc4: {  	s18 =	simm.s32 @p1 $0x380;
	s19 =	simm.s32 @p1 $0x4480;
	s17 =	simm.s32 @p1 $0x80;
	[tilespmem:$0x3F0] =	vst v3  }
0xc5: {  	[spmem:s3] =	stream.indirect.scatter.add.f32 @p1 [tilespmem:s19], [sflag:$0x8], $0x80, s18, s17, $0xb8;
	[tilespmem:$0x1FD80] =	vst v63  }
0xc6: {  	s17 =	sadd.s32 @!p1 s13, s20  }
0xc7: {  	s18 =	simm.s32 @!p1 $0x0;
	s19 =	simm.s32 @!p1 $0x80;
	s17 =	sadd.s32 @!p1 $0x40, s17  }
0xc8: {  	[tilespmem:s19], [sflag:$0x2] =	stream.linear.gather @!p1 [hbm4b:s17+s18], $0x80, $0x38;
	[tilespmem:$0x1FD80] =	vst v63  }
0xc9: {  	s17 =	sadd.s32 @!p1 s13, s21  }
0xca: {  	s9 =	simm.s32 @!p1 $0x200;
	s17 =	sadd.s32 @!p1 $0x40, s17  }
0xcb: {  	[tilespmem:s9], [sflag:$0x2] =	stream.linear.gather @!p1 [hbm4b:s17+s18], $0x80, $0x38;
	[tilespmem:$0x1FD80] =	vst v63  }
0xcc: {  	s9 =	simm.s32 @!p1 $0x380;
	s17 =	simm.s32 @!p1 $0x4480  }
0xcd: {  	[spmem:s3] =	stream.indirect.scatter.add.f32 @!p1 [tilespmem:s17], [sflag:$0x8], $0x80, s9, s19, $0xb8;
	[tilespmem:$0x1FD80] =	vst v63  }
0xce: {  	s9 =	simm.s32 @!p1 $0x2  }
0xcf: {  	_ =	swait.ge @!p1 [sflag:s9], $0x80  }
0xd0: {  	[sflag:s9] =	ssyncset.done @!p1 $0x0  }
0xd1: {  	[sflag:s9] =	ssyncadd.s32 @!p1 $0xFFFFFF80  }
0xd2: {  	_ =	swait.ge @!p1 [sflag:s9], $0x80  }
0xd3: {  	[sflag:s9] =	ssyncset.done @!p1 $0x0  }
0xd4: {  	[sflag:s9] =	ssyncadd.s32 @!p1 $0xFFFFFF80;
	s9 =	simm.s32 @!p1 $0x8  }
0xd5: {  	_ =	swait.ge @!p1 [sflag:s9], $0x4000  }
0xd6: {  	[sflag:s9] =	ssyncset.done @!p1 $0x0  }
0xd7: {  	[sflag:s9] =	ssyncadd.s32 @!p1 $0xFFFFC000  }
0xd8: {  	[tilespmem:s17], [sflag:$0x5] =	stream.indirect.gather @!p1 [hbm4b:s1+s19], $0x80, s19, s19, $0xb8;
	[tilespmem:$0x1FD80] =	vst v63  }
0xd9: {  	_ =	swait.ge [sflag:s7], $0x4000  }
0xda: {  	[sflag:s7] =	ssyncset.done $0x0  }
0xdb: {  	[sflag:s7] =	ssyncadd.s32 $0xFFFFC000  }
0xdc: {  	v1 =	vld [tilespmem:$0x280]  }
0xdd: {  	v2 =	vld [tilespmem:$0x290]  }
0xde: {  	v3 =	vld [tilespmem:$0x2A0]  }
0xdf: {  	v62 =	vld [tilespmem:$0x2B0]  }
0xe0: {  	v63 =	vld [tilespmem:$0x2C0]  }
0xe1: {  	[tilespmem:$0x400] =	vst v1;
	v1 =	vld [tilespmem:$0x2D0]  }
0xe2: {  	[tilespmem:$0x410] =	vst v2;
	v2 =	vld [tilespmem:$0x2E0]  }
0xe3: {  	[tilespmem:$0x420] =	vst v3;
	v3 =	vld [tilespmem:$0x2F0]  }
.Ltmp3:
0xe4: {  	[tilespmem:$0x430] =	vst v62;
	(pc) =	sbr.rel @p1 .LBB2_6-.Ltmp3, $4  }
0xe5: {  	[tilespmem:$0x440] =	vst v63  }
0xe6: {  	[tilespmem:$0x450] =	vst v1  }
0xe7: {  	[tilespmem:$0x460] =	vst v2  }
0xe8: {  	[tilespmem:$0x470] =	vst v3  }
0xe9: {  	s9 =	sadd.s32 $0x50, s14  }
0xea: {  	[tilespmem:s29], [sflag:$0x3] =	stream.linear.gather [hbm4b:s9+s4], $0x80, $0x38;
	[tilespmem:$0x1FD80] =	vst v63  }
.Ltmp4:
0xeb: {  	_ = 	snop;
	(pc) =	sbr.rel .LBB2_4-.Ltmp4, $4  }
0xec: {  	s19 =	sadd.s32 $0x50, s15  }
0xed: {  	[tilespmem:s30], [sflag:$0x3] =	stream.linear.gather [hbm4b:s19+s4], $0x80, $0x38;
	[tilespmem:$0x1FD80] =	vst v63  }
0xee: {  	s13 =	sadd.s32 $0x30, s13  }
0xef: {  	[spmem:s3] =	stream.indirect.scatter.add.f32 [tilespmem:s31], [sflag:$0x9], $0x80, s8, s24, $0xb8;
	[tilespmem:$0x1FD80] =	vst v63  }
.LBB2_7:
0xf0: {  	_ =	sfence.sel $0x180000  }
0xf1: {  	[bflag:$0x0] =	sbarrier.arrive $0xFFFF  }
0xf2: {  	_ =	strace $0x9000004A  }
0xf3: {  	s0 =	stileid.u32;
	[bflag:$0x2] =	sbarrier.arrive $0xFFFF  }
0xf4: {  	p0 =	sne.s32 s0, $0x0;
	s0 =	rddreg [dreg:$0x3]  }
0xf5: {  	s0 =	sadd.s32 @!p0 $0x100000, s0  }
0xf6: {  	[sflag:s0] =	ssyncadd.tile.s32 @!p0 $0x1;
	_ =	shalt  }
.Lfunc_end2:
_tile_overlayer_lowered:
.L_overlay_start_2:
0xf7: {  	(tag) =	ssettag $0x2  }
0xf8: {  	s0 =	rddreg [dreg:$0x0];
	s2 =	stileid.u32  }
0xf9: {  	s1 =	rddreg [dreg:$0x1];
	p0 =	sne.s32 s2, $0x0  }
0xfa: {  	s3 =	rddreg [dreg:$0x2];
	[bflag:$0x3] =	sbarrier.arrive $0xFFFF;
	s2 =	simm.s32 @!p0 $0x1C0A  }
0xfb: {  	[timem:s3], [sflag:s2] =	dma.local @!p0 [hbm:s0], s1  }
0xfc: {  	s0 =	simm.s32 @!p0 $0xA  }
0xfd: {  	_ =	swait.ge @!p0 [sflag:s0], s1  }
0xfe: {  	s1 =	ssub.s32 @!p0 $0x0, s1;
	[sflag:s0] =	ssyncset.done @!p0 $0x0  }
0xff: {  	[sflag:s0] =	ssyncadd.s32 @!p0 s1  }
0x100: {  	[bflag:$0x3] =	sbarrier.arrive $0xFFFF  }
0x101: {  	_ =	shalt  }

// kernel: kernel.16.cloned.1.call-start
scs
__scs_entry_jumppad:
0x0: {  	(pc) =	sbr.rel $0x88, $3  }
0x1: {  	(tag) =	ssettag $0x0;
	lr =	simm.s32 $0x1  }
0x2: {  	[smem:$0x3F98] =	sst lr;
	_ =	strace $0xD0000000  }
0x3: {  	_ = 	snop  }
0x4: {  	_ = 	snop  }
0x5: {  	_ = 	snop  }
0x6: {  	_ = 	snop  }
0x7: {  	_ = 	snop  }
__scs_overlays_trampoline_lowered:
0x8: {  	[smem:$0x3FA7] =	sst s0  }
0x9: {  	[smem:$0x3FA8] =	sst s1  }
0xa: {  	[smem:$0x3FA9] =	sst s2  }
0xb: {  	[smem:$0x3FAA] =	sst s3  }
0xc: {  	[smem:$0x3FAB] =	sst s4  }
0xd: {  	[smem:$0x3FAC] =	sst s5  }
0xe: {  	[smem:$0x3FAD] =	sst s6  }
0xf: {  	[smem:$0x3FAE] =	sst s7  }
0x10: {  	[smem:$0x3FAF] =	sst s8  }
0x11: {  	[smem:$0x3FB0] =	sst s9;
	s0 =	simm.s32 @!p0 $0x0  }
0x12: {  	s1 =	sld [smem:$0x3F96];
	s0 =	simm.s32 @p0 $0x1  }
0x13: {  	[smem:$0x3FB1] =	sst s0;
	s0 =	simm.s32 @!p1 $0x0  }
0x14: {  	s2 =	sld [smem:$0x3F95];
	s0 =	simm.s32 @p1 $0x1  }
0x15: {  	[smem:$0x3FB2] =	sst s0;
	s0 =	simm.s32 @!p2 $0x0  }
0x16: {  	s3 =	sld [smem:$0x3FDB];
	s0 =	simm.s32 @p2 $0x1  }
0x17: {  	s4 =	simm.s32 $0x1BF5;
	[smem:$0x3FB4] =	sst s0  }
0x18: {  	s0 =	sld [smem:$0x3F97];
	_ =	swait.ge [sflag:s4], $0x0  }
0x19: {  	s7 =	sld [smem:$0x3F98]  }
0x1a: {  	s8 =	sadd.s32 $0xFFFFE003, lr  }
0x1b: {  	s9 =	sadd.s32 $0xFFFFFEF7, lr;
	s5 =	simm.s32 $0xFFFFFFFF;
	p2 =	slt.u32 s8, $0xFFFFF086  }
0x1c: {  	p1 =	slt.u32 s9, $0xF7A;
	s5 =	simm.s32 @!p2 $0x0  }
0x1d: {  	s5 =	simm.s32 @p1 $0x1;
	p0 =	seq.s32 s7, s2  }
0x1e: {  	s7 =	smul.u32 @!p0 $0xF7A, s2;
	p2 =	seq.s32 @!p0 s5, $0x0  }
0x1f: {  	s9 =	smul.u32 $0xF7A, s1;
	s8 =	simm.s32 @!p0 $0x1BF5;
	p2 =	por !p2, p0  }
0x20: {  	[sflag:s8] =	ssyncset.s32 @!p0 $0xFFFFF086;
	s6 =	sadd.s32 @!p0 s3, s7;
	s7 =	simm.s32 @!p0 $0x108  }
0x21: {  	s3 =	sadd.s32 s3, s9;
	s6 =	sadd.s32 @!p0 $0x88, s6;
	s7 =	simm.s32 @p2 $0x1082  }
0x22: {  	[simem:s7], [sflag:s8] =	dma.local @!p0 [hbm:s6], $0xF7A  }
0x23: {  	s9 =	sor.u32 $0xD0000000, s2;
	s6 =	simm.s32 $0x108;
	_ =	swait.ge @!p0 [sflag:s8], $0x0  }
0x24: {  	s3 =	sadd.s32 $0x88, s3;
	s6 =	simm.s32 @!p1 $0x1082;
	[sflag:s4] =	ssyncset.s32 $0xFFFFF086  }
0x25: {  	[simem:s6], [sflag:s4] =	dma.local [hbm:s3], $0xF7A  }
0x26: {  	[smem:$0x3F98] =	sst s1;
	(tag) =	ssettag s2;
	_ =	strace s9  }
0x27: {  	s1 =	sld [smem:$0x3FA8]  }
0x28: {  	s2 =	sld [smem:$0x3FA9]  }
0x29: {  	s4 =	sld [smem:$0x3FAB]  }
0x2a: {  	p0 =	seq.s32 s5, $0x0;
	s5 =	sld [smem:$0x3FAC]  }
0x2b: {  	s6 =	sld [smem:$0x3FAD]  }
0x2c: {  	s7 =	sld [smem:$0x3FAE]  }
0x2d: {  	s3 =	simm.s32 $0x108;
	s8 =	sld [smem:$0x3FAF]  }
0x2e: {  	s3 =	simm.s32 @!p0 $0x1082;
	s9 =	sld [smem:$0x3FB0]  }
0x2f: {  	lr =	sadd.s32 s0, s3;
	s0 =	sld [smem:$0x3FA7]  }
0x30: {  	s3 =	sld [smem:$0x3FAA]  }
0x31: {  	[smem:$0x3FB3] =	sst s10  }
0x32: {  	s10 =	sld [smem:$0x3FB1];
	_ =	sdelay $0x3  }
0x33: {  	p0 =	seq.s32 s10, $0x1;
	s10 =	sld [smem:$0x3FB3];
	_ =	sdelay $0x3  }
0x34: {  	[smem:$0x3FB3] =	sst s10  }
0x35: {  	s10 =	sld [smem:$0x3FB2];
	_ =	sdelay $0x3  }
0x36: {  	p1 =	seq.s32 s10, $0x1;
	s10 =	sld [smem:$0x3FB3];
	_ =	sdelay $0x3  }
0x37: {  	[smem:$0x3FB3] =	sst s10  }
0x38: {  	s10 =	sld [smem:$0x3FB4]  }
0x39: {  	_ = 	snop;
	(pc) =	sbr.ind lr, $3  }
0x3a: {  	_ = 	snop  }
0x3b: {  	_ = 	snop  }
0x3c: {  	p2 =	seq.s32 s10, $0x1;
	s10 =	sld [smem:$0x3FB3]  }
0x3d: {  	_ =	shalt  }
0x3e: {  	_ =	shalt  }
0x3f: {  	_ =	shalt  }
0x40: {  	_ =	shalt  }
0x41: {  	_ =	shalt  }
0x42: {  	_ =	shalt  }
0x43: {  	_ =	shalt  }
0x44: {  	_ =	shalt  }
0x45: {  	_ =	shalt  }
0x46: {  	_ =	shalt  }
0x47: {  	_ =	shalt  }
0x48: {  	_ =	shalt  }
0x49: {  	_ =	shalt  }
0x4a: {  	_ =	shalt  }
0x4b: {  	_ =	shalt  }
0x4c: {  	_ =	shalt  }
0x4d: {  	_ =	shalt  }
0x4e: {  	_ =	shalt  }
0x4f: {  	_ =	shalt  }
0x50: {  	_ =	shalt  }
0x51: {  	_ =	shalt  }
0x52: {  	_ =	shalt  }
0x53: {  	_ =	shalt  }
0x54: {  	_ =	shalt  }
0x55: {  	_ =	shalt  }
0x56: {  	_ =	shalt  }
0x57: {  	_ =	shalt  }
0x58: {  	_ =	shalt  }
0x59: {  	_ =	shalt  }
0x5a: {  	_ =	shalt  }
0x5b: {  	_ =	shalt  }
0x5c: {  	_ =	shalt  }
0x5d: {  	_ =	shalt  }
0x5e: {  	_ =	shalt  }
0x5f: {  	_ =	shalt  }
0x60: {  	_ =	shalt  }
0x61: {  	_ =	shalt  }
0x62: {  	_ =	shalt  }
0x63: {  	_ =	shalt  }
0x64: {  	_ =	shalt  }
0x65: {  	_ =	shalt  }
0x66: {  	_ =	shalt  }
0x67: {  	_ =	shalt  }
0x68: {  	_ =	shalt  }
0x69: {  	_ =	shalt  }
0x6a: {  	_ =	shalt  }
0x6b: {  	_ =	shalt  }
0x6c: {  	_ =	shalt  }
0x6d: {  	_ =	shalt  }
0x6e: {  	_ =	shalt  }
0x6f: {  	_ =	shalt  }
0x70: {  	_ =	shalt  }
0x71: {  	_ =	shalt  }
0x72: {  	_ =	shalt  }
0x73: {  	_ =	shalt  }
0x74: {  	_ =	shalt  }
0x75: {  	_ =	shalt  }
0x76: {  	_ =	shalt  }
0x77: {  	_ =	shalt  }
0x78: {  	_ =	shalt  }
0x79: {  	_ =	shalt  }
0x7a: {  	_ =	shalt  }
0x7b: {  	_ =	shalt  }
0x7c: {  	_ =	shalt  }
0x7d: {  	_ =	shalt  }
0x7e: {  	_ =	shalt  }
0x7f: {  	_ =	shalt  }
0x80: {  	_ =	shalt  }
0x81: {  	_ =	shalt  }
0x82: {  	_ =	shalt  }
0x83: {  	_ =	shalt  }
0x84: {  	_ =	shalt  }
0x85: {  	_ =	shalt  }
0x86: {  	_ =	shalt  }
0x87: {  	_ =	shalt  }
.Lfunc_end0:
.L_simem_size_0:
called_computation.2_lowered:
.L_overlay_start_0:
0x88: {  	s2 =	sld [smem:$0x3FD9]  }
0x89: {  	s3 =	sld [smem:$0x3FFE];
	_ =	sdelay $0x1  }
0x8a: {  	s1 =	srdreg.scid  }
0x8b: {  	s0 =	sand.u32 $0x1, s1  }
0x8c: {  	s14 =	sshll.u32 s0, $0xA;
	s2 =	sadd.s32 s3, s2  }
0x8d: {  	s2 =	sadd.s32 s2, s14  }
0x8e: {  	[smem:$0x3FBF] =	sst s2  }
0x8f: {  	_ = 	snop  }
0x90: {  	s2 =	sld [smem:$0x3FD0];
	_ =	sdelay $0x2  }
0x91: {  	s15 =	simm.s32 $0xA;
	s4 =	simm.s32 $0x10  }
0x92: {  	[smem:s4], [sflag:s15] =	dma.local [hbm:s2], $0x1  }
0x93: {  	_ =	swait.eq [sflag:s15], $0x1  }
0x94: {  	[sflag:s15] =	ssyncset.done $0x0  }
0x95: {  	[sflag:s15] =	ssyncadd.s32 $0xFFFFFFFF  }
0x96: {  	s16 =	sld [smem:$0x10];
	(tm) =	ssettm $0x1  }
0x97: {  	s17 =	sld [smem:$0x3FFB];
	_ =	sdelay $0x3  }
0x98: {  	_ =	strace s17  }
0x99: {  	s3 =	sld [smem:$0x3FFC];
	_ =	sdelay $0x3  }
0x9a: {  	_ =	strace s3  }
0x9b: {  	s3 =	sld [smem:$0x3FFD];
	_ =	sdelay $0x3  }
0x9c: {  	_ =	strace s3  }
0x9d: {  	_ =	strace $0x8FFFFFFF  }
0x9e: {  	s18 =	sld [smem:$0x3FDB];
	_ =	sdelay $0x1  }
0x9f: {  	s19 =	simm.s32 $_scs_section_size  }
0xa0: {  	s5 =	simm.s32 $_size__tile_overlayer_lowered;
	s6 =	simm.s32 $_tile_overlayer_lowered  }
0xa1: {  	s22 =	simm.s32 $0x1BFF;
	s21 =	sshll.u32 s6, $0x1;
	s3 =	sadd.s32 s19, s18  }
0xa2: {  	s7 =	simm.s32 $0x0;
	s20 =	sshll.u32 s5, $0x1;
	s5 =	sadd.s32 s21, s3  }
0xa3: {  	[timem:s7], [sflag:s22] =	dma.local [hbm:s5], s20  }
0xa4: {  	_ =	swait.ge [sflag:s22], s20  }
0xa5: {  	s4 =	ssub.s32 $0x0, s20;
	[sflag:s22] =	ssyncset.done $0x0  }
0xa6: {  	[sflag:s22] =	ssyncadd.s32 s4;
	_ =	sdelay $0x1  }
0xa7: {  	s23 =	simm.s32 $0x1B8B  }
0xa8: {  	_ =	swait.ge [sflag:s23], $0x1  }
0xa9: {  	[sflag:s23] =	ssyncset.done $0x0  }
0xaa: {  	s25 =	simm.s32 $0x1B8E;
	s24 =	sld [smem:$0x3FFE];
	[sflag:s23] =	ssyncadd.s32 $0xFFFFFFFF  }
0xab: {  	s26 =	simm.s32 $execute0_lowered;
	[smem:$0x3FD2] =	sst s25  }
0xac: {  	s5 =	sshll.u32 s26, $0x1;
	_ =	strace $0x8000004C;
	[dreg:$0x1] =	wrdreg $0xFFFFFFFF  }
0xad: {  	s28 =	simm.s32 $_size_execute0_lowered;
	s3 =	sadd.s32 s3, s5;
	[dreg:$0x0] =	wrdreg $0x0  }
0xae: {  	s5 =	sshll.u32 s28, $0x1;
	[dreg:$0x2] =	wrdreg s3  }
0xaf: {  	[dreg:$0x3] =	wrdreg s5  }
0xb0: {  	[dreg:$0x4] =	wrdreg $0xC0  }
0xb1: {  	_ =	task [dreg:s7], $0x5FFFF  }
0xb2: {  	[dreg:$0x1] =	wrdreg $0xFFFFFFFF  }
0xb3: {  	[dreg:$0x0] =	wrdreg $0x60  }
0xb4: {  	[dreg:$0x2] =	wrdreg s16  }
0xb5: {  	[dreg:$0x3] =	wrdreg s24  }
0xb6: {  	[dreg:$0x4] =	wrdreg $0xC4800  }
0xb7: {  	[dreg:$0x5] =	wrdreg $0x9  }
0xb8: {  	_ =	task.clear_ibuf [dreg:s7], $0x6FFFF;
	_ =	strace $0x9000004C  }
0xb9: {  	s29 =	simm.s32 $0x9;
	_ =	strace $0x8000004E  }
0xba: {  	_ =	swait.ge [sflag:s29], $0x1  }
0xbb: {  	[sflag:s29] =	ssyncadd.s32 $0xFFFFFFFF  }
0xbc: {  	_ =	strace $0x9000004E  }
0xbd: {  	_ =	sfence  }
0xbe: {  	s30 =	sld [smem:$0x0];
	_ =	sdelay $0x2  }
0xbf: {  	s31 =	sshll.u32 s1, $0xD;
	s1 =	sshrl.u32 s1, $0x2  }
0xc0: {  	s3 =	sand.u32 $0x4000, s31;
	s1 =	sadd.s32 s1, s30  }
0xc1: {  	s0 =	sor.u32 s3, s0;
	s1 =	sshll.u32 s1, $0x11  }
0xc2: {  	s0 =	sor.u32 s1, s0  }
0xc3: {  	s0 =	sadd.s32 $0x8F2B, s0  }
0xc4: {  	[sflag:s0] =	ssyncadd.remote.s32 $0x1  }
0xc5: {  	_ =	sfence.sel $0xFFFF  }
0xc6: {  	[dreg:$0x0] =	wrdreg $0xFFFFFFFF;
	(pc) =	sbr.abs _section_cstart, $3  }
0xc7: {  	[dreg:$0x1] =	wrdreg $0xFFFFFFFF  }
0xc8: {  	_ =	task.clear_ibuf [dreg:s7], $0x2FFFF;
	_ =	strace $0x9FFFFFFF  }
0xc9: {  	(tm) =	ssettm $0x7FFFFFFF  }
tec
execute0_lowered:
.L_overlay_start_1:
0x0: {  	(tag) =	ssettag $0x1  }
0x1: {  	s1 =	rddreg [dreg:$0x0]  }
0x2: {  	s0 =	srdreg.scid;
	s2 =	rddreg [dreg:$0x1]  }
0x3: {  	s12 =	stileid.u32;
	s3 =	rddreg [dreg:$0x2];
	s29 =	simm.s32 $0x100  }
0x4: {  	s30 =	simm.s32 $0x280;
	s31 =	simm.s32 $0x8480;
	s14 =	smul.u32 $0x4E000, s12  }
0x5: {  	s28 =	simm.s32 $0x1;
	s0 =	sand.u32 $0x1, s0;
	s18 =	smul.u32 $0x13800, s12  }
0x6: {  	s4 =	sshll.u32 s12, $0x1;
	s7 =	sadd.s32 $0x4C00, s2;
	s23 =	smul.u32 $0x9E0, s12  }
0x7: {  	s9 =	sadd.s32 $0xEA00, s2;
	s2 =	sadd.s32 $0x18800, s2;
	s17 =	smul.u32 $0x138800, s0  }
0x8: {  	s5 =	sor.u32 s0, s4;
	s10 =	ssub.s32 $0x2, s0;
	s0 =	smul.u32 $0x4F0, s0  }
0x9: {  	p0 =	sne.s32 s12, $0xF;
	s4 =	simm.s32 $0x0;
	s6 =	smul.u32 $0x2780, s5  }
0xa: {  	s12 =	simm.s32 $0x0;
	[smem:$0x7FF] =	sst s4;
	s5 =	smul.u32 $0x380, s5  }
0xb: {  	s26 =	sshrl.u32 s10, $0x1;
	s16 =	sshrl.u32 s14, $0x2;
	s24 =	sadd.s32 s23, s7  }
0xc: {  	s8 =	sand.u32 $0x7FC00, s6;
	s5 =	sand.u32 $0x380, s5;
	s6 =	sshrl.u32 s6, $0x3  }
0xd: {  	_ =	strace $0x8000004D;
	s5 =	sor.u32 s5, s8;
	s15 =	sadd.s32 $0x20, s6  }
0xe: {  	s8 =	ssub.s32 s10, s26;
	s13 =	sadd.s32 $0x10, s6;
	s6 =	sadd.s32 s7, s15  }
0xf: {  	s5 =	sshrl.u32 s5, $0x3;
	s26 =	smax.u32 s8, $0x1;
	[dreg:$0x8] =	wrdreg s6  }
0x10: {  	s25 =	sadd.s32 s23, s9;
	s11 =	sadd.s32 s7, s5;
	[dreg:$0x10] =	wrdreg s26  }
0x11: {  	s23 =	simm.s32 $0x180;
	s5 =	sadd.s32 s9, s5;
	[dreg:$0x4] =	wrdreg s11  }
0x12: {  	s22 =	sshrl.u32 s17, $0x3;
	[dreg:$0x5] =	wrdreg s5;
	s11 =	sadd.s32 s7, s13  }
0x13: {  	s10 =	simm.s32 $0x9;
	s5 =	sadd.s32 s9, s13;
	[dreg:$0x6] =	wrdreg s11  }
0x14: {  	[dreg:$0x7] =	wrdreg s5;
	s5 =	sadd.s32 s9, s15;
	s11 =	sadd.s32 s16, s3  }
0x15: {  	s8 =	simm.s32 $0x400;
	[dreg:$0x9] =	wrdreg s5;
	s6 =	sadd.s32 $0x4000, s11  }
0x16: {  	s26 =	simm.s32 $0x300;
	s19 =	sadd.s32 $0x8000, s11;
	[dreg:$0xa] =	wrdreg s6  }
0x17: {  	s7 =	simm.s32 $0x6;
	s20 =	sadd.s32 $0xC000, s11;
	[dreg:$0xb] =	wrdreg s19  }
0x18: {  	s21 =	sadd.s32 $0x10000, s11;
	s5 =	sadd.s32 s18, s17;
	[dreg:$0xc] =	wrdreg s20  }
0x19: {  	s16 =	sadd.s32 $0x138000, s3;
	[dreg:$0xd] =	wrdreg s21;
	s5 =	sshrl.u32 s5, $0x3  }
.Ltmp0:
0x1a: {  	s20 =	sadd.s32 s0, s24;
	s21 =	sadd.s32 s0, s25;
	(pc) =	sbr.rel .LBB2_1-.Ltmp0, $4  }
0x1b: {  	s24 =	simm.s32 $0x80;
	s25 =	simm.s32 $0x480;
	s0 =	simm.s32 $0x4  }
0x1c: {  	s6 =	simm.s32 $0x5;
	s5 =	sadd.s32 s2, s5;
	s2 =	sadd.s32 s2, s22  }
0x1d: {  	s22 =	simm.s32 $0xA;
	[dreg:$0xe] =	wrdreg s5;
	s2 =	sadd.s32 $0x27000, s2  }
0x1e: {  	v0 =	vimm.f32 $0.0e+00;
	s5 =	simm.s32 $0x7;
	[dreg:$0xf] =	wrdreg s2;
	s2 =	simm.s32 $0x3  }
.LBB2_6:
0x1f: {  	[spmem:s3] =	stream.indirect.scatter.add.f32 [tilespmem:s31], [sflag:$0x9], $0x80, s8, s24, $0xb8;
	[tilespmem:$0x1FD80] =	vst v63  }
0x20: {  	_ =	swait.ge [sflag:s0], $0x4000  }
0x21: {  	[sflag:s0] =	ssyncset.done $0x0  }
0x22: {  	[sflag:s0] =	ssyncadd.s32 $0xFFFFC000  }
0x23: {  	v1 =	vld [tilespmem:$0x180]  }
0x24: {  	v2 =	vld [tilespmem:$0x190]  }
0x25: {  	v3 =	vld [tilespmem:$0x1A0]  }
0x26: {  	v4 =	vld [tilespmem:$0x1B0]  }
0x27: {  	v5 =	vld [tilespmem:$0x1C0]  }
0x28: {  	[tilespmem:$0x300] =	vst v1;
	v1 =	vld [tilespmem:$0x1D0]  }
0x29: {  	[tilespmem:$0x310] =	vst v2;
	v2 =	vld [tilespmem:$0x1E0]  }
0x2a: {  	[tilespmem:$0x320] =	vst v3;
	v3 =	vld [tilespmem:$0x1F0]  }
0x2b: {  	[tilespmem:$0x330] =	vst v4  }
0x2c: {  	[tilespmem:$0x340] =	vst v5  }
0x2d: {  	[tilespmem:$0x350] =	vst v1  }
0x2e: {  	[tilespmem:$0x360] =	vst v2  }
0x2f: {  	s9 =	simm.s32 $0x8;
	[tilespmem:$0x370] =	vst v3  }
0x30: {  	[spmem:s3] =	stream.indirect.scatter.add.f32 [tilespmem:s25], [sflag:$0x7], $0x80, s26, s24, $0xb8;
	[tilespmem:$0x1FD80] =	vst v63  }
0x31: {  	_ =	swait.ge [sflag:s9], $0x4000  }
0x32: {  	[sflag:s9] =	ssyncset.done $0x0  }
0x33: {  	[sflag:s9] =	ssyncadd.s32 $0xFFFFC000  }
0x34: {  	_ =	swait.ge [sflag:s10], $0x4000  }
0x35: {  	[sflag:s10] =	ssyncset.done $0x0  }
0x36: {  	[sflag:s10] =	ssyncadd.s32 $0xFFFFC000  }
0x37: {  	_ =	swait.ge [sflag:s5], $0x4000  }
0x38: {  	[sflag:s5] =	ssyncset.done $0x0  }
0x39: {  	s18 =	stileid.u32;
	[sflag:s5] =	ssyncadd.s32 $0xFFFFC000  }
0x3a: {  	s9 =	sshll.u32 s18, $0x6;
	[bflag:$0x0] =	sbarrier.arrive $0xFFFF  }
0x3b: {  	s13 =	sshrl.u32 s11, $0x3;
	s9 =	sor.u32 $0x1C0A, s9;
	s14 =	rddreg [dreg:$0xe]  }
0x3c: {  	[hbm:s14], [sflag:s9] =	dma.local [spmem:s13], $0x2700  }
0x3d: {  	_ =	swait.ge [sflag:s22], $0x2700  }
0x3e: {  	[sflag:s22] =	ssyncset.done $0x0  }
0x3f: {  	s13 =	sshrl.u32 @!p0 s16, $0x3;
	s14 =	rddreg [dreg:$0xf];
	[sflag:s22] =	ssyncadd.s32 $0xFFFFD900  }
0x40: {  	[hbm:s14], [sflag:s9] =	dma.local @!p0 [spmem:s13], $0x100  }
0x41: {  	s9 =	simm.s32 @!p0 $0xA  }
0x42: {  	_ =	swait.ge @!p0 [sflag:s9], $0x100  }
0x43: {  	s12 =	sadd.s32 $0x1, s12;
	s19 =	rddreg [dreg:$0x10]  }
0x44: {  	p1 =	sne.s32 s12, s19  }
.Ltmp1:
0x45: {  	_ = 	snop;
	(pc) =	sbr.rel @!p1 .LBB2_7-.Ltmp1, $3  }
0x46: {  	_ =	sdelay $0x1  }
0x47: {  	[sflag:s9] =	ssyncset.done @!p0 $0x0  }
0x48: {  	[sflag:s9] =	ssyncadd.s32 @!p0 $0xFFFFFF00  }
.LBB2_1:
0x49: {  	s9 =	rddreg [dreg:$0x4]  }
0x4a: {  	[tilespmem:s4], [sflag:$0xA] =	stream.linear.gather [hbm4b:s9+s4], $0x80, $0x38;
	[tilespmem:$0x1FD80] =	vst v63  }
0x4b: {  	_ =	swait.ge [sflag:s22], $0x80  }
0x4c: {  	[sflag:s22] =	ssyncset.done $0x0  }
0x4d: {  	s13 =	rddreg [dreg:$0x5];
	[sflag:s22] =	ssyncadd.s32 $0xFFFFFF80  }
0x4e: {  	[tilespmem:s23], [sflag:$0xA] =	stream.linear.gather [hbm4b:s13+s4], $0x80, $0x38;
	[tilespmem:$0x1FD80] =	vst v63  }
0x4f: {  	_ =	swait.ge [sflag:s22], $0x80  }
0x50: {  	[sflag:s22] =	ssyncset.done $0x0  }
0x51: {  	[sflag:s22] =	ssyncadd.s32 $0xFFFFFF80  }
0x52: {  	[tilespmem:s25], [sflag:$0x4] =	stream.indirect.gather [hbm4b:s1+s24], $0x80, s4, s24, $0xb8;
	[tilespmem:$0x1FD80] =	vst v63  }
0x53: {  	s14 =	rddreg [dreg:$0x6]  }
0x54: {  	[tilespmem:s24], [sflag:$0xA] =	stream.linear.gather [hbm4b:s14+s4], $0x80, $0x38;
	[tilespmem:$0x1FD80] =	vst v63  }
0x55: {  	_ =	swait.ge [sflag:s22], $0x80  }
0x56: {  	[sflag:s22] =	ssyncset.done $0x0  }
0x57: {  	s13 =	simm.s32 $0x200;
	s15 =	rddreg [dreg:$0x7];
	[sflag:s22] =	ssyncadd.s32 $0xFFFFFF80  }
0x58: {  	[tilespmem:s13], [sflag:$0xA] =	stream.linear.gather [hbm4b:s15+s4], $0x80, $0x38;
	[tilespmem:$0x1FD80] =	vst v63  }
0x59: {  	_ =	swait.ge [sflag:s22], $0x80  }
0x5a: {  	[sflag:s22] =	ssyncset.done $0x0  }
0x5b: {  	s17 =	simm.s32 $0x4480;
	[sflag:s22] =	ssyncadd.s32 $0xFFFFFF80  }
0x5c: {  	[tilespmem:s17], [sflag:$0x5] =	stream.indirect.gather [hbm4b:s1+s24], $0x80, s24, s24, $0xb8;
	[tilespmem:$0x1FD80] =	vst v63  }
0x5d: {  	s18 =	rddreg [dreg:$0x8]  }
0x5e: {  	[tilespmem:s29], [sflag:$0x3] =	stream.linear.gather [hbm4b:s18+s4], $0x80, $0x38;
	[tilespmem:$0x1FD80] =	vst v63  }
0x5f: {  	s14 =	simm.s32 $0x200;
	s13 =	simm.s32 $0x0;
	s19 =	rddreg [dreg:$0x9]  }
0x60: {  	[tilespmem:s30], [sflag:$0x3] =	stream.linear.gather [hbm4b:s19+s4], $0x80, $0x38;
	[tilespmem:$0x1FD80] =	vst v63  }
.LBB2_2:
0x61: {  	p1 =	sne.s32 s14, $0xFE00;
	[tilespmem:s13+$0x84F0] =	vst v0  }
0x62: {  	[tilespmem:s13+$0x8480] =	vst v0  }
0x63: {  	[tilespmem:s13+$0x8490] =	vst v0  }
.Ltmp2:
0x64: {  	[tilespmem:s13+$0x84A0] =	vst v0;
	(pc) =	sbr.rel @p1 .LBB2_2-.Ltmp2, $4  }
0x65: {  	[tilespmem:s13+$0x84B0] =	vst v0  }
0x66: {  	[tilespmem:s13+$0x84C0] =	vst v0  }
0x67: {  	[tilespmem:s13+$0x84D0] =	vst v0  }
0x68: {  	[tilespmem:s13+$0x84E0] =	vst v0;
	s13 =	sshra.s32 s14, $0x2;
	s14 =	sadd.s32 $0x200, s14  }
0x69: {  	[tilespmem:s13+$0x84F0] =	vst v0  }
0x6a: {  	[tilespmem:s13+$0x8480] =	vst v0  }
0x6b: {  	[tilespmem:s13+$0x8490] =	vst v0  }
0x6c: {  	[tilespmem:s13+$0x84A0] =	vst v0  }
0x6d: {  	[tilespmem:s13+$0x84B0] =	vst v0  }
0x6e: {  	[tilespmem:s13+$0x84C0] =	vst v0  }
0x6f: {  	[tilespmem:s13+$0x84D0] =	vst v0  }
0x70: {  	[tilespmem:s13+$0x84E0] =	vst v0  }
0x71: {  	[spmem:s11] =	stream.linear.scatter [tilespmem:s31], [sflag:$0xA], $0x4000, $0x38;
	[tilespmem:$0x1FD80] =	vst v63  }
0x72: {  	_ =	swait.ge [sflag:s22], $0x4000  }
0x73: {  	[sflag:s22] =	ssyncset.done $0x0  }
0x74: {  	s9 =	rddreg [dreg:$0xa];
	[sflag:s22] =	ssyncadd.s32 $0xFFFFC000  }
0x75: {  	[spmem:s9] =	stream.linear.scatter [tilespmem:s31], [sflag:$0xA], $0x4000, $0x38;
	[tilespmem:$0x1FD80] =	vst v63  }
0x76: {  	_ =	swait.ge [sflag:s22], $0x4000  }
0x77: {  	[sflag:s22] =	ssyncset.done $0x0  }
0x78: {  	s17 =	rddreg [dreg:$0xb];
	[sflag:s22] =	ssyncadd.s32 $0xFFFFC000  }
0x79: {  	[spmem:s17] =	stream.linear.scatter [tilespmem:s31], [sflag:$0xA], $0x4000, $0x38;
	[tilespmem:$0x1FD80] =	vst v63  }
0x7a: {  	_ =	swait.ge [sflag:s22], $0x4000  }
0x7b: {  	[sflag:s22] =	ssyncset.done $0x0  }
0x7c: {  	s18 =	rddreg [dreg:$0xc];
	[sflag:s22] =	ssyncadd.s32 $0xFFFFC000  }
0x7d: {  	[spmem:s18] =	stream.linear.scatter [tilespmem:s31], [sflag:$0xA], $0x4000, $0x38;
	[tilespmem:$0x1FD80] =	vst v63  }
0x7e: {  	_ =	swait.ge [sflag:s22], $0x4000  }
0x7f: {  	[sflag:s22] =	ssyncset.done $0x0  }
0x80: {  	s19 =	rddreg [dreg:$0xd];
	[sflag:s22] =	ssyncadd.s32 $0xFFFFC000  }
0x81: {  	[spmem:s19] =	stream.linear.scatter [tilespmem:s31], [sflag:$0xA], $0x3800, $0x38;
	[tilespmem:$0x1FD80] =	vst v63  }
0x82: {  	_ =	swait.ge [sflag:s22], $0x3800  }
0x83: {  	[sflag:s22] =	ssyncset.done $0x0  }
0x84: {  	s13 =	simm.s32 @!p0 $0x8480;
	[sflag:s22] =	ssyncadd.s32 $0xFFFFC800  }
0x85: {  	[spmem:s16] =	stream.linear.scatter @!p0 [tilespmem:s13], [sflag:$0xA], $0x1000, $0x38;
	[tilespmem:$0x1FD80] =	vst v63  }
0x86: {  	s13 =	simm.s32 @!p0 $0xA  }
0x87: {  	_ =	swait.ge @!p0 [sflag:s13], $0x1000  }
0x88: {  	[sflag:s13] =	ssyncset.done @!p0 $0x0  }
0x89: {  	[sflag:s13] =	ssyncadd.s32 @!p0 $0xFFFFF000  }
0x8a: {  	s13 =	simm.s32 $0x0;
	[bflag:$0x0] =	sbarrier.arrive $0xFFFF  }
.LBB2_4:
0x8b: {  	_ =	swait.ge [sflag:s2], $0x80  }
0x8c: {  	[sflag:s2] =	ssyncset.done $0x0  }
0x8d: {  	[sflag:s2] =	ssyncadd.s32 $0xFFFFFF80  }
0x8e: {  	_ =	swait.ge [sflag:s2], $0x80  }
0x8f: {  	p1 =	seq.s32 s13, $0x0;
	[sflag:s2] =	ssyncset.done $0x0  }
0x90: {  	s14 =	simm.s32 @!p1 $0x9;
	[sflag:s2] =	ssyncadd.s32 $0xFFFFFF80  }
0x91: {  	_ =	swait.ge @!p1 [sflag:s14], $0x4000  }
0x92: {  	[sflag:s14] =	ssyncset.done @!p1 $0x0  }
0x93: {  	[sflag:s14] =	ssyncadd.s32 @!p1 $0xFFFFC000  }
0x94: {  	[tilespmem:s31], [sflag:$0x6] =	stream.indirect.gather [hbm4b:s1+s24], $0x80, s29, s24, $0xb8;
	[tilespmem:$0x1FD80] =	vst v63  }
0x95: {  	_ =	swait.ge [sflag:s0], $0x4000  }
0x96: {  	[sflag:s0] =	ssyncset.done $0x0  }
0x97: {  	[sflag:s0] =	ssyncadd.s32 $0xFFFFC000  }
0x98: {  	v1 =	vld [tilespmem:$0x180]  }
0x99: {  	v2 =	vld [tilespmem:$0x190]  }
0x9a: {  	v3 =	vld [tilespmem:$0x1A0]  }
0x9b: {  	v4 =	vld [tilespmem:$0x1B0]  }
0x9c: {  	v5 =	vld [tilespmem:$0x1C0]  }
0x9d: {  	[tilespmem:$0x300] =	vst v1;
	v1 =	vld [tilespmem:$0x1D0]  }
0x9e: {  	[tilespmem:$0x310] =	vst v2;
	v2 =	vld [tilespmem:$0x1E0]  }
0x9f: {  	[tilespmem:$0x320] =	vst v3;
	v3 =	vld [tilespmem:$0x1F0]  }
0xa0: {  	[tilespmem:$0x330] =	vst v4  }
0xa1: {  	[tilespmem:$0x340] =	vst v5  }
0xa2: {  	[tilespmem:$0x350] =	vst v1  }
0xa3: {  	s14 =	sadd.s32 s13, s20;
	[tilespmem:$0x360] =	vst v2  }
0xa4: {  	s15 =	sadd.s32 $0x30, s14;
	[tilespmem:$0x370] =	vst v3  }
0xa5: {  	[tilespmem:s4], [sflag:$0x1] =	stream.linear.gather [hbm4b:s15+s4], $0x80, $0x38;
	[tilespmem:$0x1FD80] =	vst v63  }
0xa6: {  	s15 =	sadd.s32 s13, s21  }
0xa7: {  	s17 =	sadd.s32 $0x30, s15  }
0xa8: {  	[tilespmem:s23], [sflag:$0x1] =	stream.linear.gather [hbm4b:s17+s4], $0x80, $0x38;
	[tilespmem:$0x1FD80] =	vst v63  }
0xa9: {  	_ = 	snop  }
0xaa: {  	[spmem:s3] =	stream.indirect.scatter.add.f32 [tilespmem:s25], [sflag:$0x7], $0x80, s26, s24, $0xb8;
	[tilespmem:$0x1FD80] =	vst v63  }
0xab: {  	_ =	swait.ge [sflag:s28], $0x80  }
0xac: {  	[sflag:s28] =	ssyncset.done $0x0  }
0xad: {  	[sflag:s28] =	ssyncadd.s32 $0xFFFFFF80  }
0xae: {  	_ =	swait.ge [sflag:s28], $0x80  }
0xaf: {  	[sflag:s28] =	ssyncset.done $0x0  }
0xb0: {  	[sflag:s28] =	ssyncadd.s32 $0xFFFFFF80  }
0xb1: {  	_ =	swait.ge [sflag:s5], $0x4000  }
0xb2: {  	[sflag:s5] =	ssyncset.done $0x0  }
0xb3: {  	[sflag:s5] =	ssyncadd.s32 $0xFFFFC000  }
0xb4: {  	[tilespmem:s25], [sflag:$0x4] =	stream.indirect.gather [hbm4b:s1+s24], $0x80, s4, s24, $0xb8;
	[tilespmem:$0x1FD80] =	vst v63  }
0xb5: {  	_ =	swait.ge [sflag:s6], $0x4000  }
0xb6: {  	[sflag:s6] =	ssyncset.done $0x0  }
0xb7: {  	[sflag:s6] =	ssyncadd.s32 $0xFFFFC000  }
0xb8: {  	v1 =	vld [tilespmem:$0x200]  }
0xb9: {  	v2 =	vld [tilespmem:$0x210]  }
0xba: {  	v3 =	vld [tilespmem:$0x220]  }
0xbb: {  	v60 =	vld [tilespmem:$0x230]  }
0xbc: {  	v61 =	vld [tilespmem:$0x240]  }
0xbd: {  	[tilespmem:$0x380] =	vst v1;
	v1 =	vld [tilespmem:$0x250]  }
0xbe: {  	[tilespmem:$0x390] =	vst v2;
	v2 =	vld [tilespmem:$0x260]  }
0xbf: {  	[tilespmem:$0x3A0] =	vst v3;
	v3 =	vld [tilespmem:$0x270]  }
0xc0: {  	[tilespmem:$0x3B0] =	vst v60  }
0xc1: {  	[tilespmem:$0x3C0] =	vst v61  }
0xc2: {  	[tilespmem:$0x3D0] =	vst v1  }
0xc3: {  	p1 =	seq.s32 s13, $0x4B0;
	[tilespmem:$0x3E0] =	vst v2  }
0xc4: {  	s18 =	simm.s32 @p1 $0x380;
	s19 =	simm.s32 @p1 $0x4480;
	s17 =	simm.s32 @p1 $0x80;
	[tilespmem:$0x3F0] =	vst v3  }
0xc5: {  	[spmem:s3] =	stream.indirect.scatter.add.f32 @p1 [tilespmem:s19], [sflag:$0x8], $0x80, s18, s17, $0xb8;
	[tilespmem:$0x1FD80] =	vst v63  }
0xc6: {  	s17 =	sadd.s32 @!p1 s13, s20  }
0xc7: {  	s18 =	simm.s32 @!p1 $0x0;
	s19 =	simm.s32 @!p1 $0x80;
	s17 =	sadd.s32 @!p1 $0x40, s17  }
0xc8: {  	[tilespmem:s19], [sflag:$0x2] =	stream.linear.gather @!p1 [hbm4b:s17+s18], $0x80, $0x38;
	[tilespmem:$0x1FD80] =	vst v63  }
0xc9: {  	s17 =	sadd.s32 @!p1 s13, s21  }
0xca: {  	s9 =	simm.s32 @!p1 $0x200;
	s17 =	sadd.s32 @!p1 $0x40, s17  }
0xcb: {  	[tilespmem:s9], [sflag:$0x2] =	stream.linear.gather @!p1 [hbm4b:s17+s18], $0x80, $0x38;
	[tilespmem:$0x1FD80] =	vst v63  }
0xcc: {  	s9 =	simm.s32 @!p1 $0x380;
	s17 =	simm.s32 @!p1 $0x4480  }
0xcd: {  	[spmem:s3] =	stream.indirect.scatter.add.f32 @!p1 [tilespmem:s17], [sflag:$0x8], $0x80, s9, s19, $0xb8;
	[tilespmem:$0x1FD80] =	vst v63  }
0xce: {  	s9 =	simm.s32 @!p1 $0x2  }
0xcf: {  	_ =	swait.ge @!p1 [sflag:s9], $0x80  }
0xd0: {  	[sflag:s9] =	ssyncset.done @!p1 $0x0  }
0xd1: {  	[sflag:s9] =	ssyncadd.s32 @!p1 $0xFFFFFF80  }
0xd2: {  	_ =	swait.ge @!p1 [sflag:s9], $0x80  }
0xd3: {  	[sflag:s9] =	ssyncset.done @!p1 $0x0  }
0xd4: {  	[sflag:s9] =	ssyncadd.s32 @!p1 $0xFFFFFF80;
	s9 =	simm.s32 @!p1 $0x8  }
0xd5: {  	_ =	swait.ge @!p1 [sflag:s9], $0x4000  }
0xd6: {  	[sflag:s9] =	ssyncset.done @!p1 $0x0  }
0xd7: {  	[sflag:s9] =	ssyncadd.s32 @!p1 $0xFFFFC000  }
0xd8: {  	[tilespmem:s17], [sflag:$0x5] =	stream.indirect.gather @!p1 [hbm4b:s1+s19], $0x80, s19, s19, $0xb8;
	[tilespmem:$0x1FD80] =	vst v63  }
0xd9: {  	_ =	swait.ge [sflag:s7], $0x4000  }
0xda: {  	[sflag:s7] =	ssyncset.done $0x0  }
0xdb: {  	[sflag:s7] =	ssyncadd.s32 $0xFFFFC000  }
0xdc: {  	v1 =	vld [tilespmem:$0x280]  }
0xdd: {  	v2 =	vld [tilespmem:$0x290]  }
0xde: {  	v3 =	vld [tilespmem:$0x2A0]  }
0xdf: {  	v62 =	vld [tilespmem:$0x2B0]  }
0xe0: {  	v63 =	vld [tilespmem:$0x2C0]  }
0xe1: {  	[tilespmem:$0x400] =	vst v1;
	v1 =	vld [tilespmem:$0x2D0]  }
0xe2: {  	[tilespmem:$0x410] =	vst v2;
	v2 =	vld [tilespmem:$0x2E0]  }
0xe3: {  	[tilespmem:$0x420] =	vst v3;
	v3 =	vld [tilespmem:$0x2F0]  }
.Ltmp3:
0xe4: {  	[tilespmem:$0x430] =	vst v62;
	(pc) =	sbr.rel @p1 .LBB2_6-.Ltmp3, $4  }
0xe5: {  	[tilespmem:$0x440] =	vst v63  }
0xe6: {  	[tilespmem:$0x450] =	vst v1  }
0xe7: {  	[tilespmem:$0x460] =	vst v2  }
0xe8: {  	[tilespmem:$0x470] =	vst v3  }
0xe9: {  	s9 =	sadd.s32 $0x50, s14  }
0xea: {  	[tilespmem:s29], [sflag:$0x3] =	stream.linear.gather [hbm4b:s9+s4], $0x80, $0x38;
	[tilespmem:$0x1FD80] =	vst v63  }
.Ltmp4:
0xeb: {  	_ = 	snop;
	(pc) =	sbr.rel .LBB2_4-.Ltmp4, $4  }
0xec: {  	s19 =	sadd.s32 $0x50, s15  }
0xed: {  	[tilespmem:s30], [sflag:$0x3] =	stream.linear.gather [hbm4b:s19+s4], $0x80, $0x38;
	[tilespmem:$0x1FD80] =	vst v63  }
0xee: {  	s13 =	sadd.s32 $0x30, s13  }
0xef: {  	[spmem:s3] =	stream.indirect.scatter.add.f32 [tilespmem:s31], [sflag:$0x9], $0x80, s8, s24, $0xb8;
	[tilespmem:$0x1FD80] =	vst v63  }
.LBB2_7:
0xf0: {  	_ =	sfence.sel $0x180000  }
0xf1: {  	[bflag:$0x0] =	sbarrier.arrive $0xFFFF  }
0xf2: {  	_ =	strace $0x9000004D  }
0xf3: {  	s0 =	stileid.u32;
	[bflag:$0x2] =	sbarrier.arrive $0xFFFF  }
0xf4: {  	p0 =	sne.s32 s0, $0x0;
	s0 =	rddreg [dreg:$0x3]  }
0xf5: {  	s0 =	sadd.s32 @!p0 $0x100000, s0  }
0xf6: {  	[sflag:s0] =	ssyncadd.tile.s32 @!p0 $0x1;
	_ =	shalt  }
.Lfunc_end2:
_tile_overlayer_lowered:
.L_overlay_start_2:
0xf7: {  	(tag) =	ssettag $0x2  }
0xf8: {  	s0 =	rddreg [dreg:$0x0];
	s2 =	stileid.u32  }
0xf9: {  	s1 =	rddreg [dreg:$0x1];
	p0 =	sne.s32 s2, $0x0  }
0xfa: {  	s3 =	rddreg [dreg:$0x2];
	[bflag:$0x3] =	sbarrier.arrive $0xFFFF;
	s2 =	simm.s32 @!p0 $0x1C0A  }
0xfb: {  	[timem:s3], [sflag:s2] =	dma.local @!p0 [hbm:s0], s1  }
0xfc: {  	s0 =	simm.s32 @!p0 $0xA  }
0xfd: {  	_ =	swait.ge @!p0 [sflag:s0], s1  }
0xfe: {  	s1 =	ssub.s32 @!p0 $0x0, s1;
	[sflag:s0] =	ssyncset.done @!p0 $0x0  }
0xff: {  	[sflag:s0] =	ssyncadd.s32 @!p0 s1  }
0x100: {  	[bflag:$0x3] =	sbarrier.arrive $0xFFFF  }
0x101: {  	_ =	shalt  }

// kernel: kernel.19.cloned.1.call-start
scs
__scs_entry_jumppad:
0x0: {  	(pc) =	sbr.rel $0x88, $3  }
0x1: {  	(tag) =	ssettag $0x0;
	lr =	simm.s32 $0x1  }
0x2: {  	[smem:$0x3F98] =	sst lr;
	_ =	strace $0xD0000000  }
0x3: {  	_ = 	snop  }
0x4: {  	_ = 	snop  }
0x5: {  	_ = 	snop  }
0x6: {  	_ = 	snop  }
0x7: {  	_ = 	snop  }
__scs_overlays_trampoline_lowered:
0x8: {  	[smem:$0x3FA7] =	sst s0  }
0x9: {  	[smem:$0x3FA8] =	sst s1  }
0xa: {  	[smem:$0x3FA9] =	sst s2  }
0xb: {  	[smem:$0x3FAA] =	sst s3  }
0xc: {  	[smem:$0x3FAB] =	sst s4  }
0xd: {  	[smem:$0x3FAC] =	sst s5  }
0xe: {  	[smem:$0x3FAD] =	sst s6  }
0xf: {  	[smem:$0x3FAE] =	sst s7  }
0x10: {  	[smem:$0x3FAF] =	sst s8  }
0x11: {  	[smem:$0x3FB0] =	sst s9;
	s0 =	simm.s32 @!p0 $0x0  }
0x12: {  	s1 =	sld [smem:$0x3F96];
	s0 =	simm.s32 @p0 $0x1  }
0x13: {  	[smem:$0x3FB1] =	sst s0;
	s0 =	simm.s32 @!p1 $0x0  }
0x14: {  	s2 =	sld [smem:$0x3F95];
	s0 =	simm.s32 @p1 $0x1  }
0x15: {  	[smem:$0x3FB2] =	sst s0;
	s0 =	simm.s32 @!p2 $0x0  }
0x16: {  	s3 =	sld [smem:$0x3FDB];
	s0 =	simm.s32 @p2 $0x1  }
0x17: {  	s4 =	simm.s32 $0x1BF5;
	[smem:$0x3FB4] =	sst s0  }
0x18: {  	s0 =	sld [smem:$0x3F97];
	_ =	swait.ge [sflag:s4], $0x0  }
0x19: {  	s7 =	sld [smem:$0x3F98]  }
0x1a: {  	s8 =	sadd.s32 $0xFFFFE003, lr  }
0x1b: {  	s9 =	sadd.s32 $0xFFFFFEF7, lr;
	s5 =	simm.s32 $0xFFFFFFFF;
	p2 =	slt.u32 s8, $0xFFFFF086  }
0x1c: {  	p1 =	slt.u32 s9, $0xF7A;
	s5 =	simm.s32 @!p2 $0x0  }
0x1d: {  	s5 =	simm.s32 @p1 $0x1;
	p0 =	seq.s32 s7, s2  }
0x1e: {  	s7 =	smul.u32 @!p0 $0xF7A, s2;
	p2 =	seq.s32 @!p0 s5, $0x0  }
0x1f: {  	s9 =	smul.u32 $0xF7A, s1;
	s8 =	simm.s32 @!p0 $0x1BF5;
	p2 =	por !p2, p0  }
0x20: {  	[sflag:s8] =	ssyncset.s32 @!p0 $0xFFFFF086;
	s6 =	sadd.s32 @!p0 s3, s7;
	s7 =	simm.s32 @!p0 $0x108  }
0x21: {  	s3 =	sadd.s32 s3, s9;
	s6 =	sadd.s32 @!p0 $0x88, s6;
	s7 =	simm.s32 @p2 $0x1082  }
0x22: {  	[simem:s7], [sflag:s8] =	dma.local @!p0 [hbm:s6], $0xF7A  }
0x23: {  	s9 =	sor.u32 $0xD0000000, s2;
	s6 =	simm.s32 $0x108;
	_ =	swait.ge @!p0 [sflag:s8], $0x0  }
0x24: {  	s3 =	sadd.s32 $0x88, s3;
	s6 =	simm.s32 @!p1 $0x1082;
	[sflag:s4] =	ssyncset.s32 $0xFFFFF086  }
0x25: {  	[simem:s6], [sflag:s4] =	dma.local [hbm:s3], $0xF7A  }
0x26: {  	[smem:$0x3F98] =	sst s1;
	(tag) =	ssettag s2;
	_ =	strace s9  }
0x27: {  	s1 =	sld [smem:$0x3FA8]  }
0x28: {  	s2 =	sld [smem:$0x3FA9]  }
0x29: {  	s4 =	sld [smem:$0x3FAB]  }
0x2a: {  	p0 =	seq.s32 s5, $0x0;
	s5 =	sld [smem:$0x3FAC]  }
0x2b: {  	s6 =	sld [smem:$0x3FAD]  }
0x2c: {  	s7 =	sld [smem:$0x3FAE]  }
0x2d: {  	s3 =	simm.s32 $0x108;
	s8 =	sld [smem:$0x3FAF]  }
0x2e: {  	s3 =	simm.s32 @!p0 $0x1082;
	s9 =	sld [smem:$0x3FB0]  }
0x2f: {  	lr =	sadd.s32 s0, s3;
	s0 =	sld [smem:$0x3FA7]  }
0x30: {  	s3 =	sld [smem:$0x3FAA]  }
0x31: {  	[smem:$0x3FB3] =	sst s10  }
0x32: {  	s10 =	sld [smem:$0x3FB1];
	_ =	sdelay $0x3  }
0x33: {  	p0 =	seq.s32 s10, $0x1;
	s10 =	sld [smem:$0x3FB3];
	_ =	sdelay $0x3  }
0x34: {  	[smem:$0x3FB3] =	sst s10  }
0x35: {  	s10 =	sld [smem:$0x3FB2];
	_ =	sdelay $0x3  }
0x36: {  	p1 =	seq.s32 s10, $0x1;
	s10 =	sld [smem:$0x3FB3];
	_ =	sdelay $0x3  }
0x37: {  	[smem:$0x3FB3] =	sst s10  }
0x38: {  	s10 =	sld [smem:$0x3FB4]  }
0x39: {  	_ = 	snop;
	(pc) =	sbr.ind lr, $3  }
0x3a: {  	_ = 	snop  }
0x3b: {  	_ = 	snop  }
0x3c: {  	p2 =	seq.s32 s10, $0x1;
	s10 =	sld [smem:$0x3FB3]  }
0x3d: {  	_ =	shalt  }
0x3e: {  	_ =	shalt  }
0x3f: {  	_ =	shalt  }
0x40: {  	_ =	shalt  }
0x41: {  	_ =	shalt  }
0x42: {  	_ =	shalt  }
0x43: {  	_ =	shalt  }
0x44: {  	_ =	shalt  }
0x45: {  	_ =	shalt  }
0x46: {  	_ =	shalt  }
0x47: {  	_ =	shalt  }
0x48: {  	_ =	shalt  }
0x49: {  	_ =	shalt  }
0x4a: {  	_ =	shalt  }
0x4b: {  	_ =	shalt  }
0x4c: {  	_ =	shalt  }
0x4d: {  	_ =	shalt  }
0x4e: {  	_ =	shalt  }
0x4f: {  	_ =	shalt  }
0x50: {  	_ =	shalt  }
0x51: {  	_ =	shalt  }
0x52: {  	_ =	shalt  }
0x53: {  	_ =	shalt  }
0x54: {  	_ =	shalt  }
0x55: {  	_ =	shalt  }
0x56: {  	_ =	shalt  }
0x57: {  	_ =	shalt  }
0x58: {  	_ =	shalt  }
0x59: {  	_ =	shalt  }
0x5a: {  	_ =	shalt  }
0x5b: {  	_ =	shalt  }
0x5c: {  	_ =	shalt  }
0x5d: {  	_ =	shalt  }
0x5e: {  	_ =	shalt  }
0x5f: {  	_ =	shalt  }
0x60: {  	_ =	shalt  }
0x61: {  	_ =	shalt  }
0x62: {  	_ =	shalt  }
0x63: {  	_ =	shalt  }
0x64: {  	_ =	shalt  }
0x65: {  	_ =	shalt  }
0x66: {  	_ =	shalt  }
0x67: {  	_ =	shalt  }
0x68: {  	_ =	shalt  }
0x69: {  	_ =	shalt  }
0x6a: {  	_ =	shalt  }
0x6b: {  	_ =	shalt  }
0x6c: {  	_ =	shalt  }
0x6d: {  	_ =	shalt  }
0x6e: {  	_ =	shalt  }
0x6f: {  	_ =	shalt  }
0x70: {  	_ =	shalt  }
0x71: {  	_ =	shalt  }
0x72: {  	_ =	shalt  }
0x73: {  	_ =	shalt  }
0x74: {  	_ =	shalt  }
0x75: {  	_ =	shalt  }
0x76: {  	_ =	shalt  }
0x77: {  	_ =	shalt  }
0x78: {  	_ =	shalt  }
0x79: {  	_ =	shalt  }
0x7a: {  	_ =	shalt  }
0x7b: {  	_ =	shalt  }
0x7c: {  	_ =	shalt  }
0x7d: {  	_ =	shalt  }
0x7e: {  	_ =	shalt  }
0x7f: {  	_ =	shalt  }
0x80: {  	_ =	shalt  }
0x81: {  	_ =	shalt  }
0x82: {  	_ =	shalt  }
0x83: {  	_ =	shalt  }
0x84: {  	_ =	shalt  }
0x85: {  	_ =	shalt  }
0x86: {  	_ =	shalt  }
0x87: {  	_ =	shalt  }
.Lfunc_end0:
.L_simem_size_0:
called_computation.3_lowered:
.L_overlay_start_0:
0x88: {  	s2 =	sld [smem:$0x3FD9]  }
0x89: {  	s3 =	sld [smem:$0x3FFE];
	_ =	sdelay $0x1  }
0x8a: {  	s1 =	srdreg.scid  }
0x8b: {  	s0 =	sand.u32 $0x1, s1  }
0x8c: {  	s14 =	sshll.u32 s0, $0xA;
	s2 =	sadd.s32 s3, s2  }
0x8d: {  	s2 =	sadd.s32 s2, s14  }
0x8e: {  	[smem:$0x3FBF] =	sst s2  }
0x8f: {  	_ = 	snop  }
0x90: {  	s2 =	sld [smem:$0x3FD0];
	_ =	sdelay $0x2  }
0x91: {  	s15 =	simm.s32 $0xA;
	s4 =	simm.s32 $0x10  }
0x92: {  	[smem:s4], [sflag:s15] =	dma.local [hbm:s2], $0x1  }
0x93: {  	_ =	swait.eq [sflag:s15], $0x1  }
0x94: {  	[sflag:s15] =	ssyncset.done $0x0  }
0x95: {  	[sflag:s15] =	ssyncadd.s32 $0xFFFFFFFF  }
0x96: {  	s16 =	sld [smem:$0x10];
	(tm) =	ssettm $0x1  }
0x97: {  	s17 =	sld [smem:$0x3FFB];
	_ =	sdelay $0x3  }
0x98: {  	_ =	strace s17  }
0x99: {  	s3 =	sld [smem:$0x3FFC];
	_ =	sdelay $0x3  }
0x9a: {  	_ =	strace s3  }
0x9b: {  	s3 =	sld [smem:$0x3FFD];
	_ =	sdelay $0x3  }
0x9c: {  	_ =	strace s3  }
0x9d: {  	_ =	strace $0x8FFFFFFF  }
0x9e: {  	s18 =	sld [smem:$0x3FDB];
	_ =	sdelay $0x1  }
0x9f: {  	s19 =	simm.s32 $_scs_section_size  }
0xa0: {  	s5 =	simm.s32 $_size__tile_overlayer_lowered;
	s6 =	simm.s32 $_tile_overlayer_lowered  }
0xa1: {  	s22 =	simm.s32 $0x1BFF;
	s21 =	sshll.u32 s6, $0x1;
	s3 =	sadd.s32 s19, s18  }
0xa2: {  	s7 =	simm.s32 $0x0;
	s20 =	sshll.u32 s5, $0x1;
	s5 =	sadd.s32 s21, s3  }
0xa3: {  	[timem:s7], [sflag:s22] =	dma.local [hbm:s5], s20  }
0xa4: {  	_ =	swait.ge [sflag:s22], s20  }
0xa5: {  	s4 =	ssub.s32 $0x0, s20;
	[sflag:s22] =	ssyncset.done $0x0  }
0xa6: {  	[sflag:s22] =	ssyncadd.s32 s4;
	_ =	sdelay $0x1  }
0xa7: {  	s23 =	simm.s32 $0x1B8B  }
0xa8: {  	_ =	swait.ge [sflag:s23], $0x1  }
0xa9: {  	[sflag:s23] =	ssyncset.done $0x0  }
0xaa: {  	s25 =	simm.s32 $0x1B8E;
	s24 =	sld [smem:$0x3FFE];
	[sflag:s23] =	ssyncadd.s32 $0xFFFFFFFF  }
0xab: {  	s26 =	simm.s32 $execute0_lowered;
	[smem:$0x3FD2] =	sst s25  }
0xac: {  	s5 =	sshll.u32 s26, $0x1;
	_ =	strace $0x8000004F;
	[dreg:$0x1] =	wrdreg $0xFFFFFFFF  }
0xad: {  	s28 =	simm.s32 $_size_execute0_lowered;
	s3 =	sadd.s32 s3, s5;
	[dreg:$0x0] =	wrdreg $0x0  }
0xae: {  	s5 =	sshll.u32 s28, $0x1;
	[dreg:$0x2] =	wrdreg s3  }
0xaf: {  	[dreg:$0x3] =	wrdreg s5  }
0xb0: {  	[dreg:$0x4] =	wrdreg $0xC0  }
0xb1: {  	_ =	task [dreg:s7], $0x5FFFF  }
0xb2: {  	[dreg:$0x1] =	wrdreg $0xFFFFFFFF  }
0xb3: {  	[dreg:$0x0] =	wrdreg $0x60  }
0xb4: {  	[dreg:$0x2] =	wrdreg s16  }
0xb5: {  	[dreg:$0x3] =	wrdreg s24  }
0xb6: {  	[dreg:$0x4] =	wrdreg $0xC4800  }
0xb7: {  	[dreg:$0x5] =	wrdreg $0x9  }
0xb8: {  	_ =	task.clear_ibuf [dreg:s7], $0x6FFFF;
	_ =	strace $0x9000004F  }
0xb9: {  	s29 =	simm.s32 $0x9;
	_ =	strace $0x80000051  }
0xba: {  	_ =	swait.ge [sflag:s29], $0x1  }
0xbb: {  	[sflag:s29] =	ssyncadd.s32 $0xFFFFFFFF  }
0xbc: {  	_ =	strace $0x90000051  }
0xbd: {  	_ =	sfence  }
0xbe: {  	s30 =	sld [smem:$0x0];
	_ =	sdelay $0x2  }
0xbf: {  	s31 =	sshll.u32 s1, $0xD;
	s1 =	sshrl.u32 s1, $0x2  }
0xc0: {  	s3 =	sand.u32 $0x4000, s31;
	s1 =	sadd.s32 s1, s30  }
0xc1: {  	s0 =	sor.u32 s3, s0;
	s1 =	sshll.u32 s1, $0x11  }
0xc2: {  	s0 =	sor.u32 s1, s0  }
0xc3: {  	s0 =	sadd.s32 $0x8F2B, s0  }
0xc4: {  	[sflag:s0] =	ssyncadd.remote.s32 $0x1  }
0xc5: {  	_ =	sfence.sel $0xFFFF  }
0xc6: {  	[dreg:$0x0] =	wrdreg $0xFFFFFFFF;
	(pc) =	sbr.abs _section_cstart, $3  }
0xc7: {  	[dreg:$0x1] =	wrdreg $0xFFFFFFFF  }
0xc8: {  	_ =	task.clear_ibuf [dreg:s7], $0x2FFFF;
	_ =	strace $0x9FFFFFFF  }
0xc9: {  	(tm) =	ssettm $0x7FFFFFFF  }
tec
execute0_lowered:
.L_overlay_start_1:
0x0: {  	(tag) =	ssettag $0x1  }
0x1: {  	s1 =	rddreg [dreg:$0x0]  }
0x2: {  	s0 =	srdreg.scid;
	s2 =	rddreg [dreg:$0x1]  }
0x3: {  	s12 =	stileid.u32;
	s3 =	rddreg [dreg:$0x2];
	s29 =	simm.s32 $0x100  }
0x4: {  	s30 =	simm.s32 $0x280;
	s31 =	simm.s32 $0x8480;
	s14 =	smul.u32 $0x4E000, s12  }
0x5: {  	s28 =	simm.s32 $0x1;
	s0 =	sand.u32 $0x1, s0;
	s18 =	smul.u32 $0x13800, s12  }
0x6: {  	s4 =	sshll.u32 s12, $0x1;
	s7 =	sadd.s32 $0x4C00, s2;
	s23 =	smul.u32 $0x9E0, s12  }
0x7: {  	s9 =	sadd.s32 $0xEA00, s2;
	s2 =	sadd.s32 $0x18800, s2;
	s17 =	smul.u32 $0x138800, s0  }
0x8: {  	s5 =	sor.u32 s0, s4;
	s10 =	ssub.s32 $0x2, s0;
	s0 =	smul.u32 $0x4F0, s0  }
0x9: {  	p0 =	sne.s32 s12, $0xF;
	s4 =	simm.s32 $0x0;
	s6 =	smul.u32 $0x2780, s5  }
0xa: {  	s12 =	simm.s32 $0x0;
	[smem:$0x7FF] =	sst s4;
	s5 =	smul.u32 $0x380, s5  }
0xb: {  	s26 =	sshrl.u32 s10, $0x1;
	s16 =	sshrl.u32 s14, $0x2;
	s24 =	sadd.s32 s23, s7  }
0xc: {  	s8 =	sand.u32 $0x7FC00, s6;
	s5 =	sand.u32 $0x380, s5;
	s6 =	sshrl.u32 s6, $0x3  }
0xd: {  	_ =	strace $0x80000050;
	s5 =	sor.u32 s5, s8;
	s15 =	sadd.s32 $0x20, s6  }
0xe: {  	s8 =	ssub.s32 s10, s26;
	s13 =	sadd.s32 $0x10, s6;
	s6 =	sadd.s32 s7, s15  }
0xf: {  	s5 =	sshrl.u32 s5, $0x3;
	s26 =	smax.u32 s8, $0x1;
	[dreg:$0x8] =	wrdreg s6  }
0x10: {  	s25 =	sadd.s32 s23, s9;
	s11 =	sadd.s32 s7, s5;
	[dreg:$0x10] =	wrdreg s26  }
0x11: {  	s23 =	simm.s32 $0x180;
	s5 =	sadd.s32 s9, s5;
	[dreg:$0x4] =	wrdreg s11  }
0x12: {  	s22 =	sshrl.u32 s17, $0x3;
	[dreg:$0x5] =	wrdreg s5;
	s11 =	sadd.s32 s7, s13  }
0x13: {  	s10 =	simm.s32 $0x9;
	s5 =	sadd.s32 s9, s13;
	[dreg:$0x6] =	wrdreg s11  }
0x14: {  	[dreg:$0x7] =	wrdreg s5;
	s5 =	sadd.s32 s9, s15;
	s11 =	sadd.s32 s16, s3  }
0x15: {  	s8 =	simm.s32 $0x400;
	[dreg:$0x9] =	wrdreg s5;
	s6 =	sadd.s32 $0x4000, s11  }
0x16: {  	s26 =	simm.s32 $0x300;
	s19 =	sadd.s32 $0x8000, s11;
	[dreg:$0xa] =	wrdreg s6  }
0x17: {  	s7 =	simm.s32 $0x6;
	s20 =	sadd.s32 $0xC000, s11;
	[dreg:$0xb] =	wrdreg s19  }
0x18: {  	s21 =	sadd.s32 $0x10000, s11;
	s5 =	sadd.s32 s18, s17;
	[dreg:$0xc] =	wrdreg s20  }
0x19: {  	s16 =	sadd.s32 $0x138000, s3;
	[dreg:$0xd] =	wrdreg s21;
	s5 =	sshrl.u32 s5, $0x3  }
.Ltmp0:
0x1a: {  	s20 =	sadd.s32 s0, s24;
	s21 =	sadd.s32 s0, s25;
	(pc) =	sbr.rel .LBB2_1-.Ltmp0, $4  }
0x1b: {  	s24 =	simm.s32 $0x80;
	s25 =	simm.s32 $0x480;
	s0 =	simm.s32 $0x4  }
0x1c: {  	s6 =	simm.s32 $0x5;
	s5 =	sadd.s32 s2, s5;
	s2 =	sadd.s32 s2, s22  }
0x1d: {  	s22 =	simm.s32 $0xA;
	[dreg:$0xe] =	wrdreg s5;
	s2 =	sadd.s32 $0x27000, s2  }
0x1e: {  	v0 =	vimm.f32 $0.0e+00;
	s5 =	simm.s32 $0x7;
	[dreg:$0xf] =	wrdreg s2;
	s2 =	simm.s32 $0x3  }
.LBB2_6:
0x1f: {  	[spmem:s3] =	stream.indirect.scatter.add.f32 [tilespmem:s31], [sflag:$0x9], $0x80, s8, s24, $0xb8;
	[tilespmem:$0x1FD80] =	vst v63  }
0x20: {  	_ =	swait.ge [sflag:s0], $0x4000  }
0x21: {  	[sflag:s0] =	ssyncset.done $0x0  }
0x22: {  	[sflag:s0] =	ssyncadd.s32 $0xFFFFC000  }
0x23: {  	v1 =	vld [tilespmem:$0x180]  }
0x24: {  	v2 =	vld [tilespmem:$0x190]  }
0x25: {  	v3 =	vld [tilespmem:$0x1A0]  }
0x26: {  	v4 =	vld [tilespmem:$0x1B0]  }
0x27: {  	v5 =	vld [tilespmem:$0x1C0]  }
0x28: {  	[tilespmem:$0x300] =	vst v1;
	v1 =	vld [tilespmem:$0x1D0]  }
0x29: {  	[tilespmem:$0x310] =	vst v2;
	v2 =	vld [tilespmem:$0x1E0]  }
0x2a: {  	[tilespmem:$0x320] =	vst v3;
	v3 =	vld [tilespmem:$0x1F0]  }
0x2b: {  	[tilespmem:$0x330] =	vst v4  }
0x2c: {  	[tilespmem:$0x340] =	vst v5  }
0x2d: {  	[tilespmem:$0x350] =	vst v1  }
0x2e: {  	[tilespmem:$0x360] =	vst v2  }
0x2f: {  	s9 =	simm.s32 $0x8;
	[tilespmem:$0x370] =	vst v3  }
0x30: {  	[spmem:s3] =	stream.indirect.scatter.add.f32 [tilespmem:s25], [sflag:$0x7], $0x80, s26, s24, $0xb8;
	[tilespmem:$0x1FD80] =	vst v63  }
0x31: {  	_ =	swait.ge [sflag:s9], $0x4000  }
0x32: {  	[sflag:s9] =	ssyncset.done $0x0  }
0x33: {  	[sflag:s9] =	ssyncadd.s32 $0xFFFFC000  }
0x34: {  	_ =	swait.ge [sflag:s10], $0x4000  }
0x35: {  	[sflag:s10] =	ssyncset.done $0x0  }
0x36: {  	[sflag:s10] =	ssyncadd.s32 $0xFFFFC000  }
0x37: {  	_ =	swait.ge [sflag:s5], $0x4000  }
0x38: {  	[sflag:s5] =	ssyncset.done $0x0  }
0x39: {  	s18 =	stileid.u32;
	[sflag:s5] =	ssyncadd.s32 $0xFFFFC000  }
0x3a: {  	s9 =	sshll.u32 s18, $0x6;
	[bflag:$0x0] =	sbarrier.arrive $0xFFFF  }
0x3b: {  	s13 =	sshrl.u32 s11, $0x3;
	s9 =	sor.u32 $0x1C0A, s9;
	s14 =	rddreg [dreg:$0xe]  }
0x3c: {  	[hbm:s14], [sflag:s9] =	dma.local [spmem:s13], $0x2700  }
0x3d: {  	_ =	swait.ge [sflag:s22], $0x2700  }
0x3e: {  	[sflag:s22] =	ssyncset.done $0x0  }
0x3f: {  	s13 =	sshrl.u32 @!p0 s16, $0x3;
	s14 =	rddreg [dreg:$0xf];
	[sflag:s22] =	ssyncadd.s32 $0xFFFFD900  }
0x40: {  	[hbm:s14], [sflag:s9] =	dma.local @!p0 [spmem:s13], $0x100  }
0x41: {  	s9 =	simm.s32 @!p0 $0xA  }
0x42: {  	_ =	swait.ge @!p0 [sflag:s9], $0x100  }
0x43: {  	s12 =	sadd.s32 $0x1, s12;
	s19 =	rddreg [dreg:$0x10]  }
0x44: {  	p1 =	sne.s32 s12, s19  }
.Ltmp1:
0x45: {  	_ = 	snop;
	(pc) =	sbr.rel @!p1 .LBB2_7-.Ltmp1, $3  }
0x46: {  	_ =	sdelay $0x1  }
0x47: {  	[sflag:s9] =	ssyncset.done @!p0 $0x0  }
0x48: {  	[sflag:s9] =	ssyncadd.s32 @!p0 $0xFFFFFF00  }
.LBB2_1:
0x49: {  	s9 =	rddreg [dreg:$0x4]  }
0x4a: {  	[tilespmem:s4], [sflag:$0xA] =	stream.linear.gather [hbm4b:s9+s4], $0x80, $0x38;
	[tilespmem:$0x1FD80] =	vst v63  }
0x4b: {  	_ =	swait.ge [sflag:s22], $0x80  }
0x4c: {  	[sflag:s22] =	ssyncset.done $0x0  }
0x4d: {  	s13 =	rddreg [dreg:$0x5];
	[sflag:s22] =	ssyncadd.s32 $0xFFFFFF80  }
0x4e: {  	[tilespmem:s23], [sflag:$0xA] =	stream.linear.gather [hbm4b:s13+s4], $0x80, $0x38;
	[tilespmem:$0x1FD80] =	vst v63  }
0x4f: {  	_ =	swait.ge [sflag:s22], $0x80  }
0x50: {  	[sflag:s22] =	ssyncset.done $0x0  }
0x51: {  	[sflag:s22] =	ssyncadd.s32 $0xFFFFFF80  }
0x52: {  	[tilespmem:s25], [sflag:$0x4] =	stream.indirect.gather [hbm4b:s1+s24], $0x80, s4, s24, $0xb8;
	[tilespmem:$0x1FD80] =	vst v63  }
0x53: {  	s14 =	rddreg [dreg:$0x6]  }
0x54: {  	[tilespmem:s24], [sflag:$0xA] =	stream.linear.gather [hbm4b:s14+s4], $0x80, $0x38;
	[tilespmem:$0x1FD80] =	vst v63  }
0x55: {  	_ =	swait.ge [sflag:s22], $0x80  }
0x56: {  	[sflag:s22] =	ssyncset.done $0x0  }
0x57: {  	s13 =	simm.s32 $0x200;
	s15 =	rddreg [dreg:$0x7];
	[sflag:s22] =	ssyncadd.s32 $0xFFFFFF80  }
0x58: {  	[tilespmem:s13], [sflag:$0xA] =	stream.linear.gather [hbm4b:s15+s4], $0x80, $0x38;
	[tilespmem:$0x1FD80] =	vst v63  }
0x59: {  	_ =	swait.ge [sflag:s22], $0x80  }
0x5a: {  	[sflag:s22] =	ssyncset.done $0x0  }
0x5b: {  	s17 =	simm.s32 $0x4480;
	[sflag:s22] =	ssyncadd.s32 $0xFFFFFF80  }
0x5c: {  	[tilespmem:s17], [sflag:$0x5] =	stream.indirect.gather [hbm4b:s1+s24], $0x80, s24, s24, $0xb8;
	[tilespmem:$0x1FD80] =	vst v63  }
0x5d: {  	s18 =	rddreg [dreg:$0x8]  }
0x5e: {  	[tilespmem:s29], [sflag:$0x3] =	stream.linear.gather [hbm4b:s18+s4], $0x80, $0x38;
	[tilespmem:$0x1FD80] =	vst v63  }
0x5f: {  	s14 =	simm.s32 $0x200;
	s13 =	simm.s32 $0x0;
	s19 =	rddreg [dreg:$0x9]  }
0x60: {  	[tilespmem:s30], [sflag:$0x3] =	stream.linear.gather [hbm4b:s19+s4], $0x80, $0x38;
	[tilespmem:$0x1FD80] =	vst v63  }
.LBB2_2:
0x61: {  	p1 =	sne.s32 s14, $0xFE00;
	[tilespmem:s13+$0x84F0] =	vst v0  }
0x62: {  	[tilespmem:s13+$0x8480] =	vst v0  }
0x63: {  	[tilespmem:s13+$0x8490] =	vst v0  }
.Ltmp2:
0x64: {  	[tilespmem:s13+$0x84A0] =	vst v0;
	(pc) =	sbr.rel @p1 .LBB2_2-.Ltmp2, $4  }
0x65: {  	[tilespmem:s13+$0x84B0] =	vst v0  }
0x66: {  	[tilespmem:s13+$0x84C0] =	vst v0  }
0x67: {  	[tilespmem:s13+$0x84D0] =	vst v0  }
0x68: {  	[tilespmem:s13+$0x84E0] =	vst v0;
	s13 =	sshra.s32 s14, $0x2;
	s14 =	sadd.s32 $0x200, s14  }
0x69: {  	[tilespmem:s13+$0x84F0] =	vst v0  }
0x6a: {  	[tilespmem:s13+$0x8480] =	vst v0  }
0x6b: {  	[tilespmem:s13+$0x8490] =	vst v0  }
0x6c: {  	[tilespmem:s13+$0x84A0] =	vst v0  }
0x6d: {  	[tilespmem:s13+$0x84B0] =	vst v0  }
0x6e: {  	[tilespmem:s13+$0x84C0] =	vst v0  }
0x6f: {  	[tilespmem:s13+$0x84D0] =	vst v0  }
0x70: {  	[tilespmem:s13+$0x84E0] =	vst v0  }
0x71: {  	[spmem:s11] =	stream.linear.scatter [tilespmem:s31], [sflag:$0xA], $0x4000, $0x38;
	[tilespmem:$0x1FD80] =	vst v63  }
0x72: {  	_ =	swait.ge [sflag:s22], $0x4000  }
0x73: {  	[sflag:s22] =	ssyncset.done $0x0  }
0x74: {  	s9 =	rddreg [dreg:$0xa];
	[sflag:s22] =	ssyncadd.s32 $0xFFFFC000  }
0x75: {  	[spmem:s9] =	stream.linear.scatter [tilespmem:s31], [sflag:$0xA], $0x4000, $0x38;
	[tilespmem:$0x1FD80] =	vst v63  }
0x76: {  	_ =	swait.ge [sflag:s22], $0x4000  }
0x77: {  	[sflag:s22] =	ssyncset.done $0x0  }
0x78: {  	s17 =	rddreg [dreg:$0xb];
	[sflag:s22] =	ssyncadd.s32 $0xFFFFC000  }
0x79: {  	[spmem:s17] =	stream.linear.scatter [tilespmem:s31], [sflag:$0xA], $0x4000, $0x38;
	[tilespmem:$0x1FD80] =	vst v63  }
0x7a: {  	_ =	swait.ge [sflag:s22], $0x4000  }
0x7b: {  	[sflag:s22] =	ssyncset.done $0x0  }
0x7c: {  	s18 =	rddreg [dreg:$0xc];
	[sflag:s22] =	ssyncadd.s32 $0xFFFFC000  }
0x7d: {  	[spmem:s18] =	stream.linear.scatter [tilespmem:s31], [sflag:$0xA], $0x4000, $0x38;
	[tilespmem:$0x1FD80] =	vst v63  }
0x7e: {  	_ =	swait.ge [sflag:s22], $0x4000  }
0x7f: {  	[sflag:s22] =	ssyncset.done $0x0  }
0x80: {  	s19 =	rddreg [dreg:$0xd];
	[sflag:s22] =	ssyncadd.s32 $0xFFFFC000  }
0x81: {  	[spmem:s19] =	stream.linear.scatter [tilespmem:s31], [sflag:$0xA], $0x3800, $0x38;
	[tilespmem:$0x1FD80] =	vst v63  }
0x82: {  	_ =	swait.ge [sflag:s22], $0x3800  }
0x83: {  	[sflag:s22] =	ssyncset.done $0x0  }
0x84: {  	s13 =	simm.s32 @!p0 $0x8480;
	[sflag:s22] =	ssyncadd.s32 $0xFFFFC800  }
0x85: {  	[spmem:s16] =	stream.linear.scatter @!p0 [tilespmem:s13], [sflag:$0xA], $0x1000, $0x38;
	[tilespmem:$0x1FD80] =	vst v63  }
0x86: {  	s13 =	simm.s32 @!p0 $0xA  }
0x87: {  	_ =	swait.ge @!p0 [sflag:s13], $0x1000  }
0x88: {  	[sflag:s13] =	ssyncset.done @!p0 $0x0  }
0x89: {  	[sflag:s13] =	ssyncadd.s32 @!p0 $0xFFFFF000  }
0x8a: {  	s13 =	simm.s32 $0x0;
	[bflag:$0x0] =	sbarrier.arrive $0xFFFF  }
.LBB2_4:
0x8b: {  	_ =	swait.ge [sflag:s2], $0x80  }
0x8c: {  	[sflag:s2] =	ssyncset.done $0x0  }
0x8d: {  	[sflag:s2] =	ssyncadd.s32 $0xFFFFFF80  }
0x8e: {  	_ =	swait.ge [sflag:s2], $0x80  }
0x8f: {  	p1 =	seq.s32 s13, $0x0;
	[sflag:s2] =	ssyncset.done $0x0  }
0x90: {  	s14 =	simm.s32 @!p1 $0x9;
	[sflag:s2] =	ssyncadd.s32 $0xFFFFFF80  }
0x91: {  	_ =	swait.ge @!p1 [sflag:s14], $0x4000  }
0x92: {  	[sflag:s14] =	ssyncset.done @!p1 $0x0  }
0x93: {  	[sflag:s14] =	ssyncadd.s32 @!p1 $0xFFFFC000  }
0x94: {  	[tilespmem:s31], [sflag:$0x6] =	stream.indirect.gather [hbm4b:s1+s24], $0x80, s29, s24, $0xb8;
	[tilespmem:$0x1FD80] =	vst v63  }
0x95: {  	_ =	swait.ge [sflag:s0], $0x4000  }
0x96: {  	[sflag:s0] =	ssyncset.done $0x0  }
0x97: {  	[sflag:s0] =	ssyncadd.s32 $0xFFFFC000  }
0x98: {  	v1 =	vld [tilespmem:$0x180]  }
0x99: {  	v2 =	vld [tilespmem:$0x190]  }
0x9a: {  	v3 =	vld [tilespmem:$0x1A0]  }
0x9b: {  	v4 =	vld [tilespmem:$0x1B0]  }
0x9c: {  	v5 =	vld [tilespmem:$0x1C0]  }
0x9d: {  	[tilespmem:$0x300] =	vst v1;
	v1 =	vld [tilespmem:$0x1D0]  }
0x9e: {  	[tilespmem:$0x310] =	vst v2;
	v2 =	vld [tilespmem:$0x1E0]  }
0x9f: {  	[tilespmem:$0x320] =	vst v3;
	v3 =	vld [tilespmem:$0x1F0]  }
0xa0: {  	[tilespmem:$0x330] =	vst v4  }
0xa1: {  	[tilespmem:$0x340] =	vst v5  }
0xa2: {  	[tilespmem:$0x350] =	vst v1  }
0xa3: {  	s14 =	sadd.s32 s13, s20;
	[tilespmem:$0x360] =	vst v2  }
0xa4: {  	s15 =	sadd.s32 $0x30, s14;
	[tilespmem:$0x370] =	vst v3  }
0xa5: {  	[tilespmem:s4], [sflag:$0x1] =	stream.linear.gather [hbm4b:s15+s4], $0x80, $0x38;
	[tilespmem:$0x1FD80] =	vst v63  }
0xa6: {  	s15 =	sadd.s32 s13, s21  }
0xa7: {  	s17 =	sadd.s32 $0x30, s15  }
0xa8: {  	[tilespmem:s23], [sflag:$0x1] =	stream.linear.gather [hbm4b:s17+s4], $0x80, $0x38;
	[tilespmem:$0x1FD80] =	vst v63  }
0xa9: {  	_ = 	snop  }
0xaa: {  	[spmem:s3] =	stream.indirect.scatter.add.f32 [tilespmem:s25], [sflag:$0x7], $0x80, s26, s24, $0xb8;
	[tilespmem:$0x1FD80] =	vst v63  }
0xab: {  	_ =	swait.ge [sflag:s28], $0x80  }
0xac: {  	[sflag:s28] =	ssyncset.done $0x0  }
0xad: {  	[sflag:s28] =	ssyncadd.s32 $0xFFFFFF80  }
0xae: {  	_ =	swait.ge [sflag:s28], $0x80  }
0xaf: {  	[sflag:s28] =	ssyncset.done $0x0  }
0xb0: {  	[sflag:s28] =	ssyncadd.s32 $0xFFFFFF80  }
0xb1: {  	_ =	swait.ge [sflag:s5], $0x4000  }
0xb2: {  	[sflag:s5] =	ssyncset.done $0x0  }
0xb3: {  	[sflag:s5] =	ssyncadd.s32 $0xFFFFC000  }
0xb4: {  	[tilespmem:s25], [sflag:$0x4] =	stream.indirect.gather [hbm4b:s1+s24], $0x80, s4, s24, $0xb8;
	[tilespmem:$0x1FD80] =	vst v63  }
0xb5: {  	_ =	swait.ge [sflag:s6], $0x4000  }
0xb6: {  	[sflag:s6] =	ssyncset.done $0x0  }
0xb7: {  	[sflag:s6] =	ssyncadd.s32 $0xFFFFC000  }
0xb8: {  	v1 =	vld [tilespmem:$0x200]  }
0xb9: {  	v2 =	vld [tilespmem:$0x210]  }
0xba: {  	v3 =	vld [tilespmem:$0x220]  }
0xbb: {  	v60 =	vld [tilespmem:$0x230]  }
0xbc: {  	v61 =	vld [tilespmem:$0x240]  }
0xbd: {  	[tilespmem:$0x380] =	vst v1;
	v1 =	vld [tilespmem:$0x250]  }
0xbe: {  	[tilespmem:$0x390] =	vst v2;
	v2 =	vld [tilespmem:$0x260]  }
0xbf: {  	[tilespmem:$0x3A0] =	vst v3;
	v3 =	vld [tilespmem:$0x270]  }
0xc0: {  	[tilespmem:$0x3B0] =	vst v60  }
0xc1: {  	[tilespmem:$0x3C0] =	vst v61  }
0xc2: {  	[tilespmem:$0x3D0] =	vst v1  }
0xc3: {  	p1 =	seq.s32 s13, $0x4B0;
	[tilespmem:$0x3E0] =	vst v2  }
0xc4: {  	s18 =	simm.s32 @p1 $0x380;
	s19 =	simm.s32 @p1 $0x4480;
	s17 =	simm.s32 @p1 $0x80;
	[tilespmem:$0x3F0] =	vst v3  }
0xc5: {  	[spmem:s3] =	stream.indirect.scatter.add.f32 @p1 [tilespmem:s19], [sflag:$0x8], $0x80, s18, s17, $0xb8;
	[tilespmem:$0x1FD80] =	vst v63  }
0xc6: {  	s17 =	sadd.s32 @!p1 s13, s20  }
0xc7: {  	s18 =	simm.s32 @!p1 $0x0;
	s19 =	simm.s32 @!p1 $0x80;
	s17 =	sadd.s32 @!p1 $0x40, s17  }
0xc8: {  	[tilespmem:s19], [sflag:$0x2] =	stream.linear.gather @!p1 [hbm4b:s17+s18], $0x80, $0x38;
	[tilespmem:$0x1FD80] =	vst v63  }
0xc9: {  	s17 =	sadd.s32 @!p1 s13, s21  }
0xca: {  	s9 =	simm.s32 @!p1 $0x200;
	s17 =	sadd.s32 @!p1 $0x40, s17  }
0xcb: {  	[tilespmem:s9], [sflag:$0x2] =	stream.linear.gather @!p1 [hbm4b:s17+s18], $0x80, $0x38;
	[tilespmem:$0x1FD80] =	vst v63  }
0xcc: {  	s9 =	simm.s32 @!p1 $0x380;
	s17 =	simm.s32 @!p1 $0x4480  }
0xcd: {  	[spmem:s3] =	stream.indirect.scatter.add.f32 @!p1 [tilespmem:s17], [sflag:$0x8], $0x80, s9, s19, $0xb8;
	[tilespmem:$0x1FD80] =	vst v63  }
0xce: {  	s9 =	simm.s32 @!p1 $0x2  }
0xcf: {  	_ =	swait.ge @!p1 [sflag:s9], $0x80  }
0xd0: {  	[sflag:s9] =	ssyncset.done @!p1 $0x0  }
0xd1: {  	[sflag:s9] =	ssyncadd.s32 @!p1 $0xFFFFFF80  }
0xd2: {  	_ =	swait.ge @!p1 [sflag:s9], $0x80  }
0xd3: {  	[sflag:s9] =	ssyncset.done @!p1 $0x0  }
0xd4: {  	[sflag:s9] =	ssyncadd.s32 @!p1 $0xFFFFFF80;
	s9 =	simm.s32 @!p1 $0x8  }
0xd5: {  	_ =	swait.ge @!p1 [sflag:s9], $0x4000  }
0xd6: {  	[sflag:s9] =	ssyncset.done @!p1 $0x0  }
0xd7: {  	[sflag:s9] =	ssyncadd.s32 @!p1 $0xFFFFC000  }
0xd8: {  	[tilespmem:s17], [sflag:$0x5] =	stream.indirect.gather @!p1 [hbm4b:s1+s19], $0x80, s19, s19, $0xb8;
	[tilespmem:$0x1FD80] =	vst v63  }
0xd9: {  	_ =	swait.ge [sflag:s7], $0x4000  }
0xda: {  	[sflag:s7] =	ssyncset.done $0x0  }
0xdb: {  	[sflag:s7] =	ssyncadd.s32 $0xFFFFC000  }
0xdc: {  	v1 =	vld [tilespmem:$0x280]  }
0xdd: {  	v2 =	vld [tilespmem:$0x290]  }
0xde: {  	v3 =	vld [tilespmem:$0x2A0]  }
0xdf: {  	v62 =	vld [tilespmem:$0x2B0]  }
0xe0: {  	v63 =	vld [tilespmem:$0x2C0]  }
0xe1: {  	[tilespmem:$0x400] =	vst v1;
	v1 =	vld [tilespmem:$0x2D0]  }
0xe2: {  	[tilespmem:$0x410] =	vst v2;
	v2 =	vld [tilespmem:$0x2E0]  }
0xe3: {  	[tilespmem:$0x420] =	vst v3;
	v3 =	vld [tilespmem:$0x2F0]  }
.Ltmp3:
0xe4: {  	[tilespmem:$0x430] =	vst v62;
	(pc) =	sbr.rel @p1 .LBB2_6-.Ltmp3, $4  }
0xe5: {  	[tilespmem:$0x440] =	vst v63  }
0xe6: {  	[tilespmem:$0x450] =	vst v1  }
0xe7: {  	[tilespmem:$0x460] =	vst v2  }
0xe8: {  	[tilespmem:$0x470] =	vst v3  }
0xe9: {  	s9 =	sadd.s32 $0x50, s14  }
0xea: {  	[tilespmem:s29], [sflag:$0x3] =	stream.linear.gather [hbm4b:s9+s4], $0x80, $0x38;
	[tilespmem:$0x1FD80] =	vst v63  }
.Ltmp4:
0xeb: {  	_ = 	snop;
	(pc) =	sbr.rel .LBB2_4-.Ltmp4, $4  }
0xec: {  	s19 =	sadd.s32 $0x50, s15  }
0xed: {  	[tilespmem:s30], [sflag:$0x3] =	stream.linear.gather [hbm4b:s19+s4], $0x80, $0x38;
	[tilespmem:$0x1FD80] =	vst v63  }
0xee: {  	s13 =	sadd.s32 $0x30, s13  }
0xef: {  	[spmem:s3] =	stream.indirect.scatter.add.f32 [tilespmem:s31], [sflag:$0x9], $0x80, s8, s24, $0xb8;
	[tilespmem:$0x1FD80] =	vst v63  }
.LBB2_7:
0xf0: {  	_ =	sfence.sel $0x180000  }
0xf1: {  	[bflag:$0x0] =	sbarrier.arrive $0xFFFF  }
0xf2: {  	_ =	strace $0x90000050  }
0xf3: {  	s0 =	stileid.u32;
	[bflag:$0x2] =	sbarrier.arrive $0xFFFF  }
0xf4: {  	p0 =	sne.s32 s0, $0x0;
	s0 =	rddreg [dreg:$0x3]  }
0xf5: {  	s0 =	sadd.s32 @!p0 $0x100000, s0  }
0xf6: {  	[sflag:s0] =	ssyncadd.tile.s32 @!p0 $0x1;
	_ =	shalt  }
.Lfunc_end2:
_tile_overlayer_lowered:
.L_overlay_start_2:
0xf7: {  	(tag) =	ssettag $0x2  }
0xf8: {  	s0 =	rddreg [dreg:$0x0];
	s2 =	stileid.u32  }
0xf9: {  	s1 =	rddreg [dreg:$0x1];
	p0 =	sne.s32 s2, $0x0  }
0xfa: {  	s3 =	rddreg [dreg:$0x2];
	[bflag:$0x3] =	sbarrier.arrive $0xFFFF;
	s2 =	simm.s32 @!p0 $0x1C0A  }
0xfb: {  	[timem:s3], [sflag:s2] =	dma.local @!p0 [hbm:s0], s1  }
0xfc: {  	s0 =	simm.s32 @!p0 $0xA  }
0xfd: {  	_ =	swait.ge @!p0 [sflag:s0], s1  }
0xfe: {  	s1 =	ssub.s32 @!p0 $0x0, s1;
	[sflag:s0] =	ssyncset.done @!p0 $0x0  }
0xff: {  	[sflag:s0] =	ssyncadd.s32 @!p0 s1  }
0x100: {  	[bflag:$0x3] =	sbarrier.arrive $0xFFFF  }
0x101: {  	_ =	shalt  }

</sc_bundles>
